<compile_context>
chip_gen: v7x
topology: tpu7x:2x2x1
jax: 0.10.2.dev20260603
libtpu: 0.0.44.dev20260713+nightly
codegen_flags: <defaults>
</compile_context>

<pallas_src>
import functools

import jax
import jax.numpy as jnp
import numpy as np
from jax import lax
from jax.experimental import pallas as pl
from jax.experimental.pallas import tpu as pltpu
from jax.experimental.pallas import tpu_sc as plsc

T, D, H, E = 2048, 1024, 16, 8
CAP = 512
DK = D // H
EPS = 1e-5
RB = 512
BLK = 64
NP = T * 2 + E * BLK
NBLK = NP // BLK
RC = 256

F32 = jnp.float32
I32 = jnp.int32
U32 = jnp.uint32
DH = D // 2


def _pack_bf16(x):
    xi = lax.bitcast_convert_type(x, U32)
    pk = (xi[:, DH:] & jnp.uint32(0xFFFF0000)) | (xi[:, :DH] >> 16)
    return lax.bitcast_convert_type(pk, F32)


def _unpack_bf16(p):
    pi = lax.bitcast_convert_type(p, U32)
    lo = lax.bitcast_convert_type(pi << 16, F32)
    hi = lax.bitcast_convert_type(pi & jnp.uint32(0xFFFF0000), F32)
    return jnp.concatenate([lo, hi], axis=1)




def _ln(x, g, b):
    m = jnp.mean(x, axis=-1, keepdims=True)
    v = jnp.mean((x - m) ** 2, axis=-1, keepdims=True)
    return (x - m) / jnp.sqrt(v + EPS) * g + b


def _qkv_body(x_ref, g_ref, b_ref, wq_ref, wk_ref, wv_ref, q_ref, k_ref, v_ref):
    xn = _ln(x_ref[...], g_ref[...], b_ref[...])
    q = jnp.dot(xn, wq_ref[...], preferred_element_type=F32)
    k = jnp.dot(xn, wk_ref[...], preferred_element_type=F32)
    v = jnp.dot(xn, wv_ref[...], preferred_element_type=F32)
    for h in range(H):
        q_ref[h] = q[:, h * DK:(h + 1) * DK]
        k_ref[h] = k[:, h * DK:(h + 1) * DK]
        v_ref[h] = v[:, h * DK:(h + 1) * DK]


def _attn_body(q_ref, k_ref, v_ref, o_ref):
    q = q_ref[0]
    k = k_ref[0]
    s = lax.dot_general(q, k, (((1,), (1,)), ((), ())),
                        preferred_element_type=F32) * (1.0 / np.sqrt(DK))
    s = s - jnp.max(s, axis=-1, keepdims=True)
    p = jnp.exp(s)
    p = p / jnp.sum(p, axis=-1, keepdims=True)
    o_ref[0] = jnp.dot(p, v_ref[0], preferred_element_type=F32)


def _post_body(a_ref, x_ref, wo_ref, wg_ref, g_ref, b_ref,
               x2_ref, xn2_ref, gs_ref):
    a = jnp.concatenate([a_ref[h] for h in range(H)], axis=1)
    x2 = x_ref[...] + jnp.dot(a, wo_ref[...], preferred_element_type=F32)
    xn2 = _ln(x2, g_ref[...], b_ref[...])
    x2_ref[...] = x2
    xn2_ref[...] = _pack_bf16(xn2)
    gs_ref[...] = jnp.dot(xn2, wg_ref[...], preferred_element_type=F32)


def _route_body(g_ref, rt_ref, be_ref, mask_s, rank_s):
    g = g_ref[...]
    col = lax.broadcasted_iota(I32, (T, E), 1)
    m1 = jnp.max(g, axis=1, keepdims=True)
    i1 = jnp.min(jnp.where(g >= m1, col, E), axis=1, keepdims=True)
    gm = jnp.where(col == i1, -jnp.inf, g)
    m2 = jnp.max(gm, axis=1, keepdims=True)
    i2 = jnp.min(jnp.where(gm >= m2, col, E), axis=1, keepdims=True)
    e2 = jnp.exp(m2 - m1)
    w1 = 1.0 / (1.0 + e2)
    w2 = e2 * w1
    mask_s[...] = ((col == i1) | (col == i2)).astype(F32)

    tri = (lax.broadcasted_iota(I32, (RC, RC), 0)
           > lax.broadcasted_iota(I32, (RC, RC), 1)).astype(F32)

    def body(c, carry):
        rows = mask_s[pl.ds(c * RC, RC), :]
        rank_s[pl.ds(c * RC, RC), :] = jnp.dot(
            tri, rows, preferred_element_type=F32) + carry
        return carry + jnp.sum(rows, axis=0, keepdims=True)

    cnt = lax.fori_loop(0, T // RC, body, jnp.zeros((1, E), F32))
    pc = ((cnt.astype(I32) + (BLK - 1)) // BLK * BLK).astype(F32)
    upper = (lax.broadcasted_iota(I32, (E, E), 0)
             < lax.broadcasted_iota(I32, (E, E), 1)).astype(F32)
    poff = jnp.dot(pc, upper, preferred_element_type=F32)
    pend = poff + pc
    rank = rank_s[...]
    pos_all = poff + rank
    pos1 = jnp.sum(jnp.where(col == i1, pos_all, 0.0), axis=1, keepdims=True)
    pos2 = jnp.sum(jnp.where(col == i2, pos_all, 0.0), axis=1, keepdims=True)
    rt = jnp.where(col == 0, pos1,
         jnp.where(col == 1, pos2,
         jnp.where(col == 2, w1, w2)))
    rt_ref[...] = rt

    bidx = lax.broadcasted_iota(I32, (NBLK, E), 0).astype(F32) * BLK
    nfull = jnp.sum((pend <= bidx).astype(F32), axis=1, keepdims=True)
    be_ref[...] = jnp.minimum(nfull, E - 1) + jnp.zeros((NBLK, E), F32)


def _expert_body(be_ref, x_ref, w1_ref, w2_ref, y_ref):
    x = _unpack_bf16(x_ref[...])
    h = jnp.maximum(jnp.dot(x, w1_ref[0], preferred_element_type=F32), 0.0)
    y_ref[...] = _pack_bf16(jnp.dot(h, w2_ref[0], preferred_element_type=F32))


def _final_body(x2_ref, g0_ref, g1_ref, rt_ref, o_ref):
    w1 = rt_ref[:, 2:3]
    w2 = rt_ref[:, 3:4]
    o_ref[...] = (x2_ref[...] + w1 * _unpack_bf16(g0_ref[...])
                  + w2 * _unpack_bf16(g1_ref[...]))



def _qkv_call(x2d, g1, b1, Wq, Wk, Wv):
    grid = (T // RB,)
    row = pl.BlockSpec((RB, D), lambda r: (r, 0))
    full = pl.BlockSpec((D, D), lambda r: (0, 0))
    vec = pl.BlockSpec((1, D), lambda r: (0, 0))
    hrow = pl.BlockSpec((H, RB, DK), lambda r: (0, r, 0))
    return pl.pallas_call(
        _qkv_body, grid=grid,
        in_specs=[row, vec, vec, full, full, full],
        out_specs=[hrow, hrow, hrow],
        out_shape=[jax.ShapeDtypeStruct((H, T, DK), F32)] * 3,
    )(x2d, g1, b1, Wq, Wk, Wv)


RA = 1024


def _attn_call(Q3, K3, V3):
    grid = (H, T // RA)
    qspec = pl.BlockSpec((1, RA, DK), lambda h, r: (h, r, 0))
    kspec = pl.BlockSpec((1, T, DK), lambda h, r: (h, 0, 0))
    return pl.pallas_call(
        _attn_body, grid=grid,
        in_specs=[qspec, kspec, kspec],
        out_specs=qspec,
        out_shape=jax.ShapeDtypeStruct((H, T, DK), F32),
    )(Q3, K3, V3)


def _post_call(A, x2d, Wo, Wg, g2, b2):
    grid = (T // RB,)
    row = pl.BlockSpec((RB, D), lambda r: (r, 0))
    return pl.pallas_call(
        _post_body, grid=grid,
        in_specs=[pl.BlockSpec((H, RB, DK), lambda r: (0, r, 0)), row,
                  pl.BlockSpec((D, D), lambda r: (0, 0)),
                  pl.BlockSpec((D, E), lambda r: (0, 0)),
                  pl.BlockSpec((1, D), lambda r: (0, 0)),
                  pl.BlockSpec((1, D), lambda r: (0, 0))],
        out_specs=[row, pl.BlockSpec((RB, DH), lambda r: (r, 0)),
                   pl.BlockSpec((RB, E), lambda r: (r, 0))],
        out_shape=[jax.ShapeDtypeStruct((T, D), F32),
                   jax.ShapeDtypeStruct((T, DH), F32),
                   jax.ShapeDtypeStruct((T, E), F32)],
    )(A, x2d, Wo, Wg, g2, b2)


def _route_call(gs):
    return pl.pallas_call(
        _route_body,
        in_specs=[pl.BlockSpec((T, E), lambda: (0, 0))],
        out_specs=[pl.BlockSpec((T, E), lambda: (0, 0)),
                   pl.BlockSpec((NBLK, E), lambda: (0, 0))],
        out_shape=[jax.ShapeDtypeStruct((T, E), F32),
                   jax.ShapeDtypeStruct((NBLK, E), F32)],
        scratch_shapes=[pltpu.VMEM((T, E), F32), pltpu.VMEM((T, E), F32)],
    )(gs)


def _expert_call(be, Xs, W1, W2):
    nblk, npad = be.shape[0], Xs.shape[0]
    grid_spec = pltpu.PrefetchScalarGridSpec(
        num_scalar_prefetch=1,
        grid=(nblk,),
        in_specs=[pl.BlockSpec((BLK, DH), lambda b, be: (b, 0)),
                  pl.BlockSpec((1, D, CAP), lambda b, be: (be[b], 0, 0)),
                  pl.BlockSpec((1, CAP, D), lambda b, be: (be[b], 0, 0))],
        out_specs=pl.BlockSpec((BLK, DH), lambda b, be: (b, 0)),
    )
    return pl.pallas_call(
        _expert_body, grid_spec=grid_spec,
        out_shape=jax.ShapeDtypeStruct((npad, DH), F32),
    )(be, Xs, W1, W2)


def _final_call(x2, G, rt):
    grid = (T // RB,)
    row = pl.BlockSpec((RB, D), lambda r: (r, 0))
    return pl.pallas_call(
        _final_body, grid=grid,
        in_specs=[row,
                  pl.BlockSpec((RB, DH), lambda r: (r, 0)),
                  pl.BlockSpec((RB, DH), lambda r: (T // RB + r, 0)),
                  pl.BlockSpec((RB, E), lambda r: (r, 0))],
        out_specs=row,
        out_shape=jax.ShapeDtypeStruct((T, D), F32),
    )(x2, G, G, rt)


_SC_NC = 2
_SC_NS = 16
_NW = _SC_NC * _SC_NS


def _sc_mesh():
    return plsc.VectorSubcoreMesh(core_axis_name="c", subcore_axis_name="s",
                                  num_cores=_SC_NC, num_subcores=_SC_NS)


def _sc_wid():
    return lax.axis_index("s") * _SC_NC + lax.axis_index("c")


def _gather_ring(table_hbm, out_hbm, idx_v, rows_v, gsem, osem, base, CH, nc,
                 nbuf):
    def start_gather(i, b):
        return pltpu.async_copy(
            table_hbm.at[idx_v.at[pl.ds(i * CH, CH)]], rows_v.at[b], gsem[b])

    hg = [start_gather(i, i) for i in range(nbuf)]
    ho = [None] * nbuf
    for i in range(nc):
        b = i % nbuf
        hg[b].wait()
        ho[b] = pltpu.async_copy(
            rows_v.at[b], out_hbm.at[pl.ds(base + i * CH, CH)], osem[b])
        if i + nbuf < nc:
            ho[b].wait()
            hg[b] = start_gather(i + nbuf, b)
    for i in range(max(nc - nbuf, 0), nc):
        ho[i % nbuf].wait()


@functools.lru_cache(maxsize=None)
def _get_dispatch():
    @functools.partial(
        pl.kernel,
        out_type=jax.ShapeDtypeStruct((NP,), I32),
        mesh=_sc_mesh(),
        scratch_types=[pltpu.VMEM((NP,), I32), pltpu.VMEM((T,), I32)],
        compiler_params=pltpu.CompilerParams(needs_layout_passes=False),
    )
    def _dispatch_kernel(pos1_hbm, pos2_hbm, zeros_hbm, src_hbm, src_v, pos_v):
        @pl.when(_sc_wid() == 0)
        def _():
            pltpu.sync_copy(zeros_hbm, src_v)
            ids = lax.iota(I32, 16)

            def scat(pos_hbm):
                pltpu.sync_copy(pos_hbm, pos_v)

                def body(i, _):
                    idx = pos_v[pl.ds(i * 16, 16)]
                    plsc.store_scatter(src_v, [idx], i * 16 + ids)
                    return 0
                lax.fori_loop(0, T // 16, body, 0)

            scat(pos1_hbm)
            scat(pos2_hbm)
            pltpu.sync_copy(src_v, src_hbm)

    return _dispatch_kernel


@functools.lru_cache(maxsize=None)
def _make_gather(N, DW=DH, CH=16, nbuf=4):
    n_per = N // _NW
    nc = n_per // CH

    @functools.partial(
        pl.kernel,
        out_type=jax.ShapeDtypeStruct((N, DW), F32),
        mesh=_sc_mesh(),
        scratch_types=[pltpu.VMEM((n_per,), I32),
                       pltpu.VMEM((nbuf, CH, DW), F32)]
                      + [pltpu.SemaphoreType.DMA] * (2 * nbuf),
    )
    def gk(table_hbm, idx_hbm, out_hbm, idx_v, rows_v, *sems):
        base = _sc_wid() * n_per
        pltpu.sync_copy(idx_hbm.at[pl.ds(base, n_per)], idx_v)
        _gather_ring(table_hbm, out_hbm, idx_v, rows_v,
                     sems[:nbuf], sems[nbuf:], base, CH, nc, nbuf)

    return gk


def _dispatch_src(pos1, pos2):
    return _get_dispatch()(pos1, pos2, jnp.zeros((NP,), I32))


def _gather_rows(table, idx):
    return _make_gather(idx.shape[0])(table, idx)


def kernel(x, Wq, Wk, Wv, Wo, Wg, W1, W2, gamma1, beta1, gamma2, beta2):
    x2d = x.reshape(T, D)
    g1 = gamma1.reshape(1, D)
    b1 = beta1.reshape(1, D)
    g2 = gamma2.reshape(1, D)
    b2 = beta2.reshape(1, D)

    Q3, K3, V3 = _qkv_call(x2d, g1, b1, Wq, Wk, Wv)
    A3 = _attn_call(Q3, K3, V3)
    x2, xn2, gs = _post_call(A3, x2d, Wo, Wg, g2, b2)
    rt, be = _route_call(gs)

    pos1 = rt[:, 0].astype(I32)
    pos2 = rt[:, 1].astype(I32)
    beids = be[:, 0].astype(I32)

    src = _dispatch_src(pos1, pos2)
    Xs = _make_gather(NP, CH=8, nbuf=6)(xn2, src)
    Ys = _expert_call(beids, Xs, W1, W2)
    pos12 = jnp.concatenate([pos1, pos2])
    G = _gather_rows(Ys, pos12)
    out = _final_call(x2, G, rt)
    return out.reshape(1, T, D)

# --- scband reference (transcript-rebuilt; emitter-appended) ---
"""Pipeline reference for scband-transformer-mo-eblock-59030030516988 (READ-ONLY COPY).

The authoritative reference and input builder live on the scoring server;
editing this copy changes nothing except your own understanding.
"""

import jax, jax.numpy as jnp
import numpy as np

B, S, D, H, E, TOPK = 1, 2048, 1024, 16, 8, 2
CAP = D * 4 // E  # expert_capacity = 512
DK = D // H
EPS = 1e-5


def layernorm(x, g, b):
    m = jnp.mean(x, axis=-1, keepdims=True)
    v = jnp.mean((x - m) ** 2, axis=-1, keepdims=True)
    return (x - m) / jnp.sqrt(v + EPS) * g + b


def setup_inputs(seed: int = 0) -> dict:
    key = jax.random.key(seed)
    ks = jax.random.split(key, 10)
    s = 0.02
    return {
        "x": jax.random.normal(ks[0], (B, S, D), dtype=jnp.float32),
        "Wq": jax.random.normal(ks[1], (D, D), dtype=jnp.float32) * s,
        "Wk": jax.random.normal(ks[2], (D, D), dtype=jnp.float32) * s,
        "Wv": jax.random.normal(ks[3], (D, D), dtype=jnp.float32) * s,
        "Wo": jax.random.normal(ks[4], (D, D), dtype=jnp.float32) * s,
        "Wg": jax.random.normal(ks[5], (D, E), dtype=jnp.float32) * s,
        "W1": jax.random.normal(ks[6], (E, D, CAP), dtype=jnp.float32) * s,
        "W2": jax.random.normal(ks[7], (E, CAP, D), dtype=jnp.float32) * s,
        "gamma1": jnp.ones((D,), dtype=jnp.float32),
        "beta1": jnp.zeros((D,), dtype=jnp.float32),
        "gamma2": jnp.ones((D,), dtype=jnp.float32),
        "beta2": jnp.zeros((D,), dtype=jnp.float32),
    }


def reference(x, Wq, Wk, Wv, Wo, Wg, W1, W2, gamma1, beta1, gamma2, beta2):
    # --- attention sublayer (eval mode: dropout = identity) ---
    xn = layernorm(x, gamma1, beta1)
    Q = (xn @ Wq).reshape(B, S, H, DK).transpose(0, 2, 1, 3)
    K = (xn @ Wk).reshape(B, S, H, DK).transpose(0, 2, 1, 3)
    V = (xn @ Wv).reshape(B, S, H, DK).transpose(0, 2, 1, 3)
    scores = jnp.matmul(Q, K.transpose(0, 1, 3, 2)) / np.sqrt(DK)
    attn = jax.nn.softmax(scores, axis=-1)
    out = jnp.matmul(attn, V)
    out = out.transpose(0, 2, 1, 3).reshape(B, S, D)
    attn_out = out @ Wo
    x = x + attn_out
    # --- MoE sublayer ---
    xn2 = layernorm(x, gamma2, beta2)
    xf = xn2.reshape(-1, D)  # [T, D]
    T = xf.shape[0]
    gate_scores = xf @ Wg  # [T, E]
    top_v, top_i = jax.lax.top_k(gate_scores, TOPK)
    top_v = jax.nn.softmax(top_v, axis=-1)
    # compute every expert densely (mathematically identical to masked dispatch)
    h = jax.nn.relu(jnp.einsum("td,edc->etc", xf, W1))
    all_out = jnp.einsum("etc,ecd->etd", h, W2)  # [E, T, D]
    rows = jnp.arange(T)
    moe = jnp.zeros_like(xf)
    for i in range(TOPK):
        moe = moe + top_v[:, i : i + 1] * all_out[top_i[:, i], rows]
    moe = moe.reshape(B, S, D)
    return x + moe

if __name__ == "__main__":
    import jax
    _d = setup_inputs()
    print(jax.jit(kernel)(*tuple(_d.values())))

</pallas_src>

<mosaic_0001>
#map = affine_map<(d0, d1) -> (0, 0)>
#map1 = affine_map<(d0, d1) -> (0)>
module attributes {stable_mosaic.version = 14 : i64} {
  func.func @gk(%arg0: i32, %arg1: i32, %arg2: memref<2048x512xf32, #tpu.memory_space<hbm>>, %arg3: memref<4608xi32, #tpu.memory_space<hbm>>, %arg4: memref<4608x512xf32, #tpu.memory_space<hbm>>, %arg5: memref<144xi32, #tpu.memory_space<vmem>>, %arg6: memref<6x8x512xf32, #tpu.memory_space<vmem>>, %arg7: memref<!tpu.dma_semaphore, #tpu.memory_space<semaphore_mem>>, %arg8: memref<!tpu.dma_semaphore, #tpu.memory_space<semaphore_mem>>, %arg9: memref<!tpu.dma_semaphore, #tpu.memory_space<semaphore_mem>>, %arg10: memref<!tpu.dma_semaphore, #tpu.memory_space<semaphore_mem>>, %arg11: memref<!tpu.dma_semaphore, #tpu.memory_space<semaphore_mem>>, %arg12: memref<!tpu.dma_semaphore, #tpu.memory_space<semaphore_mem>>, %arg13: memref<!tpu.dma_semaphore, #tpu.memory_space<semaphore_mem>>, %arg14: memref<!tpu.dma_semaphore, #tpu.memory_space<semaphore_mem>>, %arg15: memref<!tpu.dma_semaphore, #tpu.memory_space<semaphore_mem>>, %arg16: memref<!tpu.dma_semaphore, #tpu.memory_space<semaphore_mem>>, %arg17: memref<!tpu.dma_semaphore, #tpu.memory_space<semaphore_mem>>, %arg18: memref<!tpu.dma_semaphore, #tpu.memory_space<semaphore_mem>>) attributes {dimension_semantics = [#tpu.dimension_semantics<core_parallel>, #tpu.dimension_semantics<subcore_parallel>], iteration_bounds = array<i64: 2, 16>, scalar_prefetch = 0 : i64, scratch_operands = 14 : i64, tpu.core_type = #tpu.core_type<sc_vector_subcore>, window_params = [{transform_indices = #map}, {transform_indices = #map1}, {transform_indices = #map}]} {
    %mul3A = arith.constant 2 : i32
    %mul3A_0 = arith.muli %arg1, %mul3A : i32
    %add3A = arith.addi %mul3A_0, %arg0 : i32
    %mul3A_1 = arith.constant 144 : i32
    %mul3A_2 = arith.muli %add3A, %mul3A_1 : i32
    "tpu.region"() ({
      %run_scoped3A = tpu.sem_alloc : memref<!tpu.dma_semaphore, #tpu.memory_space<semaphore_mem>>
      %dma_start3A_865 = tpu.memref_slice %arg3[%mul3A_2] : memref<4608xi32, #tpu.memory_space<hbm>> -> memref<144xi32, #tpu.memory_space<hbm>>
      %dma_start3A_866 = tpu.memref_slice %arg3[%mul3A_2] : memref<4608xi32, #tpu.memory_space<hbm>> -> memref<144xi32, #tpu.memory_space<hbm>>
      tpu.enqueue_dma source(%dma_start3A_866 : memref<144xi32, #tpu.memory_space<hbm>>) target(%arg5 : memref<144xi32, #tpu.memory_space<vmem>>) target_semaphore(%run_scoped3A : memref<!tpu.dma_semaphore, #tpu.memory_space<semaphore_mem>>)
      %dma_wait3A_867 = tpu.memref_slice %arg3[%mul3A_2] : memref<4608xi32, #tpu.memory_space<hbm>> -> memref<144xi32, #tpu.memory_space<hbm>>
      %dma_wait3A_868 = tpu.memref_slice %arg3[%mul3A_2] : memref<4608xi32, #tpu.memory_space<hbm>> -> memref<144xi32, #tpu.memory_space<hbm>>
      tpu.wait_dma2 semaphore(%run_scoped3A : memref<!tpu.dma_semaphore, #tpu.memory_space<semaphore_mem>>) src(%dma_wait3A_868 : memref<144xi32, #tpu.memory_space<hbm>>) dst(%arg5 : memref<144xi32, #tpu.memory_space<vmem>>)
      tpu.yield
    }) : () -> ()
    %dma_start3A = arith.constant 0 : i32
    %dma_start3A_3 = arith.constant 0 : i32
    %dma_start3A_4 = arith.constant 0 : i32
    %dma_start3A_5 = tpu.memref_slice %arg6[%dma_start3A, %dma_start3A_3, %dma_start3A_4] : memref<6x8x512xf32, #tpu.memory_space<vmem>> -> memref<1x8x512xf32, #tpu.memory_space<vmem>>
    %dma_start3A_6 = tpu.memref_squeeze %dma_start3A_5 : memref<1x8x512xf32, #tpu.memory_space<vmem>> -> memref<8x512xf32, #tpu.memory_space<vmem>>
    %dma_start3A_7 = arith.constant 0 : i32
    %dma_start3A_8 = tpu.memref_slice %arg5[%dma_start3A_7] : memref<144xi32, #tpu.memory_space<vmem>> -> memref<8xi32, #tpu.memory_space<vmem>>
    %dma_start3A_9 = arith.constant 0 : i32
    %dma_start3A_10 = arith.constant 0 : i32
    %dma_start3A_11 = tpu.memref_slice %arg2[%dma_start3A_9, %dma_start3A_10] : memref<2048x512xf32, #tpu.memory_space<hbm>> -> memref<2048x512xf32, #tpu.memory_space<hbm>>
    tpu.enqueue_indirect_dma source(%dma_start3A_11 : memref<2048x512xf32, #tpu.memory_space<hbm>>) target(%dma_start3A_6 : memref<8x512xf32, #tpu.memory_space<vmem>>) offsets(%dma_start3A_8 : memref<8xi32, #tpu.memory_space<vmem>>) semaphore(%arg7 : memref<!tpu.dma_semaphore, #tpu.memory_space<semaphore_mem>>)
    %dma_start3A_12 = arith.constant 1 : i32
    %dma_start3A_13 = arith.constant 0 : i32
    %dma_start3A_14 = arith.constant 0 : i32
    %dma_start3A_15 = tpu.memref_slice %arg6[%dma_start3A_12, %dma_start3A_13, %dma_start3A_14] : memref<6x8x512xf32, #tpu.memory_space<vmem>> -> memref<1x8x512xf32, #tpu.memory_space<vmem>>
    %dma_start3A_16 = tpu.memref_squeeze %dma_start3A_15 : memref<1x8x512xf32, #tpu.memory_space<vmem>> -> memref<8x512xf32, #tpu.memory_space<vmem>>
    %dma_start3A_17 = arith.constant 8 : i32
    %dma_start3A_18 = tpu.memref_slice %arg5[%dma_start3A_17] : memref<144xi32, #tpu.memory_space<vmem>> -> memref<8xi32, #tpu.memory_space<vmem>>
    %dma_start3A_19 = arith.constant 0 : i32
    %dma_start3A_20 = arith.constant 0 : i32
    %dma_start3A_21 = tpu.memref_slice %arg2[%dma_start3A_19, %dma_start3A_20] : memref<2048x512xf32, #tpu.memory_space<hbm>> -> memref<2048x512xf32, #tpu.memory_space<hbm>>
    tpu.enqueue_indirect_dma source(%dma_start3A_21 : memref<2048x512xf32, #tpu.memory_space<hbm>>) target(%dma_start3A_16 : memref<8x512xf32, #tpu.memory_space<vmem>>) offsets(%dma_start3A_18 : memref<8xi32, #tpu.memory_space<vmem>>) semaphore(%arg8 : memref<!tpu.dma_semaphore, #tpu.memory_space<semaphore_mem>>)
    %dma_start3A_22 = arith.constant 2 : i32
    %dma_start3A_23 = arith.constant 0 : i32
    %dma_start3A_24 = arith.constant 0 : i32
    %dma_start3A_25 = tpu.memref_slice %arg6[%dma_start3A_22, %dma_start3A_23, %dma_start3A_24] : memref<6x8x512xf32, #tpu.memory_space<vmem>> -> memref<1x8x512xf32, #tpu.memory_space<vmem>>
    %dma_start3A_26 = tpu.memref_squeeze %dma_start3A_25 : memref<1x8x512xf32, #tpu.memory_space<vmem>> -> memref<8x512xf32, #tpu.memory_space<vmem>>
    %dma_start3A_27 = arith.constant 16 : i32
    %dma_start3A_28 = tpu.memref_slice %arg5[%dma_start3A_27] : memref<144xi32, #tpu.memory_space<vmem>> -> memref<8xi32, #tpu.memory_space<vmem>>
    %dma_start3A_29 = arith.constant 0 : i32
    %dma_start3A_30 = arith.constant 0 : i32
    %dma_start3A_31 = tpu.memref_slice %arg2[%dma_start3A_29, %dma_start3A_30] : memref<2048x512xf32, #tpu.memory_space<hbm>> -> memref<2048x512xf32, #tpu.memory_space<hbm>>
    tpu.enqueue_indirect_dma source(%dma_start3A_31 : memref<2048x512xf32, #tpu.memory_space<hbm>>) target(%dma_start3A_26 : memref<8x512xf32, #tpu.memory_space<vmem>>) offsets(%dma_start3A_28 : memref<8xi32, #tpu.memory_space<vmem>>) semaphore(%arg9 : memref<!tpu.dma_semaphore, #tpu.memory_space<semaphore_mem>>)
    %dma_start3A_32 = arith.constant 3 : i32
    %dma_start3A_33 = arith.constant 0 : i32
    %dma_start3A_34 = arith.constant 0 : i32
    %dma_start3A_35 = tpu.memref_slice %arg6[%dma_start3A_32, %dma_start3A_33, %dma_start3A_34] : memref<6x8x512xf32, #tpu.memory_space<vmem>> -> memref<1x8x512xf32, #tpu.memory_space<vmem>>
    %dma_start3A_36 = tpu.memref_squeeze %dma_start3A_35 : memref<1x8x512xf32, #tpu.memory_space<vmem>> -> memref<8x512xf32, #tpu.memory_space<vmem>>
    %dma_start3A_37 = arith.constant 24 : i32
    %dma_start3A_38 = tpu.memref_slice %arg5[%dma_start3A_37] : memref<144xi32, #tpu.memory_space<vmem>> -> memref<8xi32, #tpu.memory_space<vmem>>
    %dma_start3A_39 = arith.constant 0 : i32
    %dma_start3A_40 = arith.constant 0 : i32
    %dma_start3A_41 = tpu.memref_slice %arg2[%dma_start3A_39, %dma_start3A_40] : memref<2048x512xf32, #tpu.memory_space<hbm>> -> memref<2048x512xf32, #tpu.memory_space<hbm>>
    tpu.enqueue_indirect_dma source(%dma_start3A_41 : memref<2048x512xf32, #tpu.memory_space<hbm>>) target(%dma_start3A_36 : memref<8x512xf32, #tpu.memory_space<vmem>>) offsets(%dma_start3A_38 : memref<8xi32, #tpu.memory_space<vmem>>) semaphore(%arg10 : memref<!tpu.dma_semaphore, #tpu.memory_space<semaphore_mem>>)
    %dma_start3A_42 = arith.constant 4 : i32
    %dma_start3A_43 = arith.constant 0 : i32
    %dma_start3A_44 = arith.constant 0 : i32
    %dma_start3A_45 = tpu.memref_slice %arg6[%dma_start3A_42, %dma_start3A_43, %dma_start3A_44] : memref<6x8x512xf32, #tpu.memory_space<vmem>> -> memref<1x8x512xf32, #tpu.memory_space<vmem>>
    %dma_start3A_46 = tpu.memref_squeeze %dma_start3A_45 : memref<1x8x512xf32, #tpu.memory_space<vmem>> -> memref<8x512xf32, #tpu.memory_space<vmem>>
    %dma_start3A_47 = arith.constant 32 : i32
    %dma_start3A_48 = tpu.memref_slice %arg5[%dma_start3A_47] : memref<144xi32, #tpu.memory_space<vmem>> -> memref<8xi32, #tpu.memory_space<vmem>>
    %dma_start3A_49 = arith.constant 0 : i32
    %dma_start3A_50 = arith.constant 0 : i32
    %dma_start3A_51 = tpu.memref_slice %arg2[%dma_start3A_49, %dma_start3A_50] : memref<2048x512xf32, #tpu.memory_space<hbm>> -> memref<2048x512xf32, #tpu.memory_space<hbm>>
    tpu.enqueue_indirect_dma source(%dma_start3A_51 : memref<2048x512xf32, #tpu.memory_space<hbm>>) target(%dma_start3A_46 : memref<8x512xf32, #tpu.memory_space<vmem>>) offsets(%dma_start3A_48 : memref<8xi32, #tpu.memory_space<vmem>>) semaphore(%arg11 : memref<!tpu.dma_semaphore, #tpu.memory_space<semaphore_mem>>)
    %dma_start3A_52 = arith.constant 5 : i32
    %dma_start3A_53 = arith.constant 0 : i32
    %dma_start3A_54 = arith.constant 0 : i32
    %dma_start3A_55 = tpu.memref_slice %arg6[%dma_start3A_52, %dma_start3A_53, %dma_start3A_54] : memref<6x8x512xf32, #tpu.memory_space<vmem>> -> memref<1x8x512xf32, #tpu.memory_space<vmem>>
    %dma_start3A_56 = tpu.memref_squeeze %dma_start3A_55 : memref<1x8x512xf32, #tpu.memory_space<vmem>> -> memref<8x512xf32, #tpu.memory_space<vmem>>
    %dma_start3A_57 = arith.constant 40 : i32
    %dma_start3A_58 = tpu.memref_slice %arg5[%dma_start3A_57] : memref<144xi32, #tpu.memory_space<vmem>> -> memref<8xi32, #tpu.memory_space<vmem>>
    %dma_start3A_59 = arith.constant 0 : i32
    %dma_start3A_60 = arith.constant 0 : i32
    %dma_start3A_61 = tpu.memref_slice %arg2[%dma_start3A_59, %dma_start3A_60] : memref<2048x512xf32, #tpu.memory_space<hbm>> -> memref<2048x512xf32, #tpu.memory_space<hbm>>
    tpu.enqueue_indirect_dma source(%dma_start3A_61 : memref<2048x512xf32, #tpu.memory_space<hbm>>) target(%dma_start3A_56 : memref<8x512xf32, #tpu.memory_space<vmem>>) offsets(%dma_start3A_58 : memref<8xi32, #tpu.memory_space<vmem>>) semaphore(%arg12 : memref<!tpu.dma_semaphore, #tpu.memory_space<semaphore_mem>>)
    %dma_wait3A = arith.constant 0 : i32
    %dma_wait3A_62 = arith.constant 0 : i32
    %dma_wait3A_63 = arith.constant 0 : i32
    %dma_wait3A_64 = tpu.memref_slice %arg6[%dma_wait3A, %dma_wait3A_62, %dma_wait3A_63] : memref<6x8x512xf32, #tpu.memory_space<vmem>> -> memref<1x8x512xf32, #tpu.memory_space<vmem>>
    %dma_wait3A_65 = tpu.memref_squeeze %dma_wait3A_64 : memref<1x8x512xf32, #tpu.memory_space<vmem>> -> memref<8x512xf32, #tpu.memory_space<vmem>>
    %dma_wait3A_66 = arith.constant 0 : i32
    %dma_wait3A_67 = tpu.memref_slice %arg5[%dma_wait3A_66] : memref<144xi32, #tpu.memory_space<vmem>> -> memref<8xi32, #tpu.memory_space<vmem>>
    %dma_wait3A_68 = arith.constant 0 : i32
    %dma_wait3A_69 = arith.constant 0 : i32
    %dma_wait3A_70 = tpu.memref_slice %arg2[%dma_wait3A_68, %dma_wait3A_69] : memref<2048x512xf32, #tpu.memory_space<hbm>> -> memref<2048x512xf32, #tpu.memory_space<hbm>>
    tpu.wait_indirect_dma semaphore(%arg7 : memref<!tpu.dma_semaphore, #tpu.memory_space<semaphore_mem>>) src(%dma_wait3A_70 : memref<2048x512xf32, #tpu.memory_space<hbm>>) dst(%dma_wait3A_65 : memref<8x512xf32, #tpu.memory_space<vmem>>)
    %add3A_71 = arith.constant 0 : i32
    %add3A_72 = arith.addi %mul3A_2, %add3A_71 : i32
    %dma_start3A_73 = arith.constant 0 : i32
    %dma_start3A_74 = arith.constant 0 : i32
    %dma_start3A_75 = arith.constant 0 : i32
    %dma_start3A_76 = tpu.memref_slice %arg6[%dma_start3A_73, %dma_start3A_74, %dma_start3A_75] : memref<6x8x512xf32, #tpu.memory_space<vmem>> -> memref<1x8x512xf32, #tpu.memory_space<vmem>>
    %dma_start3A_77 = tpu.memref_squeeze %dma_start3A_76 : memref<1x8x512xf32, #tpu.memory_space<vmem>> -> memref<8x512xf32, #tpu.memory_space<vmem>>
    %dma_start3A_78 = arith.constant 0 : i32
    %dma_start3A_79 = tpu.memref_slice %arg4[%add3A_72, %dma_start3A_78] : memref<4608x512xf32, #tpu.memory_space<hbm>> -> memref<8x512xf32, #tpu.memory_space<hbm>>
    %dma_start3A_80 = arith.constant 0 : i32
    %dma_start3A_81 = tpu.memref_slice %arg4[%add3A_72, %dma_start3A_80] : memref<4608x512xf32, #tpu.memory_space<hbm>> -> memref<8x512xf32, #tpu.memory_space<hbm>>
    %dma_start3A_82 = arith.constant 0 : i32
    %dma_start3A_83 = arith.constant 0 : i32
    %dma_start3A_84 = tpu.memref_slice %arg6[%dma_start3A_73, %dma_start3A_82, %dma_start3A_83] : memref<6x8x512xf32, #tpu.memory_space<vmem>> -> memref<1x8x512xf32, #tpu.memory_space<vmem>>
    %dma_start3A_85 = tpu.memref_squeeze %dma_start3A_84 : memref<1x8x512xf32, #tpu.memory_space<vmem>> -> memref<8x512xf32, #tpu.memory_space<vmem>>
    tpu.enqueue_dma source(%dma_start3A_85 : memref<8x512xf32, #tpu.memory_space<vmem>>) target(%dma_start3A_81 : memref<8x512xf32, #tpu.memory_space<hbm>>) target_semaphore(%arg13 : memref<!tpu.dma_semaphore, #tpu.memory_space<semaphore_mem>>)
    %dma_wait3A_86 = arith.constant 0 : i32
    %dma_wait3A_87 = arith.constant 0 : i32
    %dma_wait3A_88 = arith.constant 0 : i32
    %dma_wait3A_89 = tpu.memref_slice %arg6[%dma_wait3A_86, %dma_wait3A_87, %dma_wait3A_88] : memref<6x8x512xf32, #tpu.memory_space<vmem>> -> memref<1x8x512xf32, #tpu.memory_space<vmem>>
    %dma_wait3A_90 = tpu.memref_squeeze %dma_wait3A_89 : memref<1x8x512xf32, #tpu.memory_space<vmem>> -> memref<8x512xf32, #tpu.memory_space<vmem>>
    %dma_wait3A_91 = arith.constant 0 : i32
    %dma_wait3A_92 = tpu.memref_slice %arg4[%add3A_72, %dma_wait3A_91] : memref<4608x512xf32, #tpu.memory_space<hbm>> -> memref<8x512xf32, #tpu.memory_space<hbm>>
    %dma_wait3A_93 = arith.constant 0 : i32
    %dma_wait3A_94 = tpu.memref_slice %arg4[%add3A_72, %dma_wait3A_93] : memref<4608x512xf32, #tpu.memory_space<hbm>> -> memref<8x512xf32, #tpu.memory_space<hbm>>
    %dma_wait3A_95 = arith.constant 0 : i32
    %dma_wait3A_96 = arith.constant 0 : i32
    %dma_wait3A_97 = tpu.memref_slice %arg6[%dma_wait3A_86, %dma_wait3A_95, %dma_wait3A_96] : memref<6x8x512xf32, #tpu.memory_space<vmem>> -> memref<1x8x512xf32, #tpu.memory_space<vmem>>
    %dma_wait3A_98 = tpu.memref_squeeze %dma_wait3A_97 : memref<1x8x512xf32, #tpu.memory_space<vmem>> -> memref<8x512xf32, #tpu.memory_space<vmem>>
    tpu.wait_dma2 semaphore(%arg13 : memref<!tpu.dma_semaphore, #tpu.memory_space<semaphore_mem>>) src(%dma_wait3A_98 : memref<8x512xf32, #tpu.memory_space<vmem>>) dst(%dma_wait3A_94 : memref<8x512xf32, #tpu.memory_space<hbm>>)
    %dma_start3A_99 = arith.constant 0 : i32
    %dma_start3A_100 = arith.constant 0 : i32
    %dma_start3A_101 = arith.constant 0 : i32
    %dma_start3A_102 = tpu.memref_slice %arg6[%dma_start3A_99, %dma_start3A_100, %dma_start3A_101] : memref<6x8x512xf32, #tpu.memory_space<vmem>> -> memref<1x8x512xf32, #tpu.memory_space<vmem>>
    %dma_start3A_103 = tpu.memref_squeeze %dma_start3A_102 : memref<1x8x512xf32, #tpu.memory_space<vmem>> -> memref<8x512xf32, #tpu.memory_space<vmem>>
    %dma_start3A_104 = arith.constant 48 : i32
    %dma_start3A_105 = tpu.memref_slice %arg5[%dma_start3A_104] : memref<144xi32, #tpu.memory_space<vmem>> -> memref<8xi32, #tpu.memory_space<vmem>>
    %dma_start3A_106 = arith.constant 0 : i32
    %dma_start3A_107 = arith.constant 0 : i32
    %dma_start3A_108 = tpu.memref_slice %arg2[%dma_start3A_106, %dma_start3A_107] : memref<2048x512xf32, #tpu.memory_space<hbm>> -> memref<2048x512xf32, #tpu.memory_space<hbm>>
    tpu.enqueue_indirect_dma source(%dma_start3A_108 : memref<2048x512xf32, #tpu.memory_space<hbm>>) target(%dma_start3A_103 : memref<8x512xf32, #tpu.memory_space<vmem>>) offsets(%dma_start3A_105 : memref<8xi32, #tpu.memory_space<vmem>>) semaphore(%arg7 : memref<!tpu.dma_semaphore, #tpu.memory_space<semaphore_mem>>)
    %dma_wait3A_109 = arith.constant 1 : i32
    %dma_wait3A_110 = arith.constant 0 : i32
    %dma_wait3A_111 = arith.constant 0 : i32
    %dma_wait3A_112 = tpu.memref_slice %arg6[%dma_wait3A_109, %dma_wait3A_110, %dma_wait3A_111] : memref<6x8x512xf32, #tpu.memory_space<vmem>> -> memref<1x8x512xf32, #tpu.memory_space<vmem>>
    %dma_wait3A_113 = tpu.memref_squeeze %dma_wait3A_112 : memref<1x8x512xf32, #tpu.memory_space<vmem>> -> memref<8x512xf32, #tpu.memory_space<vmem>>
    %dma_wait3A_114 = arith.constant 8 : i32
    %dma_wait3A_115 = tpu.memref_slice %arg5[%dma_wait3A_114] : memref<144xi32, #tpu.memory_space<vmem>> -> memref<8xi32, #tpu.memory_space<vmem>>
    %dma_wait3A_116 = arith.constant 0 : i32
    %dma_wait3A_117 = arith.constant 0 : i32
    %dma_wait3A_118 = tpu.memref_slice %arg2[%dma_wait3A_116, %dma_wait3A_117] : memref<2048x512xf32, #tpu.memory_space<hbm>> -> memref<2048x512xf32, #tpu.memory_space<hbm>>
    tpu.wait_indirect_dma semaphore(%arg8 : memref<!tpu.dma_semaphore, #tpu.memory_space<semaphore_mem>>) src(%dma_wait3A_118 : memref<2048x512xf32, #tpu.memory_space<hbm>>) dst(%dma_wait3A_113 : memref<8x512xf32, #tpu.memory_space<vmem>>)
    %add3A_119 = arith.constant 8 : i32
    %add3A_120 = arith.addi %mul3A_2, %add3A_119 : i32
    %dma_start3A_121 = arith.constant 1 : i32
    %dma_start3A_122 = arith.constant 0 : i32
    %dma_start3A_123 = arith.constant 0 : i32
    %dma_start3A_124 = tpu.memref_slice %arg6[%dma_start3A_121, %dma_start3A_122, %dma_start3A_123] : memref<6x8x512xf32, #tpu.memory_space<vmem>> -> memref<1x8x512xf32, #tpu.memory_space<vmem>>
    %dma_start3A_125 = tpu.memref_squeeze %dma_start3A_124 : memref<1x8x512xf32, #tpu.memory_space<vmem>> -> memref<8x512xf32, #tpu.memory_space<vmem>>
    %dma_start3A_126 = arith.constant 0 : i32
    %dma_start3A_127 = tpu.memref_slice %arg4[%add3A_120, %dma_start3A_126] : memref<4608x512xf32, #tpu.memory_space<hbm>> -> memref<8x512xf32, #tpu.memory_space<hbm>>
    %dma_start3A_128 = arith.constant 0 : i32
    %dma_start3A_129 = tpu.memref_slice %arg4[%add3A_120, %dma_start3A_128] : memref<4608x512xf32, #tpu.memory_space<hbm>> -> memref<8x512xf32, #tpu.memory_space<hbm>>
    %dma_start3A_130 = arith.constant 0 : i32
    %dma_start3A_131 = arith.constant 0 : i32
    %dma_start3A_132 = tpu.memref_slice %arg6[%dma_start3A_121, %dma_start3A_130, %dma_start3A_131] : memref<6x8x512xf32, #tpu.memory_space<vmem>> -> memref<1x8x512xf32, #tpu.memory_space<vmem>>
    %dma_start3A_133 = tpu.memref_squeeze %dma_start3A_132 : memref<1x8x512xf32, #tpu.memory_space<vmem>> -> memref<8x512xf32, #tpu.memory_space<vmem>>
    tpu.enqueue_dma source(%dma_start3A_133 : memref<8x512xf32, #tpu.memory_space<vmem>>) target(%dma_start3A_129 : memref<8x512xf32, #tpu.memory_space<hbm>>) target_semaphore(%arg14 : memref<!tpu.dma_semaphore, #tpu.memory_space<semaphore_mem>>)
    %dma_wait3A_134 = arith.constant 1 : i32
    %dma_wait3A_135 = arith.constant 0 : i32
    %dma_wait3A_136 = arith.constant 0 : i32
    %dma_wait3A_137 = tpu.memref_slice %arg6[%dma_wait3A_134, %dma_wait3A_135, %dma_wait3A_136] : memref<6x8x512xf32, #tpu.memory_space<vmem>> -> memref<1x8x512xf32, #tpu.memory_space<vmem>>
    %dma_wait3A_138 = tpu.memref_squeeze %dma_wait3A_137 : memref<1x8x512xf32, #tpu.memory_space<vmem>> -> memref<8x512xf32, #tpu.memory_space<vmem>>
    %dma_wait3A_139 = arith.constant 0 : i32
    %dma_wait3A_140 = tpu.memref_slice %arg4[%add3A_120, %dma_wait3A_139] : memref<4608x512xf32, #tpu.memory_space<hbm>> -> memref<8x512xf32, #tpu.memory_space<hbm>>
    %dma_wait3A_141 = arith.constant 0 : i32
    %dma_wait3A_142 = tpu.memref_slice %arg4[%add3A_120, %dma_wait3A_141] : memref<4608x512xf32, #tpu.memory_space<hbm>> -> memref<8x512xf32, #tpu.memory_space<hbm>>
    %dma_wait3A_143 = arith.constant 0 : i32
    %dma_wait3A_144 = arith.constant 0 : i32
    %dma_wait3A_145 = tpu.memref_slice %arg6[%dma_wait3A_134, %dma_wait3A_143, %dma_wait3A_144] : memref<6x8x512xf32, #tpu.memory_space<vmem>> -> memref<1x8x512xf32, #tpu.memory_space<vmem>>
    %dma_wait3A_146 = tpu.memref_squeeze %dma_wait3A_145 : memref<1x8x512xf32, #tpu.memory_space<vmem>> -> memref<8x512xf32, #tpu.memory_space<vmem>>
    tpu.wait_dma2 semaphore(%arg14 : memref<!tpu.dma_semaphore, #tpu.memory_space<semaphore_mem>>) src(%dma_wait3A_146 : memref<8x512xf32, #tpu.memory_space<vmem>>) dst(%dma_wait3A_142 : memref<8x512xf32, #tpu.memory_space<hbm>>)
    %dma_start3A_147 = arith.constant 1 : i32
    %dma_start3A_148 = arith.constant 0 : i32
    %dma_start3A_149 = arith.constant 0 : i32
    %dma_start3A_150 = tpu.memref_slice %arg6[%dma_start3A_147, %dma_start3A_148, %dma_start3A_149] : memref<6x8x512xf32, #tpu.memory_space<vmem>> -> memref<1x8x512xf32, #tpu.memory_space<vmem>>
    %dma_start3A_151 = tpu.memref_squeeze %dma_start3A_150 : memref<1x8x512xf32, #tpu.memory_space<vmem>> -> memref<8x512xf32, #tpu.memory_space<vmem>>
    %dma_start3A_152 = arith.constant 56 : i32
    %dma_start3A_153 = tpu.memref_slice %arg5[%dma_start3A_152] : memref<144xi32, #tpu.memory_space<vmem>> -> memref<8xi32, #tpu.memory_space<vmem>>
    %dma_start3A_154 = arith.constant 0 : i32
    %dma_start3A_155 = arith.constant 0 : i32
    %dma_start3A_156 = tpu.memref_slice %arg2[%dma_start3A_154, %dma_start3A_155] : memref<2048x512xf32, #tpu.memory_space<hbm>> -> memref<2048x512xf32, #tpu.memory_space<hbm>>
    tpu.enqueue_indirect_dma source(%dma_start3A_156 : memref<2048x512xf32, #tpu.memory_space<hbm>>) target(%dma_start3A_151 : memref<8x512xf32, #tpu.memory_space<vmem>>) offsets(%dma_start3A_153 : memref<8xi32, #tpu.memory_space<vmem>>) semaphore(%arg8 : memref<!tpu.dma_semaphore, #tpu.memory_space<semaphore_mem>>)
    %dma_wait3A_157 = arith.constant 2 : i32
    %dma_wait3A_158 = arith.constant 0 : i32
    %dma_wait3A_159 = arith.constant 0 : i32
    %dma_wait3A_160 = tpu.memref_slice %arg6[%dma_wait3A_157, %dma_wait3A_158, %dma_wait3A_159] : memref<6x8x512xf32, #tpu.memory_space<vmem>> -> memref<1x8x512xf32, #tpu.memory_space<vmem>>
    %dma_wait3A_161 = tpu.memref_squeeze %dma_wait3A_160 : memref<1x8x512xf32, #tpu.memory_space<vmem>> -> memref<8x512xf32, #tpu.memory_space<vmem>>
    %dma_wait3A_162 = arith.constant 16 : i32
    %dma_wait3A_163 = tpu.memref_slice %arg5[%dma_wait3A_162] : memref<144xi32, #tpu.memory_space<vmem>> -> memref<8xi32, #tpu.memory_space<vmem>>
    %dma_wait3A_164 = arith.constant 0 : i32
    %dma_wait3A_165 = arith.constant 0 : i32
    %dma_wait3A_166 = tpu.memref_slice %arg2[%dma_wait3A_164, %dma_wait3A_165] : memref<2048x512xf32, #tpu.memory_space<hbm>> -> memref<2048x512xf32, #tpu.memory_space<hbm>>
    tpu.wait_indirect_dma semaphore(%arg9 : memref<!tpu.dma_semaphore, #tpu.memory_space<semaphore_mem>>) src(%dma_wait3A_166 : memref<2048x512xf32, #tpu.memory_space<hbm>>) dst(%dma_wait3A_161 : memref<8x512xf32, #tpu.memory_space<vmem>>)
    %add3A_167 = arith.constant 16 : i32
    %add3A_168 = arith.addi %mul3A_2, %add3A_167 : i32
    %dma_start3A_169 = arith.constant 2 : i32
    %dma_start3A_170 = arith.constant 0 : i32
    %dma_start3A_171 = arith.constant 0 : i32
    %dma_start3A_172 = tpu.memref_slice %arg6[%dma_start3A_169, %dma_start3A_170, %dma_start3A_171] : memref<6x8x512xf32, #tpu.memory_space<vmem>> -> memref<1x8x512xf32, #tpu.memory_space<vmem>>
    %dma_start3A_173 = tpu.memref_squeeze %dma_start3A_172 : memref<1x8x512xf32, #tpu.memory_space<vmem>> -> memref<8x512xf32, #tpu.memory_space<vmem>>
    %dma_start3A_174 = arith.constant 0 : i32
    %dma_start3A_175 = tpu.memref_slice %arg4[%add3A_168, %dma_start3A_174] : memref<4608x512xf32, #tpu.memory_space<hbm>> -> memref<8x512xf32, #tpu.memory_space<hbm>>
    %dma_start3A_176 = arith.constant 0 : i32
    %dma_start3A_177 = tpu.memref_slice %arg4[%add3A_168, %dma_start3A_176] : memref<4608x512xf32, #tpu.memory_space<hbm>> -> memref<8x512xf32, #tpu.memory_space<hbm>>
    %dma_start3A_178 = arith.constant 0 : i32
    %dma_start3A_179 = arith.constant 0 : i32
    %dma_start3A_180 = tpu.memref_slice %arg6[%dma_start3A_169, %dma_start3A_178, %dma_start3A_179] : memref<6x8x512xf32, #tpu.memory_space<vmem>> -> memref<1x8x512xf32, #tpu.memory_space<vmem>>
    %dma_start3A_181 = tpu.memref_squeeze %dma_start3A_180 : memref<1x8x512xf32, #tpu.memory_space<vmem>> -> memref<8x512xf32, #tpu.memory_space<vmem>>
    tpu.enqueue_dma source(%dma_start3A_181 : memref<8x512xf32, #tpu.memory_space<vmem>>) target(%dma_start3A_177 : memref<8x512xf32, #tpu.memory_space<hbm>>) target_semaphore(%arg15 : memref<!tpu.dma_semaphore, #tpu.memory_space<semaphore_mem>>)
    %dma_wait3A_182 = arith.constant 2 : i32
    %dma_wait3A_183 = arith.constant 0 : i32
    %dma_wait3A_184 = arith.constant 0 : i32
    %dma_wait3A_185 = tpu.memref_slice %arg6[%dma_wait3A_182, %dma_wait3A_183, %dma_wait3A_184] : memref<6x8x512xf32, #tpu.memory_space<vmem>> -> memref<1x8x512xf32, #tpu.memory_space<vmem>>
    %dma_wait3A_186 = tpu.memref_squeeze %dma_wait3A_185 : memref<1x8x512xf32, #tpu.memory_space<vmem>> -> memref<8x512xf32, #tpu.memory_space<vmem>>
    %dma_wait3A_187 = arith.constant 0 : i32
    %dma_wait3A_188 = tpu.memref_slice %arg4[%add3A_168, %dma_wait3A_187] : memref<4608x512xf32, #tpu.memory_space<hbm>> -> memref<8x512xf32, #tpu.memory_space<hbm>>
    %dma_wait3A_189 = arith.constant 0 : i32
    %dma_wait3A_190 = tpu.memref_slice %arg4[%add3A_168, %dma_wait3A_189] : memref<4608x512xf32, #tpu.memory_space<hbm>> -> memref<8x512xf32, #tpu.memory_space<hbm>>
    %dma_wait3A_191 = arith.constant 0 : i32
    %dma_wait3A_192 = arith.constant 0 : i32
    %dma_wait3A_193 = tpu.memref_slice %arg6[%dma_wait3A_182, %dma_wait3A_191, %dma_wait3A_192] : memref<6x8x512xf32, #tpu.memory_space<vmem>> -> memref<1x8x512xf32, #tpu.memory_space<vmem>>
    %dma_wait3A_194 = tpu.memref_squeeze %dma_wait3A_193 : memref<1x8x512xf32, #tpu.memory_space<vmem>> -> memref<8x512xf32, #tpu.memory_space<vmem>>
    tpu.wait_dma2 semaphore(%arg15 : memref<!tpu.dma_semaphore, #tpu.memory_space<semaphore_mem>>) src(%dma_wait3A_194 : memref<8x512xf32, #tpu.memory_space<vmem>>) dst(%dma_wait3A_190 : memref<8x512xf32, #tpu.memory_space<hbm>>)
    %dma_start3A_195 = arith.constant 2 : i32
    %dma_start3A_196 = arith.constant 0 : i32
    %dma_start3A_197 = arith.constant 0 : i32
    %dma_start3A_198 = tpu.memref_slice %arg6[%dma_start3A_195, %dma_start3A_196, %dma_start3A_197] : memref<6x8x512xf32, #tpu.memory_space<vmem>> -> memref<1x8x512xf32, #tpu.memory_space<vmem>>
    %dma_start3A_199 = tpu.memref_squeeze %dma_start3A_198 : memref<1x8x512xf32, #tpu.memory_space<vmem>> -> memref<8x512xf32, #tpu.memory_space<vmem>>
    %dma_start3A_200 = arith.constant 64 : i32
    %dma_start3A_201 = tpu.memref_slice %arg5[%dma_start3A_200] : memref<144xi32, #tpu.memory_space<vmem>> -> memref<8xi32, #tpu.memory_space<vmem>>
    %dma_start3A_202 = arith.constant 0 : i32
    %dma_start3A_203 = arith.constant 0 : i32
    %dma_start3A_204 = tpu.memref_slice %arg2[%dma_start3A_202, %dma_start3A_203] : memref<2048x512xf32, #tpu.memory_space<hbm>> -> memref<2048x512xf32, #tpu.memory_space<hbm>>
    tpu.enqueue_indirect_dma source(%dma_start3A_204 : memref<2048x512xf32, #tpu.memory_space<hbm>>) target(%dma_start3A_199 : memref<8x512xf32, #tpu.memory_space<vmem>>) offsets(%dma_start3A_201 : memref<8xi32, #tpu.memory_space<vmem>>) semaphore(%arg9 : memref<!tpu.dma_semaphore, #tpu.memory_space<semaphore_mem>>)
    %dma_wait3A_205 = arith.constant 3 : i32
    %dma_wait3A_206 = arith.constant 0 : i32
    %dma_wait3A_207 = arith.constant 0 : i32
    %dma_wait3A_208 = tpu.memref_slice %arg6[%dma_wait3A_205, %dma_wait3A_206, %dma_wait3A_207] : memref<6x8x512xf32, #tpu.memory_space<vmem>> -> memref<1x8x512xf32, #tpu.memory_space<vmem>>
    %dma_wait3A_209 = tpu.memref_squeeze %dma_wait3A_208 : memref<1x8x512xf32, #tpu.memory_space<vmem>> -> memref<8x512xf32, #tpu.memory_space<vmem>>
    %dma_wait3A_210 = arith.constant 24 : i32
    %dma_wait3A_211 = tpu.memref_slice %arg5[%dma_wait3A_210] : memref<144xi32, #tpu.memory_space<vmem>> -> memref<8xi32, #tpu.memory_space<vmem>>
    %dma_wait3A_212 = arith.constant 0 : i32
    %dma_wait3A_213 = arith.constant 0 : i32
    %dma_wait3A_214 = tpu.memref_slice %arg2[%dma_wait3A_212, %dma_wait3A_213] : memref<2048x512xf32, #tpu.memory_space<hbm>> -> memref<2048x512xf32, #tpu.memory_space<hbm>>
    tpu.wait_indirect_dma semaphore(%arg10 : memref<!tpu.dma_semaphore, #tpu.memory_space<semaphore_mem>>) src(%dma_wait3A_214 : memref<2048x512xf32, #tpu.memory_space<hbm>>) dst(%dma_wait3A_209 : memref<8x512xf32, #tpu.memory_space<vmem>>)
    %add3A_215 = arith.constant 24 : i32
    %add3A_216 = arith.addi %mul3A_2, %add3A_215 : i32
    %dma_start3A_217 = arith.constant 3 : i32
    %dma_start3A_218 = arith.constant 0 : i32
    %dma_start3A_219 = arith.constant 0 : i32
    %dma_start3A_220 = tpu.memref_slice %arg6[%dma_start3A_217, %dma_start3A_218, %dma_start3A_219] : memref<6x8x512xf32, #tpu.memory_space<vmem>> -> memref<1x8x512xf32, #tpu.memory_space<vmem>>
    %dma_start3A_221 = tpu.memref_squeeze %dma_start3A_220 : memref<1x8x512xf32, #tpu.memory_space<vmem>> -> memref<8x512xf32, #tpu.memory_space<vmem>>
    %dma_start3A_222 = arith.constant 0 : i32
    %dma_start3A_223 = tpu.memref_slice %arg4[%add3A_216, %dma_start3A_222] : memref<4608x512xf32, #tpu.memory_space<hbm>> -> memref<8x512xf32, #tpu.memory_space<hbm>>
    %dma_start3A_224 = arith.constant 0 : i32
    %dma_start3A_225 = tpu.memref_slice %arg4[%add3A_216, %dma_start3A_224] : memref<4608x512xf32, #tpu.memory_space<hbm>> -> memref<8x512xf32, #tpu.memory_space<hbm>>
    %dma_start3A_226 = arith.constant 0 : i32
    %dma_start3A_227 = arith.constant 0 : i32
    %dma_start3A_228 = tpu.memref_slice %arg6[%dma_start3A_217, %dma_start3A_226, %dma_start3A_227] : memref<6x8x512xf32, #tpu.memory_space<vmem>> -> memref<1x8x512xf32, #tpu.memory_space<vmem>>
    %dma_start3A_229 = tpu.memref_squeeze %dma_start3A_228 : memref<1x8x512xf32, #tpu.memory_space<vmem>> -> memref<8x512xf32, #tpu.memory_space<vmem>>
    tpu.enqueue_dma source(%dma_start3A_229 : memref<8x512xf32, #tpu.memory_space<vmem>>) target(%dma_start3A_225 : memref<8x512xf32, #tpu.memory_space<hbm>>) target_semaphore(%arg16 : memref<!tpu.dma_semaphore, #tpu.memory_space<semaphore_mem>>)
    %dma_wait3A_230 = arith.constant 3 : i32
    %dma_wait3A_231 = arith.constant 0 : i32
    %dma_wait3A_232 = arith.constant 0 : i32
    %dma_wait3A_233 = tpu.memref_slice %arg6[%dma_wait3A_230, %dma_wait3A_231, %dma_wait3A_232] : memref<6x8x512xf32, #tpu.memory_space<vmem>> -> memref<1x8x512xf32, #tpu.memory_space<vmem>>
    %dma_wait3A_234 = tpu.memref_squeeze %dma_wait3A_233 : memref<1x8x512xf32, #tpu.memory_space<vmem>> -> memref<8x512xf32, #tpu.memory_space<vmem>>
    %dma_wait3A_235 = arith.constant 0 : i32
    %dma_wait3A_236 = tpu.memref_slice %arg4[%add3A_216, %dma_wait3A_235] : memref<4608x512xf32, #tpu.memory_space<hbm>> -> memref<8x512xf32, #tpu.memory_space<hbm>>
    %dma_wait3A_237 = arith.constant 0 : i32
    %dma_wait3A_238 = tpu.memref_slice %arg4[%add3A_216, %dma_wait3A_237] : memref<4608x512xf32, #tpu.memory_space<hbm>> -> memref<8x512xf32, #tpu.memory_space<hbm>>
    %dma_wait3A_239 = arith.constant 0 : i32
    %dma_wait3A_240 = arith.constant 0 : i32
    %dma_wait3A_241 = tpu.memref_slice %arg6[%dma_wait3A_230, %dma_wait3A_239, %dma_wait3A_240] : memref<6x8x512xf32, #tpu.memory_space<vmem>> -> memref<1x8x512xf32, #tpu.memory_space<vmem>>
    %dma_wait3A_242 = tpu.memref_squeeze %dma_wait3A_241 : memref<1x8x512xf32, #tpu.memory_space<vmem>> -> memref<8x512xf32, #tpu.memory_space<vmem>>
    tpu.wait_dma2 semaphore(%arg16 : memref<!tpu.dma_semaphore, #tpu.memory_space<semaphore_mem>>) src(%dma_wait3A_242 : memref<8x512xf32, #tpu.memory_space<vmem>>) dst(%dma_wait3A_238 : memref<8x512xf32, #tpu.memory_space<hbm>>)
    %dma_start3A_243 = arith.constant 3 : i32
    %dma_start3A_244 = arith.constant 0 : i32
    %dma_start3A_245 = arith.constant 0 : i32
    %dma_start3A_246 = tpu.memref_slice %arg6[%dma_start3A_243, %dma_start3A_244, %dma_start3A_245] : memref<6x8x512xf32, #tpu.memory_space<vmem>> -> memref<1x8x512xf32, #tpu.memory_space<vmem>>
    %dma_start3A_247 = tpu.memref_squeeze %dma_start3A_246 : memref<1x8x512xf32, #tpu.memory_space<vmem>> -> memref<8x512xf32, #tpu.memory_space<vmem>>
    %dma_start3A_248 = arith.constant 72 : i32
    %dma_start3A_249 = tpu.memref_slice %arg5[%dma_start3A_248] : memref<144xi32, #tpu.memory_space<vmem>> -> memref<8xi32, #tpu.memory_space<vmem>>
    %dma_start3A_250 = arith.constant 0 : i32
    %dma_start3A_251 = arith.constant 0 : i32
    %dma_start3A_252 = tpu.memref_slice %arg2[%dma_start3A_250, %dma_start3A_251] : memref<2048x512xf32, #tpu.memory_space<hbm>> -> memref<2048x512xf32, #tpu.memory_space<hbm>>
    tpu.enqueue_indirect_dma source(%dma_start3A_252 : memref<2048x512xf32, #tpu.memory_space<hbm>>) target(%dma_start3A_247 : memref<8x512xf32, #tpu.memory_space<vmem>>) offsets(%dma_start3A_249 : memref<8xi32, #tpu.memory_space<vmem>>) semaphore(%arg10 : memref<!tpu.dma_semaphore, #tpu.memory_space<semaphore_mem>>)
    %dma_wait3A_253 = arith.constant 4 : i32
    %dma_wait3A_254 = arith.constant 0 : i32
    %dma_wait3A_255 = arith.constant 0 : i32
    %dma_wait3A_256 = tpu.memref_slice %arg6[%dma_wait3A_253, %dma_wait3A_254, %dma_wait3A_255] : memref<6x8x512xf32, #tpu.memory_space<vmem>> -> memref<1x8x512xf32, #tpu.memory_space<vmem>>
    %dma_wait3A_257 = tpu.memref_squeeze %dma_wait3A_256 : memref<1x8x512xf32, #tpu.memory_space<vmem>> -> memref<8x512xf32, #tpu.memory_space<vmem>>
    %dma_wait3A_258 = arith.constant 32 : i32
    %dma_wait3A_259 = tpu.memref_slice %arg5[%dma_wait3A_258] : memref<144xi32, #tpu.memory_space<vmem>> -> memref<8xi32, #tpu.memory_space<vmem>>
    %dma_wait3A_260 = arith.constant 0 : i32
    %dma_wait3A_261 = arith.constant 0 : i32
    %dma_wait3A_262 = tpu.memref_slice %arg2[%dma_wait3A_260, %dma_wait3A_261] : memref<2048x512xf32, #tpu.memory_space<hbm>> -> memref<2048x512xf32, #tpu.memory_space<hbm>>
    tpu.wait_indirect_dma semaphore(%arg11 : memref<!tpu.dma_semaphore, #tpu.memory_space<semaphore_mem>>) src(%dma_wait3A_262 : memref<2048x512xf32, #tpu.memory_space<hbm>>) dst(%dma_wait3A_257 : memref<8x512xf32, #tpu.memory_space<vmem>>)
    %add3A_263 = arith.constant 32 : i32
    %add3A_264 = arith.addi %mul3A_2, %add3A_263 : i32
    %dma_start3A_265 = arith.constant 4 : i32
    %dma_start3A_266 = arith.constant 0 : i32
    %dma_start3A_267 = arith.constant 0 : i32
    %dma_start3A_268 = tpu.memref_slice %arg6[%dma_start3A_265, %dma_start3A_266, %dma_start3A_267] : memref<6x8x512xf32, #tpu.memory_space<vmem>> -> memref<1x8x512xf32, #tpu.memory_space<vmem>>
    %dma_start3A_269 = tpu.memref_squeeze %dma_start3A_268 : memref<1x8x512xf32, #tpu.memory_space<vmem>> -> memref<8x512xf32, #tpu.memory_space<vmem>>
    %dma_start3A_270 = arith.constant 0 : i32
    %dma_start3A_271 = tpu.memref_slice %arg4[%add3A_264, %dma_start3A_270] : memref<4608x512xf32, #tpu.memory_space<hbm>> -> memref<8x512xf32, #tpu.memory_space<hbm>>
    %dma_start3A_272 = arith.constant 0 : i32
    %dma_start3A_273 = tpu.memref_slice %arg4[%add3A_264, %dma_start3A_272] : memref<4608x512xf32, #tpu.memory_space<hbm>> -> memref<8x512xf32, #tpu.memory_space<hbm>>
    %dma_start3A_274 = arith.constant 0 : i32
    %dma_start3A_275 = arith.constant 0 : i32
    %dma_start3A_276 = tpu.memref_slice %arg6[%dma_start3A_265, %dma_start3A_274, %dma_start3A_275] : memref<6x8x512xf32, #tpu.memory_space<vmem>> -> memref<1x8x512xf32, #tpu.memory_space<vmem>>
    %dma_start3A_277 = tpu.memref_squeeze %dma_start3A_276 : memref<1x8x512xf32, #tpu.memory_space<vmem>> -> memref<8x512xf32, #tpu.memory_space<vmem>>
    tpu.enqueue_dma source(%dma_start3A_277 : memref<8x512xf32, #tpu.memory_space<vmem>>) target(%dma_start3A_273 : memref<8x512xf32, #tpu.memory_space<hbm>>) target_semaphore(%arg17 : memref<!tpu.dma_semaphore, #tpu.memory_space<semaphore_mem>>)
    %dma_wait3A_278 = arith.constant 4 : i32
    %dma_wait3A_279 = arith.constant 0 : i32
    %dma_wait3A_280 = arith.constant 0 : i32
    %dma_wait3A_281 = tpu.memref_slice %arg6[%dma_wait3A_278, %dma_wait3A_279, %dma_wait3A_280] : memref<6x8x512xf32, #tpu.memory_space<vmem>> -> memref<1x8x512xf32, #tpu.memory_space<vmem>>
    %dma_wait3A_282 = tpu.memref_squeeze %dma_wait3A_281 : memref<1x8x512xf32, #tpu.memory_space<vmem>> -> memref<8x512xf32, #tpu.memory_space<vmem>>
    %dma_wait3A_283 = arith.constant 0 : i32
    %dma_wait3A_284 = tpu.memref_slice %arg4[%add3A_264, %dma_wait3A_283] : memref<4608x512xf32, #tpu.memory_space<hbm>> -> memref<8x512xf32, #tpu.memory_space<hbm>>
    %dma_wait3A_285 = arith.constant 0 : i32
    %dma_wait3A_286 = tpu.memref_slice %arg4[%add3A_264, %dma_wait3A_285] : memref<4608x512xf32, #tpu.memory_space<hbm>> -> memref<8x512xf32, #tpu.memory_space<hbm>>
    %dma_wait3A_287 = arith.constant 0 : i32
    %dma_wait3A_288 = arith.constant 0 : i32
    %dma_wait3A_289 = tpu.memref_slice %arg6[%dma_wait3A_278, %dma_wait3A_287, %dma_wait3A_288] : memref<6x8x512xf32, #tpu.memory_space<vmem>> -> memref<1x8x512xf32, #tpu.memory_space<vmem>>
    %dma_wait3A_290 = tpu.memref_squeeze %dma_wait3A_289 : memref<1x8x512xf32, #tpu.memory_space<vmem>> -> memref<8x512xf32, #tpu.memory_space<vmem>>
    tpu.wait_dma2 semaphore(%arg17 : memref<!tpu.dma_semaphore, #tpu.memory_space<semaphore_mem>>) src(%dma_wait3A_290 : memref<8x512xf32, #tpu.memory_space<vmem>>) dst(%dma_wait3A_286 : memref<8x512xf32, #tpu.memory_space<hbm>>)
    %dma_start3A_291 = arith.constant 4 : i32
    %dma_start3A_292 = arith.constant 0 : i32
    %dma_start3A_293 = arith.constant 0 : i32
    %dma_start3A_294 = tpu.memref_slice %arg6[%dma_start3A_291, %dma_start3A_292, %dma_start3A_293] : memref<6x8x512xf32, #tpu.memory_space<vmem>> -> memref<1x8x512xf32, #tpu.memory_space<vmem>>
    %dma_start3A_295 = tpu.memref_squeeze %dma_start3A_294 : memref<1x8x512xf32, #tpu.memory_space<vmem>> -> memref<8x512xf32, #tpu.memory_space<vmem>>
    %dma_start3A_296 = arith.constant 80 : i32
    %dma_start3A_297 = tpu.memref_slice %arg5[%dma_start3A_296] : memref<144xi32, #tpu.memory_space<vmem>> -> memref<8xi32, #tpu.memory_space<vmem>>
    %dma_start3A_298 = arith.constant 0 : i32
    %dma_start3A_299 = arith.constant 0 : i32
    %dma_start3A_300 = tpu.memref_slice %arg2[%dma_start3A_298, %dma_start3A_299] : memref<2048x512xf32, #tpu.memory_space<hbm>> -> memref<2048x512xf32, #tpu.memory_space<hbm>>
    tpu.enqueue_indirect_dma source(%dma_start3A_300 : memref<2048x512xf32, #tpu.memory_space<hbm>>) target(%dma_start3A_295 : memref<8x512xf32, #tpu.memory_space<vmem>>) offsets(%dma_start3A_297 : memref<8xi32, #tpu.memory_space<vmem>>) semaphore(%arg11 : memref<!tpu.dma_semaphore, #tpu.memory_space<semaphore_mem>>)
    %dma_wait3A_301 = arith.constant 5 : i32
    %dma_wait3A_302 = arith.constant 0 : i32
    %dma_wait3A_303 = arith.constant 0 : i32
    %dma_wait3A_304 = tpu.memref_slice %arg6[%dma_wait3A_301, %dma_wait3A_302, %dma_wait3A_303] : memref<6x8x512xf32, #tpu.memory_space<vmem>> -> memref<1x8x512xf32, #tpu.memory_space<vmem>>
    %dma_wait3A_305 = tpu.memref_squeeze %dma_wait3A_304 : memref<1x8x512xf32, #tpu.memory_space<vmem>> -> memref<8x512xf32, #tpu.memory_space<vmem>>
    %dma_wait3A_306 = arith.constant 40 : i32
    %dma_wait3A_307 = tpu.memref_slice %arg5[%dma_wait3A_306] : memref<144xi32, #tpu.memory_space<vmem>> -> memref<8xi32, #tpu.memory_space<vmem>>
    %dma_wait3A_308 = arith.constant 0 : i32
    %dma_wait3A_309 = arith.constant 0 : i32
    %dma_wait3A_310 = tpu.memref_slice %arg2[%dma_wait3A_308, %dma_wait3A_309] : memref<2048x512xf32, #tpu.memory_space<hbm>> -> memref<2048x512xf32, #tpu.memory_space<hbm>>
    tpu.wait_indirect_dma semaphore(%arg12 : memref<!tpu.dma_semaphore, #tpu.memory_space<semaphore_mem>>) src(%dma_wait3A_310 : memref<2048x512xf32, #tpu.memory_space<hbm>>) dst(%dma_wait3A_305 : memref<8x512xf32, #tpu.memory_space<vmem>>)
    %add3A_311 = arith.constant 40 : i32
    %add3A_312 = arith.addi %mul3A_2, %add3A_311 : i32
    %dma_start3A_313 = arith.constant 5 : i32
    %dma_start3A_314 = arith.constant 0 : i32
    %dma_start3A_315 = arith.constant 0 : i32
    %dma_start3A_316 = tpu.memref_slice %arg6[%dma_start3A_313, %dma_start3A_314, %dma_start3A_315] : memref<6x8x512xf32, #tpu.memory_space<vmem>> -> memref<1x8x512xf32, #tpu.memory_space<vmem>>
    %dma_start3A_317 = tpu.memref_squeeze %dma_start3A_316 : memref<1x8x512xf32, #tpu.memory_space<vmem>> -> memref<8x512xf32, #tpu.memory_space<vmem>>
    %dma_start3A_318 = arith.constant 0 : i32
    %dma_start3A_319 = tpu.memref_slice %arg4[%add3A_312, %dma_start3A_318] : memref<4608x512xf32, #tpu.memory_space<hbm>> -> memref<8x512xf32, #tpu.memory_space<hbm>>
    %dma_start3A_320 = arith.constant 0 : i32
    %dma_start3A_321 = tpu.memref_slice %arg4[%add3A_312, %dma_start3A_320] : memref<4608x512xf32, #tpu.memory_space<hbm>> -> memref<8x512xf32, #tpu.memory_space<hbm>>
    %dma_start3A_322 = arith.constant 0 : i32
    %dma_start3A_323 = arith.constant 0 : i32
    %dma_start3A_324 = tpu.memref_slice %arg6[%dma_start3A_313, %dma_start3A_322, %dma_start3A_323] : memref<6x8x512xf32, #tpu.memory_space<vmem>> -> memref<1x8x512xf32, #tpu.memory_space<vmem>>
    %dma_start3A_325 = tpu.memref_squeeze %dma_start3A_324 : memref<1x8x512xf32, #tpu.memory_space<vmem>> -> memref<8x512xf32, #tpu.memory_space<vmem>>
    tpu.enqueue_dma source(%dma_start3A_325 : memref<8x512xf32, #tpu.memory_space<vmem>>) target(%dma_start3A_321 : memref<8x512xf32, #tpu.memory_space<hbm>>) target_semaphore(%arg18 : memref<!tpu.dma_semaphore, #tpu.memory_space<semaphore_mem>>)
    %dma_wait3A_326 = arith.constant 5 : i32
    %dma_wait3A_327 = arith.constant 0 : i32
    %dma_wait3A_328 = arith.constant 0 : i32
    %dma_wait3A_329 = tpu.memref_slice %arg6[%dma_wait3A_326, %dma_wait3A_327, %dma_wait3A_328] : memref<6x8x512xf32, #tpu.memory_space<vmem>> -> memref<1x8x512xf32, #tpu.memory_space<vmem>>
    %dma_wait3A_330 = tpu.memref_squeeze %dma_wait3A_329 : memref<1x8x512xf32, #tpu.memory_space<vmem>> -> memref<8x512xf32, #tpu.memory_space<vmem>>
    %dma_wait3A_331 = arith.constant 0 : i32
    %dma_wait3A_332 = tpu.memref_slice %arg4[%add3A_312, %dma_wait3A_331] : memref<4608x512xf32, #tpu.memory_space<hbm>> -> memref<8x512xf32, #tpu.memory_space<hbm>>
    %dma_wait3A_333 = arith.constant 0 : i32
    %dma_wait3A_334 = tpu.memref_slice %arg4[%add3A_312, %dma_wait3A_333] : memref<4608x512xf32, #tpu.memory_space<hbm>> -> memref<8x512xf32, #tpu.memory_space<hbm>>
    %dma_wait3A_335 = arith.constant 0 : i32
    %dma_wait3A_336 = arith.constant 0 : i32
    %dma_wait3A_337 = tpu.memref_slice %arg6[%dma_wait3A_326, %dma_wait3A_335, %dma_wait3A_336] : memref<6x8x512xf32, #tpu.memory_space<vmem>> -> memref<1x8x512xf32, #tpu.memory_space<vmem>>
    %dma_wait3A_338 = tpu.memref_squeeze %dma_wait3A_337 : memref<1x8x512xf32, #tpu.memory_space<vmem>> -> memref<8x512xf32, #tpu.memory_space<vmem>>
    tpu.wait_dma2 semaphore(%arg18 : memref<!tpu.dma_semaphore, #tpu.memory_space<semaphore_mem>>) src(%dma_wait3A_338 : memref<8x512xf32, #tpu.memory_space<vmem>>) dst(%dma_wait3A_334 : memref<8x512xf32, #tpu.memory_space<hbm>>)
    %dma_start3A_339 = arith.constant 5 : i32
    %dma_start3A_340 = arith.constant 0 : i32
    %dma_start3A_341 = arith.constant 0 : i32
    %dma_start3A_342 = tpu.memref_slice %arg6[%dma_start3A_339, %dma_start3A_340, %dma_start3A_341] : memref<6x8x512xf32, #tpu.memory_space<vmem>> -> memref<1x8x512xf32, #tpu.memory_space<vmem>>
    %dma_start3A_343 = tpu.memref_squeeze %dma_start3A_342 : memref<1x8x512xf32, #tpu.memory_space<vmem>> -> memref<8x512xf32, #tpu.memory_space<vmem>>
    %dma_start3A_344 = arith.constant 88 : i32
    %dma_start3A_345 = tpu.memref_slice %arg5[%dma_start3A_344] : memref<144xi32, #tpu.memory_space<vmem>> -> memref<8xi32, #tpu.memory_space<vmem>>
    %dma_start3A_346 = arith.constant 0 : i32
    %dma_start3A_347 = arith.constant 0 : i32
    %dma_start3A_348 = tpu.memref_slice %arg2[%dma_start3A_346, %dma_start3A_347] : memref<2048x512xf32, #tpu.memory_space<hbm>> -> memref<2048x512xf32, #tpu.memory_space<hbm>>
    tpu.enqueue_indirect_dma source(%dma_start3A_348 : memref<2048x512xf32, #tpu.memory_space<hbm>>) target(%dma_start3A_343 : memref<8x512xf32, #tpu.memory_space<vmem>>) offsets(%dma_start3A_345 : memref<8xi32, #tpu.memory_space<vmem>>) semaphore(%arg12 : memref<!tpu.dma_semaphore, #tpu.memory_space<semaphore_mem>>)
    %dma_wait3A_349 = arith.constant 0 : i32
    %dma_wait3A_350 = arith.constant 0 : i32
    %dma_wait3A_351 = arith.constant 0 : i32
    %dma_wait3A_352 = tpu.memref_slice %arg6[%dma_wait3A_349, %dma_wait3A_350, %dma_wait3A_351] : memref<6x8x512xf32, #tpu.memory_space<vmem>> -> memref<1x8x512xf32, #tpu.memory_space<vmem>>
    %dma_wait3A_353 = tpu.memref_squeeze %dma_wait3A_352 : memref<1x8x512xf32, #tpu.memory_space<vmem>> -> memref<8x512xf32, #tpu.memory_space<vmem>>
    %dma_wait3A_354 = arith.constant 48 : i32
    %dma_wait3A_355 = tpu.memref_slice %arg5[%dma_wait3A_354] : memref<144xi32, #tpu.memory_space<vmem>> -> memref<8xi32, #tpu.memory_space<vmem>>
    %dma_wait3A_356 = arith.constant 0 : i32
    %dma_wait3A_357 = arith.constant 0 : i32
    %dma_wait3A_358 = tpu.memref_slice %arg2[%dma_wait3A_356, %dma_wait3A_357] : memref<2048x512xf32, #tpu.memory_space<hbm>> -> memref<2048x512xf32, #tpu.memory_space<hbm>>
    tpu.wait_indirect_dma semaphore(%arg7 : memref<!tpu.dma_semaphore, #tpu.memory_space<semaphore_mem>>) src(%dma_wait3A_358 : memref<2048x512xf32, #tpu.memory_space<hbm>>) dst(%dma_wait3A_353 : memref<8x512xf32, #tpu.memory_space<vmem>>)
    %add3A_359 = arith.constant 48 : i32
    %add3A_360 = arith.addi %mul3A_2, %add3A_359 : i32
    %dma_start3A_361 = arith.constant 0 : i32
    %dma_start3A_362 = arith.constant 0 : i32
    %dma_start3A_363 = arith.constant 0 : i32
    %dma_start3A_364 = tpu.memref_slice %arg6[%dma_start3A_361, %dma_start3A_362, %dma_start3A_363] : memref<6x8x512xf32, #tpu.memory_space<vmem>> -> memref<1x8x512xf32, #tpu.memory_space<vmem>>
    %dma_start3A_365 = tpu.memref_squeeze %dma_start3A_364 : memref<1x8x512xf32, #tpu.memory_space<vmem>> -> memref<8x512xf32, #tpu.memory_space<vmem>>
    %dma_start3A_366 = arith.constant 0 : i32
    %dma_start3A_367 = tpu.memref_slice %arg4[%add3A_360, %dma_start3A_366] : memref<4608x512xf32, #tpu.memory_space<hbm>> -> memref<8x512xf32, #tpu.memory_space<hbm>>
    %dma_start3A_368 = arith.constant 0 : i32
    %dma_start3A_369 = tpu.memref_slice %arg4[%add3A_360, %dma_start3A_368] : memref<4608x512xf32, #tpu.memory_space<hbm>> -> memref<8x512xf32, #tpu.memory_space<hbm>>
    %dma_start3A_370 = arith.constant 0 : i32
    %dma_start3A_371 = arith.constant 0 : i32
    %dma_start3A_372 = tpu.memref_slice %arg6[%dma_start3A_361, %dma_start3A_370, %dma_start3A_371] : memref<6x8x512xf32, #tpu.memory_space<vmem>> -> memref<1x8x512xf32, #tpu.memory_space<vmem>>
    %dma_start3A_373 = tpu.memref_squeeze %dma_start3A_372 : memref<1x8x512xf32, #tpu.memory_space<vmem>> -> memref<8x512xf32, #tpu.memory_space<vmem>>
    tpu.enqueue_dma source(%dma_start3A_373 : memref<8x512xf32, #tpu.memory_space<vmem>>) target(%dma_start3A_369 : memref<8x512xf32, #tpu.memory_space<hbm>>) target_semaphore(%arg13 : memref<!tpu.dma_semaphore, #tpu.memory_space<semaphore_mem>>)
    %dma_wait3A_374 = arith.constant 0 : i32
    %dma_wait3A_375 = arith.constant 0 : i32
    %dma_wait3A_376 = arith.constant 0 : i32
    %dma_wait3A_377 = tpu.memref_slice %arg6[%dma_wait3A_374, %dma_wait3A_375, %dma_wait3A_376] : memref<6x8x512xf32, #tpu.memory_space<vmem>> -> memref<1x8x512xf32, #tpu.memory_space<vmem>>
    %dma_wait3A_378 = tpu.memref_squeeze %dma_wait3A_377 : memref<1x8x512xf32, #tpu.memory_space<vmem>> -> memref<8x512xf32, #tpu.memory_space<vmem>>
    %dma_wait3A_379 = arith.constant 0 : i32
    %dma_wait3A_380 = tpu.memref_slice %arg4[%add3A_360, %dma_wait3A_379] : memref<4608x512xf32, #tpu.memory_space<hbm>> -> memref<8x512xf32, #tpu.memory_space<hbm>>
    %dma_wait3A_381 = arith.constant 0 : i32
    %dma_wait3A_382 = tpu.memref_slice %arg4[%add3A_360, %dma_wait3A_381] : memref<4608x512xf32, #tpu.memory_space<hbm>> -> memref<8x512xf32, #tpu.memory_space<hbm>>
    %dma_wait3A_383 = arith.constant 0 : i32
    %dma_wait3A_384 = arith.constant 0 : i32
    %dma_wait3A_385 = tpu.memref_slice %arg6[%dma_wait3A_374, %dma_wait3A_383, %dma_wait3A_384] : memref<6x8x512xf32, #tpu.memory_space<vmem>> -> memref<1x8x512xf32, #tpu.memory_space<vmem>>
    %dma_wait3A_386 = tpu.memref_squeeze %dma_wait3A_385 : memref<1x8x512xf32, #tpu.memory_space<vmem>> -> memref<8x512xf32, #tpu.memory_space<vmem>>
    tpu.wait_dma2 semaphore(%arg13 : memref<!tpu.dma_semaphore, #tpu.memory_space<semaphore_mem>>) src(%dma_wait3A_386 : memref<8x512xf32, #tpu.memory_space<vmem>>) dst(%dma_wait3A_382 : memref<8x512xf32, #tpu.memory_space<hbm>>)
    %dma_start3A_387 = arith.constant 0 : i32
    %dma_start3A_388 = arith.constant 0 : i32
    %dma_start3A_389 = arith.constant 0 : i32
    %dma_start3A_390 = tpu.memref_slice %arg6[%dma_start3A_387, %dma_start3A_388, %dma_start3A_389] : memref<6x8x512xf32, #tpu.memory_space<vmem>> -> memref<1x8x512xf32, #tpu.memory_space<vmem>>
    %dma_start3A_391 = tpu.memref_squeeze %dma_start3A_390 : memref<1x8x512xf32, #tpu.memory_space<vmem>> -> memref<8x512xf32, #tpu.memory_space<vmem>>
    %dma_start3A_392 = arith.constant 96 : i32
    %dma_start3A_393 = tpu.memref_slice %arg5[%dma_start3A_392] : memref<144xi32, #tpu.memory_space<vmem>> -> memref<8xi32, #tpu.memory_space<vmem>>
    %dma_start3A_394 = arith.constant 0 : i32
    %dma_start3A_395 = arith.constant 0 : i32
    %dma_start3A_396 = tpu.memref_slice %arg2[%dma_start3A_394, %dma_start3A_395] : memref<2048x512xf32, #tpu.memory_space<hbm>> -> memref<2048x512xf32, #tpu.memory_space<hbm>>
    tpu.enqueue_indirect_dma source(%dma_start3A_396 : memref<2048x512xf32, #tpu.memory_space<hbm>>) target(%dma_start3A_391 : memref<8x512xf32, #tpu.memory_space<vmem>>) offsets(%dma_start3A_393 : memref<8xi32, #tpu.memory_space<vmem>>) semaphore(%arg7 : memref<!tpu.dma_semaphore, #tpu.memory_space<semaphore_mem>>)
    %dma_wait3A_397 = arith.constant 1 : i32
    %dma_wait3A_398 = arith.constant 0 : i32
    %dma_wait3A_399 = arith.constant 0 : i32
    %dma_wait3A_400 = tpu.memref_slice %arg6[%dma_wait3A_397, %dma_wait3A_398, %dma_wait3A_399] : memref<6x8x512xf32, #tpu.memory_space<vmem>> -> memref<1x8x512xf32, #tpu.memory_space<vmem>>
    %dma_wait3A_401 = tpu.memref_squeeze %dma_wait3A_400 : memref<1x8x512xf32, #tpu.memory_space<vmem>> -> memref<8x512xf32, #tpu.memory_space<vmem>>
    %dma_wait3A_402 = arith.constant 56 : i32
    %dma_wait3A_403 = tpu.memref_slice %arg5[%dma_wait3A_402] : memref<144xi32, #tpu.memory_space<vmem>> -> memref<8xi32, #tpu.memory_space<vmem>>
    %dma_wait3A_404 = arith.constant 0 : i32
    %dma_wait3A_405 = arith.constant 0 : i32
    %dma_wait3A_406 = tpu.memref_slice %arg2[%dma_wait3A_404, %dma_wait3A_405] : memref<2048x512xf32, #tpu.memory_space<hbm>> -> memref<2048x512xf32, #tpu.memory_space<hbm>>
    tpu.wait_indirect_dma semaphore(%arg8 : memref<!tpu.dma_semaphore, #tpu.memory_space<semaphore_mem>>) src(%dma_wait3A_406 : memref<2048x512xf32, #tpu.memory_space<hbm>>) dst(%dma_wait3A_401 : memref<8x512xf32, #tpu.memory_space<vmem>>)
    %add3A_407 = arith.constant 56 : i32
    %add3A_408 = arith.addi %mul3A_2, %add3A_407 : i32
    %dma_start3A_409 = arith.constant 1 : i32
    %dma_start3A_410 = arith.constant 0 : i32
    %dma_start3A_411 = arith.constant 0 : i32
    %dma_start3A_412 = tpu.memref_slice %arg6[%dma_start3A_409, %dma_start3A_410, %dma_start3A_411] : memref<6x8x512xf32, #tpu.memory_space<vmem>> -> memref<1x8x512xf32, #tpu.memory_space<vmem>>
    %dma_start3A_413 = tpu.memref_squeeze %dma_start3A_412 : memref<1x8x512xf32, #tpu.memory_space<vmem>> -> memref<8x512xf32, #tpu.memory_space<vmem>>
    %dma_start3A_414 = arith.constant 0 : i32
    %dma_start3A_415 = tpu.memref_slice %arg4[%add3A_408, %dma_start3A_414] : memref<4608x512xf32, #tpu.memory_space<hbm>> -> memref<8x512xf32, #tpu.memory_space<hbm>>
    %dma_start3A_416 = arith.constant 0 : i32
    %dma_start3A_417 = tpu.memref_slice %arg4[%add3A_408, %dma_start3A_416] : memref<4608x512xf32, #tpu.memory_space<hbm>> -> memref<8x512xf32, #tpu.memory_space<hbm>>
    %dma_start3A_418 = arith.constant 0 : i32
    %dma_start3A_419 = arith.constant 0 : i32
    %dma_start3A_420 = tpu.memref_slice %arg6[%dma_start3A_409, %dma_start3A_418, %dma_start3A_419] : memref<6x8x512xf32, #tpu.memory_space<vmem>> -> memref<1x8x512xf32, #tpu.memory_space<vmem>>
    %dma_start3A_421 = tpu.memref_squeeze %dma_start3A_420 : memref<1x8x512xf32, #tpu.memory_space<vmem>> -> memref<8x512xf32, #tpu.memory_space<vmem>>
    tpu.enqueue_dma source(%dma_start3A_421 : memref<8x512xf32, #tpu.memory_space<vmem>>) target(%dma_start3A_417 : memref<8x512xf32, #tpu.memory_space<hbm>>) target_semaphore(%arg14 : memref<!tpu.dma_semaphore, #tpu.memory_space<semaphore_mem>>)
    %dma_wait3A_422 = arith.constant 1 : i32
    %dma_wait3A_423 = arith.constant 0 : i32
    %dma_wait3A_424 = arith.constant 0 : i32
    %dma_wait3A_425 = tpu.memref_slice %arg6[%dma_wait3A_422, %dma_wait3A_423, %dma_wait3A_424] : memref<6x8x512xf32, #tpu.memory_space<vmem>> -> memref<1x8x512xf32, #tpu.memory_space<vmem>>
    %dma_wait3A_426 = tpu.memref_squeeze %dma_wait3A_425 : memref<1x8x512xf32, #tpu.memory_space<vmem>> -> memref<8x512xf32, #tpu.memory_space<vmem>>
    %dma_wait3A_427 = arith.constant 0 : i32
    %dma_wait3A_428 = tpu.memref_slice %arg4[%add3A_408, %dma_wait3A_427] : memref<4608x512xf32, #tpu.memory_space<hbm>> -> memref<8x512xf32, #tpu.memory_space<hbm>>
    %dma_wait3A_429 = arith.constant 0 : i32
    %dma_wait3A_430 = tpu.memref_slice %arg4[%add3A_408, %dma_wait3A_429] : memref<4608x512xf32, #tpu.memory_space<hbm>> -> memref<8x512xf32, #tpu.memory_space<hbm>>
    %dma_wait3A_431 = arith.constant 0 : i32
    %dma_wait3A_432 = arith.constant 0 : i32
    %dma_wait3A_433 = tpu.memref_slice %arg6[%dma_wait3A_422, %dma_wait3A_431, %dma_wait3A_432] : memref<6x8x512xf32, #tpu.memory_space<vmem>> -> memref<1x8x512xf32, #tpu.memory_space<vmem>>
    %dma_wait3A_434 = tpu.memref_squeeze %dma_wait3A_433 : memref<1x8x512xf32, #tpu.memory_space<vmem>> -> memref<8x512xf32, #tpu.memory_space<vmem>>
    tpu.wait_dma2 semaphore(%arg14 : memref<!tpu.dma_semaphore, #tpu.memory_space<semaphore_mem>>) src(%dma_wait3A_434 : memref<8x512xf32, #tpu.memory_space<vmem>>) dst(%dma_wait3A_430 : memref<8x512xf32, #tpu.memory_space<hbm>>)
    %dma_start3A_435 = arith.constant 1 : i32
    %dma_start3A_436 = arith.constant 0 : i32
    %dma_start3A_437 = arith.constant 0 : i32
    %dma_start3A_438 = tpu.memref_slice %arg6[%dma_start3A_435, %dma_start3A_436, %dma_start3A_437] : memref<6x8x512xf32, #tpu.memory_space<vmem>> -> memref<1x8x512xf32, #tpu.memory_space<vmem>>
    %dma_start3A_439 = tpu.memref_squeeze %dma_start3A_438 : memref<1x8x512xf32, #tpu.memory_space<vmem>> -> memref<8x512xf32, #tpu.memory_space<vmem>>
    %dma_start3A_440 = arith.constant 104 : i32
    %dma_start3A_441 = tpu.memref_slice %arg5[%dma_start3A_440] : memref<144xi32, #tpu.memory_space<vmem>> -> memref<8xi32, #tpu.memory_space<vmem>>
    %dma_start3A_442 = arith.constant 0 : i32
    %dma_start3A_443 = arith.constant 0 : i32
    %dma_start3A_444 = tpu.memref_slice %arg2[%dma_start3A_442, %dma_start3A_443] : memref<2048x512xf32, #tpu.memory_space<hbm>> -> memref<2048x512xf32, #tpu.memory_space<hbm>>
    tpu.enqueue_indirect_dma source(%dma_start3A_444 : memref<2048x512xf32, #tpu.memory_space<hbm>>) target(%dma_start3A_439 : memref<8x512xf32, #tpu.memory_space<vmem>>) offsets(%dma_start3A_441 : memref<8xi32, #tpu.memory_space<vmem>>) semaphore(%arg8 : memref<!tpu.dma_semaphore, #tpu.memory_space<semaphore_mem>>)
    %dma_wait3A_445 = arith.constant 2 : i32
    %dma_wait3A_446 = arith.constant 0 : i32
    %dma_wait3A_447 = arith.constant 0 : i32
    %dma_wait3A_448 = tpu.memref_slice %arg6[%dma_wait3A_445, %dma_wait3A_446, %dma_wait3A_447] : memref<6x8x512xf32, #tpu.memory_space<vmem>> -> memref<1x8x512xf32, #tpu.memory_space<vmem>>
    %dma_wait3A_449 = tpu.memref_squeeze %dma_wait3A_448 : memref<1x8x512xf32, #tpu.memory_space<vmem>> -> memref<8x512xf32, #tpu.memory_space<vmem>>
    %dma_wait3A_450 = arith.constant 64 : i32
    %dma_wait3A_451 = tpu.memref_slice %arg5[%dma_wait3A_450] : memref<144xi32, #tpu.memory_space<vmem>> -> memref<8xi32, #tpu.memory_space<vmem>>
    %dma_wait3A_452 = arith.constant 0 : i32
    %dma_wait3A_453 = arith.constant 0 : i32
    %dma_wait3A_454 = tpu.memref_slice %arg2[%dma_wait3A_452, %dma_wait3A_453] : memref<2048x512xf32, #tpu.memory_space<hbm>> -> memref<2048x512xf32, #tpu.memory_space<hbm>>
    tpu.wait_indirect_dma semaphore(%arg9 : memref<!tpu.dma_semaphore, #tpu.memory_space<semaphore_mem>>) src(%dma_wait3A_454 : memref<2048x512xf32, #tpu.memory_space<hbm>>) dst(%dma_wait3A_449 : memref<8x512xf32, #tpu.memory_space<vmem>>)
    %add3A_455 = arith.constant 64 : i32
    %add3A_456 = arith.addi %mul3A_2, %add3A_455 : i32
    %dma_start3A_457 = arith.constant 2 : i32
    %dma_start3A_458 = arith.constant 0 : i32
    %dma_start3A_459 = arith.constant 0 : i32
    %dma_start3A_460 = tpu.memref_slice %arg6[%dma_start3A_457, %dma_start3A_458, %dma_start3A_459] : memref<6x8x512xf32, #tpu.memory_space<vmem>> -> memref<1x8x512xf32, #tpu.memory_space<vmem>>
    %dma_start3A_461 = tpu.memref_squeeze %dma_start3A_460 : memref<1x8x512xf32, #tpu.memory_space<vmem>> -> memref<8x512xf32, #tpu.memory_space<vmem>>
    %dma_start3A_462 = arith.constant 0 : i32
    %dma_start3A_463 = tpu.memref_slice %arg4[%add3A_456, %dma_start3A_462] : memref<4608x512xf32, #tpu.memory_space<hbm>> -> memref<8x512xf32, #tpu.memory_space<hbm>>
    %dma_start3A_464 = arith.constant 0 : i32
    %dma_start3A_465 = tpu.memref_slice %arg4[%add3A_456, %dma_start3A_464] : memref<4608x512xf32, #tpu.memory_space<hbm>> -> memref<8x512xf32, #tpu.memory_space<hbm>>
    %dma_start3A_466 = arith.constant 0 : i32
    %dma_start3A_467 = arith.constant 0 : i32
    %dma_start3A_468 = tpu.memref_slice %arg6[%dma_start3A_457, %dma_start3A_466, %dma_start3A_467] : memref<6x8x512xf32, #tpu.memory_space<vmem>> -> memref<1x8x512xf32, #tpu.memory_space<vmem>>
    %dma_start3A_469 = tpu.memref_squeeze %dma_start3A_468 : memref<1x8x512xf32, #tpu.memory_space<vmem>> -> memref<8x512xf32, #tpu.memory_space<vmem>>
    tpu.enqueue_dma source(%dma_start3A_469 : memref<8x512xf32, #tpu.memory_space<vmem>>) target(%dma_start3A_465 : memref<8x512xf32, #tpu.memory_space<hbm>>) target_semaphore(%arg15 : memref<!tpu.dma_semaphore, #tpu.memory_space<semaphore_mem>>)
    %dma_wait3A_470 = arith.constant 2 : i32
    %dma_wait3A_471 = arith.constant 0 : i32
    %dma_wait3A_472 = arith.constant 0 : i32
    %dma_wait3A_473 = tpu.memref_slice %arg6[%dma_wait3A_470, %dma_wait3A_471, %dma_wait3A_472] : memref<6x8x512xf32, #tpu.memory_space<vmem>> -> memref<1x8x512xf32, #tpu.memory_space<vmem>>
    %dma_wait3A_474 = tpu.memref_squeeze %dma_wait3A_473 : memref<1x8x512xf32, #tpu.memory_space<vmem>> -> memref<8x512xf32, #tpu.memory_space<vmem>>
    %dma_wait3A_475 = arith.constant 0 : i32
    %dma_wait3A_476 = tpu.memref_slice %arg4[%add3A_456, %dma_wait3A_475] : memref<4608x512xf32, #tpu.memory_space<hbm>> -> memref<8x512xf32, #tpu.memory_space<hbm>>
    %dma_wait3A_477 = arith.constant 0 : i32
    %dma_wait3A_478 = tpu.memref_slice %arg4[%add3A_456, %dma_wait3A_477] : memref<4608x512xf32, #tpu.memory_space<hbm>> -> memref<8x512xf32, #tpu.memory_space<hbm>>
    %dma_wait3A_479 = arith.constant 0 : i32
    %dma_wait3A_480 = arith.constant 0 : i32
    %dma_wait3A_481 = tpu.memref_slice %arg6[%dma_wait3A_470, %dma_wait3A_479, %dma_wait3A_480] : memref<6x8x512xf32, #tpu.memory_space<vmem>> -> memref<1x8x512xf32, #tpu.memory_space<vmem>>
    %dma_wait3A_482 = tpu.memref_squeeze %dma_wait3A_481 : memref<1x8x512xf32, #tpu.memory_space<vmem>> -> memref<8x512xf32, #tpu.memory_space<vmem>>
    tpu.wait_dma2 semaphore(%arg15 : memref<!tpu.dma_semaphore, #tpu.memory_space<semaphore_mem>>) src(%dma_wait3A_482 : memref<8x512xf32, #tpu.memory_space<vmem>>) dst(%dma_wait3A_478 : memref<8x512xf32, #tpu.memory_space<hbm>>)
    %dma_start3A_483 = arith.constant 2 : i32
    %dma_start3A_484 = arith.constant 0 : i32
    %dma_start3A_485 = arith.constant 0 : i32
    %dma_start3A_486 = tpu.memref_slice %arg6[%dma_start3A_483, %dma_start3A_484, %dma_start3A_485] : memref<6x8x512xf32, #tpu.memory_space<vmem>> -> memref<1x8x512xf32, #tpu.memory_space<vmem>>
    %dma_start3A_487 = tpu.memref_squeeze %dma_start3A_486 : memref<1x8x512xf32, #tpu.memory_space<vmem>> -> memref<8x512xf32, #tpu.memory_space<vmem>>
    %dma_start3A_488 = arith.constant 112 : i32
    %dma_start3A_489 = tpu.memref_slice %arg5[%dma_start3A_488] : memref<144xi32, #tpu.memory_space<vmem>> -> memref<8xi32, #tpu.memory_space<vmem>>
    %dma_start3A_490 = arith.constant 0 : i32
    %dma_start3A_491 = arith.constant 0 : i32
    %dma_start3A_492 = tpu.memref_slice %arg2[%dma_start3A_490, %dma_start3A_491] : memref<2048x512xf32, #tpu.memory_space<hbm>> -> memref<2048x512xf32, #tpu.memory_space<hbm>>
    tpu.enqueue_indirect_dma source(%dma_start3A_492 : memref<2048x512xf32, #tpu.memory_space<hbm>>) target(%dma_start3A_487 : memref<8x512xf32, #tpu.memory_space<vmem>>) offsets(%dma_start3A_489 : memref<8xi32, #tpu.memory_space<vmem>>) semaphore(%arg9 : memref<!tpu.dma_semaphore, #tpu.memory_space<semaphore_mem>>)
    %dma_wait3A_493 = arith.constant 3 : i32
    %dma_wait3A_494 = arith.constant 0 : i32
    %dma_wait3A_495 = arith.constant 0 : i32
    %dma_wait3A_496 = tpu.memref_slice %arg6[%dma_wait3A_493, %dma_wait3A_494, %dma_wait3A_495] : memref<6x8x512xf32, #tpu.memory_space<vmem>> -> memref<1x8x512xf32, #tpu.memory_space<vmem>>
    %dma_wait3A_497 = tpu.memref_squeeze %dma_wait3A_496 : memref<1x8x512xf32, #tpu.memory_space<vmem>> -> memref<8x512xf32, #tpu.memory_space<vmem>>
    %dma_wait3A_498 = arith.constant 72 : i32
    %dma_wait3A_499 = tpu.memref_slice %arg5[%dma_wait3A_498] : memref<144xi32, #tpu.memory_space<vmem>> -> memref<8xi32, #tpu.memory_space<vmem>>
    %dma_wait3A_500 = arith.constant 0 : i32
    %dma_wait3A_501 = arith.constant 0 : i32
    %dma_wait3A_502 = tpu.memref_slice %arg2[%dma_wait3A_500, %dma_wait3A_501] : memref<2048x512xf32, #tpu.memory_space<hbm>> -> memref<2048x512xf32, #tpu.memory_space<hbm>>
    tpu.wait_indirect_dma semaphore(%arg10 : memref<!tpu.dma_semaphore, #tpu.memory_space<semaphore_mem>>) src(%dma_wait3A_502 : memref<2048x512xf32, #tpu.memory_space<hbm>>) dst(%dma_wait3A_497 : memref<8x512xf32, #tpu.memory_space<vmem>>)
    %add3A_503 = arith.constant 72 : i32
    %add3A_504 = arith.addi %mul3A_2, %add3A_503 : i32
    %dma_start3A_505 = arith.constant 3 : i32
    %dma_start3A_506 = arith.constant 0 : i32
    %dma_start3A_507 = arith.constant 0 : i32
    %dma_start3A_508 = tpu.memref_slice %arg6[%dma_start3A_505, %dma_start3A_506, %dma_start3A_507] : memref<6x8x512xf32, #tpu.memory_space<vmem>> -> memref<1x8x512xf32, #tpu.memory_space<vmem>>
    %dma_start3A_509 = tpu.memref_squeeze %dma_start3A_508 : memref<1x8x512xf32, #tpu.memory_space<vmem>> -> memref<8x512xf32, #tpu.memory_space<vmem>>
    %dma_start3A_510 = arith.constant 0 : i32
    %dma_start3A_511 = tpu.memref_slice %arg4[%add3A_504, %dma_start3A_510] : memref<4608x512xf32, #tpu.memory_space<hbm>> -> memref<8x512xf32, #tpu.memory_space<hbm>>
    %dma_start3A_512 = arith.constant 0 : i32
    %dma_start3A_513 = tpu.memref_slice %arg4[%add3A_504, %dma_start3A_512] : memref<4608x512xf32, #tpu.memory_space<hbm>> -> memref<8x512xf32, #tpu.memory_space<hbm>>
    %dma_start3A_514 = arith.constant 0 : i32
    %dma_start3A_515 = arith.constant 0 : i32
    %dma_start3A_516 = tpu.memref_slice %arg6[%dma_start3A_505, %dma_start3A_514, %dma_start3A_515] : memref<6x8x512xf32, #tpu.memory_space<vmem>> -> memref<1x8x512xf32, #tpu.memory_space<vmem>>
    %dma_start3A_517 = tpu.memref_squeeze %dma_start3A_516 : memref<1x8x512xf32, #tpu.memory_space<vmem>> -> memref<8x512xf32, #tpu.memory_space<vmem>>
    tpu.enqueue_dma source(%dma_start3A_517 : memref<8x512xf32, #tpu.memory_space<vmem>>) target(%dma_start3A_513 : memref<8x512xf32, #tpu.memory_space<hbm>>) target_semaphore(%arg16 : memref<!tpu.dma_semaphore, #tpu.memory_space<semaphore_mem>>)
    %dma_wait3A_518 = arith.constant 3 : i32
    %dma_wait3A_519 = arith.constant 0 : i32
    %dma_wait3A_520 = arith.constant 0 : i32
    %dma_wait3A_521 = tpu.memref_slice %arg6[%dma_wait3A_518, %dma_wait3A_519, %dma_wait3A_520] : memref<6x8x512xf32, #tpu.memory_space<vmem>> -> memref<1x8x512xf32, #tpu.memory_space<vmem>>
    %dma_wait3A_522 = tpu.memref_squeeze %dma_wait3A_521 : memref<1x8x512xf32, #tpu.memory_space<vmem>> -> memref<8x512xf32, #tpu.memory_space<vmem>>
    %dma_wait3A_523 = arith.constant 0 : i32
    %dma_wait3A_524 = tpu.memref_slice %arg4[%add3A_504, %dma_wait3A_523] : memref<4608x512xf32, #tpu.memory_space<hbm>> -> memref<8x512xf32, #tpu.memory_space<hbm>>
    %dma_wait3A_525 = arith.constant 0 : i32
    %dma_wait3A_526 = tpu.memref_slice %arg4[%add3A_504, %dma_wait3A_525] : memref<4608x512xf32, #tpu.memory_space<hbm>> -> memref<8x512xf32, #tpu.memory_space<hbm>>
    %dma_wait3A_527 = arith.constant 0 : i32
    %dma_wait3A_528 = arith.constant 0 : i32
    %dma_wait3A_529 = tpu.memref_slice %arg6[%dma_wait3A_518, %dma_wait3A_527, %dma_wait3A_528] : memref<6x8x512xf32, #tpu.memory_space<vmem>> -> memref<1x8x512xf32, #tpu.memory_space<vmem>>
    %dma_wait3A_530 = tpu.memref_squeeze %dma_wait3A_529 : memref<1x8x512xf32, #tpu.memory_space<vmem>> -> memref<8x512xf32, #tpu.memory_space<vmem>>
    tpu.wait_dma2 semaphore(%arg16 : memref<!tpu.dma_semaphore, #tpu.memory_space<semaphore_mem>>) src(%dma_wait3A_530 : memref<8x512xf32, #tpu.memory_space<vmem>>) dst(%dma_wait3A_526 : memref<8x512xf32, #tpu.memory_space<hbm>>)
    %dma_start3A_531 = arith.constant 3 : i32
    %dma_start3A_532 = arith.constant 0 : i32
    %dma_start3A_533 = arith.constant 0 : i32
    %dma_start3A_534 = tpu.memref_slice %arg6[%dma_start3A_531, %dma_start3A_532, %dma_start3A_533] : memref<6x8x512xf32, #tpu.memory_space<vmem>> -> memref<1x8x512xf32, #tpu.memory_space<vmem>>
    %dma_start3A_535 = tpu.memref_squeeze %dma_start3A_534 : memref<1x8x512xf32, #tpu.memory_space<vmem>> -> memref<8x512xf32, #tpu.memory_space<vmem>>
    %dma_start3A_536 = arith.constant 120 : i32
    %dma_start3A_537 = tpu.memref_slice %arg5[%dma_start3A_536] : memref<144xi32, #tpu.memory_space<vmem>> -> memref<8xi32, #tpu.memory_space<vmem>>
    %dma_start3A_538 = arith.constant 0 : i32
    %dma_start3A_539 = arith.constant 0 : i32
    %dma_start3A_540 = tpu.memref_slice %arg2[%dma_start3A_538, %dma_start3A_539] : memref<2048x512xf32, #tpu.memory_space<hbm>> -> memref<2048x512xf32, #tpu.memory_space<hbm>>
    tpu.enqueue_indirect_dma source(%dma_start3A_540 : memref<2048x512xf32, #tpu.memory_space<hbm>>) target(%dma_start3A_535 : memref<8x512xf32, #tpu.memory_space<vmem>>) offsets(%dma_start3A_537 : memref<8xi32, #tpu.memory_space<vmem>>) semaphore(%arg10 : memref<!tpu.dma_semaphore, #tpu.memory_space<semaphore_mem>>)
    %dma_wait3A_541 = arith.constant 4 : i32
    %dma_wait3A_542 = arith.constant 0 : i32
    %dma_wait3A_543 = arith.constant 0 : i32
    %dma_wait3A_544 = tpu.memref_slice %arg6[%dma_wait3A_541, %dma_wait3A_542, %dma_wait3A_543] : memref<6x8x512xf32, #tpu.memory_space<vmem>> -> memref<1x8x512xf32, #tpu.memory_space<vmem>>
    %dma_wait3A_545 = tpu.memref_squeeze %dma_wait3A_544 : memref<1x8x512xf32, #tpu.memory_space<vmem>> -> memref<8x512xf32, #tpu.memory_space<vmem>>
    %dma_wait3A_546 = arith.constant 80 : i32
    %dma_wait3A_547 = tpu.memref_slice %arg5[%dma_wait3A_546] : memref<144xi32, #tpu.memory_space<vmem>> -> memref<8xi32, #tpu.memory_space<vmem>>
    %dma_wait3A_548 = arith.constant 0 : i32
    %dma_wait3A_549 = arith.constant 0 : i32
    %dma_wait3A_550 = tpu.memref_slice %arg2[%dma_wait3A_548, %dma_wait3A_549] : memref<2048x512xf32, #tpu.memory_space<hbm>> -> memref<2048x512xf32, #tpu.memory_space<hbm>>
    tpu.wait_indirect_dma semaphore(%arg11 : memref<!tpu.dma_semaphore, #tpu.memory_space<semaphore_mem>>) src(%dma_wait3A_550 : memref<2048x512xf32, #tpu.memory_space<hbm>>) dst(%dma_wait3A_545 : memref<8x512xf32, #tpu.memory_space<vmem>>)
    %add3A_551 = arith.constant 80 : i32
    %add3A_552 = arith.addi %mul3A_2, %add3A_551 : i32
    %dma_start3A_553 = arith.constant 4 : i32
    %dma_start3A_554 = arith.constant 0 : i32
    %dma_start3A_555 = arith.constant 0 : i32
    %dma_start3A_556 = tpu.memref_slice %arg6[%dma_start3A_553, %dma_start3A_554, %dma_start3A_555] : memref<6x8x512xf32, #tpu.memory_space<vmem>> -> memref<1x8x512xf32, #tpu.memory_space<vmem>>
    %dma_start3A_557 = tpu.memref_squeeze %dma_start3A_556 : memref<1x8x512xf32, #tpu.memory_space<vmem>> -> memref<8x512xf32, #tpu.memory_space<vmem>>
    %dma_start3A_558 = arith.constant 0 : i32
    %dma_start3A_559 = tpu.memref_slice %arg4[%add3A_552, %dma_start3A_558] : memref<4608x512xf32, #tpu.memory_space<hbm>> -> memref<8x512xf32, #tpu.memory_space<hbm>>
    %dma_start3A_560 = arith.constant 0 : i32
    %dma_start3A_561 = tpu.memref_slice %arg4[%add3A_552, %dma_start3A_560] : memref<4608x512xf32, #tpu.memory_space<hbm>> -> memref<8x512xf32, #tpu.memory_space<hbm>>
    %dma_start3A_562 = arith.constant 0 : i32
    %dma_start3A_563 = arith.constant 0 : i32
    %dma_start3A_564 = tpu.memref_slice %arg6[%dma_start3A_553, %dma_start3A_562, %dma_start3A_563] : memref<6x8x512xf32, #tpu.memory_space<vmem>> -> memref<1x8x512xf32, #tpu.memory_space<vmem>>
    %dma_start3A_565 = tpu.memref_squeeze %dma_start3A_564 : memref<1x8x512xf32, #tpu.memory_space<vmem>> -> memref<8x512xf32, #tpu.memory_space<vmem>>
    tpu.enqueue_dma source(%dma_start3A_565 : memref<8x512xf32, #tpu.memory_space<vmem>>) target(%dma_start3A_561 : memref<8x512xf32, #tpu.memory_space<hbm>>) target_semaphore(%arg17 : memref<!tpu.dma_semaphore, #tpu.memory_space<semaphore_mem>>)
    %dma_wait3A_566 = arith.constant 4 : i32
    %dma_wait3A_567 = arith.constant 0 : i32
    %dma_wait3A_568 = arith.constant 0 : i32
    %dma_wait3A_569 = tpu.memref_slice %arg6[%dma_wait3A_566, %dma_wait3A_567, %dma_wait3A_568] : memref<6x8x512xf32, #tpu.memory_space<vmem>> -> memref<1x8x512xf32, #tpu.memory_space<vmem>>
    %dma_wait3A_570 = tpu.memref_squeeze %dma_wait3A_569 : memref<1x8x512xf32, #tpu.memory_space<vmem>> -> memref<8x512xf32, #tpu.memory_space<vmem>>
    %dma_wait3A_571 = arith.constant 0 : i32
    %dma_wait3A_572 = tpu.memref_slice %arg4[%add3A_552, %dma_wait3A_571] : memref<4608x512xf32, #tpu.memory_space<hbm>> -> memref<8x512xf32, #tpu.memory_space<hbm>>
    %dma_wait3A_573 = arith.constant 0 : i32
    %dma_wait3A_574 = tpu.memref_slice %arg4[%add3A_552, %dma_wait3A_573] : memref<4608x512xf32, #tpu.memory_space<hbm>> -> memref<8x512xf32, #tpu.memory_space<hbm>>
    %dma_wait3A_575 = arith.constant 0 : i32
    %dma_wait3A_576 = arith.constant 0 : i32
    %dma_wait3A_577 = tpu.memref_slice %arg6[%dma_wait3A_566, %dma_wait3A_575, %dma_wait3A_576] : memref<6x8x512xf32, #tpu.memory_space<vmem>> -> memref<1x8x512xf32, #tpu.memory_space<vmem>>
    %dma_wait3A_578 = tpu.memref_squeeze %dma_wait3A_577 : memref<1x8x512xf32, #tpu.memory_space<vmem>> -> memref<8x512xf32, #tpu.memory_space<vmem>>
    tpu.wait_dma2 semaphore(%arg17 : memref<!tpu.dma_semaphore, #tpu.memory_space<semaphore_mem>>) src(%dma_wait3A_578 : memref<8x512xf32, #tpu.memory_space<vmem>>) dst(%dma_wait3A_574 : memref<8x512xf32, #tpu.memory_space<hbm>>)
    %dma_start3A_579 = arith.constant 4 : i32
    %dma_start3A_580 = arith.constant 0 : i32
    %dma_start3A_581 = arith.constant 0 : i32
    %dma_start3A_582 = tpu.memref_slice %arg6[%dma_start3A_579, %dma_start3A_580, %dma_start3A_581] : memref<6x8x512xf32, #tpu.memory_space<vmem>> -> memref<1x8x512xf32, #tpu.memory_space<vmem>>
    %dma_start3A_583 = tpu.memref_squeeze %dma_start3A_582 : memref<1x8x512xf32, #tpu.memory_space<vmem>> -> memref<8x512xf32, #tpu.memory_space<vmem>>
    %dma_start3A_584 = arith.constant 128 : i32
    %dma_start3A_585 = tpu.memref_slice %arg5[%dma_start3A_584] : memref<144xi32, #tpu.memory_space<vmem>> -> memref<8xi32, #tpu.memory_space<vmem>>
    %dma_start3A_586 = arith.constant 0 : i32
    %dma_start3A_587 = arith.constant 0 : i32
    %dma_start3A_588 = tpu.memref_slice %arg2[%dma_start3A_586, %dma_start3A_587] : memref<2048x512xf32, #tpu.memory_space<hbm>> -> memref<2048x512xf32, #tpu.memory_space<hbm>>
    tpu.enqueue_indirect_dma source(%dma_start3A_588 : memref<2048x512xf32, #tpu.memory_space<hbm>>) target(%dma_start3A_583 : memref<8x512xf32, #tpu.memory_space<vmem>>) offsets(%dma_start3A_585 : memref<8xi32, #tpu.memory_space<vmem>>) semaphore(%arg11 : memref<!tpu.dma_semaphore, #tpu.memory_space<semaphore_mem>>)
    %dma_wait3A_589 = arith.constant 5 : i32
    %dma_wait3A_590 = arith.constant 0 : i32
    %dma_wait3A_591 = arith.constant 0 : i32
    %dma_wait3A_592 = tpu.memref_slice %arg6[%dma_wait3A_589, %dma_wait3A_590, %dma_wait3A_591] : memref<6x8x512xf32, #tpu.memory_space<vmem>> -> memref<1x8x512xf32, #tpu.memory_space<vmem>>
    %dma_wait3A_593 = tpu.memref_squeeze %dma_wait3A_592 : memref<1x8x512xf32, #tpu.memory_space<vmem>> -> memref<8x512xf32, #tpu.memory_space<vmem>>
    %dma_wait3A_594 = arith.constant 88 : i32
    %dma_wait3A_595 = tpu.memref_slice %arg5[%dma_wait3A_594] : memref<144xi32, #tpu.memory_space<vmem>> -> memref<8xi32, #tpu.memory_space<vmem>>
    %dma_wait3A_596 = arith.constant 0 : i32
    %dma_wait3A_597 = arith.constant 0 : i32
    %dma_wait3A_598 = tpu.memref_slice %arg2[%dma_wait3A_596, %dma_wait3A_597] : memref<2048x512xf32, #tpu.memory_space<hbm>> -> memref<2048x512xf32, #tpu.memory_space<hbm>>
    tpu.wait_indirect_dma semaphore(%arg12 : memref<!tpu.dma_semaphore, #tpu.memory_space<semaphore_mem>>) src(%dma_wait3A_598 : memref<2048x512xf32, #tpu.memory_space<hbm>>) dst(%dma_wait3A_593 : memref<8x512xf32, #tpu.memory_space<vmem>>)
    %add3A_599 = arith.constant 88 : i32
    %add3A_600 = arith.addi %mul3A_2, %add3A_599 : i32
    %dma_start3A_601 = arith.constant 5 : i32
    %dma_start3A_602 = arith.constant 0 : i32
    %dma_start3A_603 = arith.constant 0 : i32
    %dma_start3A_604 = tpu.memref_slice %arg6[%dma_start3A_601, %dma_start3A_602, %dma_start3A_603] : memref<6x8x512xf32, #tpu.memory_space<vmem>> -> memref<1x8x512xf32, #tpu.memory_space<vmem>>
    %dma_start3A_605 = tpu.memref_squeeze %dma_start3A_604 : memref<1x8x512xf32, #tpu.memory_space<vmem>> -> memref<8x512xf32, #tpu.memory_space<vmem>>
    %dma_start3A_606 = arith.constant 0 : i32
    %dma_start3A_607 = tpu.memref_slice %arg4[%add3A_600, %dma_start3A_606] : memref<4608x512xf32, #tpu.memory_space<hbm>> -> memref<8x512xf32, #tpu.memory_space<hbm>>
    %dma_start3A_608 = arith.constant 0 : i32
    %dma_start3A_609 = tpu.memref_slice %arg4[%add3A_600, %dma_start3A_608] : memref<4608x512xf32, #tpu.memory_space<hbm>> -> memref<8x512xf32, #tpu.memory_space<hbm>>
    %dma_start3A_610 = arith.constant 0 : i32
    %dma_start3A_611 = arith.constant 0 : i32
    %dma_start3A_612 = tpu.memref_slice %arg6[%dma_start3A_601, %dma_start3A_610, %dma_start3A_611] : memref<6x8x512xf32, #tpu.memory_space<vmem>> -> memref<1x8x512xf32, #tpu.memory_space<vmem>>
    %dma_start3A_613 = tpu.memref_squeeze %dma_start3A_612 : memref<1x8x512xf32, #tpu.memory_space<vmem>> -> memref<8x512xf32, #tpu.memory_space<vmem>>
    tpu.enqueue_dma source(%dma_start3A_613 : memref<8x512xf32, #tpu.memory_space<vmem>>) target(%dma_start3A_609 : memref<8x512xf32, #tpu.memory_space<hbm>>) target_semaphore(%arg18 : memref<!tpu.dma_semaphore, #tpu.memory_space<semaphore_mem>>)
    %dma_wait3A_614 = arith.constant 5 : i32
    %dma_wait3A_615 = arith.constant 0 : i32
    %dma_wait3A_616 = arith.constant 0 : i32
    %dma_wait3A_617 = tpu.memref_slice %arg6[%dma_wait3A_614, %dma_wait3A_615, %dma_wait3A_616] : memref<6x8x512xf32, #tpu.memory_space<vmem>> -> memref<1x8x512xf32, #tpu.memory_space<vmem>>
    %dma_wait3A_618 = tpu.memref_squeeze %dma_wait3A_617 : memref<1x8x512xf32, #tpu.memory_space<vmem>> -> memref<8x512xf32, #tpu.memory_space<vmem>>
    %dma_wait3A_619 = arith.constant 0 : i32
    %dma_wait3A_620 = tpu.memref_slice %arg4[%add3A_600, %dma_wait3A_619] : memref<4608x512xf32, #tpu.memory_space<hbm>> -> memref<8x512xf32, #tpu.memory_space<hbm>>
    %dma_wait3A_621 = arith.constant 0 : i32
    %dma_wait3A_622 = tpu.memref_slice %arg4[%add3A_600, %dma_wait3A_621] : memref<4608x512xf32, #tpu.memory_space<hbm>> -> memref<8x512xf32, #tpu.memory_space<hbm>>
    %dma_wait3A_623 = arith.constant 0 : i32
    %dma_wait3A_624 = arith.constant 0 : i32
    %dma_wait3A_625 = tpu.memref_slice %arg6[%dma_wait3A_614, %dma_wait3A_623, %dma_wait3A_624] : memref<6x8x512xf32, #tpu.memory_space<vmem>> -> memref<1x8x512xf32, #tpu.memory_space<vmem>>
    %dma_wait3A_626 = tpu.memref_squeeze %dma_wait3A_625 : memref<1x8x512xf32, #tpu.memory_space<vmem>> -> memref<8x512xf32, #tpu.memory_space<vmem>>
    tpu.wait_dma2 semaphore(%arg18 : memref<!tpu.dma_semaphore, #tpu.memory_space<semaphore_mem>>) src(%dma_wait3A_626 : memref<8x512xf32, #tpu.memory_space<vmem>>) dst(%dma_wait3A_622 : memref<8x512xf32, #tpu.memory_space<hbm>>)
    %dma_start3A_627 = arith.constant 5 : i32
    %dma_start3A_628 = arith.constant 0 : i32
    %dma_start3A_629 = arith.constant 0 : i32
    %dma_start3A_630 = tpu.memref_slice %arg6[%dma_start3A_627, %dma_start3A_628, %dma_start3A_629] : memref<6x8x512xf32, #tpu.memory_space<vmem>> -> memref<1x8x512xf32, #tpu.memory_space<vmem>>
    %dma_start3A_631 = tpu.memref_squeeze %dma_start3A_630 : memref<1x8x512xf32, #tpu.memory_space<vmem>> -> memref<8x512xf32, #tpu.memory_space<vmem>>
    %dma_start3A_632 = arith.constant 136 : i32
    %dma_start3A_633 = tpu.memref_slice %arg5[%dma_start3A_632] : memref<144xi32, #tpu.memory_space<vmem>> -> memref<8xi32, #tpu.memory_space<vmem>>
    %dma_start3A_634 = arith.constant 0 : i32
    %dma_start3A_635 = arith.constant 0 : i32
    %dma_start3A_636 = tpu.memref_slice %arg2[%dma_start3A_634, %dma_start3A_635] : memref<2048x512xf32, #tpu.memory_space<hbm>> -> memref<2048x512xf32, #tpu.memory_space<hbm>>
    tpu.enqueue_indirect_dma source(%dma_start3A_636 : memref<2048x512xf32, #tpu.memory_space<hbm>>) target(%dma_start3A_631 : memref<8x512xf32, #tpu.memory_space<vmem>>) offsets(%dma_start3A_633 : memref<8xi32, #tpu.memory_space<vmem>>) semaphore(%arg12 : memref<!tpu.dma_semaphore, #tpu.memory_space<semaphore_mem>>)
    %dma_wait3A_637 = arith.constant 0 : i32
    %dma_wait3A_638 = arith.constant 0 : i32
    %dma_wait3A_639 = arith.constant 0 : i32
    %dma_wait3A_640 = tpu.memref_slice %arg6[%dma_wait3A_637, %dma_wait3A_638, %dma_wait3A_639] : memref<6x8x512xf32, #tpu.memory_space<vmem>> -> memref<1x8x512xf32, #tpu.memory_space<vmem>>
    %dma_wait3A_641 = tpu.memref_squeeze %dma_wait3A_640 : memref<1x8x512xf32, #tpu.memory_space<vmem>> -> memref<8x512xf32, #tpu.memory_space<vmem>>
    %dma_wait3A_642 = arith.constant 96 : i32
    %dma_wait3A_643 = tpu.memref_slice %arg5[%dma_wait3A_642] : memref<144xi32, #tpu.memory_space<vmem>> -> memref<8xi32, #tpu.memory_space<vmem>>
    %dma_wait3A_644 = arith.constant 0 : i32
    %dma_wait3A_645 = arith.constant 0 : i32
    %dma_wait3A_646 = tpu.memref_slice %arg2[%dma_wait3A_644, %dma_wait3A_645] : memref<2048x512xf32, #tpu.memory_space<hbm>> -> memref<2048x512xf32, #tpu.memory_space<hbm>>
    tpu.wait_indirect_dma semaphore(%arg7 : memref<!tpu.dma_semaphore, #tpu.memory_space<semaphore_mem>>) src(%dma_wait3A_646 : memref<2048x512xf32, #tpu.memory_space<hbm>>) dst(%dma_wait3A_641 : memref<8x512xf32, #tpu.memory_space<vmem>>)
    %add3A_647 = arith.constant 96 : i32
    %add3A_648 = arith.addi %mul3A_2, %add3A_647 : i32
    %dma_start3A_649 = arith.constant 0 : i32
    %dma_start3A_650 = arith.constant 0 : i32
    %dma_start3A_651 = arith.constant 0 : i32
    %dma_start3A_652 = tpu.memref_slice %arg6[%dma_start3A_649, %dma_start3A_650, %dma_start3A_651] : memref<6x8x512xf32, #tpu.memory_space<vmem>> -> memref<1x8x512xf32, #tpu.memory_space<vmem>>
    %dma_start3A_653 = tpu.memref_squeeze %dma_start3A_652 : memref<1x8x512xf32, #tpu.memory_space<vmem>> -> memref<8x512xf32, #tpu.memory_space<vmem>>
    %dma_start3A_654 = arith.constant 0 : i32
    %dma_start3A_655 = tpu.memref_slice %arg4[%add3A_648, %dma_start3A_654] : memref<4608x512xf32, #tpu.memory_space<hbm>> -> memref<8x512xf32, #tpu.memory_space<hbm>>
    %dma_start3A_656 = arith.constant 0 : i32
    %dma_start3A_657 = tpu.memref_slice %arg4[%add3A_648, %dma_start3A_656] : memref<4608x512xf32, #tpu.memory_space<hbm>> -> memref<8x512xf32, #tpu.memory_space<hbm>>
    %dma_start3A_658 = arith.constant 0 : i32
    %dma_start3A_659 = arith.constant 0 : i32
    %dma_start3A_660 = tpu.memref_slice %arg6[%dma_start3A_649, %dma_start3A_658, %dma_start3A_659] : memref<6x8x512xf32, #tpu.memory_space<vmem>> -> memref<1x8x512xf32, #tpu.memory_space<vmem>>
    %dma_start3A_661 = tpu.memref_squeeze %dma_start3A_660 : memref<1x8x512xf32, #tpu.memory_space<vmem>> -> memref<8x512xf32, #tpu.memory_space<vmem>>
    tpu.enqueue_dma source(%dma_start3A_661 : memref<8x512xf32, #tpu.memory_space<vmem>>) target(%dma_start3A_657 : memref<8x512xf32, #tpu.memory_space<hbm>>) target_semaphore(%arg13 : memref<!tpu.dma_semaphore, #tpu.memory_space<semaphore_mem>>)
    %dma_wait3A_662 = arith.constant 1 : i32
    %dma_wait3A_663 = arith.constant 0 : i32
    %dma_wait3A_664 = arith.constant 0 : i32
    %dma_wait3A_665 = tpu.memref_slice %arg6[%dma_wait3A_662, %dma_wait3A_663, %dma_wait3A_664] : memref<6x8x512xf32, #tpu.memory_space<vmem>> -> memref<1x8x512xf32, #tpu.memory_space<vmem>>
    %dma_wait3A_666 = tpu.memref_squeeze %dma_wait3A_665 : memref<1x8x512xf32, #tpu.memory_space<vmem>> -> memref<8x512xf32, #tpu.memory_space<vmem>>
    %dma_wait3A_667 = arith.constant 104 : i32
    %dma_wait3A_668 = tpu.memref_slice %arg5[%dma_wait3A_667] : memref<144xi32, #tpu.memory_space<vmem>> -> memref<8xi32, #tpu.memory_space<vmem>>
    %dma_wait3A_669 = arith.constant 0 : i32
    %dma_wait3A_670 = arith.constant 0 : i32
    %dma_wait3A_671 = tpu.memref_slice %arg2[%dma_wait3A_669, %dma_wait3A_670] : memref<2048x512xf32, #tpu.memory_space<hbm>> -> memref<2048x512xf32, #tpu.memory_space<hbm>>
    tpu.wait_indirect_dma semaphore(%arg8 : memref<!tpu.dma_semaphore, #tpu.memory_space<semaphore_mem>>) src(%dma_wait3A_671 : memref<2048x512xf32, #tpu.memory_space<hbm>>) dst(%dma_wait3A_666 : memref<8x512xf32, #tpu.memory_space<vmem>>)
    %add3A_672 = arith.constant 104 : i32
    %add3A_673 = arith.addi %mul3A_2, %add3A_672 : i32
    %dma_start3A_674 = arith.constant 1 : i32
    %dma_start3A_675 = arith.constant 0 : i32
    %dma_start3A_676 = arith.constant 0 : i32
    %dma_start3A_677 = tpu.memref_slice %arg6[%dma_start3A_674, %dma_start3A_675, %dma_start3A_676] : memref<6x8x512xf32, #tpu.memory_space<vmem>> -> memref<1x8x512xf32, #tpu.memory_space<vmem>>
    %dma_start3A_678 = tpu.memref_squeeze %dma_start3A_677 : memref<1x8x512xf32, #tpu.memory_space<vmem>> -> memref<8x512xf32, #tpu.memory_space<vmem>>
    %dma_start3A_679 = arith.constant 0 : i32
    %dma_start3A_680 = tpu.memref_slice %arg4[%add3A_673, %dma_start3A_679] : memref<4608x512xf32, #tpu.memory_space<hbm>> -> memref<8x512xf32, #tpu.memory_space<hbm>>
    %dma_start3A_681 = arith.constant 0 : i32
    %dma_start3A_682 = tpu.memref_slice %arg4[%add3A_673, %dma_start3A_681] : memref<4608x512xf32, #tpu.memory_space<hbm>> -> memref<8x512xf32, #tpu.memory_space<hbm>>
    %dma_start3A_683 = arith.constant 0 : i32
    %dma_start3A_684 = arith.constant 0 : i32
    %dma_start3A_685 = tpu.memref_slice %arg6[%dma_start3A_674, %dma_start3A_683, %dma_start3A_684] : memref<6x8x512xf32, #tpu.memory_space<vmem>> -> memref<1x8x512xf32, #tpu.memory_space<vmem>>
    %dma_start3A_686 = tpu.memref_squeeze %dma_start3A_685 : memref<1x8x512xf32, #tpu.memory_space<vmem>> -> memref<8x512xf32, #tpu.memory_space<vmem>>
    tpu.enqueue_dma source(%dma_start3A_686 : memref<8x512xf32, #tpu.memory_space<vmem>>) target(%dma_start3A_682 : memref<8x512xf32, #tpu.memory_space<hbm>>) target_semaphore(%arg14 : memref<!tpu.dma_semaphore, #tpu.memory_space<semaphore_mem>>)
    %dma_wait3A_687 = arith.constant 2 : i32
    %dma_wait3A_688 = arith.constant 0 : i32
    %dma_wait3A_689 = arith.constant 0 : i32
    %dma_wait3A_690 = tpu.memref_slice %arg6[%dma_wait3A_687, %dma_wait3A_688, %dma_wait3A_689] : memref<6x8x512xf32, #tpu.memory_space<vmem>> -> memref<1x8x512xf32, #tpu.memory_space<vmem>>
    %dma_wait3A_691 = tpu.memref_squeeze %dma_wait3A_690 : memref<1x8x512xf32, #tpu.memory_space<vmem>> -> memref<8x512xf32, #tpu.memory_space<vmem>>
    %dma_wait3A_692 = arith.constant 112 : i32
    %dma_wait3A_693 = tpu.memref_slice %arg5[%dma_wait3A_692] : memref<144xi32, #tpu.memory_space<vmem>> -> memref<8xi32, #tpu.memory_space<vmem>>
    %dma_wait3A_694 = arith.constant 0 : i32
    %dma_wait3A_695 = arith.constant 0 : i32
    %dma_wait3A_696 = tpu.memref_slice %arg2[%dma_wait3A_694, %dma_wait3A_695] : memref<2048x512xf32, #tpu.memory_space<hbm>> -> memref<2048x512xf32, #tpu.memory_space<hbm>>
    tpu.wait_indirect_dma semaphore(%arg9 : memref<!tpu.dma_semaphore, #tpu.memory_space<semaphore_mem>>) src(%dma_wait3A_696 : memref<2048x512xf32, #tpu.memory_space<hbm>>) dst(%dma_wait3A_691 : memref<8x512xf32, #tpu.memory_space<vmem>>)
    %add3A_697 = arith.constant 112 : i32
    %add3A_698 = arith.addi %mul3A_2, %add3A_697 : i32
    %dma_start3A_699 = arith.constant 2 : i32
    %dma_start3A_700 = arith.constant 0 : i32
    %dma_start3A_701 = arith.constant 0 : i32
    %dma_start3A_702 = tpu.memref_slice %arg6[%dma_start3A_699, %dma_start3A_700, %dma_start3A_701] : memref<6x8x512xf32, #tpu.memory_space<vmem>> -> memref<1x8x512xf32, #tpu.memory_space<vmem>>
    %dma_start3A_703 = tpu.memref_squeeze %dma_start3A_702 : memref<1x8x512xf32, #tpu.memory_space<vmem>> -> memref<8x512xf32, #tpu.memory_space<vmem>>
    %dma_start3A_704 = arith.constant 0 : i32
    %dma_start3A_705 = tpu.memref_slice %arg4[%add3A_698, %dma_start3A_704] : memref<4608x512xf32, #tpu.memory_space<hbm>> -> memref<8x512xf32, #tpu.memory_space<hbm>>
    %dma_start3A_706 = arith.constant 0 : i32
    %dma_start3A_707 = tpu.memref_slice %arg4[%add3A_698, %dma_start3A_706] : memref<4608x512xf32, #tpu.memory_space<hbm>> -> memref<8x512xf32, #tpu.memory_space<hbm>>
    %dma_start3A_708 = arith.constant 0 : i32
    %dma_start3A_709 = arith.constant 0 : i32
    %dma_start3A_710 = tpu.memref_slice %arg6[%dma_start3A_699, %dma_start3A_708, %dma_start3A_709] : memref<6x8x512xf32, #tpu.memory_space<vmem>> -> memref<1x8x512xf32, #tpu.memory_space<vmem>>
    %dma_start3A_711 = tpu.memref_squeeze %dma_start3A_710 : memref<1x8x512xf32, #tpu.memory_space<vmem>> -> memref<8x512xf32, #tpu.memory_space<vmem>>
    tpu.enqueue_dma source(%dma_start3A_711 : memref<8x512xf32, #tpu.memory_space<vmem>>) target(%dma_start3A_707 : memref<8x512xf32, #tpu.memory_space<hbm>>) target_semaphore(%arg15 : memref<!tpu.dma_semaphore, #tpu.memory_space<semaphore_mem>>)
    %dma_wait3A_712 = arith.constant 3 : i32
    %dma_wait3A_713 = arith.constant 0 : i32
    %dma_wait3A_714 = arith.constant 0 : i32
    %dma_wait3A_715 = tpu.memref_slice %arg6[%dma_wait3A_712, %dma_wait3A_713, %dma_wait3A_714] : memref<6x8x512xf32, #tpu.memory_space<vmem>> -> memref<1x8x512xf32, #tpu.memory_space<vmem>>
    %dma_wait3A_716 = tpu.memref_squeeze %dma_wait3A_715 : memref<1x8x512xf32, #tpu.memory_space<vmem>> -> memref<8x512xf32, #tpu.memory_space<vmem>>
    %dma_wait3A_717 = arith.constant 120 : i32
    %dma_wait3A_718 = tpu.memref_slice %arg5[%dma_wait3A_717] : memref<144xi32, #tpu.memory_space<vmem>> -> memref<8xi32, #tpu.memory_space<vmem>>
    %dma_wait3A_719 = arith.constant 0 : i32
    %dma_wait3A_720 = arith.constant 0 : i32
    %dma_wait3A_721 = tpu.memref_slice %arg2[%dma_wait3A_719, %dma_wait3A_720] : memref<2048x512xf32, #tpu.memory_space<hbm>> -> memref<2048x512xf32, #tpu.memory_space<hbm>>
    tpu.wait_indirect_dma semaphore(%arg10 : memref<!tpu.dma_semaphore, #tpu.memory_space<semaphore_mem>>) src(%dma_wait3A_721 : memref<2048x512xf32, #tpu.memory_space<hbm>>) dst(%dma_wait3A_716 : memref<8x512xf32, #tpu.memory_space<vmem>>)
    %add3A_722 = arith.constant 120 : i32
    %add3A_723 = arith.addi %mul3A_2, %add3A_722 : i32
    %dma_start3A_724 = arith.constant 3 : i32
    %dma_start3A_725 = arith.constant 0 : i32
    %dma_start3A_726 = arith.constant 0 : i32
    %dma_start3A_727 = tpu.memref_slice %arg6[%dma_start3A_724, %dma_start3A_725, %dma_start3A_726] : memref<6x8x512xf32, #tpu.memory_space<vmem>> -> memref<1x8x512xf32, #tpu.memory_space<vmem>>
    %dma_start3A_728 = tpu.memref_squeeze %dma_start3A_727 : memref<1x8x512xf32, #tpu.memory_space<vmem>> -> memref<8x512xf32, #tpu.memory_space<vmem>>
    %dma_start3A_729 = arith.constant 0 : i32
    %dma_start3A_730 = tpu.memref_slice %arg4[%add3A_723, %dma_start3A_729] : memref<4608x512xf32, #tpu.memory_space<hbm>> -> memref<8x512xf32, #tpu.memory_space<hbm>>
    %dma_start3A_731 = arith.constant 0 : i32
    %dma_start3A_732 = tpu.memref_slice %arg4[%add3A_723, %dma_start3A_731] : memref<4608x512xf32, #tpu.memory_space<hbm>> -> memref<8x512xf32, #tpu.memory_space<hbm>>
    %dma_start3A_733 = arith.constant 0 : i32
    %dma_start3A_734 = arith.constant 0 : i32
    %dma_start3A_735 = tpu.memref_slice %arg6[%dma_start3A_724, %dma_start3A_733, %dma_start3A_734] : memref<6x8x512xf32, #tpu.memory_space<vmem>> -> memref<1x8x512xf32, #tpu.memory_space<vmem>>
    %dma_start3A_736 = tpu.memref_squeeze %dma_start3A_735 : memref<1x8x512xf32, #tpu.memory_space<vmem>> -> memref<8x512xf32, #tpu.memory_space<vmem>>
    tpu.enqueue_dma source(%dma_start3A_736 : memref<8x512xf32, #tpu.memory_space<vmem>>) target(%dma_start3A_732 : memref<8x512xf32, #tpu.memory_space<hbm>>) target_semaphore(%arg16 : memref<!tpu.dma_semaphore, #tpu.memory_space<semaphore_mem>>)
    %dma_wait3A_737 = arith.constant 4 : i32
    %dma_wait3A_738 = arith.constant 0 : i32
    %dma_wait3A_739 = arith.constant 0 : i32
    %dma_wait3A_740 = tpu.memref_slice %arg6[%dma_wait3A_737, %dma_wait3A_738, %dma_wait3A_739] : memref<6x8x512xf32, #tpu.memory_space<vmem>> -> memref<1x8x512xf32, #tpu.memory_space<vmem>>
    %dma_wait3A_741 = tpu.memref_squeeze %dma_wait3A_740 : memref<1x8x512xf32, #tpu.memory_space<vmem>> -> memref<8x512xf32, #tpu.memory_space<vmem>>
    %dma_wait3A_742 = arith.constant 128 : i32
    %dma_wait3A_743 = tpu.memref_slice %arg5[%dma_wait3A_742] : memref<144xi32, #tpu.memory_space<vmem>> -> memref<8xi32, #tpu.memory_space<vmem>>
    %dma_wait3A_744 = arith.constant 0 : i32
    %dma_wait3A_745 = arith.constant 0 : i32
    %dma_wait3A_746 = tpu.memref_slice %arg2[%dma_wait3A_744, %dma_wait3A_745] : memref<2048x512xf32, #tpu.memory_space<hbm>> -> memref<2048x512xf32, #tpu.memory_space<hbm>>
    tpu.wait_indirect_dma semaphore(%arg11 : memref<!tpu.dma_semaphore, #tpu.memory_space<semaphore_mem>>) src(%dma_wait3A_746 : memref<2048x512xf32, #tpu.memory_space<hbm>>) dst(%dma_wait3A_741 : memref<8x512xf32, #tpu.memory_space<vmem>>)
    %add3A_747 = arith.constant 128 : i32
    %add3A_748 = arith.addi %mul3A_2, %add3A_747 : i32
    %dma_start3A_749 = arith.constant 4 : i32
    %dma_start3A_750 = arith.constant 0 : i32
    %dma_start3A_751 = arith.constant 0 : i32
    %dma_start3A_752 = tpu.memref_slice %arg6[%dma_start3A_749, %dma_start3A_750, %dma_start3A_751] : memref<6x8x512xf32, #tpu.memory_space<vmem>> -> memref<1x8x512xf32, #tpu.memory_space<vmem>>
    %dma_start3A_753 = tpu.memref_squeeze %dma_start3A_752 : memref<1x8x512xf32, #tpu.memory_space<vmem>> -> memref<8x512xf32, #tpu.memory_space<vmem>>
    %dma_start3A_754 = arith.constant 0 : i32
    %dma_start3A_755 = tpu.memref_slice %arg4[%add3A_748, %dma_start3A_754] : memref<4608x512xf32, #tpu.memory_space<hbm>> -> memref<8x512xf32, #tpu.memory_space<hbm>>
    %dma_start3A_756 = arith.constant 0 : i32
    %dma_start3A_757 = tpu.memref_slice %arg4[%add3A_748, %dma_start3A_756] : memref<4608x512xf32, #tpu.memory_space<hbm>> -> memref<8x512xf32, #tpu.memory_space<hbm>>
    %dma_start3A_758 = arith.constant 0 : i32
    %dma_start3A_759 = arith.constant 0 : i32
    %dma_start3A_760 = tpu.memref_slice %arg6[%dma_start3A_749, %dma_start3A_758, %dma_start3A_759] : memref<6x8x512xf32, #tpu.memory_space<vmem>> -> memref<1x8x512xf32, #tpu.memory_space<vmem>>
    %dma_start3A_761 = tpu.memref_squeeze %dma_start3A_760 : memref<1x8x512xf32, #tpu.memory_space<vmem>> -> memref<8x512xf32, #tpu.memory_space<vmem>>
    tpu.enqueue_dma source(%dma_start3A_761 : memref<8x512xf32, #tpu.memory_space<vmem>>) target(%dma_start3A_757 : memref<8x512xf32, #tpu.memory_space<hbm>>) target_semaphore(%arg17 : memref<!tpu.dma_semaphore, #tpu.memory_space<semaphore_mem>>)
    %dma_wait3A_762 = arith.constant 5 : i32
    %dma_wait3A_763 = arith.constant 0 : i32
    %dma_wait3A_764 = arith.constant 0 : i32
    %dma_wait3A_765 = tpu.memref_slice %arg6[%dma_wait3A_762, %dma_wait3A_763, %dma_wait3A_764] : memref<6x8x512xf32, #tpu.memory_space<vmem>> -> memref<1x8x512xf32, #tpu.memory_space<vmem>>
    %dma_wait3A_766 = tpu.memref_squeeze %dma_wait3A_765 : memref<1x8x512xf32, #tpu.memory_space<vmem>> -> memref<8x512xf32, #tpu.memory_space<vmem>>
    %dma_wait3A_767 = arith.constant 136 : i32
    %dma_wait3A_768 = tpu.memref_slice %arg5[%dma_wait3A_767] : memref<144xi32, #tpu.memory_space<vmem>> -> memref<8xi32, #tpu.memory_space<vmem>>
    %dma_wait3A_769 = arith.constant 0 : i32
    %dma_wait3A_770 = arith.constant 0 : i32
    %dma_wait3A_771 = tpu.memref_slice %arg2[%dma_wait3A_769, %dma_wait3A_770] : memref<2048x512xf32, #tpu.memory_space<hbm>> -> memref<2048x512xf32, #tpu.memory_space<hbm>>
    tpu.wait_indirect_dma semaphore(%arg12 : memref<!tpu.dma_semaphore, #tpu.memory_space<semaphore_mem>>) src(%dma_wait3A_771 : memref<2048x512xf32, #tpu.memory_space<hbm>>) dst(%dma_wait3A_766 : memref<8x512xf32, #tpu.memory_space<vmem>>)
    %add3A_772 = arith.constant 136 : i32
    %add3A_773 = arith.addi %mul3A_2, %add3A_772 : i32
    %dma_start3A_774 = arith.constant 5 : i32
    %dma_start3A_775 = arith.constant 0 : i32
    %dma_start3A_776 = arith.constant 0 : i32
    %dma_start3A_777 = tpu.memref_slice %arg6[%dma_start3A_774, %dma_start3A_775, %dma_start3A_776] : memref<6x8x512xf32, #tpu.memory_space<vmem>> -> memref<1x8x512xf32, #tpu.memory_space<vmem>>
    %dma_start3A_778 = tpu.memref_squeeze %dma_start3A_777 : memref<1x8x512xf32, #tpu.memory_space<vmem>> -> memref<8x512xf32, #tpu.memory_space<vmem>>
    %dma_start3A_779 = arith.constant 0 : i32
    %dma_start3A_780 = tpu.memref_slice %arg4[%add3A_773, %dma_start3A_779] : memref<4608x512xf32, #tpu.memory_space<hbm>> -> memref<8x512xf32, #tpu.memory_space<hbm>>
    %dma_start3A_781 = arith.constant 0 : i32
    %dma_start3A_782 = tpu.memref_slice %arg4[%add3A_773, %dma_start3A_781] : memref<4608x512xf32, #tpu.memory_space<hbm>> -> memref<8x512xf32, #tpu.memory_space<hbm>>
    %dma_start3A_783 = arith.constant 0 : i32
    %dma_start3A_784 = arith.constant 0 : i32
    %dma_start3A_785 = tpu.memref_slice %arg6[%dma_start3A_774, %dma_start3A_783, %dma_start3A_784] : memref<6x8x512xf32, #tpu.memory_space<vmem>> -> memref<1x8x512xf32, #tpu.memory_space<vmem>>
    %dma_start3A_786 = tpu.memref_squeeze %dma_start3A_785 : memref<1x8x512xf32, #tpu.memory_space<vmem>> -> memref<8x512xf32, #tpu.memory_space<vmem>>
    tpu.enqueue_dma source(%dma_start3A_786 : memref<8x512xf32, #tpu.memory_space<vmem>>) target(%dma_start3A_782 : memref<8x512xf32, #tpu.memory_space<hbm>>) target_semaphore(%arg18 : memref<!tpu.dma_semaphore, #tpu.memory_space<semaphore_mem>>)
    %dma_wait3A_787 = arith.constant 0 : i32
    %dma_wait3A_788 = arith.constant 0 : i32
    %dma_wait3A_789 = arith.constant 0 : i32
    %dma_wait3A_790 = tpu.memref_slice %arg6[%dma_wait3A_787, %dma_wait3A_788, %dma_wait3A_789] : memref<6x8x512xf32, #tpu.memory_space<vmem>> -> memref<1x8x512xf32, #tpu.memory_space<vmem>>
    %dma_wait3A_791 = tpu.memref_squeeze %dma_wait3A_790 : memref<1x8x512xf32, #tpu.memory_space<vmem>> -> memref<8x512xf32, #tpu.memory_space<vmem>>
    %dma_wait3A_792 = arith.constant 0 : i32
    %dma_wait3A_793 = tpu.memref_slice %arg4[%add3A_648, %dma_wait3A_792] : memref<4608x512xf32, #tpu.memory_space<hbm>> -> memref<8x512xf32, #tpu.memory_space<hbm>>
    %dma_wait3A_794 = arith.constant 0 : i32
    %dma_wait3A_795 = tpu.memref_slice %arg4[%add3A_648, %dma_wait3A_794] : memref<4608x512xf32, #tpu.memory_space<hbm>> -> memref<8x512xf32, #tpu.memory_space<hbm>>
    %dma_wait3A_796 = arith.constant 0 : i32
    %dma_wait3A_797 = arith.constant 0 : i32
    %dma_wait3A_798 = tpu.memref_slice %arg6[%dma_wait3A_787, %dma_wait3A_796, %dma_wait3A_797] : memref<6x8x512xf32, #tpu.memory_space<vmem>> -> memref<1x8x512xf32, #tpu.memory_space<vmem>>
    %dma_wait3A_799 = tpu.memref_squeeze %dma_wait3A_798 : memref<1x8x512xf32, #tpu.memory_space<vmem>> -> memref<8x512xf32, #tpu.memory_space<vmem>>
    tpu.wait_dma2 semaphore(%arg13 : memref<!tpu.dma_semaphore, #tpu.memory_space<semaphore_mem>>) src(%dma_wait3A_799 : memref<8x512xf32, #tpu.memory_space<vmem>>) dst(%dma_wait3A_795 : memref<8x512xf32, #tpu.memory_space<hbm>>)
    %dma_wait3A_800 = arith.constant 1 : i32
    %dma_wait3A_801 = arith.constant 0 : i32
    %dma_wait3A_802 = arith.constant 0 : i32
    %dma_wait3A_803 = tpu.memref_slice %arg6[%dma_wait3A_800, %dma_wait3A_801, %dma_wait3A_802] : memref<6x8x512xf32, #tpu.memory_space<vmem>> -> memref<1x8x512xf32, #tpu.memory_space<vmem>>
    %dma_wait3A_804 = tpu.memref_squeeze %dma_wait3A_803 : memref<1x8x512xf32, #tpu.memory_space<vmem>> -> memref<8x512xf32, #tpu.memory_space<vmem>>
    %dma_wait3A_805 = arith.constant 0 : i32
    %dma_wait3A_806 = tpu.memref_slice %arg4[%add3A_673, %dma_wait3A_805] : memref<4608x512xf32, #tpu.memory_space<hbm>> -> memref<8x512xf32, #tpu.memory_space<hbm>>
    %dma_wait3A_807 = arith.constant 0 : i32
    %dma_wait3A_808 = tpu.memref_slice %arg4[%add3A_673, %dma_wait3A_807] : memref<4608x512xf32, #tpu.memory_space<hbm>> -> memref<8x512xf32, #tpu.memory_space<hbm>>
    %dma_wait3A_809 = arith.constant 0 : i32
    %dma_wait3A_810 = arith.constant 0 : i32
    %dma_wait3A_811 = tpu.memref_slice %arg6[%dma_wait3A_800, %dma_wait3A_809, %dma_wait3A_810] : memref<6x8x512xf32, #tpu.memory_space<vmem>> -> memref<1x8x512xf32, #tpu.memory_space<vmem>>
    %dma_wait3A_812 = tpu.memref_squeeze %dma_wait3A_811 : memref<1x8x512xf32, #tpu.memory_space<vmem>> -> memref<8x512xf32, #tpu.memory_space<vmem>>
    tpu.wait_dma2 semaphore(%arg14 : memref<!tpu.dma_semaphore, #tpu.memory_space<semaphore_mem>>) src(%dma_wait3A_812 : memref<8x512xf32, #tpu.memory_space<vmem>>) dst(%dma_wait3A_808 : memref<8x512xf32, #tpu.memory_space<hbm>>)
    %dma_wait3A_813 = arith.constant 2 : i32
    %dma_wait3A_814 = arith.constant 0 : i32
    %dma_wait3A_815 = arith.constant 0 : i32
    %dma_wait3A_816 = tpu.memref_slice %arg6[%dma_wait3A_813, %dma_wait3A_814, %dma_wait3A_815] : memref<6x8x512xf32, #tpu.memory_space<vmem>> -> memref<1x8x512xf32, #tpu.memory_space<vmem>>
    %dma_wait3A_817 = tpu.memref_squeeze %dma_wait3A_816 : memref<1x8x512xf32, #tpu.memory_space<vmem>> -> memref<8x512xf32, #tpu.memory_space<vmem>>
    %dma_wait3A_818 = arith.constant 0 : i32
    %dma_wait3A_819 = tpu.memref_slice %arg4[%add3A_698, %dma_wait3A_818] : memref<4608x512xf32, #tpu.memory_space<hbm>> -> memref<8x512xf32, #tpu.memory_space<hbm>>
    %dma_wait3A_820 = arith.constant 0 : i32
    %dma_wait3A_821 = tpu.memref_slice %arg4[%add3A_698, %dma_wait3A_820] : memref<4608x512xf32, #tpu.memory_space<hbm>> -> memref<8x512xf32, #tpu.memory_space<hbm>>
    %dma_wait3A_822 = arith.constant 0 : i32
    %dma_wait3A_823 = arith.constant 0 : i32
    %dma_wait3A_824 = tpu.memref_slice %arg6[%dma_wait3A_813, %dma_wait3A_822, %dma_wait3A_823] : memref<6x8x512xf32, #tpu.memory_space<vmem>> -> memref<1x8x512xf32, #tpu.memory_space<vmem>>
    %dma_wait3A_825 = tpu.memref_squeeze %dma_wait3A_824 : memref<1x8x512xf32, #tpu.memory_space<vmem>> -> memref<8x512xf32, #tpu.memory_space<vmem>>
    tpu.wait_dma2 semaphore(%arg15 : memref<!tpu.dma_semaphore, #tpu.memory_space<semaphore_mem>>) src(%dma_wait3A_825 : memref<8x512xf32, #tpu.memory_space<vmem>>) dst(%dma_wait3A_821 : memref<8x512xf32, #tpu.memory_space<hbm>>)
    %dma_wait3A_826 = arith.constant 3 : i32
    %dma_wait3A_827 = arith.constant 0 : i32
    %dma_wait3A_828 = arith.constant 0 : i32
    %dma_wait3A_829 = tpu.memref_slice %arg6[%dma_wait3A_826, %dma_wait3A_827, %dma_wait3A_828] : memref<6x8x512xf32, #tpu.memory_space<vmem>> -> memref<1x8x512xf32, #tpu.memory_space<vmem>>
    %dma_wait3A_830 = tpu.memref_squeeze %dma_wait3A_829 : memref<1x8x512xf32, #tpu.memory_space<vmem>> -> memref<8x512xf32, #tpu.memory_space<vmem>>
    %dma_wait3A_831 = arith.constant 0 : i32
    %dma_wait3A_832 = tpu.memref_slice %arg4[%add3A_723, %dma_wait3A_831] : memref<4608x512xf32, #tpu.memory_space<hbm>> -> memref<8x512xf32, #tpu.memory_space<hbm>>
    %dma_wait3A_833 = arith.constant 0 : i32
    %dma_wait3A_834 = tpu.memref_slice %arg4[%add3A_723, %dma_wait3A_833] : memref<4608x512xf32, #tpu.memory_space<hbm>> -> memref<8x512xf32, #tpu.memory_space<hbm>>
    %dma_wait3A_835 = arith.constant 0 : i32
    %dma_wait3A_836 = arith.constant 0 : i32
    %dma_wait3A_837 = tpu.memref_slice %arg6[%dma_wait3A_826, %dma_wait3A_835, %dma_wait3A_836] : memref<6x8x512xf32, #tpu.memory_space<vmem>> -> memref<1x8x512xf32, #tpu.memory_space<vmem>>
    %dma_wait3A_838 = tpu.memref_squeeze %dma_wait3A_837 : memref<1x8x512xf32, #tpu.memory_space<vmem>> -> memref<8x512xf32, #tpu.memory_space<vmem>>
    tpu.wait_dma2 semaphore(%arg16 : memref<!tpu.dma_semaphore, #tpu.memory_space<semaphore_mem>>) src(%dma_wait3A_838 : memref<8x512xf32, #tpu.memory_space<vmem>>) dst(%dma_wait3A_834 : memref<8x512xf32, #tpu.memory_space<hbm>>)
    %dma_wait3A_839 = arith.constant 4 : i32
    %dma_wait3A_840 = arith.constant 0 : i32
    %dma_wait3A_841 = arith.constant 0 : i32
    %dma_wait3A_842 = tpu.memref_slice %arg6[%dma_wait3A_839, %dma_wait3A_840, %dma_wait3A_841] : memref<6x8x512xf32, #tpu.memory_space<vmem>> -> memref<1x8x512xf32, #tpu.memory_space<vmem>>
    %dma_wait3A_843 = tpu.memref_squeeze %dma_wait3A_842 : memref<1x8x512xf32, #tpu.memory_space<vmem>> -> memref<8x512xf32, #tpu.memory_space<vmem>>
    %dma_wait3A_844 = arith.constant 0 : i32
    %dma_wait3A_845 = tpu.memref_slice %arg4[%add3A_748, %dma_wait3A_844] : memref<4608x512xf32, #tpu.memory_space<hbm>> -> memref<8x512xf32, #tpu.memory_space<hbm>>
    %dma_wait3A_846 = arith.constant 0 : i32
    %dma_wait3A_847 = tpu.memref_slice %arg4[%add3A_748, %dma_wait3A_846] : memref<4608x512xf32, #tpu.memory_space<hbm>> -> memref<8x512xf32, #tpu.memory_space<hbm>>
    %dma_wait3A_848 = arith.constant 0 : i32
    %dma_wait3A_849 = arith.constant 0 : i32
    %dma_wait3A_850 = tpu.memref_slice %arg6[%dma_wait3A_839, %dma_wait3A_848, %dma_wait3A_849] : memref<6x8x512xf32, #tpu.memory_space<vmem>> -> memref<1x8x512xf32, #tpu.memory_space<vmem>>
    %dma_wait3A_851 = tpu.memref_squeeze %dma_wait3A_850 : memref<1x8x512xf32, #tpu.memory_space<vmem>> -> memref<8x512xf32, #tpu.memory_space<vmem>>
    tpu.wait_dma2 semaphore(%arg17 : memref<!tpu.dma_semaphore, #tpu.memory_space<semaphore_mem>>) src(%dma_wait3A_851 : memref<8x512xf32, #tpu.memory_space<vmem>>) dst(%dma_wait3A_847 : memref<8x512xf32, #tpu.memory_space<hbm>>)
    %dma_wait3A_852 = arith.constant 5 : i32
    %dma_wait3A_853 = arith.constant 0 : i32
    %dma_wait3A_854 = arith.constant 0 : i32
    %dma_wait3A_855 = tpu.memref_slice %arg6[%dma_wait3A_852, %dma_wait3A_853, %dma_wait3A_854] : memref<6x8x512xf32, #tpu.memory_space<vmem>> -> memref<1x8x512xf32, #tpu.memory_space<vmem>>
    %dma_wait3A_856 = tpu.memref_squeeze %dma_wait3A_855 : memref<1x8x512xf32, #tpu.memory_space<vmem>> -> memref<8x512xf32, #tpu.memory_space<vmem>>
    %dma_wait3A_857 = arith.constant 0 : i32
    %dma_wait3A_858 = tpu.memref_slice %arg4[%add3A_773, %dma_wait3A_857] : memref<4608x512xf32, #tpu.memory_space<hbm>> -> memref<8x512xf32, #tpu.memory_space<hbm>>
    %dma_wait3A_859 = arith.constant 0 : i32
    %dma_wait3A_860 = tpu.memref_slice %arg4[%add3A_773, %dma_wait3A_859] : memref<4608x512xf32, #tpu.memory_space<hbm>> -> memref<8x512xf32, #tpu.memory_space<hbm>>
    %dma_wait3A_861 = arith.constant 0 : i32
    %dma_wait3A_862 = arith.constant 0 : i32
    %dma_wait3A_863 = tpu.memref_slice %arg6[%dma_wait3A_852, %dma_wait3A_861, %dma_wait3A_862] : memref<6x8x512xf32, #tpu.memory_space<vmem>> -> memref<1x8x512xf32, #tpu.memory_space<vmem>>
    %dma_wait3A_864 = tpu.memref_squeeze %dma_wait3A_863 : memref<1x8x512xf32, #tpu.memory_space<vmem>> -> memref<8x512xf32, #tpu.memory_space<vmem>>
    tpu.wait_dma2 semaphore(%arg18 : memref<!tpu.dma_semaphore, #tpu.memory_space<semaphore_mem>>) src(%dma_wait3A_864 : memref<8x512xf32, #tpu.memory_space<vmem>>) dst(%dma_wait3A_860 : memref<8x512xf32, #tpu.memory_space<hbm>>)
    return
  }
}

#map = affine_map<(d0, d1) -> (0)>
module attributes {stable_mosaic.version = 14 : i64} {
  func.func @_dispatch_kernel(%arg0: i32, %arg1: i32, %arg2: memref<2048xi32, #tpu.memory_space<hbm>>, %arg3: memref<2048xi32, #tpu.memory_space<hbm>>, %arg4: memref<4608xi32, #tpu.memory_space<hbm>>, %arg5: memref<4608xi32, #tpu.memory_space<hbm>>, %arg6: memref<4608xi32, #tpu.memory_space<vmem>>, %arg7: memref<2048xi32, #tpu.memory_space<vmem>>) attributes {dimension_semantics = [#tpu.dimension_semantics<core_parallel>, #tpu.dimension_semantics<subcore_parallel>], iteration_bounds = array<i64: 2, 16>, scalar_prefetch = 0 : i64, scratch_operands = 2 : i64, tpu.core_type = #tpu.core_type<sc_vector_subcore>, window_params = [{transform_indices = #map}, {transform_indices = #map}, {transform_indices = #map}, {transform_indices = #map}]} {
    %mul3A = arith.constant 2 : i32
    %mul3A_0 = arith.muli %arg1, %mul3A : i32
    %add3A = arith.addi %mul3A_0, %arg0 : i32
    %eq3A = arith.constant 0 : i32
    %eq3A_1 = arith.cmpi eq, %add3A, %eq3A : i32
    %convert_element_type3A = arith.extui %eq3A_1 : i1 to i32
    %cond3A = arith.constant 0 : i32
    %cond3A_2 = arith.cmpi ne, %convert_element_type3A, %cond3A : i32
    scf.if %cond3A_2 {
      "tpu.region"() ({
        %run_scoped3A = tpu.sem_alloc : memref<!tpu.dma_semaphore, #tpu.memory_space<semaphore_mem>>
        tpu.enqueue_dma source(%arg4 : memref<4608xi32, #tpu.memory_space<hbm>>) target(%arg6 : memref<4608xi32, #tpu.memory_space<vmem>>) target_semaphore(%run_scoped3A : memref<!tpu.dma_semaphore, #tpu.memory_space<semaphore_mem>>)
        tpu.wait_dma2 semaphore(%run_scoped3A : memref<!tpu.dma_semaphore, #tpu.memory_space<semaphore_mem>>) src(%arg4 : memref<4608xi32, #tpu.memory_space<hbm>>) dst(%arg6 : memref<4608xi32, #tpu.memory_space<vmem>>)
        tpu.yield
      }) : () -> ()
      %iota3A = tpu.iota {dimensions = array<i32: 0>} : vector<16xi32>
      "tpu.region"() ({
        %run_scoped3A = tpu.sem_alloc : memref<!tpu.dma_semaphore, #tpu.memory_space<semaphore_mem>>
        tpu.enqueue_dma source(%arg2 : memref<2048xi32, #tpu.memory_space<hbm>>) target(%arg7 : memref<2048xi32, #tpu.memory_space<vmem>>) target_semaphore(%run_scoped3A : memref<!tpu.dma_semaphore, #tpu.memory_space<semaphore_mem>>)
        tpu.wait_dma2 semaphore(%run_scoped3A : memref<!tpu.dma_semaphore, #tpu.memory_space<semaphore_mem>>) src(%arg2 : memref<2048xi32, #tpu.memory_space<hbm>>) dst(%arg7 : memref<2048xi32, #tpu.memory_space<vmem>>)
        tpu.yield
      }) : () -> ()
      %scan3A = arith.constant 0 : i32
      %scan3A_3 = arith.constant 0 : i32
      %scan3A_4 = arith.constant 128 : i32
      %scan3A_5 = arith.addi %scan3A_3, %scan3A_4 : i32
      %scan3A_6 = arith.constant 1 : i32
      %scan3A_7 = scf.for %scan3A_16 = %scan3A_3 to %scan3A_5 step %scan3A_6 iter_args(%scan3A_17 = %scan3A) -> (i32)  : i32 {
        %mul3A_18 = arith.constant 16 : i32
        %mul3A_19 = arith.muli %scan3A_16, %mul3A_18 : i32
        %get3A = arith.index_cast %mul3A_19 : i32 to index
        %get3A_20 = tpu.vector_load %arg7[%get3A] {strides = array<i32>} : memref<2048xi32, #tpu.memory_space<vmem>>, vector<16xi32>,
        %mul3A_21 = arith.constant 16 : i32
        %mul3A_22 = arith.muli %scan3A_16, %mul3A_21 : i32
        %add3A_23 = vector.broadcast %mul3A_22 : i32 to vector<16xi32>
        %add3A_24 = arith.addi %add3A_23, %iota3A : vector<16xi32>
        tpu.vector_store_idx %arg6[%get3A_20], %add3A_24 : memref<4608xi32, #tpu.memory_space<vmem>>[vector<16xi32>], vector<16xi32>,
        %scan3A_25 = arith.constant 0 : i32
        scf.yield %scan3A_25 : i32
      }
      %scan3A_8 = arith.constant 128 : i32
      "tpu.region"() ({
        %run_scoped3A = tpu.sem_alloc : memref<!tpu.dma_semaphore, #tpu.memory_space<semaphore_mem>>
        tpu.enqueue_dma source(%arg3 : memref<2048xi32, #tpu.memory_space<hbm>>) target(%arg7 : memref<2048xi32, #tpu.memory_space<vmem>>) target_semaphore(%run_scoped3A : memref<!tpu.dma_semaphore, #tpu.memory_space<semaphore_mem>>)
        tpu.wait_dma2 semaphore(%run_scoped3A : memref<!tpu.dma_semaphore, #tpu.memory_space<semaphore_mem>>) src(%arg3 : memref<2048xi32, #tpu.memory_space<hbm>>) dst(%arg7 : memref<2048xi32, #tpu.memory_space<vmem>>)
        tpu.yield
      }) : () -> ()
      %scan3A_9 = arith.constant 0 : i32
      %scan3A_10 = arith.constant 0 : i32
      %scan3A_11 = arith.constant 128 : i32
      %scan3A_12 = arith.addi %scan3A_10, %scan3A_11 : i32
      %scan3A_13 = arith.constant 1 : i32
      %scan3A_14 = scf.for %scan3A_16 = %scan3A_10 to %scan3A_12 step %scan3A_13 iter_args(%scan3A_17 = %scan3A_9) -> (i32)  : i32 {
        %mul3A_18 = arith.constant 16 : i32
        %mul3A_19 = arith.muli %scan3A_16, %mul3A_18 : i32
        %get3A = arith.index_cast %mul3A_19 : i32 to index
        %get3A_20 = tpu.vector_load %arg7[%get3A] {strides = array<i32>} : memref<2048xi32, #tpu.memory_space<vmem>>, vector<16xi32>,
        %mul3A_21 = arith.constant 16 : i32
        %mul3A_22 = arith.muli %scan3A_16, %mul3A_21 : i32
        %add3A_23 = vector.broadcast %mul3A_22 : i32 to vector<16xi32>
        %add3A_24 = arith.addi %add3A_23, %iota3A : vector<16xi32>
        tpu.vector_store_idx %arg6[%get3A_20], %add3A_24 : memref<4608xi32, #tpu.memory_space<vmem>>[vector<16xi32>], vector<16xi32>,
        %scan3A_25 = arith.constant 0 : i32
        scf.yield %scan3A_25 : i32
      }
      %scan3A_15 = arith.constant 128 : i32
      "tpu.region"() ({
        %run_scoped3A = tpu.sem_alloc : memref<!tpu.dma_semaphore, #tpu.memory_space<semaphore_mem>>
        tpu.enqueue_dma source(%arg6 : memref<4608xi32, #tpu.memory_space<vmem>>) target(%arg5 : memref<4608xi32, #tpu.memory_space<hbm>>) target_semaphore(%run_scoped3A : memref<!tpu.dma_semaphore, #tpu.memory_space<semaphore_mem>>)
        tpu.wait_dma2 semaphore(%run_scoped3A : memref<!tpu.dma_semaphore, #tpu.memory_space<semaphore_mem>>) src(%arg6 : memref<4608xi32, #tpu.memory_space<vmem>>) dst(%arg5 : memref<4608xi32, #tpu.memory_space<hbm>>)
        tpu.yield
      }) : () -> ()
    } else {
    }
    return
  }
}

#map = affine_map<(d0, d1) -> (0, 0)>
#map1 = affine_map<(d0, d1) -> (0)>
module attributes {stable_mosaic.version = 14 : i64} {
  func.func @gk(%arg0: i32, %arg1: i32, %arg2: memref<4608x512xf32, #tpu.memory_space<hbm>>, %arg3: memref<4096xi32, #tpu.memory_space<hbm>>, %arg4: memref<4096x512xf32, #tpu.memory_space<hbm>>, %arg5: memref<128xi32, #tpu.memory_space<vmem>>, %arg6: memref<4x16x512xf32, #tpu.memory_space<vmem>>, %arg7: memref<!tpu.dma_semaphore, #tpu.memory_space<semaphore_mem>>, %arg8: memref<!tpu.dma_semaphore, #tpu.memory_space<semaphore_mem>>, %arg9: memref<!tpu.dma_semaphore, #tpu.memory_space<semaphore_mem>>, %arg10: memref<!tpu.dma_semaphore, #tpu.memory_space<semaphore_mem>>, %arg11: memref<!tpu.dma_semaphore, #tpu.memory_space<semaphore_mem>>, %arg12: memref<!tpu.dma_semaphore, #tpu.memory_space<semaphore_mem>>, %arg13: memref<!tpu.dma_semaphore, #tpu.memory_space<semaphore_mem>>, %arg14: memref<!tpu.dma_semaphore, #tpu.memory_space<semaphore_mem>>) attributes {dimension_semantics = [#tpu.dimension_semantics<core_parallel>, #tpu.dimension_semantics<subcore_parallel>], iteration_bounds = array<i64: 2, 16>, scalar_prefetch = 0 : i64, scratch_operands = 10 : i64, tpu.core_type = #tpu.core_type<sc_vector_subcore>, window_params = [{transform_indices = #map}, {transform_indices = #map1}, {transform_indices = #map}]} {
    %mul3A = arith.constant 2 : i32
    %mul3A_0 = arith.muli %arg1, %mul3A : i32
    %add3A = arith.addi %mul3A_0, %arg0 : i32
    %mul3A_1 = arith.constant 128 : i32
    %mul3A_2 = arith.muli %add3A, %mul3A_1 : i32
    "tpu.region"() ({
      %run_scoped3A = tpu.sem_alloc : memref<!tpu.dma_semaphore, #tpu.memory_space<semaphore_mem>>
      %dma_start3A_385 = tpu.memref_slice %arg3[%mul3A_2] : memref<4096xi32, #tpu.memory_space<hbm>> -> memref<128xi32, #tpu.memory_space<hbm>>
      %dma_start3A_386 = tpu.memref_slice %arg3[%mul3A_2] : memref<4096xi32, #tpu.memory_space<hbm>> -> memref<128xi32, #tpu.memory_space<hbm>>
      tpu.enqueue_dma source(%dma_start3A_386 : memref<128xi32, #tpu.memory_space<hbm>>) target(%arg5 : memref<128xi32, #tpu.memory_space<vmem>>) target_semaphore(%run_scoped3A : memref<!tpu.dma_semaphore, #tpu.memory_space<semaphore_mem>>)
      %dma_wait3A_387 = tpu.memref_slice %arg3[%mul3A_2] : memref<4096xi32, #tpu.memory_space<hbm>> -> memref<128xi32, #tpu.memory_space<hbm>>
      %dma_wait3A_388 = tpu.memref_slice %arg3[%mul3A_2] : memref<4096xi32, #tpu.memory_space<hbm>> -> memref<128xi32, #tpu.memory_space<hbm>>
      tpu.wait_dma2 semaphore(%run_scoped3A : memref<!tpu.dma_semaphore, #tpu.memory_space<semaphore_mem>>) src(%dma_wait3A_388 : memref<128xi32, #tpu.memory_space<hbm>>) dst(%arg5 : memref<128xi32, #tpu.memory_space<vmem>>)
      tpu.yield
    }) : () -> ()
    %dma_start3A = arith.constant 0 : i32
    %dma_start3A_3 = arith.constant 0 : i32
    %dma_start3A_4 = arith.constant 0 : i32
    %dma_start3A_5 = tpu.memref_slice %arg6[%dma_start3A, %dma_start3A_3, %dma_start3A_4] : memref<4x16x512xf32, #tpu.memory_space<vmem>> -> memref<1x16x512xf32, #tpu.memory_space<vmem>>
    %dma_start3A_6 = tpu.memref_squeeze %dma_start3A_5 : memref<1x16x512xf32, #tpu.memory_space<vmem>> -> memref<16x512xf32, #tpu.memory_space<vmem>>
    %dma_start3A_7 = arith.constant 0 : i32
    %dma_start3A_8 = tpu.memref_slice %arg5[%dma_start3A_7] : memref<128xi32, #tpu.memory_space<vmem>> -> memref<16xi32, #tpu.memory_space<vmem>>
    %dma_start3A_9 = arith.constant 0 : i32
    %dma_start3A_10 = arith.constant 0 : i32
    %dma_start3A_11 = tpu.memref_slice %arg2[%dma_start3A_9, %dma_start3A_10] : memref<4608x512xf32, #tpu.memory_space<hbm>> -> memref<4608x512xf32, #tpu.memory_space<hbm>>
    tpu.enqueue_indirect_dma source(%dma_start3A_11 : memref<4608x512xf32, #tpu.memory_space<hbm>>) target(%dma_start3A_6 : memref<16x512xf32, #tpu.memory_space<vmem>>) offsets(%dma_start3A_8 : memref<16xi32, #tpu.memory_space<vmem>>) semaphore(%arg7 : memref<!tpu.dma_semaphore, #tpu.memory_space<semaphore_mem>>)
    %dma_start3A_12 = arith.constant 1 : i32
    %dma_start3A_13 = arith.constant 0 : i32
    %dma_start3A_14 = arith.constant 0 : i32
    %dma_start3A_15 = tpu.memref_slice %arg6[%dma_start3A_12, %dma_start3A_13, %dma_start3A_14] : memref<4x16x512xf32, #tpu.memory_space<vmem>> -> memref<1x16x512xf32, #tpu.memory_space<vmem>>
    %dma_start3A_16 = tpu.memref_squeeze %dma_start3A_15 : memref<1x16x512xf32, #tpu.memory_space<vmem>> -> memref<16x512xf32, #tpu.memory_space<vmem>>
    %dma_start3A_17 = arith.constant 16 : i32
    %dma_start3A_18 = tpu.memref_slice %arg5[%dma_start3A_17] : memref<128xi32, #tpu.memory_space<vmem>> -> memref<16xi32, #tpu.memory_space<vmem>>
    %dma_start3A_19 = arith.constant 0 : i32
    %dma_start3A_20 = arith.constant 0 : i32
    %dma_start3A_21 = tpu.memref_slice %arg2[%dma_start3A_19, %dma_start3A_20] : memref<4608x512xf32, #tpu.memory_space<hbm>> -> memref<4608x512xf32, #tpu.memory_space<hbm>>
    tpu.enqueue_indirect_dma source(%dma_start3A_21 : memref<4608x512xf32, #tpu.memory_space<hbm>>) target(%dma_start3A_16 : memref<16x512xf32, #tpu.memory_space<vmem>>) offsets(%dma_start3A_18 : memref<16xi32, #tpu.memory_space<vmem>>) semaphore(%arg8 : memref<!tpu.dma_semaphore, #tpu.memory_space<semaphore_mem>>)
    %dma_start3A_22 = arith.constant 2 : i32
    %dma_start3A_23 = arith.constant 0 : i32
    %dma_start3A_24 = arith.constant 0 : i32
    %dma_start3A_25 = tpu.memref_slice %arg6[%dma_start3A_22, %dma_start3A_23, %dma_start3A_24] : memref<4x16x512xf32, #tpu.memory_space<vmem>> -> memref<1x16x512xf32, #tpu.memory_space<vmem>>
    %dma_start3A_26 = tpu.memref_squeeze %dma_start3A_25 : memref<1x16x512xf32, #tpu.memory_space<vmem>> -> memref<16x512xf32, #tpu.memory_space<vmem>>
    %dma_start3A_27 = arith.constant 32 : i32
    %dma_start3A_28 = tpu.memref_slice %arg5[%dma_start3A_27] : memref<128xi32, #tpu.memory_space<vmem>> -> memref<16xi32, #tpu.memory_space<vmem>>
    %dma_start3A_29 = arith.constant 0 : i32
    %dma_start3A_30 = arith.constant 0 : i32
    %dma_start3A_31 = tpu.memref_slice %arg2[%dma_start3A_29, %dma_start3A_30] : memref<4608x512xf32, #tpu.memory_space<hbm>> -> memref<4608x512xf32, #tpu.memory_space<hbm>>
    tpu.enqueue_indirect_dma source(%dma_start3A_31 : memref<4608x512xf32, #tpu.memory_space<hbm>>) target(%dma_start3A_26 : memref<16x512xf32, #tpu.memory_space<vmem>>) offsets(%dma_start3A_28 : memref<16xi32, #tpu.memory_space<vmem>>) semaphore(%arg9 : memref<!tpu.dma_semaphore, #tpu.memory_space<semaphore_mem>>)
    %dma_start3A_32 = arith.constant 3 : i32
    %dma_start3A_33 = arith.constant 0 : i32
    %dma_start3A_34 = arith.constant 0 : i32
    %dma_start3A_35 = tpu.memref_slice %arg6[%dma_start3A_32, %dma_start3A_33, %dma_start3A_34] : memref<4x16x512xf32, #tpu.memory_space<vmem>> -> memref<1x16x512xf32, #tpu.memory_space<vmem>>
    %dma_start3A_36 = tpu.memref_squeeze %dma_start3A_35 : memref<1x16x512xf32, #tpu.memory_space<vmem>> -> memref<16x512xf32, #tpu.memory_space<vmem>>
    %dma_start3A_37 = arith.constant 48 : i32
    %dma_start3A_38 = tpu.memref_slice %arg5[%dma_start3A_37] : memref<128xi32, #tpu.memory_space<vmem>> -> memref<16xi32, #tpu.memory_space<vmem>>
    %dma_start3A_39 = arith.constant 0 : i32
    %dma_start3A_40 = arith.constant 0 : i32
    %dma_start3A_41 = tpu.memref_slice %arg2[%dma_start3A_39, %dma_start3A_40] : memref<4608x512xf32, #tpu.memory_space<hbm>> -> memref<4608x512xf32, #tpu.memory_space<hbm>>
    tpu.enqueue_indirect_dma source(%dma_start3A_41 : memref<4608x512xf32, #tpu.memory_space<hbm>>) target(%dma_start3A_36 : memref<16x512xf32, #tpu.memory_space<vmem>>) offsets(%dma_start3A_38 : memref<16xi32, #tpu.memory_space<vmem>>) semaphore(%arg10 : memref<!tpu.dma_semaphore, #tpu.memory_space<semaphore_mem>>)
    %dma_wait3A = arith.constant 0 : i32
    %dma_wait3A_42 = arith.constant 0 : i32
    %dma_wait3A_43 = arith.constant 0 : i32
    %dma_wait3A_44 = tpu.memref_slice %arg6[%dma_wait3A, %dma_wait3A_42, %dma_wait3A_43] : memref<4x16x512xf32, #tpu.memory_space<vmem>> -> memref<1x16x512xf32, #tpu.memory_space<vmem>>
    %dma_wait3A_45 = tpu.memref_squeeze %dma_wait3A_44 : memref<1x16x512xf32, #tpu.memory_space<vmem>> -> memref<16x512xf32, #tpu.memory_space<vmem>>
    %dma_wait3A_46 = arith.constant 0 : i32
    %dma_wait3A_47 = tpu.memref_slice %arg5[%dma_wait3A_46] : memref<128xi32, #tpu.memory_space<vmem>> -> memref<16xi32, #tpu.memory_space<vmem>>
    %dma_wait3A_48 = arith.constant 0 : i32
    %dma_wait3A_49 = arith.constant 0 : i32
    %dma_wait3A_50 = tpu.memref_slice %arg2[%dma_wait3A_48, %dma_wait3A_49] : memref<4608x512xf32, #tpu.memory_space<hbm>> -> memref<4608x512xf32, #tpu.memory_space<hbm>>
    tpu.wait_indirect_dma semaphore(%arg7 : memref<!tpu.dma_semaphore, #tpu.memory_space<semaphore_mem>>) src(%dma_wait3A_50 : memref<4608x512xf32, #tpu.memory_space<hbm>>) dst(%dma_wait3A_45 : memref<16x512xf32, #tpu.memory_space<vmem>>)
    %add3A_51 = arith.constant 0 : i32
    %add3A_52 = arith.addi %mul3A_2, %add3A_51 : i32
    %dma_start3A_53 = arith.constant 0 : i32
    %dma_start3A_54 = arith.constant 0 : i32
    %dma_start3A_55 = arith.constant 0 : i32
    %dma_start3A_56 = tpu.memref_slice %arg6[%dma_start3A_53, %dma_start3A_54, %dma_start3A_55] : memref<4x16x512xf32, #tpu.memory_space<vmem>> -> memref<1x16x512xf32, #tpu.memory_space<vmem>>
    %dma_start3A_57 = tpu.memref_squeeze %dma_start3A_56 : memref<1x16x512xf32, #tpu.memory_space<vmem>> -> memref<16x512xf32, #tpu.memory_space<vmem>>
    %dma_start3A_58 = arith.constant 0 : i32
    %dma_start3A_59 = tpu.memref_slice %arg4[%add3A_52, %dma_start3A_58] : memref<4096x512xf32, #tpu.memory_space<hbm>> -> memref<16x512xf32, #tpu.memory_space<hbm>>
    %dma_start3A_60 = arith.constant 0 : i32
    %dma_start3A_61 = tpu.memref_slice %arg4[%add3A_52, %dma_start3A_60] : memref<4096x512xf32, #tpu.memory_space<hbm>> -> memref<16x512xf32, #tpu.memory_space<hbm>>
    %dma_start3A_62 = arith.constant 0 : i32
    %dma_start3A_63 = arith.constant 0 : i32
    %dma_start3A_64 = tpu.memref_slice %arg6[%dma_start3A_53, %dma_start3A_62, %dma_start3A_63] : memref<4x16x512xf32, #tpu.memory_space<vmem>> -> memref<1x16x512xf32, #tpu.memory_space<vmem>>
    %dma_start3A_65 = tpu.memref_squeeze %dma_start3A_64 : memref<1x16x512xf32, #tpu.memory_space<vmem>> -> memref<16x512xf32, #tpu.memory_space<vmem>>
    tpu.enqueue_dma source(%dma_start3A_65 : memref<16x512xf32, #tpu.memory_space<vmem>>) target(%dma_start3A_61 : memref<16x512xf32, #tpu.memory_space<hbm>>) target_semaphore(%arg11 : memref<!tpu.dma_semaphore, #tpu.memory_space<semaphore_mem>>)
    %dma_wait3A_66 = arith.constant 0 : i32
    %dma_wait3A_67 = arith.constant 0 : i32
    %dma_wait3A_68 = arith.constant 0 : i32
    %dma_wait3A_69 = tpu.memref_slice %arg6[%dma_wait3A_66, %dma_wait3A_67, %dma_wait3A_68] : memref<4x16x512xf32, #tpu.memory_space<vmem>> -> memref<1x16x512xf32, #tpu.memory_space<vmem>>
    %dma_wait3A_70 = tpu.memref_squeeze %dma_wait3A_69 : memref<1x16x512xf32, #tpu.memory_space<vmem>> -> memref<16x512xf32, #tpu.memory_space<vmem>>
    %dma_wait3A_71 = arith.constant 0 : i32
    %dma_wait3A_72 = tpu.memref_slice %arg4[%add3A_52, %dma_wait3A_71] : memref<4096x512xf32, #tpu.memory_space<hbm>> -> memref<16x512xf32, #tpu.memory_space<hbm>>
    %dma_wait3A_73 = arith.constant 0 : i32
    %dma_wait3A_74 = tpu.memref_slice %arg4[%add3A_52, %dma_wait3A_73] : memref<4096x512xf32, #tpu.memory_space<hbm>> -> memref<16x512xf32, #tpu.memory_space<hbm>>
    %dma_wait3A_75 = arith.constant 0 : i32
    %dma_wait3A_76 = arith.constant 0 : i32
    %dma_wait3A_77 = tpu.memref_slice %arg6[%dma_wait3A_66, %dma_wait3A_75, %dma_wait3A_76] : memref<4x16x512xf32, #tpu.memory_space<vmem>> -> memref<1x16x512xf32, #tpu.memory_space<vmem>>
    %dma_wait3A_78 = tpu.memref_squeeze %dma_wait3A_77 : memref<1x16x512xf32, #tpu.memory_space<vmem>> -> memref<16x512xf32, #tpu.memory_space<vmem>>
    tpu.wait_dma2 semaphore(%arg11 : memref<!tpu.dma_semaphore, #tpu.memory_space<semaphore_mem>>) src(%dma_wait3A_78 : memref<16x512xf32, #tpu.memory_space<vmem>>) dst(%dma_wait3A_74 : memref<16x512xf32, #tpu.memory_space<hbm>>)
    %dma_start3A_79 = arith.constant 0 : i32
    %dma_start3A_80 = arith.constant 0 : i32
    %dma_start3A_81 = arith.constant 0 : i32
    %dma_start3A_82 = tpu.memref_slice %arg6[%dma_start3A_79, %dma_start3A_80, %dma_start3A_81] : memref<4x16x512xf32, #tpu.memory_space<vmem>> -> memref<1x16x512xf32, #tpu.memory_space<vmem>>
    %dma_start3A_83 = tpu.memref_squeeze %dma_start3A_82 : memref<1x16x512xf32, #tpu.memory_space<vmem>> -> memref<16x512xf32, #tpu.memory_space<vmem>>
    %dma_start3A_84 = arith.constant 64 : i32
    %dma_start3A_85 = tpu.memref_slice %arg5[%dma_start3A_84] : memref<128xi32, #tpu.memory_space<vmem>> -> memref<16xi32, #tpu.memory_space<vmem>>
    %dma_start3A_86 = arith.constant 0 : i32
    %dma_start3A_87 = arith.constant 0 : i32
    %dma_start3A_88 = tpu.memref_slice %arg2[%dma_start3A_86, %dma_start3A_87] : memref<4608x512xf32, #tpu.memory_space<hbm>> -> memref<4608x512xf32, #tpu.memory_space<hbm>>
    tpu.enqueue_indirect_dma source(%dma_start3A_88 : memref<4608x512xf32, #tpu.memory_space<hbm>>) target(%dma_start3A_83 : memref<16x512xf32, #tpu.memory_space<vmem>>) offsets(%dma_start3A_85 : memref<16xi32, #tpu.memory_space<vmem>>) semaphore(%arg7 : memref<!tpu.dma_semaphore, #tpu.memory_space<semaphore_mem>>)
    %dma_wait3A_89 = arith.constant 1 : i32
    %dma_wait3A_90 = arith.constant 0 : i32
    %dma_wait3A_91 = arith.constant 0 : i32
    %dma_wait3A_92 = tpu.memref_slice %arg6[%dma_wait3A_89, %dma_wait3A_90, %dma_wait3A_91] : memref<4x16x512xf32, #tpu.memory_space<vmem>> -> memref<1x16x512xf32, #tpu.memory_space<vmem>>
    %dma_wait3A_93 = tpu.memref_squeeze %dma_wait3A_92 : memref<1x16x512xf32, #tpu.memory_space<vmem>> -> memref<16x512xf32, #tpu.memory_space<vmem>>
    %dma_wait3A_94 = arith.constant 16 : i32
    %dma_wait3A_95 = tpu.memref_slice %arg5[%dma_wait3A_94] : memref<128xi32, #tpu.memory_space<vmem>> -> memref<16xi32, #tpu.memory_space<vmem>>
    %dma_wait3A_96 = arith.constant 0 : i32
    %dma_wait3A_97 = arith.constant 0 : i32
    %dma_wait3A_98 = tpu.memref_slice %arg2[%dma_wait3A_96, %dma_wait3A_97] : memref<4608x512xf32, #tpu.memory_space<hbm>> -> memref<4608x512xf32, #tpu.memory_space<hbm>>
    tpu.wait_indirect_dma semaphore(%arg8 : memref<!tpu.dma_semaphore, #tpu.memory_space<semaphore_mem>>) src(%dma_wait3A_98 : memref<4608x512xf32, #tpu.memory_space<hbm>>) dst(%dma_wait3A_93 : memref<16x512xf32, #tpu.memory_space<vmem>>)
    %add3A_99 = arith.constant 16 : i32
    %add3A_100 = arith.addi %mul3A_2, %add3A_99 : i32
    %dma_start3A_101 = arith.constant 1 : i32
    %dma_start3A_102 = arith.constant 0 : i32
    %dma_start3A_103 = arith.constant 0 : i32
    %dma_start3A_104 = tpu.memref_slice %arg6[%dma_start3A_101, %dma_start3A_102, %dma_start3A_103] : memref<4x16x512xf32, #tpu.memory_space<vmem>> -> memref<1x16x512xf32, #tpu.memory_space<vmem>>
    %dma_start3A_105 = tpu.memref_squeeze %dma_start3A_104 : memref<1x16x512xf32, #tpu.memory_space<vmem>> -> memref<16x512xf32, #tpu.memory_space<vmem>>
    %dma_start3A_106 = arith.constant 0 : i32
    %dma_start3A_107 = tpu.memref_slice %arg4[%add3A_100, %dma_start3A_106] : memref<4096x512xf32, #tpu.memory_space<hbm>> -> memref<16x512xf32, #tpu.memory_space<hbm>>
    %dma_start3A_108 = arith.constant 0 : i32
    %dma_start3A_109 = tpu.memref_slice %arg4[%add3A_100, %dma_start3A_108] : memref<4096x512xf32, #tpu.memory_space<hbm>> -> memref<16x512xf32, #tpu.memory_space<hbm>>
    %dma_start3A_110 = arith.constant 0 : i32
    %dma_start3A_111 = arith.constant 0 : i32
    %dma_start3A_112 = tpu.memref_slice %arg6[%dma_start3A_101, %dma_start3A_110, %dma_start3A_111] : memref<4x16x512xf32, #tpu.memory_space<vmem>> -> memref<1x16x512xf32, #tpu.memory_space<vmem>>
    %dma_start3A_113 = tpu.memref_squeeze %dma_start3A_112 : memref<1x16x512xf32, #tpu.memory_space<vmem>> -> memref<16x512xf32, #tpu.memory_space<vmem>>
    tpu.enqueue_dma source(%dma_start3A_113 : memref<16x512xf32, #tpu.memory_space<vmem>>) target(%dma_start3A_109 : memref<16x512xf32, #tpu.memory_space<hbm>>) target_semaphore(%arg12 : memref<!tpu.dma_semaphore, #tpu.memory_space<semaphore_mem>>)
    %dma_wait3A_114 = arith.constant 1 : i32
    %dma_wait3A_115 = arith.constant 0 : i32
    %dma_wait3A_116 = arith.constant 0 : i32
    %dma_wait3A_117 = tpu.memref_slice %arg6[%dma_wait3A_114, %dma_wait3A_115, %dma_wait3A_116] : memref<4x16x512xf32, #tpu.memory_space<vmem>> -> memref<1x16x512xf32, #tpu.memory_space<vmem>>
    %dma_wait3A_118 = tpu.memref_squeeze %dma_wait3A_117 : memref<1x16x512xf32, #tpu.memory_space<vmem>> -> memref<16x512xf32, #tpu.memory_space<vmem>>
    %dma_wait3A_119 = arith.constant 0 : i32
    %dma_wait3A_120 = tpu.memref_slice %arg4[%add3A_100, %dma_wait3A_119] : memref<4096x512xf32, #tpu.memory_space<hbm>> -> memref<16x512xf32, #tpu.memory_space<hbm>>
    %dma_wait3A_121 = arith.constant 0 : i32
    %dma_wait3A_122 = tpu.memref_slice %arg4[%add3A_100, %dma_wait3A_121] : memref<4096x512xf32, #tpu.memory_space<hbm>> -> memref<16x512xf32, #tpu.memory_space<hbm>>
    %dma_wait3A_123 = arith.constant 0 : i32
    %dma_wait3A_124 = arith.constant 0 : i32
    %dma_wait3A_125 = tpu.memref_slice %arg6[%dma_wait3A_114, %dma_wait3A_123, %dma_wait3A_124] : memref<4x16x512xf32, #tpu.memory_space<vmem>> -> memref<1x16x512xf32, #tpu.memory_space<vmem>>
    %dma_wait3A_126 = tpu.memref_squeeze %dma_wait3A_125 : memref<1x16x512xf32, #tpu.memory_space<vmem>> -> memref<16x512xf32, #tpu.memory_space<vmem>>
    tpu.wait_dma2 semaphore(%arg12 : memref<!tpu.dma_semaphore, #tpu.memory_space<semaphore_mem>>) src(%dma_wait3A_126 : memref<16x512xf32, #tpu.memory_space<vmem>>) dst(%dma_wait3A_122 : memref<16x512xf32, #tpu.memory_space<hbm>>)
    %dma_start3A_127 = arith.constant 1 : i32
    %dma_start3A_128 = arith.constant 0 : i32
    %dma_start3A_129 = arith.constant 0 : i32
    %dma_start3A_130 = tpu.memref_slice %arg6[%dma_start3A_127, %dma_start3A_128, %dma_start3A_129] : memref<4x16x512xf32, #tpu.memory_space<vmem>> -> memref<1x16x512xf32, #tpu.memory_space<vmem>>
    %dma_start3A_131 = tpu.memref_squeeze %dma_start3A_130 : memref<1x16x512xf32, #tpu.memory_space<vmem>> -> memref<16x512xf32, #tpu.memory_space<vmem>>
    %dma_start3A_132 = arith.constant 80 : i32
    %dma_start3A_133 = tpu.memref_slice %arg5[%dma_start3A_132] : memref<128xi32, #tpu.memory_space<vmem>> -> memref<16xi32, #tpu.memory_space<vmem>>
    %dma_start3A_134 = arith.constant 0 : i32
    %dma_start3A_135 = arith.constant 0 : i32
    %dma_start3A_136 = tpu.memref_slice %arg2[%dma_start3A_134, %dma_start3A_135] : memref<4608x512xf32, #tpu.memory_space<hbm>> -> memref<4608x512xf32, #tpu.memory_space<hbm>>
    tpu.enqueue_indirect_dma source(%dma_start3A_136 : memref<4608x512xf32, #tpu.memory_space<hbm>>) target(%dma_start3A_131 : memref<16x512xf32, #tpu.memory_space<vmem>>) offsets(%dma_start3A_133 : memref<16xi32, #tpu.memory_space<vmem>>) semaphore(%arg8 : memref<!tpu.dma_semaphore, #tpu.memory_space<semaphore_mem>>)
    %dma_wait3A_137 = arith.constant 2 : i32
    %dma_wait3A_138 = arith.constant 0 : i32
    %dma_wait3A_139 = arith.constant 0 : i32
    %dma_wait3A_140 = tpu.memref_slice %arg6[%dma_wait3A_137, %dma_wait3A_138, %dma_wait3A_139] : memref<4x16x512xf32, #tpu.memory_space<vmem>> -> memref<1x16x512xf32, #tpu.memory_space<vmem>>
    %dma_wait3A_141 = tpu.memref_squeeze %dma_wait3A_140 : memref<1x16x512xf32, #tpu.memory_space<vmem>> -> memref<16x512xf32, #tpu.memory_space<vmem>>
    %dma_wait3A_142 = arith.constant 32 : i32
    %dma_wait3A_143 = tpu.memref_slice %arg5[%dma_wait3A_142] : memref<128xi32, #tpu.memory_space<vmem>> -> memref<16xi32, #tpu.memory_space<vmem>>
    %dma_wait3A_144 = arith.constant 0 : i32
    %dma_wait3A_145 = arith.constant 0 : i32
    %dma_wait3A_146 = tpu.memref_slice %arg2[%dma_wait3A_144, %dma_wait3A_145] : memref<4608x512xf32, #tpu.memory_space<hbm>> -> memref<4608x512xf32, #tpu.memory_space<hbm>>
    tpu.wait_indirect_dma semaphore(%arg9 : memref<!tpu.dma_semaphore, #tpu.memory_space<semaphore_mem>>) src(%dma_wait3A_146 : memref<4608x512xf32, #tpu.memory_space<hbm>>) dst(%dma_wait3A_141 : memref<16x512xf32, #tpu.memory_space<vmem>>)
    %add3A_147 = arith.constant 32 : i32
    %add3A_148 = arith.addi %mul3A_2, %add3A_147 : i32
    %dma_start3A_149 = arith.constant 2 : i32
    %dma_start3A_150 = arith.constant 0 : i32
    %dma_start3A_151 = arith.constant 0 : i32
    %dma_start3A_152 = tpu.memref_slice %arg6[%dma_start3A_149, %dma_start3A_150, %dma_start3A_151] : memref<4x16x512xf32, #tpu.memory_space<vmem>> -> memref<1x16x512xf32, #tpu.memory_space<vmem>>
    %dma_start3A_153 = tpu.memref_squeeze %dma_start3A_152 : memref<1x16x512xf32, #tpu.memory_space<vmem>> -> memref<16x512xf32, #tpu.memory_space<vmem>>
    %dma_start3A_154 = arith.constant 0 : i32
    %dma_start3A_155 = tpu.memref_slice %arg4[%add3A_148, %dma_start3A_154] : memref<4096x512xf32, #tpu.memory_space<hbm>> -> memref<16x512xf32, #tpu.memory_space<hbm>>
    %dma_start3A_156 = arith.constant 0 : i32
    %dma_start3A_157 = tpu.memref_slice %arg4[%add3A_148, %dma_start3A_156] : memref<4096x512xf32, #tpu.memory_space<hbm>> -> memref<16x512xf32, #tpu.memory_space<hbm>>
    %dma_start3A_158 = arith.constant 0 : i32
    %dma_start3A_159 = arith.constant 0 : i32
    %dma_start3A_160 = tpu.memref_slice %arg6[%dma_start3A_149, %dma_start3A_158, %dma_start3A_159] : memref<4x16x512xf32, #tpu.memory_space<vmem>> -> memref<1x16x512xf32, #tpu.memory_space<vmem>>
    %dma_start3A_161 = tpu.memref_squeeze %dma_start3A_160 : memref<1x16x512xf32, #tpu.memory_space<vmem>> -> memref<16x512xf32, #tpu.memory_space<vmem>>
    tpu.enqueue_dma source(%dma_start3A_161 : memref<16x512xf32, #tpu.memory_space<vmem>>) target(%dma_start3A_157 : memref<16x512xf32, #tpu.memory_space<hbm>>) target_semaphore(%arg13 : memref<!tpu.dma_semaphore, #tpu.memory_space<semaphore_mem>>)
    %dma_wait3A_162 = arith.constant 2 : i32
    %dma_wait3A_163 = arith.constant 0 : i32
    %dma_wait3A_164 = arith.constant 0 : i32
    %dma_wait3A_165 = tpu.memref_slice %arg6[%dma_wait3A_162, %dma_wait3A_163, %dma_wait3A_164] : memref<4x16x512xf32, #tpu.memory_space<vmem>> -> memref<1x16x512xf32, #tpu.memory_space<vmem>>
    %dma_wait3A_166 = tpu.memref_squeeze %dma_wait3A_165 : memref<1x16x512xf32, #tpu.memory_space<vmem>> -> memref<16x512xf32, #tpu.memory_space<vmem>>
    %dma_wait3A_167 = arith.constant 0 : i32
    %dma_wait3A_168 = tpu.memref_slice %arg4[%add3A_148, %dma_wait3A_167] : memref<4096x512xf32, #tpu.memory_space<hbm>> -> memref<16x512xf32, #tpu.memory_space<hbm>>
    %dma_wait3A_169 = arith.constant 0 : i32
    %dma_wait3A_170 = tpu.memref_slice %arg4[%add3A_148, %dma_wait3A_169] : memref<4096x512xf32, #tpu.memory_space<hbm>> -> memref<16x512xf32, #tpu.memory_space<hbm>>
    %dma_wait3A_171 = arith.constant 0 : i32
    %dma_wait3A_172 = arith.constant 0 : i32
    %dma_wait3A_173 = tpu.memref_slice %arg6[%dma_wait3A_162, %dma_wait3A_171, %dma_wait3A_172] : memref<4x16x512xf32, #tpu.memory_space<vmem>> -> memref<1x16x512xf32, #tpu.memory_space<vmem>>
    %dma_wait3A_174 = tpu.memref_squeeze %dma_wait3A_173 : memref<1x16x512xf32, #tpu.memory_space<vmem>> -> memref<16x512xf32, #tpu.memory_space<vmem>>
    tpu.wait_dma2 semaphore(%arg13 : memref<!tpu.dma_semaphore, #tpu.memory_space<semaphore_mem>>) src(%dma_wait3A_174 : memref<16x512xf32, #tpu.memory_space<vmem>>) dst(%dma_wait3A_170 : memref<16x512xf32, #tpu.memory_space<hbm>>)
    %dma_start3A_175 = arith.constant 2 : i32
    %dma_start3A_176 = arith.constant 0 : i32
    %dma_start3A_177 = arith.constant 0 : i32
    %dma_start3A_178 = tpu.memref_slice %arg6[%dma_start3A_175, %dma_start3A_176, %dma_start3A_177] : memref<4x16x512xf32, #tpu.memory_space<vmem>> -> memref<1x16x512xf32, #tpu.memory_space<vmem>>
    %dma_start3A_179 = tpu.memref_squeeze %dma_start3A_178 : memref<1x16x512xf32, #tpu.memory_space<vmem>> -> memref<16x512xf32, #tpu.memory_space<vmem>>
    %dma_start3A_180 = arith.constant 96 : i32
    %dma_start3A_181 = tpu.memref_slice %arg5[%dma_start3A_180] : memref<128xi32, #tpu.memory_space<vmem>> -> memref<16xi32, #tpu.memory_space<vmem>>
    %dma_start3A_182 = arith.constant 0 : i32
    %dma_start3A_183 = arith.constant 0 : i32
    %dma_start3A_184 = tpu.memref_slice %arg2[%dma_start3A_182, %dma_start3A_183] : memref<4608x512xf32, #tpu.memory_space<hbm>> -> memref<4608x512xf32, #tpu.memory_space<hbm>>
    tpu.enqueue_indirect_dma source(%dma_start3A_184 : memref<4608x512xf32, #tpu.memory_space<hbm>>) target(%dma_start3A_179 : memref<16x512xf32, #tpu.memory_space<vmem>>) offsets(%dma_start3A_181 : memref<16xi32, #tpu.memory_space<vmem>>) semaphore(%arg9 : memref<!tpu.dma_semaphore, #tpu.memory_space<semaphore_mem>>)
    %dma_wait3A_185 = arith.constant 3 : i32
    %dma_wait3A_186 = arith.constant 0 : i32
    %dma_wait3A_187 = arith.constant 0 : i32
    %dma_wait3A_188 = tpu.memref_slice %arg6[%dma_wait3A_185, %dma_wait3A_186, %dma_wait3A_187] : memref<4x16x512xf32, #tpu.memory_space<vmem>> -> memref<1x16x512xf32, #tpu.memory_space<vmem>>
    %dma_wait3A_189 = tpu.memref_squeeze %dma_wait3A_188 : memref<1x16x512xf32, #tpu.memory_space<vmem>> -> memref<16x512xf32, #tpu.memory_space<vmem>>
    %dma_wait3A_190 = arith.constant 48 : i32
    %dma_wait3A_191 = tpu.memref_slice %arg5[%dma_wait3A_190] : memref<128xi32, #tpu.memory_space<vmem>> -> memref<16xi32, #tpu.memory_space<vmem>>
    %dma_wait3A_192 = arith.constant 0 : i32
    %dma_wait3A_193 = arith.constant 0 : i32
    %dma_wait3A_194 = tpu.memref_slice %arg2[%dma_wait3A_192, %dma_wait3A_193] : memref<4608x512xf32, #tpu.memory_space<hbm>> -> memref<4608x512xf32, #tpu.memory_space<hbm>>
    tpu.wait_indirect_dma semaphore(%arg10 : memref<!tpu.dma_semaphore, #tpu.memory_space<semaphore_mem>>) src(%dma_wait3A_194 : memref<4608x512xf32, #tpu.memory_space<hbm>>) dst(%dma_wait3A_189 : memref<16x512xf32, #tpu.memory_space<vmem>>)
    %add3A_195 = arith.constant 48 : i32
    %add3A_196 = arith.addi %mul3A_2, %add3A_195 : i32
    %dma_start3A_197 = arith.constant 3 : i32
    %dma_start3A_198 = arith.constant 0 : i32
    %dma_start3A_199 = arith.constant 0 : i32
    %dma_start3A_200 = tpu.memref_slice %arg6[%dma_start3A_197, %dma_start3A_198, %dma_start3A_199] : memref<4x16x512xf32, #tpu.memory_space<vmem>> -> memref<1x16x512xf32, #tpu.memory_space<vmem>>
    %dma_start3A_201 = tpu.memref_squeeze %dma_start3A_200 : memref<1x16x512xf32, #tpu.memory_space<vmem>> -> memref<16x512xf32, #tpu.memory_space<vmem>>
    %dma_start3A_202 = arith.constant 0 : i32
    %dma_start3A_203 = tpu.memref_slice %arg4[%add3A_196, %dma_start3A_202] : memref<4096x512xf32, #tpu.memory_space<hbm>> -> memref<16x512xf32, #tpu.memory_space<hbm>>
    %dma_start3A_204 = arith.constant 0 : i32
    %dma_start3A_205 = tpu.memref_slice %arg4[%add3A_196, %dma_start3A_204] : memref<4096x512xf32, #tpu.memory_space<hbm>> -> memref<16x512xf32, #tpu.memory_space<hbm>>
    %dma_start3A_206 = arith.constant 0 : i32
    %dma_start3A_207 = arith.constant 0 : i32
    %dma_start3A_208 = tpu.memref_slice %arg6[%dma_start3A_197, %dma_start3A_206, %dma_start3A_207] : memref<4x16x512xf32, #tpu.memory_space<vmem>> -> memref<1x16x512xf32, #tpu.memory_space<vmem>>
    %dma_start3A_209 = tpu.memref_squeeze %dma_start3A_208 : memref<1x16x512xf32, #tpu.memory_space<vmem>> -> memref<16x512xf32, #tpu.memory_space<vmem>>
    tpu.enqueue_dma source(%dma_start3A_209 : memref<16x512xf32, #tpu.memory_space<vmem>>) target(%dma_start3A_205 : memref<16x512xf32, #tpu.memory_space<hbm>>) target_semaphore(%arg14 : memref<!tpu.dma_semaphore, #tpu.memory_space<semaphore_mem>>)
    %dma_wait3A_210 = arith.constant 3 : i32
    %dma_wait3A_211 = arith.constant 0 : i32
    %dma_wait3A_212 = arith.constant 0 : i32
    %dma_wait3A_213 = tpu.memref_slice %arg6[%dma_wait3A_210, %dma_wait3A_211, %dma_wait3A_212] : memref<4x16x512xf32, #tpu.memory_space<vmem>> -> memref<1x16x512xf32, #tpu.memory_space<vmem>>
    %dma_wait3A_214 = tpu.memref_squeeze %dma_wait3A_213 : memref<1x16x512xf32, #tpu.memory_space<vmem>> -> memref<16x512xf32, #tpu.memory_space<vmem>>
    %dma_wait3A_215 = arith.constant 0 : i32
    %dma_wait3A_216 = tpu.memref_slice %arg4[%add3A_196, %dma_wait3A_215] : memref<4096x512xf32, #tpu.memory_space<hbm>> -> memref<16x512xf32, #tpu.memory_space<hbm>>
    %dma_wait3A_217 = arith.constant 0 : i32
    %dma_wait3A_218 = tpu.memref_slice %arg4[%add3A_196, %dma_wait3A_217] : memref<4096x512xf32, #tpu.memory_space<hbm>> -> memref<16x512xf32, #tpu.memory_space<hbm>>
    %dma_wait3A_219 = arith.constant 0 : i32
    %dma_wait3A_220 = arith.constant 0 : i32
    %dma_wait3A_221 = tpu.memref_slice %arg6[%dma_wait3A_210, %dma_wait3A_219, %dma_wait3A_220] : memref<4x16x512xf32, #tpu.memory_space<vmem>> -> memref<1x16x512xf32, #tpu.memory_space<vmem>>
    %dma_wait3A_222 = tpu.memref_squeeze %dma_wait3A_221 : memref<1x16x512xf32, #tpu.memory_space<vmem>> -> memref<16x512xf32, #tpu.memory_space<vmem>>
    tpu.wait_dma2 semaphore(%arg14 : memref<!tpu.dma_semaphore, #tpu.memory_space<semaphore_mem>>) src(%dma_wait3A_222 : memref<16x512xf32, #tpu.memory_space<vmem>>) dst(%dma_wait3A_218 : memref<16x512xf32, #tpu.memory_space<hbm>>)
    %dma_start3A_223 = arith.constant 3 : i32
    %dma_start3A_224 = arith.constant 0 : i32
    %dma_start3A_225 = arith.constant 0 : i32
    %dma_start3A_226 = tpu.memref_slice %arg6[%dma_start3A_223, %dma_start3A_224, %dma_start3A_225] : memref<4x16x512xf32, #tpu.memory_space<vmem>> -> memref<1x16x512xf32, #tpu.memory_space<vmem>>
    %dma_start3A_227 = tpu.memref_squeeze %dma_start3A_226 : memref<1x16x512xf32, #tpu.memory_space<vmem>> -> memref<16x512xf32, #tpu.memory_space<vmem>>
    %dma_start3A_228 = arith.constant 112 : i32
    %dma_start3A_229 = tpu.memref_slice %arg5[%dma_start3A_228] : memref<128xi32, #tpu.memory_space<vmem>> -> memref<16xi32, #tpu.memory_space<vmem>>
    %dma_start3A_230 = arith.constant 0 : i32
    %dma_start3A_231 = arith.constant 0 : i32
    %dma_start3A_232 = tpu.memref_slice %arg2[%dma_start3A_230, %dma_start3A_231] : memref<4608x512xf32, #tpu.memory_space<hbm>> -> memref<4608x512xf32, #tpu.memory_space<hbm>>
    tpu.enqueue_indirect_dma source(%dma_start3A_232 : memref<4608x512xf32, #tpu.memory_space<hbm>>) target(%dma_start3A_227 : memref<16x512xf32, #tpu.memory_space<vmem>>) offsets(%dma_start3A_229 : memref<16xi32, #tpu.memory_space<vmem>>) semaphore(%arg10 : memref<!tpu.dma_semaphore, #tpu.memory_space<semaphore_mem>>)
    %dma_wait3A_233 = arith.constant 0 : i32
    %dma_wait3A_234 = arith.constant 0 : i32
    %dma_wait3A_235 = arith.constant 0 : i32
    %dma_wait3A_236 = tpu.memref_slice %arg6[%dma_wait3A_233, %dma_wait3A_234, %dma_wait3A_235] : memref<4x16x512xf32, #tpu.memory_space<vmem>> -> memref<1x16x512xf32, #tpu.memory_space<vmem>>
    %dma_wait3A_237 = tpu.memref_squeeze %dma_wait3A_236 : memref<1x16x512xf32, #tpu.memory_space<vmem>> -> memref<16x512xf32, #tpu.memory_space<vmem>>
    %dma_wait3A_238 = arith.constant 64 : i32
    %dma_wait3A_239 = tpu.memref_slice %arg5[%dma_wait3A_238] : memref<128xi32, #tpu.memory_space<vmem>> -> memref<16xi32, #tpu.memory_space<vmem>>
    %dma_wait3A_240 = arith.constant 0 : i32
    %dma_wait3A_241 = arith.constant 0 : i32
    %dma_wait3A_242 = tpu.memref_slice %arg2[%dma_wait3A_240, %dma_wait3A_241] : memref<4608x512xf32, #tpu.memory_space<hbm>> -> memref<4608x512xf32, #tpu.memory_space<hbm>>
    tpu.wait_indirect_dma semaphore(%arg7 : memref<!tpu.dma_semaphore, #tpu.memory_space<semaphore_mem>>) src(%dma_wait3A_242 : memref<4608x512xf32, #tpu.memory_space<hbm>>) dst(%dma_wait3A_237 : memref<16x512xf32, #tpu.memory_space<vmem>>)
    %add3A_243 = arith.constant 64 : i32
    %add3A_244 = arith.addi %mul3A_2, %add3A_243 : i32
    %dma_start3A_245 = arith.constant 0 : i32
    %dma_start3A_246 = arith.constant 0 : i32
    %dma_start3A_247 = arith.constant 0 : i32
    %dma_start3A_248 = tpu.memref_slice %arg6[%dma_start3A_245, %dma_start3A_246, %dma_start3A_247] : memref<4x16x512xf32, #tpu.memory_space<vmem>> -> memref<1x16x512xf32, #tpu.memory_space<vmem>>
    %dma_start3A_249 = tpu.memref_squeeze %dma_start3A_248 : memref<1x16x512xf32, #tpu.memory_space<vmem>> -> memref<16x512xf32, #tpu.memory_space<vmem>>
    %dma_start3A_250 = arith.constant 0 : i32
    %dma_start3A_251 = tpu.memref_slice %arg4[%add3A_244, %dma_start3A_250] : memref<4096x512xf32, #tpu.memory_space<hbm>> -> memref<16x512xf32, #tpu.memory_space<hbm>>
    %dma_start3A_252 = arith.constant 0 : i32
    %dma_start3A_253 = tpu.memref_slice %arg4[%add3A_244, %dma_start3A_252] : memref<4096x512xf32, #tpu.memory_space<hbm>> -> memref<16x512xf32, #tpu.memory_space<hbm>>
    %dma_start3A_254 = arith.constant 0 : i32
    %dma_start3A_255 = arith.constant 0 : i32
    %dma_start3A_256 = tpu.memref_slice %arg6[%dma_start3A_245, %dma_start3A_254, %dma_start3A_255] : memref<4x16x512xf32, #tpu.memory_space<vmem>> -> memref<1x16x512xf32, #tpu.memory_space<vmem>>
    %dma_start3A_257 = tpu.memref_squeeze %dma_start3A_256 : memref<1x16x512xf32, #tpu.memory_space<vmem>> -> memref<16x512xf32, #tpu.memory_space<vmem>>
    tpu.enqueue_dma source(%dma_start3A_257 : memref<16x512xf32, #tpu.memory_space<vmem>>) target(%dma_start3A_253 : memref<16x512xf32, #tpu.memory_space<hbm>>) target_semaphore(%arg11 : memref<!tpu.dma_semaphore, #tpu.memory_space<semaphore_mem>>)
    %dma_wait3A_258 = arith.constant 1 : i32
    %dma_wait3A_259 = arith.constant 0 : i32
    %dma_wait3A_260 = arith.constant 0 : i32
    %dma_wait3A_261 = tpu.memref_slice %arg6[%dma_wait3A_258, %dma_wait3A_259, %dma_wait3A_260] : memref<4x16x512xf32, #tpu.memory_space<vmem>> -> memref<1x16x512xf32, #tpu.memory_space<vmem>>
    %dma_wait3A_262 = tpu.memref_squeeze %dma_wait3A_261 : memref<1x16x512xf32, #tpu.memory_space<vmem>> -> memref<16x512xf32, #tpu.memory_space<vmem>>
    %dma_wait3A_263 = arith.constant 80 : i32
    %dma_wait3A_264 = tpu.memref_slice %arg5[%dma_wait3A_263] : memref<128xi32, #tpu.memory_space<vmem>> -> memref<16xi32, #tpu.memory_space<vmem>>
    %dma_wait3A_265 = arith.constant 0 : i32
    %dma_wait3A_266 = arith.constant 0 : i32
    %dma_wait3A_267 = tpu.memref_slice %arg2[%dma_wait3A_265, %dma_wait3A_266] : memref<4608x512xf32, #tpu.memory_space<hbm>> -> memref<4608x512xf32, #tpu.memory_space<hbm>>
    tpu.wait_indirect_dma semaphore(%arg8 : memref<!tpu.dma_semaphore, #tpu.memory_space<semaphore_mem>>) src(%dma_wait3A_267 : memref<4608x512xf32, #tpu.memory_space<hbm>>) dst(%dma_wait3A_262 : memref<16x512xf32, #tpu.memory_space<vmem>>)
    %add3A_268 = arith.constant 80 : i32
    %add3A_269 = arith.addi %mul3A_2, %add3A_268 : i32
    %dma_start3A_270 = arith.constant 1 : i32
    %dma_start3A_271 = arith.constant 0 : i32
    %dma_start3A_272 = arith.constant 0 : i32
    %dma_start3A_273 = tpu.memref_slice %arg6[%dma_start3A_270, %dma_start3A_271, %dma_start3A_272] : memref<4x16x512xf32, #tpu.memory_space<vmem>> -> memref<1x16x512xf32, #tpu.memory_space<vmem>>
    %dma_start3A_274 = tpu.memref_squeeze %dma_start3A_273 : memref<1x16x512xf32, #tpu.memory_space<vmem>> -> memref<16x512xf32, #tpu.memory_space<vmem>>
    %dma_start3A_275 = arith.constant 0 : i32
    %dma_start3A_276 = tpu.memref_slice %arg4[%add3A_269, %dma_start3A_275] : memref<4096x512xf32, #tpu.memory_space<hbm>> -> memref<16x512xf32, #tpu.memory_space<hbm>>
    %dma_start3A_277 = arith.constant 0 : i32
    %dma_start3A_278 = tpu.memref_slice %arg4[%add3A_269, %dma_start3A_277] : memref<4096x512xf32, #tpu.memory_space<hbm>> -> memref<16x512xf32, #tpu.memory_space<hbm>>
    %dma_start3A_279 = arith.constant 0 : i32
    %dma_start3A_280 = arith.constant 0 : i32
    %dma_start3A_281 = tpu.memref_slice %arg6[%dma_start3A_270, %dma_start3A_279, %dma_start3A_280] : memref<4x16x512xf32, #tpu.memory_space<vmem>> -> memref<1x16x512xf32, #tpu.memory_space<vmem>>
    %dma_start3A_282 = tpu.memref_squeeze %dma_start3A_281 : memref<1x16x512xf32, #tpu.memory_space<vmem>> -> memref<16x512xf32, #tpu.memory_space<vmem>>
    tpu.enqueue_dma source(%dma_start3A_282 : memref<16x512xf32, #tpu.memory_space<vmem>>) target(%dma_start3A_278 : memref<16x512xf32, #tpu.memory_space<hbm>>) target_semaphore(%arg12 : memref<!tpu.dma_semaphore, #tpu.memory_space<semaphore_mem>>)
    %dma_wait3A_283 = arith.constant 2 : i32
    %dma_wait3A_284 = arith.constant 0 : i32
    %dma_wait3A_285 = arith.constant 0 : i32
    %dma_wait3A_286 = tpu.memref_slice %arg6[%dma_wait3A_283, %dma_wait3A_284, %dma_wait3A_285] : memref<4x16x512xf32, #tpu.memory_space<vmem>> -> memref<1x16x512xf32, #tpu.memory_space<vmem>>
    %dma_wait3A_287 = tpu.memref_squeeze %dma_wait3A_286 : memref<1x16x512xf32, #tpu.memory_space<vmem>> -> memref<16x512xf32, #tpu.memory_space<vmem>>
    %dma_wait3A_288 = arith.constant 96 : i32
    %dma_wait3A_289 = tpu.memref_slice %arg5[%dma_wait3A_288] : memref<128xi32, #tpu.memory_space<vmem>> -> memref<16xi32, #tpu.memory_space<vmem>>
    %dma_wait3A_290 = arith.constant 0 : i32
    %dma_wait3A_291 = arith.constant 0 : i32
    %dma_wait3A_292 = tpu.memref_slice %arg2[%dma_wait3A_290, %dma_wait3A_291] : memref<4608x512xf32, #tpu.memory_space<hbm>> -> memref<4608x512xf32, #tpu.memory_space<hbm>>
    tpu.wait_indirect_dma semaphore(%arg9 : memref<!tpu.dma_semaphore, #tpu.memory_space<semaphore_mem>>) src(%dma_wait3A_292 : memref<4608x512xf32, #tpu.memory_space<hbm>>) dst(%dma_wait3A_287 : memref<16x512xf32, #tpu.memory_space<vmem>>)
    %add3A_293 = arith.constant 96 : i32
    %add3A_294 = arith.addi %mul3A_2, %add3A_293 : i32
    %dma_start3A_295 = arith.constant 2 : i32
    %dma_start3A_296 = arith.constant 0 : i32
    %dma_start3A_297 = arith.constant 0 : i32
    %dma_start3A_298 = tpu.memref_slice %arg6[%dma_start3A_295, %dma_start3A_296, %dma_start3A_297] : memref<4x16x512xf32, #tpu.memory_space<vmem>> -> memref<1x16x512xf32, #tpu.memory_space<vmem>>
    %dma_start3A_299 = tpu.memref_squeeze %dma_start3A_298 : memref<1x16x512xf32, #tpu.memory_space<vmem>> -> memref<16x512xf32, #tpu.memory_space<vmem>>
    %dma_start3A_300 = arith.constant 0 : i32
    %dma_start3A_301 = tpu.memref_slice %arg4[%add3A_294, %dma_start3A_300] : memref<4096x512xf32, #tpu.memory_space<hbm>> -> memref<16x512xf32, #tpu.memory_space<hbm>>
    %dma_start3A_302 = arith.constant 0 : i32
    %dma_start3A_303 = tpu.memref_slice %arg4[%add3A_294, %dma_start3A_302] : memref<4096x512xf32, #tpu.memory_space<hbm>> -> memref<16x512xf32, #tpu.memory_space<hbm>>
    %dma_start3A_304 = arith.constant 0 : i32
    %dma_start3A_305 = arith.constant 0 : i32
    %dma_start3A_306 = tpu.memref_slice %arg6[%dma_start3A_295, %dma_start3A_304, %dma_start3A_305] : memref<4x16x512xf32, #tpu.memory_space<vmem>> -> memref<1x16x512xf32, #tpu.memory_space<vmem>>
    %dma_start3A_307 = tpu.memref_squeeze %dma_start3A_306 : memref<1x16x512xf32, #tpu.memory_space<vmem>> -> memref<16x512xf32, #tpu.memory_space<vmem>>
    tpu.enqueue_dma source(%dma_start3A_307 : memref<16x512xf32, #tpu.memory_space<vmem>>) target(%dma_start3A_303 : memref<16x512xf32, #tpu.memory_space<hbm>>) target_semaphore(%arg13 : memref<!tpu.dma_semaphore, #tpu.memory_space<semaphore_mem>>)
    %dma_wait3A_308 = arith.constant 3 : i32
    %dma_wait3A_309 = arith.constant 0 : i32
    %dma_wait3A_310 = arith.constant 0 : i32
    %dma_wait3A_311 = tpu.memref_slice %arg6[%dma_wait3A_308, %dma_wait3A_309, %dma_wait3A_310] : memref<4x16x512xf32, #tpu.memory_space<vmem>> -> memref<1x16x512xf32, #tpu.memory_space<vmem>>
    %dma_wait3A_312 = tpu.memref_squeeze %dma_wait3A_311 : memref<1x16x512xf32, #tpu.memory_space<vmem>> -> memref<16x512xf32, #tpu.memory_space<vmem>>
    %dma_wait3A_313 = arith.constant 112 : i32
    %dma_wait3A_314 = tpu.memref_slice %arg5[%dma_wait3A_313] : memref<128xi32, #tpu.memory_space<vmem>> -> memref<16xi32, #tpu.memory_space<vmem>>
    %dma_wait3A_315 = arith.constant 0 : i32
    %dma_wait3A_316 = arith.constant 0 : i32
    %dma_wait3A_317 = tpu.memref_slice %arg2[%dma_wait3A_315, %dma_wait3A_316] : memref<4608x512xf32, #tpu.memory_space<hbm>> -> memref<4608x512xf32, #tpu.memory_space<hbm>>
    tpu.wait_indirect_dma semaphore(%arg10 : memref<!tpu.dma_semaphore, #tpu.memory_space<semaphore_mem>>) src(%dma_wait3A_317 : memref<4608x512xf32, #tpu.memory_space<hbm>>) dst(%dma_wait3A_312 : memref<16x512xf32, #tpu.memory_space<vmem>>)
    %add3A_318 = arith.constant 112 : i32
    %add3A_319 = arith.addi %mul3A_2, %add3A_318 : i32
    %dma_start3A_320 = arith.constant 3 : i32
    %dma_start3A_321 = arith.constant 0 : i32
    %dma_start3A_322 = arith.constant 0 : i32
    %dma_start3A_323 = tpu.memref_slice %arg6[%dma_start3A_320, %dma_start3A_321, %dma_start3A_322] : memref<4x16x512xf32, #tpu.memory_space<vmem>> -> memref<1x16x512xf32, #tpu.memory_space<vmem>>
    %dma_start3A_324 = tpu.memref_squeeze %dma_start3A_323 : memref<1x16x512xf32, #tpu.memory_space<vmem>> -> memref<16x512xf32, #tpu.memory_space<vmem>>
    %dma_start3A_325 = arith.constant 0 : i32
    %dma_start3A_326 = tpu.memref_slice %arg4[%add3A_319, %dma_start3A_325] : memref<4096x512xf32, #tpu.memory_space<hbm>> -> memref<16x512xf32, #tpu.memory_space<hbm>>
    %dma_start3A_327 = arith.constant 0 : i32
    %dma_start3A_328 = tpu.memref_slice %arg4[%add3A_319, %dma_start3A_327] : memref<4096x512xf32, #tpu.memory_space<hbm>> -> memref<16x512xf32, #tpu.memory_space<hbm>>
    %dma_start3A_329 = arith.constant 0 : i32
    %dma_start3A_330 = arith.constant 0 : i32
    %dma_start3A_331 = tpu.memref_slice %arg6[%dma_start3A_320, %dma_start3A_329, %dma_start3A_330] : memref<4x16x512xf32, #tpu.memory_space<vmem>> -> memref<1x16x512xf32, #tpu.memory_space<vmem>>
    %dma_start3A_332 = tpu.memref_squeeze %dma_start3A_331 : memref<1x16x512xf32, #tpu.memory_space<vmem>> -> memref<16x512xf32, #tpu.memory_space<vmem>>
    tpu.enqueue_dma source(%dma_start3A_332 : memref<16x512xf32, #tpu.memory_space<vmem>>) target(%dma_start3A_328 : memref<16x512xf32, #tpu.memory_space<hbm>>) target_semaphore(%arg14 : memref<!tpu.dma_semaphore, #tpu.memory_space<semaphore_mem>>)
    %dma_wait3A_333 = arith.constant 0 : i32
    %dma_wait3A_334 = arith.constant 0 : i32
    %dma_wait3A_335 = arith.constant 0 : i32
    %dma_wait3A_336 = tpu.memref_slice %arg6[%dma_wait3A_333, %dma_wait3A_334, %dma_wait3A_335] : memref<4x16x512xf32, #tpu.memory_space<vmem>> -> memref<1x16x512xf32, #tpu.memory_space<vmem>>
    %dma_wait3A_337 = tpu.memref_squeeze %dma_wait3A_336 : memref<1x16x512xf32, #tpu.memory_space<vmem>> -> memref<16x512xf32, #tpu.memory_space<vmem>>
    %dma_wait3A_338 = arith.constant 0 : i32
    %dma_wait3A_339 = tpu.memref_slice %arg4[%add3A_244, %dma_wait3A_338] : memref<4096x512xf32, #tpu.memory_space<hbm>> -> memref<16x512xf32, #tpu.memory_space<hbm>>
    %dma_wait3A_340 = arith.constant 0 : i32
    %dma_wait3A_341 = tpu.memref_slice %arg4[%add3A_244, %dma_wait3A_340] : memref<4096x512xf32, #tpu.memory_space<hbm>> -> memref<16x512xf32, #tpu.memory_space<hbm>>
    %dma_wait3A_342 = arith.constant 0 : i32
    %dma_wait3A_343 = arith.constant 0 : i32
    %dma_wait3A_344 = tpu.memref_slice %arg6[%dma_wait3A_333, %dma_wait3A_342, %dma_wait3A_343] : memref<4x16x512xf32, #tpu.memory_space<vmem>> -> memref<1x16x512xf32, #tpu.memory_space<vmem>>
    %dma_wait3A_345 = tpu.memref_squeeze %dma_wait3A_344 : memref<1x16x512xf32, #tpu.memory_space<vmem>> -> memref<16x512xf32, #tpu.memory_space<vmem>>
    tpu.wait_dma2 semaphore(%arg11 : memref<!tpu.dma_semaphore, #tpu.memory_space<semaphore_mem>>) src(%dma_wait3A_345 : memref<16x512xf32, #tpu.memory_space<vmem>>) dst(%dma_wait3A_341 : memref<16x512xf32, #tpu.memory_space<hbm>>)
    %dma_wait3A_346 = arith.constant 1 : i32
    %dma_wait3A_347 = arith.constant 0 : i32
    %dma_wait3A_348 = arith.constant 0 : i32
    %dma_wait3A_349 = tpu.memref_slice %arg6[%dma_wait3A_346, %dma_wait3A_347, %dma_wait3A_348] : memref<4x16x512xf32, #tpu.memory_space<vmem>> -> memref<1x16x512xf32, #tpu.memory_space<vmem>>
    %dma_wait3A_350 = tpu.memref_squeeze %dma_wait3A_349 : memref<1x16x512xf32, #tpu.memory_space<vmem>> -> memref<16x512xf32, #tpu.memory_space<vmem>>
    %dma_wait3A_351 = arith.constant 0 : i32
    %dma_wait3A_352 = tpu.memref_slice %arg4[%add3A_269, %dma_wait3A_351] : memref<4096x512xf32, #tpu.memory_space<hbm>> -> memref<16x512xf32, #tpu.memory_space<hbm>>
    %dma_wait3A_353 = arith.constant 0 : i32
    %dma_wait3A_354 = tpu.memref_slice %arg4[%add3A_269, %dma_wait3A_353] : memref<4096x512xf32, #tpu.memory_space<hbm>> -> memref<16x512xf32, #tpu.memory_space<hbm>>
    %dma_wait3A_355 = arith.constant 0 : i32
    %dma_wait3A_356 = arith.constant 0 : i32
    %dma_wait3A_357 = tpu.memref_slice %arg6[%dma_wait3A_346, %dma_wait3A_355, %dma_wait3A_356] : memref<4x16x512xf32, #tpu.memory_space<vmem>> -> memref<1x16x512xf32, #tpu.memory_space<vmem>>
    %dma_wait3A_358 = tpu.memref_squeeze %dma_wait3A_357 : memref<1x16x512xf32, #tpu.memory_space<vmem>> -> memref<16x512xf32, #tpu.memory_space<vmem>>
    tpu.wait_dma2 semaphore(%arg12 : memref<!tpu.dma_semaphore, #tpu.memory_space<semaphore_mem>>) src(%dma_wait3A_358 : memref<16x512xf32, #tpu.memory_space<vmem>>) dst(%dma_wait3A_354 : memref<16x512xf32, #tpu.memory_space<hbm>>)
    %dma_wait3A_359 = arith.constant 2 : i32
    %dma_wait3A_360 = arith.constant 0 : i32
    %dma_wait3A_361 = arith.constant 0 : i32
    %dma_wait3A_362 = tpu.memref_slice %arg6[%dma_wait3A_359, %dma_wait3A_360, %dma_wait3A_361] : memref<4x16x512xf32, #tpu.memory_space<vmem>> -> memref<1x16x512xf32, #tpu.memory_space<vmem>>
    %dma_wait3A_363 = tpu.memref_squeeze %dma_wait3A_362 : memref<1x16x512xf32, #tpu.memory_space<vmem>> -> memref<16x512xf32, #tpu.memory_space<vmem>>
    %dma_wait3A_364 = arith.constant 0 : i32
    %dma_wait3A_365 = tpu.memref_slice %arg4[%add3A_294, %dma_wait3A_364] : memref<4096x512xf32, #tpu.memory_space<hbm>> -> memref<16x512xf32, #tpu.memory_space<hbm>>
    %dma_wait3A_366 = arith.constant 0 : i32
    %dma_wait3A_367 = tpu.memref_slice %arg4[%add3A_294, %dma_wait3A_366] : memref<4096x512xf32, #tpu.memory_space<hbm>> -> memref<16x512xf32, #tpu.memory_space<hbm>>
    %dma_wait3A_368 = arith.constant 0 : i32
    %dma_wait3A_369 = arith.constant 0 : i32
    %dma_wait3A_370 = tpu.memref_slice %arg6[%dma_wait3A_359, %dma_wait3A_368, %dma_wait3A_369] : memref<4x16x512xf32, #tpu.memory_space<vmem>> -> memref<1x16x512xf32, #tpu.memory_space<vmem>>
    %dma_wait3A_371 = tpu.memref_squeeze %dma_wait3A_370 : memref<1x16x512xf32, #tpu.memory_space<vmem>> -> memref<16x512xf32, #tpu.memory_space<vmem>>
    tpu.wait_dma2 semaphore(%arg13 : memref<!tpu.dma_semaphore, #tpu.memory_space<semaphore_mem>>) src(%dma_wait3A_371 : memref<16x512xf32, #tpu.memory_space<vmem>>) dst(%dma_wait3A_367 : memref<16x512xf32, #tpu.memory_space<hbm>>)
    %dma_wait3A_372 = arith.constant 3 : i32
    %dma_wait3A_373 = arith.constant 0 : i32
    %dma_wait3A_374 = arith.constant 0 : i32
    %dma_wait3A_375 = tpu.memref_slice %arg6[%dma_wait3A_372, %dma_wait3A_373, %dma_wait3A_374] : memref<4x16x512xf32, #tpu.memory_space<vmem>> -> memref<1x16x512xf32, #tpu.memory_space<vmem>>
    %dma_wait3A_376 = tpu.memref_squeeze %dma_wait3A_375 : memref<1x16x512xf32, #tpu.memory_space<vmem>> -> memref<16x512xf32, #tpu.memory_space<vmem>>
    %dma_wait3A_377 = arith.constant 0 : i32
    %dma_wait3A_378 = tpu.memref_slice %arg4[%add3A_319, %dma_wait3A_377] : memref<4096x512xf32, #tpu.memory_space<hbm>> -> memref<16x512xf32, #tpu.memory_space<hbm>>
    %dma_wait3A_379 = arith.constant 0 : i32
    %dma_wait3A_380 = tpu.memref_slice %arg4[%add3A_319, %dma_wait3A_379] : memref<4096x512xf32, #tpu.memory_space<hbm>> -> memref<16x512xf32, #tpu.memory_space<hbm>>
    %dma_wait3A_381 = arith.constant 0 : i32
    %dma_wait3A_382 = arith.constant 0 : i32
    %dma_wait3A_383 = tpu.memref_slice %arg6[%dma_wait3A_372, %dma_wait3A_381, %dma_wait3A_382] : memref<4x16x512xf32, #tpu.memory_space<vmem>> -> memref<1x16x512xf32, #tpu.memory_space<vmem>>
    %dma_wait3A_384 = tpu.memref_squeeze %dma_wait3A_383 : memref<1x16x512xf32, #tpu.memory_space<vmem>> -> memref<16x512xf32, #tpu.memory_space<vmem>>
    tpu.wait_dma2 semaphore(%arg14 : memref<!tpu.dma_semaphore, #tpu.memory_space<semaphore_mem>>) src(%dma_wait3A_384 : memref<16x512xf32, #tpu.memory_space<vmem>>) dst(%dma_wait3A_380 : memref<16x512xf32, #tpu.memory_space<hbm>>)
    return
  }
}

module attributes {stable_mosaic.version = 14 : i64} {
  func.func @_post_body(%arg0: i32, %arg1: memref<16x512x64xf32, #tpu.memory_space<vmem>>, %arg2: memref<512x1024xf32, #tpu.memory_space<vmem>>, %arg3: memref<1024x1024xf32, #tpu.memory_space<vmem>>, %arg4: memref<1024x8xf32, #tpu.memory_space<vmem>>, %arg5: memref<1x1024xf32, #tpu.memory_space<vmem>>, %arg6: memref<1x1024xf32, #tpu.memory_space<vmem>>, %arg7: memref<512x1024xf32, #tpu.memory_space<vmem>>, %arg8: memref<512x512xf32, #tpu.memory_space<vmem>>, %arg9: memref<512x8xf32, #tpu.memory_space<vmem>>) attributes {dimension_semantics = [#tpu.dimension_semantics<arbitrary>], iteration_bounds = array<i64: 4>, scalar_prefetch = 0 : i64, scratch_operands = 0 : i64, tpu.core_type = #tpu.core_type<tc>, window_params = [{transform_indices = @transform_0, window_bounds = array<i64: 16, 512, 64>}, {transform_indices = @transform_1, window_bounds = array<i64: 512, 1024>}, {pipeline_mode = #tpu.pipeline_mode<synchronous>, transform_indices = @transform_2, window_bounds = array<i64: 1024, 1024>}, {pipeline_mode = #tpu.pipeline_mode<synchronous>, transform_indices = @transform_3, window_bounds = array<i64: 1024, 8>}, {pipeline_mode = #tpu.pipeline_mode<synchronous>, transform_indices = @transform_4, window_bounds = array<i64: 1, 1024>}, {pipeline_mode = #tpu.pipeline_mode<synchronous>, transform_indices = @transform_5, window_bounds = array<i64: 1, 1024>}, {transform_indices = @transform_6, window_bounds = array<i64: 512, 1024>}, {transform_indices = @transform_7, window_bounds = array<i64: 512, 512>}, {transform_indices = @transform_8, window_bounds = array<i64: 512, 8>}]} {
    %get3A = arith.constant 0 : index
    %get3A_0 = arith.constant 0 : index
    %get3A_1 = arith.constant 0 : index
    %get3A_2 = vector.load %arg1[%get3A, %get3A_0, %get3A_1] : memref<16x512x64xf32, #tpu.memory_space<vmem>>, vector<1x512x64xf32>
    %get3A_3 = vector.shape_cast %get3A_2 : vector<1x512x64xf32> to vector<512x64xf32>
    %get3A_4 = arith.constant 1 : index
    %get3A_5 = arith.constant 0 : index
    %get3A_6 = arith.constant 0 : index
    %get3A_7 = vector.load %arg1[%get3A_4, %get3A_5, %get3A_6] : memref<16x512x64xf32, #tpu.memory_space<vmem>>, vector<1x512x64xf32>
    %get3A_8 = vector.shape_cast %get3A_7 : vector<1x512x64xf32> to vector<512x64xf32>
    %get3A_9 = arith.constant 2 : index
    %get3A_10 = arith.constant 0 : index
    %get3A_11 = arith.constant 0 : index
    %get3A_12 = vector.load %arg1[%get3A_9, %get3A_10, %get3A_11] : memref<16x512x64xf32, #tpu.memory_space<vmem>>, vector<1x512x64xf32>
    %get3A_13 = vector.shape_cast %get3A_12 : vector<1x512x64xf32> to vector<512x64xf32>
    %get3A_14 = arith.constant 3 : index
    %get3A_15 = arith.constant 0 : index
    %get3A_16 = arith.constant 0 : index
    %get3A_17 = vector.load %arg1[%get3A_14, %get3A_15, %get3A_16] : memref<16x512x64xf32, #tpu.memory_space<vmem>>, vector<1x512x64xf32>
    %get3A_18 = vector.shape_cast %get3A_17 : vector<1x512x64xf32> to vector<512x64xf32>
    %get3A_19 = arith.constant 4 : index
    %get3A_20 = arith.constant 0 : index
    %get3A_21 = arith.constant 0 : index
    %get3A_22 = vector.load %arg1[%get3A_19, %get3A_20, %get3A_21] : memref<16x512x64xf32, #tpu.memory_space<vmem>>, vector<1x512x64xf32>
    %get3A_23 = vector.shape_cast %get3A_22 : vector<1x512x64xf32> to vector<512x64xf32>
    %get3A_24 = arith.constant 5 : index
    %get3A_25 = arith.constant 0 : index
    %get3A_26 = arith.constant 0 : index
    %get3A_27 = vector.load %arg1[%get3A_24, %get3A_25, %get3A_26] : memref<16x512x64xf32, #tpu.memory_space<vmem>>, vector<1x512x64xf32>
    %get3A_28 = vector.shape_cast %get3A_27 : vector<1x512x64xf32> to vector<512x64xf32>
    %get3A_29 = arith.constant 6 : index
    %get3A_30 = arith.constant 0 : index
    %get3A_31 = arith.constant 0 : index
    %get3A_32 = vector.load %arg1[%get3A_29, %get3A_30, %get3A_31] : memref<16x512x64xf32, #tpu.memory_space<vmem>>, vector<1x512x64xf32>
    %get3A_33 = vector.shape_cast %get3A_32 : vector<1x512x64xf32> to vector<512x64xf32>
    %get3A_34 = arith.constant 7 : index
    %get3A_35 = arith.constant 0 : index
    %get3A_36 = arith.constant 0 : index
    %get3A_37 = vector.load %arg1[%get3A_34, %get3A_35, %get3A_36] : memref<16x512x64xf32, #tpu.memory_space<vmem>>, vector<1x512x64xf32>
    %get3A_38 = vector.shape_cast %get3A_37 : vector<1x512x64xf32> to vector<512x64xf32>
    %get3A_39 = arith.constant 8 : index
    %get3A_40 = arith.constant 0 : index
    %get3A_41 = arith.constant 0 : index
    %get3A_42 = vector.load %arg1[%get3A_39, %get3A_40, %get3A_41] : memref<16x512x64xf32, #tpu.memory_space<vmem>>, vector<1x512x64xf32>
    %get3A_43 = vector.shape_cast %get3A_42 : vector<1x512x64xf32> to vector<512x64xf32>
    %get3A_44 = arith.constant 9 : index
    %get3A_45 = arith.constant 0 : index
    %get3A_46 = arith.constant 0 : index
    %get3A_47 = vector.load %arg1[%get3A_44, %get3A_45, %get3A_46] : memref<16x512x64xf32, #tpu.memory_space<vmem>>, vector<1x512x64xf32>
    %get3A_48 = vector.shape_cast %get3A_47 : vector<1x512x64xf32> to vector<512x64xf32>
    %get3A_49 = arith.constant 10 : index
    %get3A_50 = arith.constant 0 : index
    %get3A_51 = arith.constant 0 : index
    %get3A_52 = vector.load %arg1[%get3A_49, %get3A_50, %get3A_51] : memref<16x512x64xf32, #tpu.memory_space<vmem>>, vector<1x512x64xf32>
    %get3A_53 = vector.shape_cast %get3A_52 : vector<1x512x64xf32> to vector<512x64xf32>
    %get3A_54 = arith.constant 11 : index
    %get3A_55 = arith.constant 0 : index
    %get3A_56 = arith.constant 0 : index
    %get3A_57 = vector.load %arg1[%get3A_54, %get3A_55, %get3A_56] : memref<16x512x64xf32, #tpu.memory_space<vmem>>, vector<1x512x64xf32>
    %get3A_58 = vector.shape_cast %get3A_57 : vector<1x512x64xf32> to vector<512x64xf32>
    %get3A_59 = arith.constant 12 : index
    %get3A_60 = arith.constant 0 : index
    %get3A_61 = arith.constant 0 : index
    %get3A_62 = vector.load %arg1[%get3A_59, %get3A_60, %get3A_61] : memref<16x512x64xf32, #tpu.memory_space<vmem>>, vector<1x512x64xf32>
    %get3A_63 = vector.shape_cast %get3A_62 : vector<1x512x64xf32> to vector<512x64xf32>
    %get3A_64 = arith.constant 13 : index
    %get3A_65 = arith.constant 0 : index
    %get3A_66 = arith.constant 0 : index
    %get3A_67 = vector.load %arg1[%get3A_64, %get3A_65, %get3A_66] : memref<16x512x64xf32, #tpu.memory_space<vmem>>, vector<1x512x64xf32>
    %get3A_68 = vector.shape_cast %get3A_67 : vector<1x512x64xf32> to vector<512x64xf32>
    %get3A_69 = arith.constant 14 : index
    %get3A_70 = arith.constant 0 : index
    %get3A_71 = arith.constant 0 : index
    %get3A_72 = vector.load %arg1[%get3A_69, %get3A_70, %get3A_71] : memref<16x512x64xf32, #tpu.memory_space<vmem>>, vector<1x512x64xf32>
    %get3A_73 = vector.shape_cast %get3A_72 : vector<1x512x64xf32> to vector<512x64xf32>
    %get3A_74 = arith.constant 15 : index
    %get3A_75 = arith.constant 0 : index
    %get3A_76 = arith.constant 0 : index
    %get3A_77 = vector.load %arg1[%get3A_74, %get3A_75, %get3A_76] : memref<16x512x64xf32, #tpu.memory_space<vmem>>, vector<1x512x64xf32>
    %get3A_78 = vector.shape_cast %get3A_77 : vector<1x512x64xf32> to vector<512x64xf32>
    %concatenate3A = tpu.concatenate %get3A_3, %get3A_8, %get3A_13, %get3A_18, %get3A_23, %get3A_28, %get3A_33, %get3A_38, %get3A_43, %get3A_48, %get3A_53, %get3A_58, %get3A_63, %get3A_68, %get3A_73, %get3A_78 in 1 : vector<512x64xf32>, vector<512x64xf32>, vector<512x64xf32>, vector<512x64xf32>, vector<512x64xf32>, vector<512x64xf32>, vector<512x64xf32>, vector<512x64xf32>, vector<512x64xf32>, vector<512x64xf32>, vector<512x64xf32>, vector<512x64xf32>, vector<512x64xf32>, vector<512x64xf32>, vector<512x64xf32>, vector<512x64xf32> -> vector<512x1024xf32>
    %get3A_79 = arith.constant 0 : index
    %get3A_80 = arith.constant 0 : index
    %get3A_81 = vector.load %arg2[%get3A_79, %get3A_80] : memref<512x1024xf32, #tpu.memory_space<vmem>>, vector<512x1024xf32>
    %get3A_82 = arith.constant 0 : index
    %get3A_83 = arith.constant 0 : index
    %get3A_84 = vector.load %arg3[%get3A_82, %get3A_83] : memref<1024x1024xf32, #tpu.memory_space<vmem>>, vector<1024x1024xf32>
    %dot_general3A = arith.constant dense<0.000000e+00> : vector<512x1024xf32>
    %dot_general3A_85 = tpu.matmul %concatenate3A, %get3A_84, %dot_general3A {dimension_numbers = #tpu.dot_dimension_numbers<[1], [0], [0], [1], [0, 0, 1, 1], [], []>, transpose_lhs_hint = false} : vector<512x1024xf32>, vector<1024x1024xf32>, vector<512x1024xf32> -> vector<512x1024xf32>
    %add3A = arith.addf %get3A_81, %dot_general3A_85 : vector<512x1024xf32>
    %get3A_86 = arith.constant 0 : index
    %get3A_87 = arith.constant 0 : index
    %get3A_88 = vector.load %arg5[%get3A_86, %get3A_87] : memref<1x1024xf32, #tpu.memory_space<vmem>>, vector<1x1024xf32>
    %get3A_89 = arith.constant 0 : index
    %get3A_90 = arith.constant 0 : index
    %get3A_91 = vector.load %arg6[%get3A_89, %get3A_90] : memref<1x1024xf32, #tpu.memory_space<vmem>>, vector<1x1024xf32>
    %reduce_sum3A = arith.constant dense<0.000000e+00> : vector<512xf32>
    %reduce_sum3A_92 = vector.multi_reduction <add>, %add3A, %reduce_sum3A [1] : vector<512x1024xf32> to vector<512xf32>
    %broadcast_in_dim3A = vector.shape_cast %reduce_sum3A_92 : vector<512xf32> to vector<512x1xf32>
    %div3A = arith.constant 1.024000e+03 : f32
    %div3A_93 = vector.broadcast %div3A : f32 to vector<512x1xf32>
    %div3A_94 = arith.divf %broadcast_in_dim3A, %div3A_93 : vector<512x1xf32>
    %sub3A = vector.broadcast %div3A_94 : vector<512x1xf32> to vector<512x1024xf32>
    %sub3A_95 = arith.subf %add3A, %sub3A : vector<512x1024xf32>
    %integer_pow3A = arith.mulf %sub3A_95, %sub3A_95 : vector<512x1024xf32>
    %reduce_sum3A_96 = arith.constant dense<0.000000e+00> : vector<512xf32>
    %reduce_sum3A_97 = vector.multi_reduction <add>, %integer_pow3A, %reduce_sum3A_96 [1] : vector<512x1024xf32> to vector<512xf32>
    %broadcast_in_dim3A_98 = vector.shape_cast %reduce_sum3A_97 : vector<512xf32> to vector<512x1xf32>
    %div3A_99 = arith.constant 1.024000e+03 : f32
    %div3A_100 = vector.broadcast %div3A_99 : f32 to vector<512x1xf32>
    %div3A_101 = arith.divf %broadcast_in_dim3A_98, %div3A_100 : vector<512x1xf32>
    %sub3A_102 = vector.broadcast %div3A_94 : vector<512x1xf32> to vector<512x1024xf32>
    %sub3A_103 = arith.subf %add3A, %sub3A_102 : vector<512x1024xf32>
    %add3A_104 = arith.constant 9.99999974E-6 : f32
    %add3A_105 = vector.broadcast %add3A_104 : f32 to vector<512x1xf32>
    %add3A_106 = arith.addf %div3A_101, %add3A_105 : vector<512x1xf32>
    %sqrt3A = math.sqrt %add3A_106 : vector<512x1xf32>
    %div3A_107 = vector.broadcast %sqrt3A : vector<512x1xf32> to vector<512x1024xf32>
    %div3A_108 = arith.divf %sub3A_103, %div3A_107 : vector<512x1024xf32>
    %mul3A = vector.broadcast %get3A_88 : vector<1x1024xf32> to vector<512x1024xf32>
    %mul3A_109 = arith.mulf %div3A_108, %mul3A : vector<512x1024xf32>
    %add3A_110 = vector.broadcast %get3A_91 : vector<1x1024xf32> to vector<512x1024xf32>
    %add3A_111 = arith.addf %mul3A_109, %add3A_110 : vector<512x1024xf32>
    %swap3A = arith.constant 0 : index
    %swap3A_112 = arith.constant 0 : index
    %swap3A_113 = vector.load %arg7[%swap3A, %swap3A_112] : memref<512x1024xf32, #tpu.memory_space<vmem>>, vector<512x1024xf32>
    tpu.vector_store %arg7[%swap3A, %swap3A_112], %add3A {strides = array<i32>} : memref<512x1024xf32, #tpu.memory_space<vmem>>, vector<512x1024xf32>,
    %bitcast_convert_type3A = tpu.bitcast %add3A_111 : vector<512x1024xf32> -> vector<512x1024xi32>
    %slice3A = vector.extract_strided_slice %bitcast_convert_type3A {offsets = [0, 512], sizes = [512, 512], strides = [1, 1]} : vector<512x1024xi32> to vector<512x512xi32>
    %and3A = arith.constant -65536 : i32
    %and3A_114 = vector.broadcast %and3A : i32 to vector<512x512xi32>
    %and3A_115 = arith.andi %slice3A, %and3A_114 : vector<512x512xi32>
    %slice3A_116 = vector.extract_strided_slice %bitcast_convert_type3A {offsets = [0, 0], sizes = [512, 512], strides = [1, 1]} : vector<512x1024xi32> to vector<512x512xi32>
    %shift_right_logical3A = arith.constant 16 : i32
    %shift_right_logical3A_117 = vector.broadcast %shift_right_logical3A : i32 to vector<512x512xi32>
    %shift_right_logical3A_118 = arith.shrui %slice3A_116, %shift_right_logical3A_117 : vector<512x512xi32>
    %or3A = arith.ori %and3A_115, %shift_right_logical3A_118 : vector<512x512xi32>
    %bitcast_convert_type3A_119 = tpu.bitcast %or3A : vector<512x512xi32> -> vector<512x512xf32>
    %swap3A_120 = arith.constant 0 : index
    %swap3A_121 = arith.constant 0 : index
    %swap3A_122 = vector.load %arg8[%swap3A_120, %swap3A_121] : memref<512x512xf32, #tpu.memory_space<vmem>>, vector<512x512xf32>
    tpu.vector_store %arg8[%swap3A_120, %swap3A_121], %bitcast_convert_type3A_119 {strides = array<i32>} : memref<512x512xf32, #tpu.memory_space<vmem>>, vector<512x512xf32>,
    %get3A_123 = arith.constant 0 : index
    %get3A_124 = arith.constant 0 : index
    %get3A_125 = vector.load %arg4[%get3A_123, %get3A_124] : memref<1024x8xf32, #tpu.memory_space<vmem>>, vector<1024x8xf32>
    %dot_general3A_126 = arith.constant dense<0.000000e+00> : vector<512x8xf32>
    %dot_general3A_127 = tpu.matmul %add3A_111, %get3A_125, %dot_general3A_126 {dimension_numbers = #tpu.dot_dimension_numbers<[1], [0], [0], [1], [0, 0, 1, 1], [], []>, transpose_lhs_hint = false} : vector<512x1024xf32>, vector<1024x8xf32>, vector<512x8xf32> -> vector<512x8xf32>
    %swap3A_128 = arith.constant 0 : index
    %swap3A_129 = arith.constant 0 : index
    %swap3A_130 = vector.load %arg9[%swap3A_128, %swap3A_129] : memref<512x8xf32, #tpu.memory_space<vmem>>, vector<512x8xf32>
    tpu.vector_store %arg9[%swap3A_128, %swap3A_129], %dot_general3A_127 {strides = array<i32>} : memref<512x8xf32, #tpu.memory_space<vmem>>, vector<512x8xf32>,
    return
  }
  func.func @transform_0(%arg0: i32) -> (i32, i32, i32) {
    %c0_i32 = arith.constant 0 : i32
    %c0_i32_0 = arith.constant 0 : i32
    %c0_i32_1 = arith.constant 0 : i32
    return %c0_i32, %arg0, %c0_i32_0 : i32, i32, i32
  }
  func.func @transform_1(%arg0: i32) -> (i32, i32) {
    %c0_i32 = arith.constant 0 : i32
    %c0_i32_0 = arith.constant 0 : i32
    return %arg0, %c0_i32 : i32, i32
  }
  func.func @transform_2(%arg0: i32) -> (i32, i32) {
    %c0_i32 = arith.constant 0 : i32
    %c0_i32_0 = arith.constant 0 : i32
    %c0_i32_1 = arith.constant 0 : i32
    return %c0_i32, %c0_i32_0 : i32, i32
  }
  func.func @transform_3(%arg0: i32) -> (i32, i32) {
    %c0_i32 = arith.constant 0 : i32
    %c0_i32_0 = arith.constant 0 : i32
    %c0_i32_1 = arith.constant 0 : i32
    return %c0_i32, %c0_i32_0 : i32, i32
  }
  func.func @transform_4(%arg0: i32) -> (i32, i32) {
    %c0_i32 = arith.constant 0 : i32
    %c0_i32_0 = arith.constant 0 : i32
    %c0_i32_1 = arith.constant 0 : i32
    return %c0_i32, %c0_i32_0 : i32, i32
  }
  func.func @transform_5(%arg0: i32) -> (i32, i32) {
    %c0_i32 = arith.constant 0 : i32
    %c0_i32_0 = arith.constant 0 : i32
    %c0_i32_1 = arith.constant 0 : i32
    return %c0_i32, %c0_i32_0 : i32, i32
  }
  func.func @transform_6(%arg0: i32) -> (i32, i32) {
    %c0_i32 = arith.constant 0 : i32
    %c0_i32_0 = arith.constant 0 : i32
    return %arg0, %c0_i32 : i32, i32
  }
  func.func @transform_7(%arg0: i32) -> (i32, i32) {
    %c0_i32 = arith.constant 0 : i32
    %c0_i32_0 = arith.constant 0 : i32
    return %arg0, %c0_i32 : i32, i32
  }
  func.func @transform_8(%arg0: i32) -> (i32, i32) {
    %c0_i32 = arith.constant 0 : i32
    %c0_i32_0 = arith.constant 0 : i32
    return %arg0, %c0_i32 : i32, i32
  }
}

module attributes {stable_mosaic.version = 14 : i64} {
  func.func @_attn_body(%arg0: i32, %arg1: i32, %arg2: memref<1x1024x64xf32, #tpu.memory_space<vmem>>, %arg3: memref<1x2048x64xf32, #tpu.memory_space<vmem>>, %arg4: memref<1x2048x64xf32, #tpu.memory_space<vmem>>, %arg5: memref<1x1024x64xf32, #tpu.memory_space<vmem>>) attributes {dimension_semantics = [#tpu.dimension_semantics<arbitrary>, #tpu.dimension_semantics<arbitrary>], iteration_bounds = array<i64: 16, 2>, scalar_prefetch = 0 : i64, scratch_operands = 0 : i64, tpu.core_type = #tpu.core_type<tc>, window_params = [{transform_indices = @transform_0, window_bounds = array<i64: 1, 1024, 64>}, {transform_indices = @transform_1, window_bounds = array<i64: 1, 2048, 64>}, {transform_indices = @transform_2, window_bounds = array<i64: 1, 2048, 64>}, {transform_indices = @transform_3, window_bounds = array<i64: 1, 1024, 64>}]} {
    %get3A = arith.constant 0 : index
    %get3A_0 = arith.constant 0 : index
    %get3A_1 = arith.constant 0 : index
    %get3A_2 = vector.load %arg2[%get3A, %get3A_0, %get3A_1] : memref<1x1024x64xf32, #tpu.memory_space<vmem>>, vector<1x1024x64xf32>
    %get3A_3 = vector.shape_cast %get3A_2 : vector<1x1024x64xf32> to vector<1024x64xf32>
    %get3A_4 = arith.constant 0 : index
    %get3A_5 = arith.constant 0 : index
    %get3A_6 = arith.constant 0 : index
    %get3A_7 = vector.load %arg3[%get3A_4, %get3A_5, %get3A_6] : memref<1x2048x64xf32, #tpu.memory_space<vmem>>, vector<1x2048x64xf32>
    %get3A_8 = vector.shape_cast %get3A_7 : vector<1x2048x64xf32> to vector<2048x64xf32>
    %dot_general3A = arith.constant dense<0.000000e+00> : vector<1024x2048xf32>
    %dot_general3A_9 = tpu.matmul %get3A_3, %get3A_8, %dot_general3A {dimension_numbers = #tpu.dot_dimension_numbers<[1], [1], [0], [0], [0, 0, 1, 0], [], []>, transpose_lhs_hint = false} : vector<1024x64xf32>, vector<2048x64xf32>, vector<1024x2048xf32> -> vector<1024x2048xf32>
    %mul3A = arith.constant 1.250000e-01 : f32
    %mul3A_10 = vector.broadcast %mul3A : f32 to vector<1024x2048xf32>
    %mul3A_11 = arith.mulf %dot_general3A_9, %mul3A_10 : vector<1024x2048xf32>
    %reduce_max3A = arith.constant dense<0xFF800000> : vector<1024xf32>
    %reduce_max3A_12 = vector.multi_reduction <maximumf>, %mul3A_11, %reduce_max3A [1] : vector<1024x2048xf32> to vector<1024xf32>
    %broadcast_in_dim3A = vector.shape_cast %reduce_max3A_12 : vector<1024xf32> to vector<1024x1xf32>
    %sub3A = vector.broadcast %broadcast_in_dim3A : vector<1024x1xf32> to vector<1024x2048xf32>
    %sub3A_13 = arith.subf %mul3A_11, %sub3A : vector<1024x2048xf32>
    %exp3A = math.exp %sub3A_13 : vector<1024x2048xf32>
    %reduce_sum3A = arith.constant dense<0.000000e+00> : vector<1024xf32>
    %reduce_sum3A_14 = vector.multi_reduction <add>, %exp3A, %reduce_sum3A [1] : vector<1024x2048xf32> to vector<1024xf32>
    %broadcast_in_dim3A_15 = vector.shape_cast %reduce_sum3A_14 : vector<1024xf32> to vector<1024x1xf32>
    %div3A = vector.broadcast %broadcast_in_dim3A_15 : vector<1024x1xf32> to vector<1024x2048xf32>
    %div3A_16 = arith.divf %exp3A, %div3A : vector<1024x2048xf32>
    %get3A_17 = arith.constant 0 : index
    %get3A_18 = arith.constant 0 : index
    %get3A_19 = arith.constant 0 : index
    %get3A_20 = vector.load %arg4[%get3A_17, %get3A_18, %get3A_19] : memref<1x2048x64xf32, #tpu.memory_space<vmem>>, vector<1x2048x64xf32>
    %get3A_21 = vector.shape_cast %get3A_20 : vector<1x2048x64xf32> to vector<2048x64xf32>
    %dot_general3A_22 = arith.constant dense<0.000000e+00> : vector<1024x64xf32>
    %dot_general3A_23 = tpu.matmul %div3A_16, %get3A_21, %dot_general3A_22 {dimension_numbers = #tpu.dot_dimension_numbers<[1], [0], [0], [1], [0, 0, 1, 1], [], []>, transpose_lhs_hint = false} : vector<1024x2048xf32>, vector<2048x64xf32>, vector<1024x64xf32> -> vector<1024x64xf32>
    %swap3A = arith.constant 0 : index
    %swap3A_24 = arith.constant 0 : index
    %swap3A_25 = arith.constant 0 : index
    %swap3A_26 = vector.load %arg5[%swap3A, %swap3A_24, %swap3A_25] : memref<1x1024x64xf32, #tpu.memory_space<vmem>>, vector<1x1024x64xf32>
    %swap3A_27 = vector.shape_cast %swap3A_26 : vector<1x1024x64xf32> to vector<1024x64xf32>
    %swap3A_28 = vector.shape_cast %dot_general3A_23 : vector<1024x64xf32> to vector<1x1024x64xf32>
    tpu.vector_store %arg5[%swap3A, %swap3A_24, %swap3A_25], %swap3A_28 {strides = array<i32>} : memref<1x1024x64xf32, #tpu.memory_space<vmem>>, vector<1x1024x64xf32>,
    return
  }
  func.func @transform_0(%arg0: i32, %arg1: i32) -> (i32, i32, i32) {
    %c0_i32 = arith.constant 0 : i32
    %c0_i32_0 = arith.constant 0 : i32
    return %arg0, %arg1, %c0_i32 : i32, i32, i32
  }
  func.func @transform_1(%arg0: i32, %arg1: i32) -> (i32, i32, i32) {
    %c0_i32 = arith.constant 0 : i32
    %c0_i32_0 = arith.constant 0 : i32
    %c0_i32_1 = arith.constant 0 : i32
    return %arg0, %c0_i32, %c0_i32_0 : i32, i32, i32
  }
  func.func @transform_2(%arg0: i32, %arg1: i32) -> (i32, i32, i32) {
    %c0_i32 = arith.constant 0 : i32
    %c0_i32_0 = arith.constant 0 : i32
    %c0_i32_1 = arith.constant 0 : i32
    return %arg0, %c0_i32, %c0_i32_0 : i32, i32, i32
  }
  func.func @transform_3(%arg0: i32, %arg1: i32) -> (i32, i32, i32) {
    %c0_i32 = arith.constant 0 : i32
    %c0_i32_0 = arith.constant 0 : i32
    return %arg0, %arg1, %c0_i32 : i32, i32, i32
  }
}

module attributes {stable_mosaic.version = 14 : i64} {
  func.func @_qkv_body(%arg0: i32, %arg1: memref<512x1024xf32, #tpu.memory_space<vmem>>, %arg2: memref<1x1024xf32, #tpu.memory_space<vmem>>, %arg3: memref<1x1024xf32, #tpu.memory_space<vmem>>, %arg4: memref<1024x1024xf32, #tpu.memory_space<vmem>>, %arg5: memref<1024x1024xf32, #tpu.memory_space<vmem>>, %arg6: memref<1024x1024xf32, #tpu.memory_space<vmem>>, %arg7: memref<16x512x64xf32, #tpu.memory_space<vmem>>, %arg8: memref<16x512x64xf32, #tpu.memory_space<vmem>>, %arg9: memref<16x512x64xf32, #tpu.memory_space<vmem>>) attributes {dimension_semantics = [#tpu.dimension_semantics<arbitrary>], iteration_bounds = array<i64: 4>, scalar_prefetch = 0 : i64, scratch_operands = 0 : i64, tpu.core_type = #tpu.core_type<tc>, window_params = [{transform_indices = @transform_0, window_bounds = array<i64: 512, 1024>}, {pipeline_mode = #tpu.pipeline_mode<synchronous>, transform_indices = @transform_1, window_bounds = array<i64: 1, 1024>}, {pipeline_mode = #tpu.pipeline_mode<synchronous>, transform_indices = @transform_2, window_bounds = array<i64: 1, 1024>}, {pipeline_mode = #tpu.pipeline_mode<synchronous>, transform_indices = @transform_3, window_bounds = array<i64: 1024, 1024>}, {pipeline_mode = #tpu.pipeline_mode<synchronous>, transform_indices = @transform_4, window_bounds = array<i64: 1024, 1024>}, {pipeline_mode = #tpu.pipeline_mode<synchronous>, transform_indices = @transform_5, window_bounds = array<i64: 1024, 1024>}, {transform_indices = @transform_6, window_bounds = array<i64: 16, 512, 64>}, {transform_indices = @transform_7, window_bounds = array<i64: 16, 512, 64>}, {transform_indices = @transform_8, window_bounds = array<i64: 16, 512, 64>}]} {
    %get3A = arith.constant 0 : index
    %get3A_0 = arith.constant 0 : index
    %get3A_1 = vector.load %arg1[%get3A, %get3A_0] : memref<512x1024xf32, #tpu.memory_space<vmem>>, vector<512x1024xf32>
    %get3A_2 = arith.constant 0 : index
    %get3A_3 = arith.constant 0 : index
    %get3A_4 = vector.load %arg2[%get3A_2, %get3A_3] : memref<1x1024xf32, #tpu.memory_space<vmem>>, vector<1x1024xf32>
    %get3A_5 = arith.constant 0 : index
    %get3A_6 = arith.constant 0 : index
    %get3A_7 = vector.load %arg3[%get3A_5, %get3A_6] : memref<1x1024xf32, #tpu.memory_space<vmem>>, vector<1x1024xf32>
    %reduce_sum3A = arith.constant dense<0.000000e+00> : vector<512xf32>
    %reduce_sum3A_8 = vector.multi_reduction <add>, %get3A_1, %reduce_sum3A [1] : vector<512x1024xf32> to vector<512xf32>
    %broadcast_in_dim3A = vector.shape_cast %reduce_sum3A_8 : vector<512xf32> to vector<512x1xf32>
    %div3A = arith.constant 1.024000e+03 : f32
    %div3A_9 = vector.broadcast %div3A : f32 to vector<512x1xf32>
    %div3A_10 = arith.divf %broadcast_in_dim3A, %div3A_9 : vector<512x1xf32>
    %sub3A = vector.broadcast %div3A_10 : vector<512x1xf32> to vector<512x1024xf32>
    %sub3A_11 = arith.subf %get3A_1, %sub3A : vector<512x1024xf32>
    %integer_pow3A = arith.mulf %sub3A_11, %sub3A_11 : vector<512x1024xf32>
    %reduce_sum3A_12 = arith.constant dense<0.000000e+00> : vector<512xf32>
    %reduce_sum3A_13 = vector.multi_reduction <add>, %integer_pow3A, %reduce_sum3A_12 [1] : vector<512x1024xf32> to vector<512xf32>
    %broadcast_in_dim3A_14 = vector.shape_cast %reduce_sum3A_13 : vector<512xf32> to vector<512x1xf32>
    %div3A_15 = arith.constant 1.024000e+03 : f32
    %div3A_16 = vector.broadcast %div3A_15 : f32 to vector<512x1xf32>
    %div3A_17 = arith.divf %broadcast_in_dim3A_14, %div3A_16 : vector<512x1xf32>
    %sub3A_18 = vector.broadcast %div3A_10 : vector<512x1xf32> to vector<512x1024xf32>
    %sub3A_19 = arith.subf %get3A_1, %sub3A_18 : vector<512x1024xf32>
    %add3A = arith.constant 9.99999974E-6 : f32
    %add3A_20 = vector.broadcast %add3A : f32 to vector<512x1xf32>
    %add3A_21 = arith.addf %div3A_17, %add3A_20 : vector<512x1xf32>
    %sqrt3A = math.sqrt %add3A_21 : vector<512x1xf32>
    %div3A_22 = vector.broadcast %sqrt3A : vector<512x1xf32> to vector<512x1024xf32>
    %div3A_23 = arith.divf %sub3A_19, %div3A_22 : vector<512x1024xf32>
    %mul3A = vector.broadcast %get3A_4 : vector<1x1024xf32> to vector<512x1024xf32>
    %mul3A_24 = arith.mulf %div3A_23, %mul3A : vector<512x1024xf32>
    %add3A_25 = vector.broadcast %get3A_7 : vector<1x1024xf32> to vector<512x1024xf32>
    %add3A_26 = arith.addf %mul3A_24, %add3A_25 : vector<512x1024xf32>
    %get3A_27 = arith.constant 0 : index
    %get3A_28 = arith.constant 0 : index
    %get3A_29 = vector.load %arg4[%get3A_27, %get3A_28] : memref<1024x1024xf32, #tpu.memory_space<vmem>>, vector<1024x1024xf32>
    %dot_general3A = arith.constant dense<0.000000e+00> : vector<512x1024xf32>
    %dot_general3A_30 = tpu.matmul %add3A_26, %get3A_29, %dot_general3A {dimension_numbers = #tpu.dot_dimension_numbers<[1], [0], [0], [1], [0, 0, 1, 1], [], []>, transpose_lhs_hint = false} : vector<512x1024xf32>, vector<1024x1024xf32>, vector<512x1024xf32> -> vector<512x1024xf32>
    %get3A_31 = arith.constant 0 : index
    %get3A_32 = arith.constant 0 : index
    %get3A_33 = vector.load %arg5[%get3A_31, %get3A_32] : memref<1024x1024xf32, #tpu.memory_space<vmem>>, vector<1024x1024xf32>
    %dot_general3A_34 = arith.constant dense<0.000000e+00> : vector<512x1024xf32>
    %dot_general3A_35 = tpu.matmul %add3A_26, %get3A_33, %dot_general3A_34 {dimension_numbers = #tpu.dot_dimension_numbers<[1], [0], [0], [1], [0, 0, 1, 1], [], []>, transpose_lhs_hint = false} : vector<512x1024xf32>, vector<1024x1024xf32>, vector<512x1024xf32> -> vector<512x1024xf32>
    %get3A_36 = arith.constant 0 : index
    %get3A_37 = arith.constant 0 : index
    %get3A_38 = vector.load %arg6[%get3A_36, %get3A_37] : memref<1024x1024xf32, #tpu.memory_space<vmem>>, vector<1024x1024xf32>
    %dot_general3A_39 = arith.constant dense<0.000000e+00> : vector<512x1024xf32>
    %dot_general3A_40 = tpu.matmul %add3A_26, %get3A_38, %dot_general3A_39 {dimension_numbers = #tpu.dot_dimension_numbers<[1], [0], [0], [1], [0, 0, 1, 1], [], []>, transpose_lhs_hint = false} : vector<512x1024xf32>, vector<1024x1024xf32>, vector<512x1024xf32> -> vector<512x1024xf32>
    %slice3A = vector.extract_strided_slice %dot_general3A_30 {offsets = [0, 0], sizes = [512, 64], strides = [1, 1]} : vector<512x1024xf32> to vector<512x64xf32>
    %swap3A = arith.constant 0 : index
    %swap3A_41 = arith.constant 0 : index
    %swap3A_42 = arith.constant 0 : index
    %swap3A_43 = vector.load %arg7[%swap3A, %swap3A_41, %swap3A_42] : memref<16x512x64xf32, #tpu.memory_space<vmem>>, vector<1x512x64xf32>
    %swap3A_44 = vector.shape_cast %swap3A_43 : vector<1x512x64xf32> to vector<512x64xf32>
    %swap3A_45 = vector.shape_cast %slice3A : vector<512x64xf32> to vector<1x512x64xf32>
    tpu.vector_store %arg7[%swap3A, %swap3A_41, %swap3A_42], %swap3A_45 {strides = array<i32>} : memref<16x512x64xf32, #tpu.memory_space<vmem>>, vector<1x512x64xf32>,
    %slice3A_46 = vector.extract_strided_slice %dot_general3A_35 {offsets = [0, 0], sizes = [512, 64], strides = [1, 1]} : vector<512x1024xf32> to vector<512x64xf32>
    %swap3A_47 = arith.constant 0 : index
    %swap3A_48 = arith.constant 0 : index
    %swap3A_49 = arith.constant 0 : index
    %swap3A_50 = vector.load %arg8[%swap3A_47, %swap3A_48, %swap3A_49] : memref<16x512x64xf32, #tpu.memory_space<vmem>>, vector<1x512x64xf32>
    %swap3A_51 = vector.shape_cast %swap3A_50 : vector<1x512x64xf32> to vector<512x64xf32>
    %swap3A_52 = vector.shape_cast %slice3A_46 : vector<512x64xf32> to vector<1x512x64xf32>
    tpu.vector_store %arg8[%swap3A_47, %swap3A_48, %swap3A_49], %swap3A_52 {strides = array<i32>} : memref<16x512x64xf32, #tpu.memory_space<vmem>>, vector<1x512x64xf32>,
    %slice3A_53 = vector.extract_strided_slice %dot_general3A_40 {offsets = [0, 0], sizes = [512, 64], strides = [1, 1]} : vector<512x1024xf32> to vector<512x64xf32>
    %swap3A_54 = arith.constant 0 : index
    %swap3A_55 = arith.constant 0 : index
    %swap3A_56 = arith.constant 0 : index
    %swap3A_57 = vector.load %arg9[%swap3A_54, %swap3A_55, %swap3A_56] : memref<16x512x64xf32, #tpu.memory_space<vmem>>, vector<1x512x64xf32>
    %swap3A_58 = vector.shape_cast %swap3A_57 : vector<1x512x64xf32> to vector<512x64xf32>
    %swap3A_59 = vector.shape_cast %slice3A_53 : vector<512x64xf32> to vector<1x512x64xf32>
    tpu.vector_store %arg9[%swap3A_54, %swap3A_55, %swap3A_56], %swap3A_59 {strides = array<i32>} : memref<16x512x64xf32, #tpu.memory_space<vmem>>, vector<1x512x64xf32>,
    %slice3A_60 = vector.extract_strided_slice %dot_general3A_30 {offsets = [0, 64], sizes = [512, 64], strides = [1, 1]} : vector<512x1024xf32> to vector<512x64xf32>
    %swap3A_61 = arith.constant 1 : index
    %swap3A_62 = arith.constant 0 : index
    %swap3A_63 = arith.constant 0 : index
    %swap3A_64 = vector.load %arg7[%swap3A_61, %swap3A_62, %swap3A_63] : memref<16x512x64xf32, #tpu.memory_space<vmem>>, vector<1x512x64xf32>
    %swap3A_65 = vector.shape_cast %swap3A_64 : vector<1x512x64xf32> to vector<512x64xf32>
    %swap3A_66 = vector.shape_cast %slice3A_60 : vector<512x64xf32> to vector<1x512x64xf32>
    tpu.vector_store %arg7[%swap3A_61, %swap3A_62, %swap3A_63], %swap3A_66 {strides = array<i32>} : memref<16x512x64xf32, #tpu.memory_space<vmem>>, vector<1x512x64xf32>,
    %slice3A_67 = vector.extract_strided_slice %dot_general3A_35 {offsets = [0, 64], sizes = [512, 64], strides = [1, 1]} : vector<512x1024xf32> to vector<512x64xf32>
    %swap3A_68 = arith.constant 1 : index
    %swap3A_69 = arith.constant 0 : index
    %swap3A_70 = arith.constant 0 : index
    %swap3A_71 = vector.load %arg8[%swap3A_68, %swap3A_69, %swap3A_70] : memref<16x512x64xf32, #tpu.memory_space<vmem>>, vector<1x512x64xf32>
    %swap3A_72 = vector.shape_cast %swap3A_71 : vector<1x512x64xf32> to vector<512x64xf32>
    %swap3A_73 = vector.shape_cast %slice3A_67 : vector<512x64xf32> to vector<1x512x64xf32>
    tpu.vector_store %arg8[%swap3A_68, %swap3A_69, %swap3A_70], %swap3A_73 {strides = array<i32>} : memref<16x512x64xf32, #tpu.memory_space<vmem>>, vector<1x512x64xf32>,
    %slice3A_74 = vector.extract_strided_slice %dot_general3A_40 {offsets = [0, 64], sizes = [512, 64], strides = [1, 1]} : vector<512x1024xf32> to vector<512x64xf32>
    %swap3A_75 = arith.constant 1 : index
    %swap3A_76 = arith.constant 0 : index
    %swap3A_77 = arith.constant 0 : index
    %swap3A_78 = vector.load %arg9[%swap3A_75, %swap3A_76, %swap3A_77] : memref<16x512x64xf32, #tpu.memory_space<vmem>>, vector<1x512x64xf32>
    %swap3A_79 = vector.shape_cast %swap3A_78 : vector<1x512x64xf32> to vector<512x64xf32>
    %swap3A_80 = vector.shape_cast %slice3A_74 : vector<512x64xf32> to vector<1x512x64xf32>
    tpu.vector_store %arg9[%swap3A_75, %swap3A_76, %swap3A_77], %swap3A_80 {strides = array<i32>} : memref<16x512x64xf32, #tpu.memory_space<vmem>>, vector<1x512x64xf32>,
    %slice3A_81 = vector.extract_strided_slice %dot_general3A_30 {offsets = [0, 128], sizes = [512, 64], strides = [1, 1]} : vector<512x1024xf32> to vector<512x64xf32>
    %swap3A_82 = arith.constant 2 : index
    %swap3A_83 = arith.constant 0 : index
    %swap3A_84 = arith.constant 0 : index
    %swap3A_85 = vector.load %arg7[%swap3A_82, %swap3A_83, %swap3A_84] : memref<16x512x64xf32, #tpu.memory_space<vmem>>, vector<1x512x64xf32>
    %swap3A_86 = vector.shape_cast %swap3A_85 : vector<1x512x64xf32> to vector<512x64xf32>
    %swap3A_87 = vector.shape_cast %slice3A_81 : vector<512x64xf32> to vector<1x512x64xf32>
    tpu.vector_store %arg7[%swap3A_82, %swap3A_83, %swap3A_84], %swap3A_87 {strides = array<i32>} : memref<16x512x64xf32, #tpu.memory_space<vmem>>, vector<1x512x64xf32>,
    %slice3A_88 = vector.extract_strided_slice %dot_general3A_35 {offsets = [0, 128], sizes = [512, 64], strides = [1, 1]} : vector<512x1024xf32> to vector<512x64xf32>
    %swap3A_89 = arith.constant 2 : index
    %swap3A_90 = arith.constant 0 : index
    %swap3A_91 = arith.constant 0 : index
    %swap3A_92 = vector.load %arg8[%swap3A_89, %swap3A_90, %swap3A_91] : memref<16x512x64xf32, #tpu.memory_space<vmem>>, vector<1x512x64xf32>
    %swap3A_93 = vector.shape_cast %swap3A_92 : vector<1x512x64xf32> to vector<512x64xf32>
    %swap3A_94 = vector.shape_cast %slice3A_88 : vector<512x64xf32> to vector<1x512x64xf32>
    tpu.vector_store %arg8[%swap3A_89, %swap3A_90, %swap3A_91], %swap3A_94 {strides = array<i32>} : memref<16x512x64xf32, #tpu.memory_space<vmem>>, vector<1x512x64xf32>,
    %slice3A_95 = vector.extract_strided_slice %dot_general3A_40 {offsets = [0, 128], sizes = [512, 64], strides = [1, 1]} : vector<512x1024xf32> to vector<512x64xf32>
    %swap3A_96 = arith.constant 2 : index
    %swap3A_97 = arith.constant 0 : index
    %swap3A_98 = arith.constant 0 : index
    %swap3A_99 = vector.load %arg9[%swap3A_96, %swap3A_97, %swap3A_98] : memref<16x512x64xf32, #tpu.memory_space<vmem>>, vector<1x512x64xf32>
    %swap3A_100 = vector.shape_cast %swap3A_99 : vector<1x512x64xf32> to vector<512x64xf32>
    %swap3A_101 = vector.shape_cast %slice3A_95 : vector<512x64xf32> to vector<1x512x64xf32>
    tpu.vector_store %arg9[%swap3A_96, %swap3A_97, %swap3A_98], %swap3A_101 {strides = array<i32>} : memref<16x512x64xf32, #tpu.memory_space<vmem>>, vector<1x512x64xf32>,
    %slice3A_102 = vector.extract_strided_slice %dot_general3A_30 {offsets = [0, 192], sizes = [512, 64], strides = [1, 1]} : vector<512x1024xf32> to vector<512x64xf32>
    %swap3A_103 = arith.constant 3 : index
    %swap3A_104 = arith.constant 0 : index
    %swap3A_105 = arith.constant 0 : index
    %swap3A_106 = vector.load %arg7[%swap3A_103, %swap3A_104, %swap3A_105] : memref<16x512x64xf32, #tpu.memory_space<vmem>>, vector<1x512x64xf32>
    %swap3A_107 = vector.shape_cast %swap3A_106 : vector<1x512x64xf32> to vector<512x64xf32>
    %swap3A_108 = vector.shape_cast %slice3A_102 : vector<512x64xf32> to vector<1x512x64xf32>
    tpu.vector_store %arg7[%swap3A_103, %swap3A_104, %swap3A_105], %swap3A_108 {strides = array<i32>} : memref<16x512x64xf32, #tpu.memory_space<vmem>>, vector<1x512x64xf32>,
    %slice3A_109 = vector.extract_strided_slice %dot_general3A_35 {offsets = [0, 192], sizes = [512, 64], strides = [1, 1]} : vector<512x1024xf32> to vector<512x64xf32>
    %swap3A_110 = arith.constant 3 : index
    %swap3A_111 = arith.constant 0 : index
    %swap3A_112 = arith.constant 0 : index
    %swap3A_113 = vector.load %arg8[%swap3A_110, %swap3A_111, %swap3A_112] : memref<16x512x64xf32, #tpu.memory_space<vmem>>, vector<1x512x64xf32>
    %swap3A_114 = vector.shape_cast %swap3A_113 : vector<1x512x64xf32> to vector<512x64xf32>
    %swap3A_115 = vector.shape_cast %slice3A_109 : vector<512x64xf32> to vector<1x512x64xf32>
    tpu.vector_store %arg8[%swap3A_110, %swap3A_111, %swap3A_112], %swap3A_115 {strides = array<i32>} : memref<16x512x64xf32, #tpu.memory_space<vmem>>, vector<1x512x64xf32>,
    %slice3A_116 = vector.extract_strided_slice %dot_general3A_40 {offsets = [0, 192], sizes = [512, 64], strides = [1, 1]} : vector<512x1024xf32> to vector<512x64xf32>
    %swap3A_117 = arith.constant 3 : index
    %swap3A_118 = arith.constant 0 : index
    %swap3A_119 = arith.constant 0 : index
    %swap3A_120 = vector.load %arg9[%swap3A_117, %swap3A_118, %swap3A_119] : memref<16x512x64xf32, #tpu.memory_space<vmem>>, vector<1x512x64xf32>
    %swap3A_121 = vector.shape_cast %swap3A_120 : vector<1x512x64xf32> to vector<512x64xf32>
    %swap3A_122 = vector.shape_cast %slice3A_116 : vector<512x64xf32> to vector<1x512x64xf32>
    tpu.vector_store %arg9[%swap3A_117, %swap3A_118, %swap3A_119], %swap3A_122 {strides = array<i32>} : memref<16x512x64xf32, #tpu.memory_space<vmem>>, vector<1x512x64xf32>,
    %slice3A_123 = vector.extract_strided_slice %dot_general3A_30 {offsets = [0, 256], sizes = [512, 64], strides = [1, 1]} : vector<512x1024xf32> to vector<512x64xf32>
    %swap3A_124 = arith.constant 4 : index
    %swap3A_125 = arith.constant 0 : index
    %swap3A_126 = arith.constant 0 : index
    %swap3A_127 = vector.load %arg7[%swap3A_124, %swap3A_125, %swap3A_126] : memref<16x512x64xf32, #tpu.memory_space<vmem>>, vector<1x512x64xf32>
    %swap3A_128 = vector.shape_cast %swap3A_127 : vector<1x512x64xf32> to vector<512x64xf32>
    %swap3A_129 = vector.shape_cast %slice3A_123 : vector<512x64xf32> to vector<1x512x64xf32>
    tpu.vector_store %arg7[%swap3A_124, %swap3A_125, %swap3A_126], %swap3A_129 {strides = array<i32>} : memref<16x512x64xf32, #tpu.memory_space<vmem>>, vector<1x512x64xf32>,
    %slice3A_130 = vector.extract_strided_slice %dot_general3A_35 {offsets = [0, 256], sizes = [512, 64], strides = [1, 1]} : vector<512x1024xf32> to vector<512x64xf32>
    %swap3A_131 = arith.constant 4 : index
    %swap3A_132 = arith.constant 0 : index
    %swap3A_133 = arith.constant 0 : index
    %swap3A_134 = vector.load %arg8[%swap3A_131, %swap3A_132, %swap3A_133] : memref<16x512x64xf32, #tpu.memory_space<vmem>>, vector<1x512x64xf32>
    %swap3A_135 = vector.shape_cast %swap3A_134 : vector<1x512x64xf32> to vector<512x64xf32>
    %swap3A_136 = vector.shape_cast %slice3A_130 : vector<512x64xf32> to vector<1x512x64xf32>
    tpu.vector_store %arg8[%swap3A_131, %swap3A_132, %swap3A_133], %swap3A_136 {strides = array<i32>} : memref<16x512x64xf32, #tpu.memory_space<vmem>>, vector<1x512x64xf32>,
    %slice3A_137 = vector.extract_strided_slice %dot_general3A_40 {offsets = [0, 256], sizes = [512, 64], strides = [1, 1]} : vector<512x1024xf32> to vector<512x64xf32>
    %swap3A_138 = arith.constant 4 : index
    %swap3A_139 = arith.constant 0 : index
    %swap3A_140 = arith.constant 0 : index
    %swap3A_141 = vector.load %arg9[%swap3A_138, %swap3A_139, %swap3A_140] : memref<16x512x64xf32, #tpu.memory_space<vmem>>, vector<1x512x64xf32>
    %swap3A_142 = vector.shape_cast %swap3A_141 : vector<1x512x64xf32> to vector<512x64xf32>
    %swap3A_143 = vector.shape_cast %slice3A_137 : vector<512x64xf32> to vector<1x512x64xf32>
    tpu.vector_store %arg9[%swap3A_138, %swap3A_139, %swap3A_140], %swap3A_143 {strides = array<i32>} : memref<16x512x64xf32, #tpu.memory_space<vmem>>, vector<1x512x64xf32>,
    %slice3A_144 = vector.extract_strided_slice %dot_general3A_30 {offsets = [0, 320], sizes = [512, 64], strides = [1, 1]} : vector<512x1024xf32> to vector<512x64xf32>
    %swap3A_145 = arith.constant 5 : index
    %swap3A_146 = arith.constant 0 : index
    %swap3A_147 = arith.constant 0 : index
    %swap3A_148 = vector.load %arg7[%swap3A_145, %swap3A_146, %swap3A_147] : memref<16x512x64xf32, #tpu.memory_space<vmem>>, vector<1x512x64xf32>
    %swap3A_149 = vector.shape_cast %swap3A_148 : vector<1x512x64xf32> to vector<512x64xf32>
    %swap3A_150 = vector.shape_cast %slice3A_144 : vector<512x64xf32> to vector<1x512x64xf32>
    tpu.vector_store %arg7[%swap3A_145, %swap3A_146, %swap3A_147], %swap3A_150 {strides = array<i32>} : memref<16x512x64xf32, #tpu.memory_space<vmem>>, vector<1x512x64xf32>,
    %slice3A_151 = vector.extract_strided_slice %dot_general3A_35 {offsets = [0, 320], sizes = [512, 64], strides = [1, 1]} : vector<512x1024xf32> to vector<512x64xf32>
    %swap3A_152 = arith.constant 5 : index
    %swap3A_153 = arith.constant 0 : index
    %swap3A_154 = arith.constant 0 : index
    %swap3A_155 = vector.load %arg8[%swap3A_152, %swap3A_153, %swap3A_154] : memref<16x512x64xf32, #tpu.memory_space<vmem>>, vector<1x512x64xf32>
    %swap3A_156 = vector.shape_cast %swap3A_155 : vector<1x512x64xf32> to vector<512x64xf32>
    %swap3A_157 = vector.shape_cast %slice3A_151 : vector<512x64xf32> to vector<1x512x64xf32>
    tpu.vector_store %arg8[%swap3A_152, %swap3A_153, %swap3A_154], %swap3A_157 {strides = array<i32>} : memref<16x512x64xf32, #tpu.memory_space<vmem>>, vector<1x512x64xf32>,
    %slice3A_158 = vector.extract_strided_slice %dot_general3A_40 {offsets = [0, 320], sizes = [512, 64], strides = [1, 1]} : vector<512x1024xf32> to vector<512x64xf32>
    %swap3A_159 = arith.constant 5 : index
    %swap3A_160 = arith.constant 0 : index
    %swap3A_161 = arith.constant 0 : index
    %swap3A_162 = vector.load %arg9[%swap3A_159, %swap3A_160, %swap3A_161] : memref<16x512x64xf32, #tpu.memory_space<vmem>>, vector<1x512x64xf32>
    %swap3A_163 = vector.shape_cast %swap3A_162 : vector<1x512x64xf32> to vector<512x64xf32>
    %swap3A_164 = vector.shape_cast %slice3A_158 : vector<512x64xf32> to vector<1x512x64xf32>
    tpu.vector_store %arg9[%swap3A_159, %swap3A_160, %swap3A_161], %swap3A_164 {strides = array<i32>} : memref<16x512x64xf32, #tpu.memory_space<vmem>>, vector<1x512x64xf32>,
    %slice3A_165 = vector.extract_strided_slice %dot_general3A_30 {offsets = [0, 384], sizes = [512, 64], strides = [1, 1]} : vector<512x1024xf32> to vector<512x64xf32>
    %swap3A_166 = arith.constant 6 : index
    %swap3A_167 = arith.constant 0 : index
    %swap3A_168 = arith.constant 0 : index
    %swap3A_169 = vector.load %arg7[%swap3A_166, %swap3A_167, %swap3A_168] : memref<16x512x64xf32, #tpu.memory_space<vmem>>, vector<1x512x64xf32>
    %swap3A_170 = vector.shape_cast %swap3A_169 : vector<1x512x64xf32> to vector<512x64xf32>
    %swap3A_171 = vector.shape_cast %slice3A_165 : vector<512x64xf32> to vector<1x512x64xf32>
    tpu.vector_store %arg7[%swap3A_166, %swap3A_167, %swap3A_168], %swap3A_171 {strides = array<i32>} : memref<16x512x64xf32, #tpu.memory_space<vmem>>, vector<1x512x64xf32>,
    %slice3A_172 = vector.extract_strided_slice %dot_general3A_35 {offsets = [0, 384], sizes = [512, 64], strides = [1, 1]} : vector<512x1024xf32> to vector<512x64xf32>
    %swap3A_173 = arith.constant 6 : index
    %swap3A_174 = arith.constant 0 : index
    %swap3A_175 = arith.constant 0 : index
    %swap3A_176 = vector.load %arg8[%swap3A_173, %swap3A_174, %swap3A_175] : memref<16x512x64xf32, #tpu.memory_space<vmem>>, vector<1x512x64xf32>
    %swap3A_177 = vector.shape_cast %swap3A_176 : vector<1x512x64xf32> to vector<512x64xf32>
    %swap3A_178 = vector.shape_cast %slice3A_172 : vector<512x64xf32> to vector<1x512x64xf32>
    tpu.vector_store %arg8[%swap3A_173, %swap3A_174, %swap3A_175], %swap3A_178 {strides = array<i32>} : memref<16x512x64xf32, #tpu.memory_space<vmem>>, vector<1x512x64xf32>,
    %slice3A_179 = vector.extract_strided_slice %dot_general3A_40 {offsets = [0, 384], sizes = [512, 64], strides = [1, 1]} : vector<512x1024xf32> to vector<512x64xf32>
    %swap3A_180 = arith.constant 6 : index
    %swap3A_181 = arith.constant 0 : index
    %swap3A_182 = arith.constant 0 : index
    %swap3A_183 = vector.load %arg9[%swap3A_180, %swap3A_181, %swap3A_182] : memref<16x512x64xf32, #tpu.memory_space<vmem>>, vector<1x512x64xf32>
    %swap3A_184 = vector.shape_cast %swap3A_183 : vector<1x512x64xf32> to vector<512x64xf32>
    %swap3A_185 = vector.shape_cast %slice3A_179 : vector<512x64xf32> to vector<1x512x64xf32>
    tpu.vector_store %arg9[%swap3A_180, %swap3A_181, %swap3A_182], %swap3A_185 {strides = array<i32>} : memref<16x512x64xf32, #tpu.memory_space<vmem>>, vector<1x512x64xf32>,
    %slice3A_186 = vector.extract_strided_slice %dot_general3A_30 {offsets = [0, 448], sizes = [512, 64], strides = [1, 1]} : vector<512x1024xf32> to vector<512x64xf32>
    %swap3A_187 = arith.constant 7 : index
    %swap3A_188 = arith.constant 0 : index
    %swap3A_189 = arith.constant 0 : index
    %swap3A_190 = vector.load %arg7[%swap3A_187, %swap3A_188, %swap3A_189] : memref<16x512x64xf32, #tpu.memory_space<vmem>>, vector<1x512x64xf32>
    %swap3A_191 = vector.shape_cast %swap3A_190 : vector<1x512x64xf32> to vector<512x64xf32>
    %swap3A_192 = vector.shape_cast %slice3A_186 : vector<512x64xf32> to vector<1x512x64xf32>
    tpu.vector_store %arg7[%swap3A_187, %swap3A_188, %swap3A_189], %swap3A_192 {strides = array<i32>} : memref<16x512x64xf32, #tpu.memory_space<vmem>>, vector<1x512x64xf32>,
    %slice3A_193 = vector.extract_strided_slice %dot_general3A_35 {offsets = [0, 448], sizes = [512, 64], strides = [1, 1]} : vector<512x1024xf32> to vector<512x64xf32>
    %swap3A_194 = arith.constant 7 : index
    %swap3A_195 = arith.constant 0 : index
    %swap3A_196 = arith.constant 0 : index
    %swap3A_197 = vector.load %arg8[%swap3A_194, %swap3A_195, %swap3A_196] : memref<16x512x64xf32, #tpu.memory_space<vmem>>, vector<1x512x64xf32>
    %swap3A_198 = vector.shape_cast %swap3A_197 : vector<1x512x64xf32> to vector<512x64xf32>
    %swap3A_199 = vector.shape_cast %slice3A_193 : vector<512x64xf32> to vector<1x512x64xf32>
    tpu.vector_store %arg8[%swap3A_194, %swap3A_195, %swap3A_196], %swap3A_199 {strides = array<i32>} : memref<16x512x64xf32, #tpu.memory_space<vmem>>, vector<1x512x64xf32>,
    %slice3A_200 = vector.extract_strided_slice %dot_general3A_40 {offsets = [0, 448], sizes = [512, 64], strides = [1, 1]} : vector<512x1024xf32> to vector<512x64xf32>
    %swap3A_201 = arith.constant 7 : index
    %swap3A_202 = arith.constant 0 : index
    %swap3A_203 = arith.constant 0 : index
    %swap3A_204 = vector.load %arg9[%swap3A_201, %swap3A_202, %swap3A_203] : memref<16x512x64xf32, #tpu.memory_space<vmem>>, vector<1x512x64xf32>
    %swap3A_205 = vector.shape_cast %swap3A_204 : vector<1x512x64xf32> to vector<512x64xf32>
    %swap3A_206 = vector.shape_cast %slice3A_200 : vector<512x64xf32> to vector<1x512x64xf32>
    tpu.vector_store %arg9[%swap3A_201, %swap3A_202, %swap3A_203], %swap3A_206 {strides = array<i32>} : memref<16x512x64xf32, #tpu.memory_space<vmem>>, vector<1x512x64xf32>,
    %slice3A_207 = vector.extract_strided_slice %dot_general3A_30 {offsets = [0, 512], sizes = [512, 64], strides = [1, 1]} : vector<512x1024xf32> to vector<512x64xf32>
    %swap3A_208 = arith.constant 8 : index
    %swap3A_209 = arith.constant 0 : index
    %swap3A_210 = arith.constant 0 : index
    %swap3A_211 = vector.load %arg7[%swap3A_208, %swap3A_209, %swap3A_210] : memref<16x512x64xf32, #tpu.memory_space<vmem>>, vector<1x512x64xf32>
    %swap3A_212 = vector.shape_cast %swap3A_211 : vector<1x512x64xf32> to vector<512x64xf32>
    %swap3A_213 = vector.shape_cast %slice3A_207 : vector<512x64xf32> to vector<1x512x64xf32>
    tpu.vector_store %arg7[%swap3A_208, %swap3A_209, %swap3A_210], %swap3A_213 {strides = array<i32>} : memref<16x512x64xf32, #tpu.memory_space<vmem>>, vector<1x512x64xf32>,
    %slice3A_214 = vector.extract_strided_slice %dot_general3A_35 {offsets = [0, 512], sizes = [512, 64], strides = [1, 1]} : vector<512x1024xf32> to vector<512x64xf32>
    %swap3A_215 = arith.constant 8 : index
    %swap3A_216 = arith.constant 0 : index
    %swap3A_217 = arith.constant 0 : index
    %swap3A_218 = vector.load %arg8[%swap3A_215, %swap3A_216, %swap3A_217] : memref<16x512x64xf32, #tpu.memory_space<vmem>>, vector<1x512x64xf32>
    %swap3A_219 = vector.shape_cast %swap3A_218 : vector<1x512x64xf32> to vector<512x64xf32>
    %swap3A_220 = vector.shape_cast %slice3A_214 : vector<512x64xf32> to vector<1x512x64xf32>
    tpu.vector_store %arg8[%swap3A_215, %swap3A_216, %swap3A_217], %swap3A_220 {strides = array<i32>} : memref<16x512x64xf32, #tpu.memory_space<vmem>>, vector<1x512x64xf32>,
    %slice3A_221 = vector.extract_strided_slice %dot_general3A_40 {offsets = [0, 512], sizes = [512, 64], strides = [1, 1]} : vector<512x1024xf32> to vector<512x64xf32>
    %swap3A_222 = arith.constant 8 : index
    %swap3A_223 = arith.constant 0 : index
    %swap3A_224 = arith.constant 0 : index
    %swap3A_225 = vector.load %arg9[%swap3A_222, %swap3A_223, %swap3A_224] : memref<16x512x64xf32, #tpu.memory_space<vmem>>, vector<1x512x64xf32>
    %swap3A_226 = vector.shape_cast %swap3A_225 : vector<1x512x64xf32> to vector<512x64xf32>
    %swap3A_227 = vector.shape_cast %slice3A_221 : vector<512x64xf32> to vector<1x512x64xf32>
    tpu.vector_store %arg9[%swap3A_222, %swap3A_223, %swap3A_224], %swap3A_227 {strides = array<i32>} : memref<16x512x64xf32, #tpu.memory_space<vmem>>, vector<1x512x64xf32>,
    %slice3A_228 = vector.extract_strided_slice %dot_general3A_30 {offsets = [0, 576], sizes = [512, 64], strides = [1, 1]} : vector<512x1024xf32> to vector<512x64xf32>
    %swap3A_229 = arith.constant 9 : index
    %swap3A_230 = arith.constant 0 : index
    %swap3A_231 = arith.constant 0 : index
    %swap3A_232 = vector.load %arg7[%swap3A_229, %swap3A_230, %swap3A_231] : memref<16x512x64xf32, #tpu.memory_space<vmem>>, vector<1x512x64xf32>
    %swap3A_233 = vector.shape_cast %swap3A_232 : vector<1x512x64xf32> to vector<512x64xf32>
    %swap3A_234 = vector.shape_cast %slice3A_228 : vector<512x64xf32> to vector<1x512x64xf32>
    tpu.vector_store %arg7[%swap3A_229, %swap3A_230, %swap3A_231], %swap3A_234 {strides = array<i32>} : memref<16x512x64xf32, #tpu.memory_space<vmem>>, vector<1x512x64xf32>,
    %slice3A_235 = vector.extract_strided_slice %dot_general3A_35 {offsets = [0, 576], sizes = [512, 64], strides = [1, 1]} : vector<512x1024xf32> to vector<512x64xf32>
    %swap3A_236 = arith.constant 9 : index
    %swap3A_237 = arith.constant 0 : index
    %swap3A_238 = arith.constant 0 : index
    %swap3A_239 = vector.load %arg8[%swap3A_236, %swap3A_237, %swap3A_238] : memref<16x512x64xf32, #tpu.memory_space<vmem>>, vector<1x512x64xf32>
    %swap3A_240 = vector.shape_cast %swap3A_239 : vector<1x512x64xf32> to vector<512x64xf32>
    %swap3A_241 = vector.shape_cast %slice3A_235 : vector<512x64xf32> to vector<1x512x64xf32>
    tpu.vector_store %arg8[%swap3A_236, %swap3A_237, %swap3A_238], %swap3A_241 {strides = array<i32>} : memref<16x512x64xf32, #tpu.memory_space<vmem>>, vector<1x512x64xf32>,
    %slice3A_242 = vector.extract_strided_slice %dot_general3A_40 {offsets = [0, 576], sizes = [512, 64], strides = [1, 1]} : vector<512x1024xf32> to vector<512x64xf32>
    %swap3A_243 = arith.constant 9 : index
    %swap3A_244 = arith.constant 0 : index
    %swap3A_245 = arith.constant 0 : index
    %swap3A_246 = vector.load %arg9[%swap3A_243, %swap3A_244, %swap3A_245] : memref<16x512x64xf32, #tpu.memory_space<vmem>>, vector<1x512x64xf32>
    %swap3A_247 = vector.shape_cast %swap3A_246 : vector<1x512x64xf32> to vector<512x64xf32>
    %swap3A_248 = vector.shape_cast %slice3A_242 : vector<512x64xf32> to vector<1x512x64xf32>
    tpu.vector_store %arg9[%swap3A_243, %swap3A_244, %swap3A_245], %swap3A_248 {strides = array<i32>} : memref<16x512x64xf32, #tpu.memory_space<vmem>>, vector<1x512x64xf32>,
    %slice3A_249 = vector.extract_strided_slice %dot_general3A_30 {offsets = [0, 640], sizes = [512, 64], strides = [1, 1]} : vector<512x1024xf32> to vector<512x64xf32>
    %swap3A_250 = arith.constant 10 : index
    %swap3A_251 = arith.constant 0 : index
    %swap3A_252 = arith.constant 0 : index
    %swap3A_253 = vector.load %arg7[%swap3A_250, %swap3A_251, %swap3A_252] : memref<16x512x64xf32, #tpu.memory_space<vmem>>, vector<1x512x64xf32>
    %swap3A_254 = vector.shape_cast %swap3A_253 : vector<1x512x64xf32> to vector<512x64xf32>
    %swap3A_255 = vector.shape_cast %slice3A_249 : vector<512x64xf32> to vector<1x512x64xf32>
    tpu.vector_store %arg7[%swap3A_250, %swap3A_251, %swap3A_252], %swap3A_255 {strides = array<i32>} : memref<16x512x64xf32, #tpu.memory_space<vmem>>, vector<1x512x64xf32>,
    %slice3A_256 = vector.extract_strided_slice %dot_general3A_35 {offsets = [0, 640], sizes = [512, 64], strides = [1, 1]} : vector<512x1024xf32> to vector<512x64xf32>
    %swap3A_257 = arith.constant 10 : index
    %swap3A_258 = arith.constant 0 : index
    %swap3A_259 = arith.constant 0 : index
    %swap3A_260 = vector.load %arg8[%swap3A_257, %swap3A_258, %swap3A_259] : memref<16x512x64xf32, #tpu.memory_space<vmem>>, vector<1x512x64xf32>
    %swap3A_261 = vector.shape_cast %swap3A_260 : vector<1x512x64xf32> to vector<512x64xf32>
    %swap3A_262 = vector.shape_cast %slice3A_256 : vector<512x64xf32> to vector<1x512x64xf32>
    tpu.vector_store %arg8[%swap3A_257, %swap3A_258, %swap3A_259], %swap3A_262 {strides = array<i32>} : memref<16x512x64xf32, #tpu.memory_space<vmem>>, vector<1x512x64xf32>,
    %slice3A_263 = vector.extract_strided_slice %dot_general3A_40 {offsets = [0, 640], sizes = [512, 64], strides = [1, 1]} : vector<512x1024xf32> to vector<512x64xf32>
    %swap3A_264 = arith.constant 10 : index
    %swap3A_265 = arith.constant 0 : index
    %swap3A_266 = arith.constant 0 : index
    %swap3A_267 = vector.load %arg9[%swap3A_264, %swap3A_265, %swap3A_266] : memref<16x512x64xf32, #tpu.memory_space<vmem>>, vector<1x512x64xf32>
    %swap3A_268 = vector.shape_cast %swap3A_267 : vector<1x512x64xf32> to vector<512x64xf32>
    %swap3A_269 = vector.shape_cast %slice3A_263 : vector<512x64xf32> to vector<1x512x64xf32>
    tpu.vector_store %arg9[%swap3A_264, %swap3A_265, %swap3A_266], %swap3A_269 {strides = array<i32>} : memref<16x512x64xf32, #tpu.memory_space<vmem>>, vector<1x512x64xf32>,
    %slice3A_270 = vector.extract_strided_slice %dot_general3A_30 {offsets = [0, 704], sizes = [512, 64], strides = [1, 1]} : vector<512x1024xf32> to vector<512x64xf32>
    %swap3A_271 = arith.constant 11 : index
    %swap3A_272 = arith.constant 0 : index
    %swap3A_273 = arith.constant 0 : index
    %swap3A_274 = vector.load %arg7[%swap3A_271, %swap3A_272, %swap3A_273] : memref<16x512x64xf32, #tpu.memory_space<vmem>>, vector<1x512x64xf32>
    %swap3A_275 = vector.shape_cast %swap3A_274 : vector<1x512x64xf32> to vector<512x64xf32>
    %swap3A_276 = vector.shape_cast %slice3A_270 : vector<512x64xf32> to vector<1x512x64xf32>
    tpu.vector_store %arg7[%swap3A_271, %swap3A_272, %swap3A_273], %swap3A_276 {strides = array<i32>} : memref<16x512x64xf32, #tpu.memory_space<vmem>>, vector<1x512x64xf32>,
    %slice3A_277 = vector.extract_strided_slice %dot_general3A_35 {offsets = [0, 704], sizes = [512, 64], strides = [1, 1]} : vector<512x1024xf32> to vector<512x64xf32>
    %swap3A_278 = arith.constant 11 : index
    %swap3A_279 = arith.constant 0 : index
    %swap3A_280 = arith.constant 0 : index
    %swap3A_281 = vector.load %arg8[%swap3A_278, %swap3A_279, %swap3A_280] : memref<16x512x64xf32, #tpu.memory_space<vmem>>, vector<1x512x64xf32>
    %swap3A_282 = vector.shape_cast %swap3A_281 : vector<1x512x64xf32> to vector<512x64xf32>
    %swap3A_283 = vector.shape_cast %slice3A_277 : vector<512x64xf32> to vector<1x512x64xf32>
    tpu.vector_store %arg8[%swap3A_278, %swap3A_279, %swap3A_280], %swap3A_283 {strides = array<i32>} : memref<16x512x64xf32, #tpu.memory_space<vmem>>, vector<1x512x64xf32>,
    %slice3A_284 = vector.extract_strided_slice %dot_general3A_40 {offsets = [0, 704], sizes = [512, 64], strides = [1, 1]} : vector<512x1024xf32> to vector<512x64xf32>
    %swap3A_285 = arith.constant 11 : index
    %swap3A_286 = arith.constant 0 : index
    %swap3A_287 = arith.constant 0 : index
    %swap3A_288 = vector.load %arg9[%swap3A_285, %swap3A_286, %swap3A_287] : memref<16x512x64xf32, #tpu.memory_space<vmem>>, vector<1x512x64xf32>
    %swap3A_289 = vector.shape_cast %swap3A_288 : vector<1x512x64xf32> to vector<512x64xf32>
    %swap3A_290 = vector.shape_cast %slice3A_284 : vector<512x64xf32> to vector<1x512x64xf32>
    tpu.vector_store %arg9[%swap3A_285, %swap3A_286, %swap3A_287], %swap3A_290 {strides = array<i32>} : memref<16x512x64xf32, #tpu.memory_space<vmem>>, vector<1x512x64xf32>,
    %slice3A_291 = vector.extract_strided_slice %dot_general3A_30 {offsets = [0, 768], sizes = [512, 64], strides = [1, 1]} : vector<512x1024xf32> to vector<512x64xf32>
    %swap3A_292 = arith.constant 12 : index
    %swap3A_293 = arith.constant 0 : index
    %swap3A_294 = arith.constant 0 : index
    %swap3A_295 = vector.load %arg7[%swap3A_292, %swap3A_293, %swap3A_294] : memref<16x512x64xf32, #tpu.memory_space<vmem>>, vector<1x512x64xf32>
    %swap3A_296 = vector.shape_cast %swap3A_295 : vector<1x512x64xf32> to vector<512x64xf32>
    %swap3A_297 = vector.shape_cast %slice3A_291 : vector<512x64xf32> to vector<1x512x64xf32>
    tpu.vector_store %arg7[%swap3A_292, %swap3A_293, %swap3A_294], %swap3A_297 {strides = array<i32>} : memref<16x512x64xf32, #tpu.memory_space<vmem>>, vector<1x512x64xf32>,
    %slice3A_298 = vector.extract_strided_slice %dot_general3A_35 {offsets = [0, 768], sizes = [512, 64], strides = [1, 1]} : vector<512x1024xf32> to vector<512x64xf32>
    %swap3A_299 = arith.constant 12 : index
    %swap3A_300 = arith.constant 0 : index
    %swap3A_301 = arith.constant 0 : index
    %swap3A_302 = vector.load %arg8[%swap3A_299, %swap3A_300, %swap3A_301] : memref<16x512x64xf32, #tpu.memory_space<vmem>>, vector<1x512x64xf32>
    %swap3A_303 = vector.shape_cast %swap3A_302 : vector<1x512x64xf32> to vector<512x64xf32>
    %swap3A_304 = vector.shape_cast %slice3A_298 : vector<512x64xf32> to vector<1x512x64xf32>
    tpu.vector_store %arg8[%swap3A_299, %swap3A_300, %swap3A_301], %swap3A_304 {strides = array<i32>} : memref<16x512x64xf32, #tpu.memory_space<vmem>>, vector<1x512x64xf32>,
    %slice3A_305 = vector.extract_strided_slice %dot_general3A_40 {offsets = [0, 768], sizes = [512, 64], strides = [1, 1]} : vector<512x1024xf32> to vector<512x64xf32>
    %swap3A_306 = arith.constant 12 : index
    %swap3A_307 = arith.constant 0 : index
    %swap3A_308 = arith.constant 0 : index
    %swap3A_309 = vector.load %arg9[%swap3A_306, %swap3A_307, %swap3A_308] : memref<16x512x64xf32, #tpu.memory_space<vmem>>, vector<1x512x64xf32>
    %swap3A_310 = vector.shape_cast %swap3A_309 : vector<1x512x64xf32> to vector<512x64xf32>
    %swap3A_311 = vector.shape_cast %slice3A_305 : vector<512x64xf32> to vector<1x512x64xf32>
    tpu.vector_store %arg9[%swap3A_306, %swap3A_307, %swap3A_308], %swap3A_311 {strides = array<i32>} : memref<16x512x64xf32, #tpu.memory_space<vmem>>, vector<1x512x64xf32>,
    %slice3A_312 = vector.extract_strided_slice %dot_general3A_30 {offsets = [0, 832], sizes = [512, 64], strides = [1, 1]} : vector<512x1024xf32> to vector<512x64xf32>
    %swap3A_313 = arith.constant 13 : index
    %swap3A_314 = arith.constant 0 : index
    %swap3A_315 = arith.constant 0 : index
    %swap3A_316 = vector.load %arg7[%swap3A_313, %swap3A_314, %swap3A_315] : memref<16x512x64xf32, #tpu.memory_space<vmem>>, vector<1x512x64xf32>
    %swap3A_317 = vector.shape_cast %swap3A_316 : vector<1x512x64xf32> to vector<512x64xf32>
    %swap3A_318 = vector.shape_cast %slice3A_312 : vector<512x64xf32> to vector<1x512x64xf32>
    tpu.vector_store %arg7[%swap3A_313, %swap3A_314, %swap3A_315], %swap3A_318 {strides = array<i32>} : memref<16x512x64xf32, #tpu.memory_space<vmem>>, vector<1x512x64xf32>,
    %slice3A_319 = vector.extract_strided_slice %dot_general3A_35 {offsets = [0, 832], sizes = [512, 64], strides = [1, 1]} : vector<512x1024xf32> to vector<512x64xf32>
    %swap3A_320 = arith.constant 13 : index
    %swap3A_321 = arith.constant 0 : index
    %swap3A_322 = arith.constant 0 : index
    %swap3A_323 = vector.load %arg8[%swap3A_320, %swap3A_321, %swap3A_322] : memref<16x512x64xf32, #tpu.memory_space<vmem>>, vector<1x512x64xf32>
    %swap3A_324 = vector.shape_cast %swap3A_323 : vector<1x512x64xf32> to vector<512x64xf32>
    %swap3A_325 = vector.shape_cast %slice3A_319 : vector<512x64xf32> to vector<1x512x64xf32>
    tpu.vector_store %arg8[%swap3A_320, %swap3A_321, %swap3A_322], %swap3A_325 {strides = array<i32>} : memref<16x512x64xf32, #tpu.memory_space<vmem>>, vector<1x512x64xf32>,
    %slice3A_326 = vector.extract_strided_slice %dot_general3A_40 {offsets = [0, 832], sizes = [512, 64], strides = [1, 1]} : vector<512x1024xf32> to vector<512x64xf32>
    %swap3A_327 = arith.constant 13 : index
    %swap3A_328 = arith.constant 0 : index
    %swap3A_329 = arith.constant 0 : index
    %swap3A_330 = vector.load %arg9[%swap3A_327, %swap3A_328, %swap3A_329] : memref<16x512x64xf32, #tpu.memory_space<vmem>>, vector<1x512x64xf32>
    %swap3A_331 = vector.shape_cast %swap3A_330 : vector<1x512x64xf32> to vector<512x64xf32>
    %swap3A_332 = vector.shape_cast %slice3A_326 : vector<512x64xf32> to vector<1x512x64xf32>
    tpu.vector_store %arg9[%swap3A_327, %swap3A_328, %swap3A_329], %swap3A_332 {strides = array<i32>} : memref<16x512x64xf32, #tpu.memory_space<vmem>>, vector<1x512x64xf32>,
    %slice3A_333 = vector.extract_strided_slice %dot_general3A_30 {offsets = [0, 896], sizes = [512, 64], strides = [1, 1]} : vector<512x1024xf32> to vector<512x64xf32>
    %swap3A_334 = arith.constant 14 : index
    %swap3A_335 = arith.constant 0 : index
    %swap3A_336 = arith.constant 0 : index
    %swap3A_337 = vector.load %arg7[%swap3A_334, %swap3A_335, %swap3A_336] : memref<16x512x64xf32, #tpu.memory_space<vmem>>, vector<1x512x64xf32>
    %swap3A_338 = vector.shape_cast %swap3A_337 : vector<1x512x64xf32> to vector<512x64xf32>
    %swap3A_339 = vector.shape_cast %slice3A_333 : vector<512x64xf32> to vector<1x512x64xf32>
    tpu.vector_store %arg7[%swap3A_334, %swap3A_335, %swap3A_336], %swap3A_339 {strides = array<i32>} : memref<16x512x64xf32, #tpu.memory_space<vmem>>, vector<1x512x64xf32>,
    %slice3A_340 = vector.extract_strided_slice %dot_general3A_35 {offsets = [0, 896], sizes = [512, 64], strides = [1, 1]} : vector<512x1024xf32> to vector<512x64xf32>
    %swap3A_341 = arith.constant 14 : index
    %swap3A_342 = arith.constant 0 : index
    %swap3A_343 = arith.constant 0 : index
    %swap3A_344 = vector.load %arg8[%swap3A_341, %swap3A_342, %swap3A_343] : memref<16x512x64xf32, #tpu.memory_space<vmem>>, vector<1x512x64xf32>
    %swap3A_345 = vector.shape_cast %swap3A_344 : vector<1x512x64xf32> to vector<512x64xf32>
    %swap3A_346 = vector.shape_cast %slice3A_340 : vector<512x64xf32> to vector<1x512x64xf32>
    tpu.vector_store %arg8[%swap3A_341, %swap3A_342, %swap3A_343], %swap3A_346 {strides = array<i32>} : memref<16x512x64xf32, #tpu.memory_space<vmem>>, vector<1x512x64xf32>,
    %slice3A_347 = vector.extract_strided_slice %dot_general3A_40 {offsets = [0, 896], sizes = [512, 64], strides = [1, 1]} : vector<512x1024xf32> to vector<512x64xf32>
    %swap3A_348 = arith.constant 14 : index
    %swap3A_349 = arith.constant 0 : index
    %swap3A_350 = arith.constant 0 : index
    %swap3A_351 = vector.load %arg9[%swap3A_348, %swap3A_349, %swap3A_350] : memref<16x512x64xf32, #tpu.memory_space<vmem>>, vector<1x512x64xf32>
    %swap3A_352 = vector.shape_cast %swap3A_351 : vector<1x512x64xf32> to vector<512x64xf32>
    %swap3A_353 = vector.shape_cast %slice3A_347 : vector<512x64xf32> to vector<1x512x64xf32>
    tpu.vector_store %arg9[%swap3A_348, %swap3A_349, %swap3A_350], %swap3A_353 {strides = array<i32>} : memref<16x512x64xf32, #tpu.memory_space<vmem>>, vector<1x512x64xf32>,
    %slice3A_354 = vector.extract_strided_slice %dot_general3A_30 {offsets = [0, 960], sizes = [512, 64], strides = [1, 1]} : vector<512x1024xf32> to vector<512x64xf32>
    %swap3A_355 = arith.constant 15 : index
    %swap3A_356 = arith.constant 0 : index
    %swap3A_357 = arith.constant 0 : index
    %swap3A_358 = vector.load %arg7[%swap3A_355, %swap3A_356, %swap3A_357] : memref<16x512x64xf32, #tpu.memory_space<vmem>>, vector<1x512x64xf32>
    %swap3A_359 = vector.shape_cast %swap3A_358 : vector<1x512x64xf32> to vector<512x64xf32>
    %swap3A_360 = vector.shape_cast %slice3A_354 : vector<512x64xf32> to vector<1x512x64xf32>
    tpu.vector_store %arg7[%swap3A_355, %swap3A_356, %swap3A_357], %swap3A_360 {strides = array<i32>} : memref<16x512x64xf32, #tpu.memory_space<vmem>>, vector<1x512x64xf32>,
    %slice3A_361 = vector.extract_strided_slice %dot_general3A_35 {offsets = [0, 960], sizes = [512, 64], strides = [1, 1]} : vector<512x1024xf32> to vector<512x64xf32>
    %swap3A_362 = arith.constant 15 : index
    %swap3A_363 = arith.constant 0 : index
    %swap3A_364 = arith.constant 0 : index
    %swap3A_365 = vector.load %arg8[%swap3A_362, %swap3A_363, %swap3A_364] : memref<16x512x64xf32, #tpu.memory_space<vmem>>, vector<1x512x64xf32>
    %swap3A_366 = vector.shape_cast %swap3A_365 : vector<1x512x64xf32> to vector<512x64xf32>
    %swap3A_367 = vector.shape_cast %slice3A_361 : vector<512x64xf32> to vector<1x512x64xf32>
    tpu.vector_store %arg8[%swap3A_362, %swap3A_363, %swap3A_364], %swap3A_367 {strides = array<i32>} : memref<16x512x64xf32, #tpu.memory_space<vmem>>, vector<1x512x64xf32>,
    %slice3A_368 = vector.extract_strided_slice %dot_general3A_40 {offsets = [0, 960], sizes = [512, 64], strides = [1, 1]} : vector<512x1024xf32> to vector<512x64xf32>
    %swap3A_369 = arith.constant 15 : index
    %swap3A_370 = arith.constant 0 : index
    %swap3A_371 = arith.constant 0 : index
    %swap3A_372 = vector.load %arg9[%swap3A_369, %swap3A_370, %swap3A_371] : memref<16x512x64xf32, #tpu.memory_space<vmem>>, vector<1x512x64xf32>
    %swap3A_373 = vector.shape_cast %swap3A_372 : vector<1x512x64xf32> to vector<512x64xf32>
    %swap3A_374 = vector.shape_cast %slice3A_368 : vector<512x64xf32> to vector<1x512x64xf32>
    tpu.vector_store %arg9[%swap3A_369, %swap3A_370, %swap3A_371], %swap3A_374 {strides = array<i32>} : memref<16x512x64xf32, #tpu.memory_space<vmem>>, vector<1x512x64xf32>,
    return
  }
  func.func @transform_0(%arg0: i32) -> (i32, i32) {
    %c0_i32 = arith.constant 0 : i32
    %c0_i32_0 = arith.constant 0 : i32
    return %arg0, %c0_i32 : i32, i32
  }
  func.func @transform_1(%arg0: i32) -> (i32, i32) {
    %c0_i32 = arith.constant 0 : i32
    %c0_i32_0 = arith.constant 0 : i32
    %c0_i32_1 = arith.constant 0 : i32
    return %c0_i32, %c0_i32_0 : i32, i32
  }
  func.func @transform_2(%arg0: i32) -> (i32, i32) {
    %c0_i32 = arith.constant 0 : i32
    %c0_i32_0 = arith.constant 0 : i32
    %c0_i32_1 = arith.constant 0 : i32
    return %c0_i32, %c0_i32_0 : i32, i32
  }
  func.func @transform_3(%arg0: i32) -> (i32, i32) {
    %c0_i32 = arith.constant 0 : i32
    %c0_i32_0 = arith.constant 0 : i32
    %c0_i32_1 = arith.constant 0 : i32
    return %c0_i32, %c0_i32_0 : i32, i32
  }
  func.func @transform_4(%arg0: i32) -> (i32, i32) {
    %c0_i32 = arith.constant 0 : i32
    %c0_i32_0 = arith.constant 0 : i32
    %c0_i32_1 = arith.constant 0 : i32
    return %c0_i32, %c0_i32_0 : i32, i32
  }
  func.func @transform_5(%arg0: i32) -> (i32, i32) {
    %c0_i32 = arith.constant 0 : i32
    %c0_i32_0 = arith.constant 0 : i32
    %c0_i32_1 = arith.constant 0 : i32
    return %c0_i32, %c0_i32_0 : i32, i32
  }
  func.func @transform_6(%arg0: i32) -> (i32, i32, i32) {
    %c0_i32 = arith.constant 0 : i32
    %c0_i32_0 = arith.constant 0 : i32
    %c0_i32_1 = arith.constant 0 : i32
    return %c0_i32, %arg0, %c0_i32_0 : i32, i32, i32
  }
  func.func @transform_7(%arg0: i32) -> (i32, i32, i32) {
    %c0_i32 = arith.constant 0 : i32
    %c0_i32_0 = arith.constant 0 : i32
    %c0_i32_1 = arith.constant 0 : i32
    return %c0_i32, %arg0, %c0_i32_0 : i32, i32, i32
  }
  func.func @transform_8(%arg0: i32) -> (i32, i32, i32) {
    %c0_i32 = arith.constant 0 : i32
    %c0_i32_0 = arith.constant 0 : i32
    %c0_i32_1 = arith.constant 0 : i32
    return %c0_i32, %arg0, %c0_i32_0 : i32, i32, i32
  }
}

module attributes {stable_mosaic.version = 14 : i64} {
  func.func @_route_body(%arg0: memref<2048x8xf32, #tpu.memory_space<vmem>>, %arg1: memref<2048x8xf32, #tpu.memory_space<vmem>>, %arg2: memref<72x8xf32, #tpu.memory_space<vmem>>, %arg3: memref<2048x8xf32, #tpu.memory_space<vmem>>, %arg4: memref<2048x8xf32, #tpu.memory_space<vmem>>) attributes {dimension_semantics = [], scalar_prefetch = 0 : i64, scratch_operands = 2 : i64, tpu.core_type = #tpu.core_type<tc>} {
    %get3A = arith.constant 0 : index
    %get3A_0 = arith.constant 0 : index
    %get3A_1 = vector.load %arg0[%get3A, %get3A_0] : memref<2048x8xf32, #tpu.memory_space<vmem>>, vector<2048x8xf32>
    %iota3A = tpu.iota {dimensions = array<i32: 1>} : vector<2048x8xi32>
    %reduce_max3A = arith.constant dense<0xFF800000> : vector<2048xf32>
    %reduce_max3A_2 = vector.multi_reduction <maximumf>, %get3A_1, %reduce_max3A [1] : vector<2048x8xf32> to vector<2048xf32>
    %broadcast_in_dim3A = vector.shape_cast %reduce_max3A_2 : vector<2048xf32> to vector<2048x1xf32>
    %ge3A = vector.broadcast %broadcast_in_dim3A : vector<2048x1xf32> to vector<2048x8xf32>
    %ge3A_3 = arith.cmpf oge, %get3A_1, %ge3A : vector<2048x8xf32>
    %jit3A = arith.constant 8 : i32
    %broadcast_in_dim3A_4 = vector.broadcast %jit3A : i32 to vector<2048x8xi32>
    %select_n3A = arith.select %ge3A_3, %iota3A, %broadcast_in_dim3A_4 : vector<2048x8xi1>, vector<2048x8xi32>
    %reduce_min3A = arith.constant dense<2147483647> : vector<2048xi32>
    %reduce_min3A_5 = vector.multi_reduction <minsi>, %select_n3A, %reduce_min3A [1] : vector<2048x8xi32> to vector<2048xi32>
    %broadcast_in_dim3A_6 = vector.shape_cast %reduce_min3A_5 : vector<2048xi32> to vector<2048x1xi32>
    %eq3A = vector.broadcast %broadcast_in_dim3A_6 : vector<2048x1xi32> to vector<2048x8xi32>
    %eq3A_7 = arith.cmpi eq, %iota3A, %eq3A : vector<2048x8xi32>
    %jit3A_8 = arith.constant 0xFF800000 : f32
    %broadcast_in_dim3A_9 = vector.broadcast %jit3A_8 : f32 to vector<2048x8xf32>
    %select_n3A_10 = arith.select %eq3A_7, %broadcast_in_dim3A_9, %get3A_1 : vector<2048x8xi1>, vector<2048x8xf32>
    %reduce_max3A_11 = arith.constant dense<0xFF800000> : vector<2048xf32>
    %reduce_max3A_12 = vector.multi_reduction <maximumf>, %select_n3A_10, %reduce_max3A_11 [1] : vector<2048x8xf32> to vector<2048xf32>
    %broadcast_in_dim3A_13 = vector.shape_cast %reduce_max3A_12 : vector<2048xf32> to vector<2048x1xf32>
    %ge3A_14 = vector.broadcast %broadcast_in_dim3A_13 : vector<2048x1xf32> to vector<2048x8xf32>
    %ge3A_15 = arith.cmpf oge, %select_n3A_10, %ge3A_14 : vector<2048x8xf32>
    %jit3A_16 = arith.constant 8 : i32
    %broadcast_in_dim3A_17 = vector.broadcast %jit3A_16 : i32 to vector<2048x8xi32>
    %select_n3A_18 = arith.select %ge3A_15, %iota3A, %broadcast_in_dim3A_17 : vector<2048x8xi1>, vector<2048x8xi32>
    %reduce_min3A_19 = arith.constant dense<2147483647> : vector<2048xi32>
    %reduce_min3A_20 = vector.multi_reduction <minsi>, %select_n3A_18, %reduce_min3A_19 [1] : vector<2048x8xi32> to vector<2048xi32>
    %broadcast_in_dim3A_21 = vector.shape_cast %reduce_min3A_20 : vector<2048xi32> to vector<2048x1xi32>
    %sub3A = arith.subf %broadcast_in_dim3A_13, %broadcast_in_dim3A : vector<2048x1xf32>
    %exp3A = math.exp %sub3A : vector<2048x1xf32>
    %add3A = arith.constant 1.000000e+00 : f32
    %add3A_22 = vector.broadcast %add3A : f32 to vector<2048x1xf32>
    %add3A_23 = arith.addf %add3A_22, %exp3A : vector<2048x1xf32>
    %div3A = arith.constant 1.000000e+00 : f32
    %div3A_24 = vector.broadcast %div3A : f32 to vector<2048x1xf32>
    %div3A_25 = arith.divf %div3A_24, %add3A_23 : vector<2048x1xf32>
    %mul3A = arith.mulf %exp3A, %div3A_25 : vector<2048x1xf32>
    %eq3A_26 = vector.broadcast %broadcast_in_dim3A_6 : vector<2048x1xi32> to vector<2048x8xi32>
    %eq3A_27 = arith.cmpi eq, %iota3A, %eq3A_26 : vector<2048x8xi32>
    %eq3A_28 = vector.broadcast %broadcast_in_dim3A_21 : vector<2048x1xi32> to vector<2048x8xi32>
    %eq3A_29 = arith.cmpi eq, %iota3A, %eq3A_28 : vector<2048x8xi32>
    %or3A = arith.ori %eq3A_27, %eq3A_29 : vector<2048x8xi1>
    %convert_element_type3A = arith.extui %or3A : vector<2048x8xi1> to vector<2048x8xi32>
    %convert_element_type3A_30 = arith.sitofp %convert_element_type3A : vector<2048x8xi32> to vector<2048x8xf32>
    %swap3A = arith.constant 0 : index
    %swap3A_31 = arith.constant 0 : index
    %swap3A_32 = vector.load %arg3[%swap3A, %swap3A_31] : memref<2048x8xf32, #tpu.memory_space<vmem>>, vector<2048x8xf32>
    tpu.vector_store %arg3[%swap3A, %swap3A_31], %convert_element_type3A_30 {strides = array<i32>} : memref<2048x8xf32, #tpu.memory_space<vmem>>, vector<2048x8xf32>,
    %iota3A_33 = tpu.iota {dimensions = array<i32: 0>} : vector<256x256xi32>
    %iota3A_34 = tpu.iota {dimensions = array<i32: 1>} : vector<256x256xi32>
    %gt3A = arith.cmpi sgt, %iota3A_33, %iota3A_34 : vector<256x256xi32>
    %convert_element_type3A_35 = arith.extui %gt3A : vector<256x256xi1> to vector<256x256xi32>
    %convert_element_type3A_36 = arith.sitofp %convert_element_type3A_35 : vector<256x256xi32> to vector<256x256xf32>
    %broadcast_in_dim3A_37 = arith.constant 0.000000e+00 : f32
    %broadcast_in_dim3A_38 = vector.broadcast %broadcast_in_dim3A_37 : f32 to vector<1x8xf32>
    %scan3A = arith.constant 0 : i32
    %scan3A_39 = arith.constant 8 : i32
    %scan3A_40 = arith.addi %scan3A, %scan3A_39 : i32
    %scan3A_41 = arith.constant 1 : i32
    %scan3A_42 = scf.for %scan3A_148 = %scan3A to %scan3A_40 step %scan3A_41 iter_args(%scan3A_149 = %broadcast_in_dim3A_38) -> (vector<1x8xf32>)  : i32 {
      %mul3A_150 = arith.constant 256 : i32
      %mul3A_151 = arith.muli %scan3A_148, %mul3A_150 : i32
      %get3A_152 = arith.index_cast %mul3A_151 : i32 to index
      %get3A_153 = arith.constant 0 : index
      %get3A_154 = vector.load %arg3[%get3A_152, %get3A_153] : memref<2048x8xf32, #tpu.memory_space<vmem>>, vector<256x8xf32>
      %dot_general3A_155 = arith.constant dense<0.000000e+00> : vector<256x8xf32>
      %dot_general3A_156 = tpu.matmul %convert_element_type3A_36, %get3A_154, %dot_general3A_155 {dimension_numbers = #tpu.dot_dimension_numbers<[1], [0], [0], [1], [0, 0, 1, 1], [], []>, transpose_lhs_hint = false} : vector<256x256xf32>, vector<256x8xf32>, vector<256x8xf32> -> vector<256x8xf32>
      %add3A_157 = vector.broadcast %scan3A_149 : vector<1x8xf32> to vector<256x8xf32>
      %add3A_158 = arith.addf %dot_general3A_156, %add3A_157 : vector<256x8xf32>
      %mul3A_159 = arith.constant 256 : i32
      %mul3A_160 = arith.muli %scan3A_148, %mul3A_159 : i32
      %swap3A_161 = arith.index_cast %mul3A_160 : i32 to index
      %swap3A_162 = arith.constant 0 : index
      %swap3A_163 = vector.load %arg4[%swap3A_161, %swap3A_162] : memref<2048x8xf32, #tpu.memory_space<vmem>>, vector<256x8xf32>
      tpu.vector_store %arg4[%swap3A_161, %swap3A_162], %add3A_158 {strides = array<i32>} : memref<2048x8xf32, #tpu.memory_space<vmem>>, vector<256x8xf32>,
      %reduce_sum3A_164 = arith.constant dense<0.000000e+00> : vector<8xf32>
      %reduce_sum3A_165 = vector.multi_reduction <add>, %get3A_154, %reduce_sum3A_164 [0] : vector<256x8xf32> to vector<8xf32>
      %broadcast_in_dim3A_166 = vector.shape_cast %reduce_sum3A_165 : vector<8xf32> to vector<1x8xf32>
      %add3A_167 = arith.addf %scan3A_149, %broadcast_in_dim3A_166 : vector<1x8xf32>
      scf.yield %add3A_167 : vector<1x8xf32>
    }
    %scan3A_43 = arith.constant 8 : i32
    %convert_element_type3A_44 = arith.fptosi %scan3A_42 : vector<1x8xf32> to vector<1x8xi32>
    %add3A_45 = arith.constant 63 : i32
    %add3A_46 = vector.broadcast %add3A_45 : i32 to vector<1x8xi32>
    %add3A_47 = arith.addi %convert_element_type3A_44, %add3A_46 : vector<1x8xi32>
    %jit3A_48 = arith.constant 64 : i32
    %div3A_49 = vector.broadcast %jit3A_48 : i32 to vector<1x8xi32>
    %div3A_50 = arith.divsi %add3A_47, %div3A_49 : vector<1x8xi32>
    %sign3A = arith.constant 0 : i32
    %sign3A_51 = vector.broadcast %sign3A : i32 to vector<1x8xi32>
    %sign3A_52 = arith.cmpi sgt, %add3A_47, %sign3A_51 : vector<1x8xi32>
    %sign3A_53 = arith.extui %sign3A_52 : vector<1x8xi1> to vector<1x8xi32>
    %sign3A_54 = arith.constant 0 : i32
    %sign3A_55 = vector.broadcast %sign3A_54 : i32 to vector<1x8xi32>
    %sign3A_56 = arith.cmpi slt, %add3A_47, %sign3A_55 : vector<1x8xi32>
    %sign3A_57 = arith.extui %sign3A_56 : vector<1x8xi1> to vector<1x8xi32>
    %sign3A_58 = arith.subi %sign3A_53, %sign3A_57 : vector<1x8xi32>
    %sign3A_59 = arith.constant 0 : i32
    %sign3A_60 = arith.cmpi sgt, %jit3A_48, %sign3A_59 : i32
    %sign3A_61 = arith.extui %sign3A_60 : i1 to i32
    %sign3A_62 = arith.constant 0 : i32
    %sign3A_63 = arith.cmpi slt, %jit3A_48, %sign3A_62 : i32
    %sign3A_64 = arith.extui %sign3A_63 : i1 to i32
    %sign3A_65 = arith.subi %sign3A_61, %sign3A_64 : i32
    %ne3A = vector.broadcast %sign3A_65 : i32 to vector<1x8xi32>
    %ne3A_66 = arith.cmpi ne, %sign3A_58, %ne3A : vector<1x8xi32>
    %rem3A = vector.broadcast %jit3A_48 : i32 to vector<1x8xi32>
    %rem3A_67 = arith.remsi %add3A_47, %rem3A : vector<1x8xi32>
    %ne3A_68 = arith.constant 0 : i32
    %ne3A_69 = vector.broadcast %ne3A_68 : i32 to vector<1x8xi32>
    %ne3A_70 = arith.cmpi ne, %rem3A_67, %ne3A_69 : vector<1x8xi32>
    %and3A = arith.andi %ne3A_66, %ne3A_70 : vector<1x8xi1>
    %sub3A_71 = arith.constant 1 : i32
    %sub3A_72 = vector.broadcast %sub3A_71 : i32 to vector<1x8xi32>
    %sub3A_73 = arith.subi %div3A_50, %sub3A_72 : vector<1x8xi32>
    %select_n3A_74 = arith.select %and3A, %sub3A_73, %div3A_50 : vector<1x8xi1>, vector<1x8xi32>
    %mul3A_75 = arith.constant 64 : i32
    %mul3A_76 = vector.broadcast %mul3A_75 : i32 to vector<1x8xi32>
    %mul3A_77 = arith.muli %select_n3A_74, %mul3A_76 : vector<1x8xi32>
    %convert_element_type3A_78 = arith.sitofp %mul3A_77 : vector<1x8xi32> to vector<1x8xf32>
    %iota3A_79 = tpu.iota {dimensions = array<i32: 0>} : vector<8x8xi32>
    %iota3A_80 = tpu.iota {dimensions = array<i32: 1>} : vector<8x8xi32>
    %lt3A = arith.cmpi slt, %iota3A_79, %iota3A_80 : vector<8x8xi32>
    %convert_element_type3A_81 = arith.extui %lt3A : vector<8x8xi1> to vector<8x8xi32>
    %convert_element_type3A_82 = arith.sitofp %convert_element_type3A_81 : vector<8x8xi32> to vector<8x8xf32>
    %dot_general3A = arith.constant dense<0.000000e+00> : vector<1x8xf32>
    %dot_general3A_83 = tpu.matmul %convert_element_type3A_78, %convert_element_type3A_82, %dot_general3A {dimension_numbers = #tpu.dot_dimension_numbers<[1], [0], [0], [1], [0, 0, 1, 1], [], []>, transpose_lhs_hint = false} : vector<1x8xf32>, vector<8x8xf32>, vector<1x8xf32> -> vector<1x8xf32>
    %add3A_84 = arith.addf %dot_general3A_83, %convert_element_type3A_78 : vector<1x8xf32>
    %get3A_85 = arith.constant 0 : index
    %get3A_86 = arith.constant 0 : index
    %get3A_87 = vector.load %arg4[%get3A_85, %get3A_86] : memref<2048x8xf32, #tpu.memory_space<vmem>>, vector<2048x8xf32>
    %add3A_88 = vector.broadcast %dot_general3A_83 : vector<1x8xf32> to vector<2048x8xf32>
    %add3A_89 = arith.addf %add3A_88, %get3A_87 : vector<2048x8xf32>
    %eq3A_90 = vector.broadcast %broadcast_in_dim3A_6 : vector<2048x1xi32> to vector<2048x8xi32>
    %eq3A_91 = arith.cmpi eq, %iota3A, %eq3A_90 : vector<2048x8xi32>
    %jit3A_92 = arith.constant 0.000000e+00 : f32
    %broadcast_in_dim3A_93 = vector.broadcast %jit3A_92 : f32 to vector<2048x8xf32>
    %select_n3A_94 = arith.select %eq3A_91, %add3A_89, %broadcast_in_dim3A_93 : vector<2048x8xi1>, vector<2048x8xf32>
    %reduce_sum3A = arith.constant dense<0.000000e+00> : vector<2048xf32>
    %reduce_sum3A_95 = vector.multi_reduction <add>, %select_n3A_94, %reduce_sum3A [1] : vector<2048x8xf32> to vector<2048xf32>
    %broadcast_in_dim3A_96 = vector.shape_cast %reduce_sum3A_95 : vector<2048xf32> to vector<2048x1xf32>
    %eq3A_97 = vector.broadcast %broadcast_in_dim3A_21 : vector<2048x1xi32> to vector<2048x8xi32>
    %eq3A_98 = arith.cmpi eq, %iota3A, %eq3A_97 : vector<2048x8xi32>
    %jit3A_99 = arith.constant 0.000000e+00 : f32
    %broadcast_in_dim3A_100 = vector.broadcast %jit3A_99 : f32 to vector<2048x8xf32>
    %select_n3A_101 = arith.select %eq3A_98, %add3A_89, %broadcast_in_dim3A_100 : vector<2048x8xi1>, vector<2048x8xf32>
    %reduce_sum3A_102 = arith.constant dense<0.000000e+00> : vector<2048xf32>
    %reduce_sum3A_103 = vector.multi_reduction <add>, %select_n3A_101, %reduce_sum3A_102 [1] : vector<2048x8xf32> to vector<2048xf32>
    %broadcast_in_dim3A_104 = vector.shape_cast %reduce_sum3A_103 : vector<2048xf32> to vector<2048x1xf32>
    %eq3A_105 = arith.constant 0 : i32
    %eq3A_106 = vector.broadcast %eq3A_105 : i32 to vector<2048x8xi32>
    %eq3A_107 = arith.cmpi eq, %iota3A, %eq3A_106 : vector<2048x8xi32>
    %eq3A_108 = arith.constant 1 : i32
    %eq3A_109 = vector.broadcast %eq3A_108 : i32 to vector<2048x8xi32>
    %eq3A_110 = arith.cmpi eq, %iota3A, %eq3A_109 : vector<2048x8xi32>
    %eq3A_111 = arith.constant 2 : i32
    %eq3A_112 = vector.broadcast %eq3A_111 : i32 to vector<2048x8xi32>
    %eq3A_113 = arith.cmpi eq, %iota3A, %eq3A_112 : vector<2048x8xi32>
    %broadcast_in_dim3A_114 = vector.shape_cast %div3A_25 : vector<2048x1xf32> to vector<2048x1xf32>
    %broadcast_in_dim3A_115 = vector.broadcast %broadcast_in_dim3A_114 : vector<2048x1xf32> to vector<2048x8xf32>
    %broadcast_in_dim3A_116 = vector.shape_cast %mul3A : vector<2048x1xf32> to vector<2048x1xf32>
    %broadcast_in_dim3A_117 = vector.broadcast %broadcast_in_dim3A_116 : vector<2048x1xf32> to vector<2048x8xf32>
    %select_n3A_118 = arith.select %eq3A_113, %broadcast_in_dim3A_115, %broadcast_in_dim3A_117 : vector<2048x8xi1>, vector<2048x8xf32>
    %broadcast_in_dim3A_119 = vector.shape_cast %broadcast_in_dim3A_104 : vector<2048x1xf32> to vector<2048x1xf32>
    %broadcast_in_dim3A_120 = vector.broadcast %broadcast_in_dim3A_119 : vector<2048x1xf32> to vector<2048x8xf32>
    %select_n3A_121 = arith.select %eq3A_110, %broadcast_in_dim3A_120, %select_n3A_118 : vector<2048x8xi1>, vector<2048x8xf32>
    %broadcast_in_dim3A_122 = vector.shape_cast %broadcast_in_dim3A_96 : vector<2048x1xf32> to vector<2048x1xf32>
    %broadcast_in_dim3A_123 = vector.broadcast %broadcast_in_dim3A_122 : vector<2048x1xf32> to vector<2048x8xf32>
    %select_n3A_124 = arith.select %eq3A_107, %broadcast_in_dim3A_123, %select_n3A_121 : vector<2048x8xi1>, vector<2048x8xf32>
    %swap3A_125 = arith.constant 0 : index
    %swap3A_126 = arith.constant 0 : index
    %swap3A_127 = vector.load %arg1[%swap3A_125, %swap3A_126] : memref<2048x8xf32, #tpu.memory_space<vmem>>, vector<2048x8xf32>
    tpu.vector_store %arg1[%swap3A_125, %swap3A_126], %select_n3A_124 {strides = array<i32>} : memref<2048x8xf32, #tpu.memory_space<vmem>>, vector<2048x8xf32>,
    %iota3A_128 = tpu.iota {dimensions = array<i32: 0>} : vector<72x8xi32>
    %convert_element_type3A_129 = arith.sitofp %iota3A_128 : vector<72x8xi32> to vector<72x8xf32>
    %mul3A_130 = arith.constant 6.400000e+01 : f32
    %mul3A_131 = vector.broadcast %mul3A_130 : f32 to vector<72x8xf32>
    %mul3A_132 = arith.mulf %convert_element_type3A_129, %mul3A_131 : vector<72x8xf32>
    %le3A = vector.broadcast %add3A_84 : vector<1x8xf32> to vector<72x8xf32>
    %le3A_133 = arith.cmpf ole, %le3A, %mul3A_132 : vector<72x8xf32>
    %convert_element_type3A_134 = arith.extui %le3A_133 : vector<72x8xi1> to vector<72x8xi32>
    %convert_element_type3A_135 = arith.sitofp %convert_element_type3A_134 : vector<72x8xi32> to vector<72x8xf32>
    %reduce_sum3A_136 = arith.constant dense<0.000000e+00> : vector<72xf32>
    %reduce_sum3A_137 = vector.multi_reduction <add>, %convert_element_type3A_135, %reduce_sum3A_136 [1] : vector<72x8xf32> to vector<72xf32>
    %broadcast_in_dim3A_138 = vector.shape_cast %reduce_sum3A_137 : vector<72xf32> to vector<72x1xf32>
    %min3A = arith.constant 7.000000e+00 : f32
    %min3A_139 = vector.broadcast %min3A : f32 to vector<72x1xf32>
    %min3A_140 = arith.minimumf %broadcast_in_dim3A_138, %min3A_139 : vector<72x1xf32>
    %broadcast_in_dim3A_141 = arith.constant 0.000000e+00 : f32
    %broadcast_in_dim3A_142 = vector.broadcast %broadcast_in_dim3A_141 : f32 to vector<72x8xf32>
    %add3A_143 = vector.broadcast %min3A_140 : vector<72x1xf32> to vector<72x8xf32>
    %add3A_144 = arith.addf %add3A_143, %broadcast_in_dim3A_142 : vector<72x8xf32>
    %swap3A_145 = arith.constant 0 : index
    %swap3A_146 = arith.constant 0 : index
    %swap3A_147 = vector.load %arg2[%swap3A_145, %swap3A_146] : memref<72x8xf32, #tpu.memory_space<vmem>>, vector<72x8xf32>
    tpu.vector_store %arg2[%swap3A_145, %swap3A_146], %add3A_144 {strides = array<i32>} : memref<72x8xf32, #tpu.memory_space<vmem>>, vector<72x8xf32>,
    return
  }
}

module attributes {stable_mosaic.version = 14 : i64} {
  func.func @_expert_body(%arg0: i32, %arg1: memref<72xi32, #tpu.memory_space<smem>>, %arg2: memref<64x512xf32, #tpu.memory_space<vmem>>, %arg3: memref<1x1024x512xf32, #tpu.memory_space<vmem>>, %arg4: memref<1x512x1024xf32, #tpu.memory_space<vmem>>, %arg5: memref<64x512xf32, #tpu.memory_space<vmem>>) attributes {dimension_semantics = [#tpu.dimension_semantics<arbitrary>], iteration_bounds = array<i64: 72>, scalar_prefetch = 1 : i64, scratch_operands = 0 : i64, tpu.core_type = #tpu.core_type<tc>, window_params = [{transform_indices = @transform_0, window_bounds = array<i64: 64, 512>}, {transform_indices = @transform_1, window_bounds = array<i64: 1, 1024, 512>}, {transform_indices = @transform_2, window_bounds = array<i64: 1, 512, 1024>}, {transform_indices = @transform_3, window_bounds = array<i64: 64, 512>}]} {
    %get3A = arith.constant 0 : index
    %get3A_0 = arith.constant 0 : index
    %get3A_1 = vector.load %arg2[%get3A, %get3A_0] : memref<64x512xf32, #tpu.memory_space<vmem>>, vector<64x512xf32>
    %bitcast_convert_type3A = tpu.bitcast %get3A_1 : vector<64x512xf32> -> vector<64x512xi32>
    %shift_left3A = arith.constant 16 : i32
    %shift_left3A_2 = vector.broadcast %shift_left3A : i32 to vector<64x512xi32>
    %shift_left3A_3 = arith.shli %bitcast_convert_type3A, %shift_left3A_2 : vector<64x512xi32>
    %bitcast_convert_type3A_4 = tpu.bitcast %shift_left3A_3 : vector<64x512xi32> -> vector<64x512xf32>
    %and3A = arith.constant -65536 : i32
    %and3A_5 = vector.broadcast %and3A : i32 to vector<64x512xi32>
    %and3A_6 = arith.andi %bitcast_convert_type3A, %and3A_5 : vector<64x512xi32>
    %bitcast_convert_type3A_7 = tpu.bitcast %and3A_6 : vector<64x512xi32> -> vector<64x512xf32>
    %concatenate3A = tpu.concatenate %bitcast_convert_type3A_4, %bitcast_convert_type3A_7 in 1 : vector<64x512xf32>, vector<64x512xf32> -> vector<64x1024xf32>
    %get3A_8 = arith.constant 0 : index
    %get3A_9 = arith.constant 0 : index
    %get3A_10 = arith.constant 0 : index
    %get3A_11 = vector.load %arg3[%get3A_8, %get3A_9, %get3A_10] : memref<1x1024x512xf32, #tpu.memory_space<vmem>>, vector<1x1024x512xf32>
    %get3A_12 = vector.shape_cast %get3A_11 : vector<1x1024x512xf32> to vector<1024x512xf32>
    %dot_general3A = arith.constant dense<0.000000e+00> : vector<64x512xf32>
    %dot_general3A_13 = tpu.matmul %concatenate3A, %get3A_12, %dot_general3A {dimension_numbers = #tpu.dot_dimension_numbers<[1], [0], [0], [1], [0, 0, 1, 1], [], []>, transpose_lhs_hint = false} : vector<64x1024xf32>, vector<1024x512xf32>, vector<64x512xf32> -> vector<64x512xf32>
    %max3A = arith.constant 0.000000e+00 : f32
    %max3A_14 = vector.broadcast %max3A : f32 to vector<64x512xf32>
    %max3A_15 = arith.maximumf %dot_general3A_13, %max3A_14 : vector<64x512xf32>
    %get3A_16 = arith.constant 0 : index
    %get3A_17 = arith.constant 0 : index
    %get3A_18 = arith.constant 0 : index
    %get3A_19 = vector.load %arg4[%get3A_16, %get3A_17, %get3A_18] : memref<1x512x1024xf32, #tpu.memory_space<vmem>>, vector<1x512x1024xf32>
    %get3A_20 = vector.shape_cast %get3A_19 : vector<1x512x1024xf32> to vector<512x1024xf32>
    %dot_general3A_21 = arith.constant dense<0.000000e+00> : vector<64x1024xf32>
    %dot_general3A_22 = tpu.matmul %max3A_15, %get3A_20, %dot_general3A_21 {dimension_numbers = #tpu.dot_dimension_numbers<[1], [0], [0], [1], [0, 0, 1, 1], [], []>, transpose_lhs_hint = false} : vector<64x512xf32>, vector<512x1024xf32>, vector<64x1024xf32> -> vector<64x1024xf32>
    %bitcast_convert_type3A_23 = tpu.bitcast %dot_general3A_22 : vector<64x1024xf32> -> vector<64x1024xi32>
    %slice3A = vector.extract_strided_slice %bitcast_convert_type3A_23 {offsets = [0, 512], sizes = [64, 512], strides = [1, 1]} : vector<64x1024xi32> to vector<64x512xi32>
    %and3A_24 = arith.constant -65536 : i32
    %and3A_25 = vector.broadcast %and3A_24 : i32 to vector<64x512xi32>
    %and3A_26 = arith.andi %slice3A, %and3A_25 : vector<64x512xi32>
    %slice3A_27 = vector.extract_strided_slice %bitcast_convert_type3A_23 {offsets = [0, 0], sizes = [64, 512], strides = [1, 1]} : vector<64x1024xi32> to vector<64x512xi32>
    %shift_right_logical3A = arith.constant 16 : i32
    %shift_right_logical3A_28 = vector.broadcast %shift_right_logical3A : i32 to vector<64x512xi32>
    %shift_right_logical3A_29 = arith.shrui %slice3A_27, %shift_right_logical3A_28 : vector<64x512xi32>
    %or3A = arith.ori %and3A_26, %shift_right_logical3A_29 : vector<64x512xi32>
    %bitcast_convert_type3A_30 = tpu.bitcast %or3A : vector<64x512xi32> -> vector<64x512xf32>
    %swap3A = arith.constant 0 : index
    %swap3A_31 = arith.constant 0 : index
    %swap3A_32 = vector.load %arg5[%swap3A, %swap3A_31] : memref<64x512xf32, #tpu.memory_space<vmem>>, vector<64x512xf32>
    tpu.vector_store %arg5[%swap3A, %swap3A_31], %bitcast_convert_type3A_30 {strides = array<i32>} : memref<64x512xf32, #tpu.memory_space<vmem>>, vector<64x512xf32>,
    return
  }
  func.func @transform_0(%arg0: i32, %arg1: memref<72xi32, #tpu.memory_space<smem>>) -> (i32, i32) {
    %c0_i32 = arith.constant 0 : i32
    %c0_i32_0 = arith.constant 0 : i32
    return %arg0, %c0_i32 : i32, i32
  }
  func.func @transform_1(%arg0: i32, %arg1: memref<72xi32, #tpu.memory_space<smem>>) -> (i32, i32, i32) {
    %get3A = arith.index_cast %arg0 : i32 to index
    %get3A_0 = memref.load %arg1[%get3A] : memref<72xi32, #tpu.memory_space<smem>>
    %c0_i32 = arith.constant 0 : i32
    %c0_i32_1 = arith.constant 0 : i32
    %c0_i32_2 = arith.constant 0 : i32
    return %get3A_0, %c0_i32, %c0_i32_1 : i32, i32, i32
  }
  func.func @transform_2(%arg0: i32, %arg1: memref<72xi32, #tpu.memory_space<smem>>) -> (i32, i32, i32) {
    %get3A = arith.index_cast %arg0 : i32 to index
    %get3A_0 = memref.load %arg1[%get3A] : memref<72xi32, #tpu.memory_space<smem>>
    %c0_i32 = arith.constant 0 : i32
    %c0_i32_1 = arith.constant 0 : i32
    %c0_i32_2 = arith.constant 0 : i32
    return %get3A_0, %c0_i32, %c0_i32_1 : i32, i32, i32
  }
  func.func @transform_3(%arg0: i32, %arg1: memref<72xi32, #tpu.memory_space<smem>>) -> (i32, i32) {
    %c0_i32 = arith.constant 0 : i32
    %c0_i32_0 = arith.constant 0 : i32
    return %arg0, %c0_i32 : i32, i32
  }
}

module attributes {stable_mosaic.version = 14 : i64} {
  func.func @_final_body(%arg0: i32, %arg1: memref<512x1024xf32, #tpu.memory_space<vmem>>, %arg2: memref<512x512xf32, #tpu.memory_space<vmem>>, %arg3: memref<512x512xf32, #tpu.memory_space<vmem>>, %arg4: memref<512x8xf32, #tpu.memory_space<vmem>>, %arg5: memref<512x1024xf32, #tpu.memory_space<vmem>>) attributes {dimension_semantics = [#tpu.dimension_semantics<arbitrary>], iteration_bounds = array<i64: 4>, scalar_prefetch = 0 : i64, scratch_operands = 0 : i64, tpu.core_type = #tpu.core_type<tc>, window_params = [{transform_indices = @transform_0, window_bounds = array<i64: 512, 1024>}, {transform_indices = @transform_1, window_bounds = array<i64: 512, 512>}, {transform_indices = @transform_2, window_bounds = array<i64: 512, 512>}, {transform_indices = @transform_3, window_bounds = array<i64: 512, 8>}, {transform_indices = @transform_4, window_bounds = array<i64: 512, 1024>}]} {
    %get3A = arith.constant 0 : index
    %get3A_0 = arith.constant 2 : index
    %get3A_1 = vector.load %arg4[%get3A, %get3A_0] : memref<512x8xf32, #tpu.memory_space<vmem>>, vector<512x1xf32>
    %get3A_2 = arith.constant 0 : index
    %get3A_3 = arith.constant 3 : index
    %get3A_4 = vector.load %arg4[%get3A_2, %get3A_3] : memref<512x8xf32, #tpu.memory_space<vmem>>, vector<512x1xf32>
    %get3A_5 = arith.constant 0 : index
    %get3A_6 = arith.constant 0 : index
    %get3A_7 = vector.load %arg1[%get3A_5, %get3A_6] : memref<512x1024xf32, #tpu.memory_space<vmem>>, vector<512x1024xf32>
    %get3A_8 = arith.constant 0 : index
    %get3A_9 = arith.constant 0 : index
    %get3A_10 = vector.load %arg2[%get3A_8, %get3A_9] : memref<512x512xf32, #tpu.memory_space<vmem>>, vector<512x512xf32>
    %bitcast_convert_type3A = tpu.bitcast %get3A_10 : vector<512x512xf32> -> vector<512x512xi32>
    %shift_left3A = arith.constant 16 : i32
    %shift_left3A_11 = vector.broadcast %shift_left3A : i32 to vector<512x512xi32>
    %shift_left3A_12 = arith.shli %bitcast_convert_type3A, %shift_left3A_11 : vector<512x512xi32>
    %bitcast_convert_type3A_13 = tpu.bitcast %shift_left3A_12 : vector<512x512xi32> -> vector<512x512xf32>
    %and3A = arith.constant -65536 : i32
    %and3A_14 = vector.broadcast %and3A : i32 to vector<512x512xi32>
    %and3A_15 = arith.andi %bitcast_convert_type3A, %and3A_14 : vector<512x512xi32>
    %bitcast_convert_type3A_16 = tpu.bitcast %and3A_15 : vector<512x512xi32> -> vector<512x512xf32>
    %concatenate3A = tpu.concatenate %bitcast_convert_type3A_13, %bitcast_convert_type3A_16 in 1 : vector<512x512xf32>, vector<512x512xf32> -> vector<512x1024xf32>
    %mul3A = vector.broadcast %get3A_1 : vector<512x1xf32> to vector<512x1024xf32>
    %mul3A_17 = arith.mulf %mul3A, %concatenate3A : vector<512x1024xf32>
    %add3A = arith.addf %get3A_7, %mul3A_17 : vector<512x1024xf32>
    %get3A_18 = arith.constant 0 : index
    %get3A_19 = arith.constant 0 : index
    %get3A_20 = vector.load %arg3[%get3A_18, %get3A_19] : memref<512x512xf32, #tpu.memory_space<vmem>>, vector<512x512xf32>
    %bitcast_convert_type3A_21 = tpu.bitcast %get3A_20 : vector<512x512xf32> -> vector<512x512xi32>
    %shift_left3A_22 = arith.constant 16 : i32
    %shift_left3A_23 = vector.broadcast %shift_left3A_22 : i32 to vector<512x512xi32>
    %shift_left3A_24 = arith.shli %bitcast_convert_type3A_21, %shift_left3A_23 : vector<512x512xi32>
    %bitcast_convert_type3A_25 = tpu.bitcast %shift_left3A_24 : vector<512x512xi32> -> vector<512x512xf32>
    %and3A_26 = arith.constant -65536 : i32
    %and3A_27 = vector.broadcast %and3A_26 : i32 to vector<512x512xi32>
    %and3A_28 = arith.andi %bitcast_convert_type3A_21, %and3A_27 : vector<512x512xi32>
    %bitcast_convert_type3A_29 = tpu.bitcast %and3A_28 : vector<512x512xi32> -> vector<512x512xf32>
    %concatenate3A_30 = tpu.concatenate %bitcast_convert_type3A_25, %bitcast_convert_type3A_29 in 1 : vector<512x512xf32>, vector<512x512xf32> -> vector<512x1024xf32>
    %mul3A_31 = vector.broadcast %get3A_4 : vector<512x1xf32> to vector<512x1024xf32>
    %mul3A_32 = arith.mulf %mul3A_31, %concatenate3A_30 : vector<512x1024xf32>
    %add3A_33 = arith.addf %add3A, %mul3A_32 : vector<512x1024xf32>
    %swap3A = arith.constant 0 : index
    %swap3A_34 = arith.constant 0 : index
    %swap3A_35 = vector.load %arg5[%swap3A, %swap3A_34] : memref<512x1024xf32, #tpu.memory_space<vmem>>, vector<512x1024xf32>
    tpu.vector_store %arg5[%swap3A, %swap3A_34], %add3A_33 {strides = array<i32>} : memref<512x1024xf32, #tpu.memory_space<vmem>>, vector<512x1024xf32>,
    return
  }
  func.func @transform_0(%arg0: i32) -> (i32, i32) {
    %c0_i32 = arith.constant 0 : i32
    %c0_i32_0 = arith.constant 0 : i32
    return %arg0, %c0_i32 : i32, i32
  }
  func.func @transform_1(%arg0: i32) -> (i32, i32) {
    %c0_i32 = arith.constant 0 : i32
    %c0_i32_0 = arith.constant 0 : i32
    return %arg0, %c0_i32 : i32, i32
  }
  func.func @transform_2(%arg0: i32) -> (i32, i32) {
    %add3A = arith.constant 4 : i32
    %add3A_0 = arith.addi %add3A, %arg0 : i32
    %c0_i32 = arith.constant 0 : i32
    %c0_i32_1 = arith.constant 0 : i32
    return %add3A_0, %c0_i32 : i32, i32
  }
  func.func @transform_3(%arg0: i32) -> (i32, i32) {
    %c0_i32 = arith.constant 0 : i32
    %c0_i32_0 = arith.constant 0 : i32
    return %arg0, %c0_i32 : i32, i32
  }
  func.func @transform_4(%arg0: i32) -> (i32, i32) {
    %c0_i32 = arith.constant 0 : i32
    %c0_i32_0 = arith.constant 0 : i32
    return %arg0, %c0_i32 : i32, i32
  }
}

</mosaic_0001>

<sc_bundles>
// kernel: kernel.11.cloned.1.call-start
scs
__scs_entry_jumppad:
0x0: {  	(pc) =	sbr.rel $0x88, $3  }
0x1: {  	(tag) =	ssettag $0x0;
	lr =	simm.s32 $0x1  }
0x2: {  	[smem:$0x3F95] =	sst lr;
	_ =	strace $0xD0000000  }
0x3: {  	_ = 	snop  }
0x4: {  	_ = 	snop  }
0x5: {  	_ = 	snop  }
0x6: {  	_ = 	snop  }
0x7: {  	_ = 	snop  }
__scs_overlays_trampoline_lowered:
0x8: {  	[smem:$0x3FA4] =	sst s0  }
0x9: {  	[smem:$0x3FA5] =	sst s1  }
0xa: {  	[smem:$0x3FA6] =	sst s2  }
0xb: {  	[smem:$0x3FA7] =	sst s3  }
0xc: {  	[smem:$0x3FA8] =	sst s4  }
0xd: {  	[smem:$0x3FA9] =	sst s5  }
0xe: {  	[smem:$0x3FAA] =	sst s6  }
0xf: {  	[smem:$0x3FAB] =	sst s7  }
0x10: {  	[smem:$0x3FAC] =	sst s8  }
0x11: {  	[smem:$0x3FAD] =	sst s9;
	s0 =	simm.s32 @!p0 $0x0  }
0x12: {  	s1 =	sld [smem:$0x3F93];
	s0 =	simm.s32 @p0 $0x1  }
0x13: {  	[smem:$0x3FAE] =	sst s0;
	s0 =	simm.s32 @!p1 $0x0  }
0x14: {  	s2 =	sld [smem:$0x3F92];
	s0 =	simm.s32 @p1 $0x1  }
0x15: {  	[smem:$0x3FAF] =	sst s0;
	s0 =	simm.s32 @!p2 $0x0  }
0x16: {  	s3 =	sld [smem:$0x3FDB];
	s0 =	simm.s32 @p2 $0x1  }
0x17: {  	s4 =	simm.s32 $0x1BF5;
	[smem:$0x3FB1] =	sst s0  }
0x18: {  	s0 =	sld [smem:$0x3F94];
	_ =	swait.ge [sflag:s4], $0x0  }
0x19: {  	s7 =	sld [smem:$0x3F95]  }
0x1a: {  	s8 =	sadd.s32 $0xFFFFE003, lr  }
0x1b: {  	s9 =	sadd.s32 $0xFFFFFEF7, lr;
	s5 =	simm.s32 $0xFFFFFFFF;
	p2 =	slt.u32 s8, $0xFFFFF086  }
0x1c: {  	p1 =	slt.u32 s9, $0xF7A;
	s5 =	simm.s32 @!p2 $0x0  }
0x1d: {  	s5 =	simm.s32 @p1 $0x1;
	p0 =	seq.s32 s7, s2  }
0x1e: {  	s7 =	smul.u32 @!p0 $0xF7A, s2;
	p2 =	seq.s32 @!p0 s5, $0x0  }
0x1f: {  	s9 =	smul.u32 $0xF7A, s1;
	s8 =	simm.s32 @!p0 $0x1BF5;
	p2 =	por !p2, p0  }
0x20: {  	[sflag:s8] =	ssyncset.s32 @!p0 $0xFFFFF086;
	s6 =	sadd.s32 @!p0 s3, s7;
	s7 =	simm.s32 @!p0 $0x108  }
0x21: {  	s3 =	sadd.s32 s3, s9;
	s6 =	sadd.s32 @!p0 $0x88, s6;
	s7 =	simm.s32 @p2 $0x1082  }
0x22: {  	[simem:s7], [sflag:s8] =	dma.local @!p0 [hbm:s6], $0xF7A  }
0x23: {  	s9 =	sor.u32 $0xD0000000, s2;
	s6 =	simm.s32 $0x108;
	_ =	swait.ge @!p0 [sflag:s8], $0x0  }
0x24: {  	s3 =	sadd.s32 $0x88, s3;
	s6 =	simm.s32 @!p1 $0x1082;
	[sflag:s4] =	ssyncset.s32 $0xFFFFF086  }
0x25: {  	[simem:s6], [sflag:s4] =	dma.local [hbm:s3], $0xF7A  }
0x26: {  	[smem:$0x3F95] =	sst s1;
	(tag) =	ssettag s2;
	_ =	strace s9  }
0x27: {  	s1 =	sld [smem:$0x3FA5]  }
0x28: {  	s2 =	sld [smem:$0x3FA6]  }
0x29: {  	s4 =	sld [smem:$0x3FA8]  }
0x2a: {  	p0 =	seq.s32 s5, $0x0;
	s5 =	sld [smem:$0x3FA9]  }
0x2b: {  	s6 =	sld [smem:$0x3FAA]  }
0x2c: {  	s7 =	sld [smem:$0x3FAB]  }
0x2d: {  	s3 =	simm.s32 $0x108;
	s8 =	sld [smem:$0x3FAC]  }
0x2e: {  	s3 =	simm.s32 @!p0 $0x1082;
	s9 =	sld [smem:$0x3FAD]  }
0x2f: {  	lr =	sadd.s32 s0, s3;
	s0 =	sld [smem:$0x3FA4]  }
0x30: {  	s3 =	sld [smem:$0x3FA7]  }
0x31: {  	[smem:$0x3FB0] =	sst s10  }
0x32: {  	s10 =	sld [smem:$0x3FAE];
	_ =	sdelay $0x3  }
0x33: {  	p0 =	seq.s32 s10, $0x1;
	s10 =	sld [smem:$0x3FB0];
	_ =	sdelay $0x3  }
0x34: {  	[smem:$0x3FB0] =	sst s10  }
0x35: {  	s10 =	sld [smem:$0x3FAF];
	_ =	sdelay $0x3  }
0x36: {  	p1 =	seq.s32 s10, $0x1;
	s10 =	sld [smem:$0x3FB0];
	_ =	sdelay $0x3  }
0x37: {  	[smem:$0x3FB0] =	sst s10  }
0x38: {  	s10 =	sld [smem:$0x3FB1]  }
0x39: {  	_ = 	snop;
	(pc) =	sbr.ind lr, $3  }
0x3a: {  	_ = 	snop  }
0x3b: {  	_ = 	snop  }
0x3c: {  	p2 =	seq.s32 s10, $0x1;
	s10 =	sld [smem:$0x3FB0]  }
0x3d: {  	_ =	shalt  }
0x3e: {  	_ =	shalt  }
0x3f: {  	_ =	shalt  }
0x40: {  	_ =	shalt  }
0x41: {  	_ =	shalt  }
0x42: {  	_ =	shalt  }
0x43: {  	_ =	shalt  }
0x44: {  	_ =	shalt  }
0x45: {  	_ =	shalt  }
0x46: {  	_ =	shalt  }
0x47: {  	_ =	shalt  }
0x48: {  	_ =	shalt  }
0x49: {  	_ =	shalt  }
0x4a: {  	_ =	shalt  }
0x4b: {  	_ =	shalt  }
0x4c: {  	_ =	shalt  }
0x4d: {  	_ =	shalt  }
0x4e: {  	_ =	shalt  }
0x4f: {  	_ =	shalt  }
0x50: {  	_ =	shalt  }
0x51: {  	_ =	shalt  }
0x52: {  	_ =	shalt  }
0x53: {  	_ =	shalt  }
0x54: {  	_ =	shalt  }
0x55: {  	_ =	shalt  }
0x56: {  	_ =	shalt  }
0x57: {  	_ =	shalt  }
0x58: {  	_ =	shalt  }
0x59: {  	_ =	shalt  }
0x5a: {  	_ =	shalt  }
0x5b: {  	_ =	shalt  }
0x5c: {  	_ =	shalt  }
0x5d: {  	_ =	shalt  }
0x5e: {  	_ =	shalt  }
0x5f: {  	_ =	shalt  }
0x60: {  	_ =	shalt  }
0x61: {  	_ =	shalt  }
0x62: {  	_ =	shalt  }
0x63: {  	_ =	shalt  }
0x64: {  	_ =	shalt  }
0x65: {  	_ =	shalt  }
0x66: {  	_ =	shalt  }
0x67: {  	_ =	shalt  }
0x68: {  	_ =	shalt  }
0x69: {  	_ =	shalt  }
0x6a: {  	_ =	shalt  }
0x6b: {  	_ =	shalt  }
0x6c: {  	_ =	shalt  }
0x6d: {  	_ =	shalt  }
0x6e: {  	_ =	shalt  }
0x6f: {  	_ =	shalt  }
0x70: {  	_ =	shalt  }
0x71: {  	_ =	shalt  }
0x72: {  	_ =	shalt  }
0x73: {  	_ =	shalt  }
0x74: {  	_ =	shalt  }
0x75: {  	_ =	shalt  }
0x76: {  	_ =	shalt  }
0x77: {  	_ =	shalt  }
0x78: {  	_ =	shalt  }
0x79: {  	_ =	shalt  }
0x7a: {  	_ =	shalt  }
0x7b: {  	_ =	shalt  }
0x7c: {  	_ =	shalt  }
0x7d: {  	_ =	shalt  }
0x7e: {  	_ =	shalt  }
0x7f: {  	_ =	shalt  }
0x80: {  	_ =	shalt  }
0x81: {  	_ =	shalt  }
0x82: {  	_ =	shalt  }
0x83: {  	_ =	shalt  }
0x84: {  	_ =	shalt  }
0x85: {  	_ =	shalt  }
0x86: {  	_ =	shalt  }
0x87: {  	_ =	shalt  }
.Lfunc_end0:
.L_simem_size_0:
called_computation_lowered:
.L_overlay_start_0:
0x88: {  	s2 =	sld [smem:$0x3FD9]  }
0x89: {  	s3 =	sld [smem:$0x3FFE];
	_ =	sdelay $0x1  }
0x8a: {  	s1 =	srdreg.scid  }
0x8b: {  	s0 =	sand.u32 $0x1, s1  }
0x8c: {  	s16 =	sshll.u32 s0, $0xA;
	s2 =	sadd.s32 s3, s2  }
0x8d: {  	s2 =	sadd.s32 s2, s16  }
0x8e: {  	[smem:$0x3FBC] =	sst s2  }
0x8f: {  	_ = 	snop  }
0x90: {  	(tm) =	ssettm $0x1  }
0x91: {  	s17 =	sld [smem:$0x3FFB];
	_ =	sdelay $0x3  }
0x92: {  	_ =	strace s17  }
0x93: {  	s2 =	sld [smem:$0x3FFC];
	_ =	sdelay $0x3  }
0x94: {  	_ =	strace s2  }
0x95: {  	s2 =	sld [smem:$0x3FFD];
	_ =	sdelay $0x3  }
0x96: {  	_ =	strace s2  }
0x97: {  	_ =	strace $0x8FFFFFFF  }
0x98: {  	s18 =	sld [smem:$0x3FDB];
	_ =	sdelay $0x1  }
0x99: {  	s19 =	simm.s32 $_scs_section_size  }
0x9a: {  	s4 =	simm.s32 $_size__tile_overlayer_lowered;
	s5 =	simm.s32 $_tile_overlayer_lowered  }
0x9b: {  	s22 =	simm.s32 $0x1BFF;
	s21 =	sshll.u32 s5, $0x1;
	s2 =	sadd.s32 s19, s18  }
0x9c: {  	s6 =	simm.s32 $0x0;
	s20 =	sshll.u32 s4, $0x1;
	s4 =	sadd.s32 s21, s2  }
0x9d: {  	[timem:s6], [sflag:s22] =	dma.local [hbm:s4], s20  }
0x9e: {  	_ =	swait.ge [sflag:s22], s20  }
0x9f: {  	s3 =	ssub.s32 $0x0, s20;
	[sflag:s22] =	ssyncset.done $0x0  }
0xa0: {  	[sflag:s22] =	ssyncadd.s32 s3;
	_ =	sdelay $0x1  }
0xa1: {  	s23 =	simm.s32 $0x1B8B  }
0xa2: {  	_ =	swait.ge [sflag:s23], $0x1  }
0xa3: {  	[sflag:s23] =	ssyncset.done $0x0  }
0xa4: {  	s25 =	simm.s32 $0x1B8E;
	s24 =	sld [smem:$0x3FFE];
	[sflag:s23] =	ssyncadd.s32 $0xFFFFFFFF  }
0xa5: {  	s26 =	simm.s32 $execute0_lowered;
	[smem:$0x3FD2] =	sst s25  }
0xa6: {  	s4 =	sshll.u32 s26, $0x1;
	_ =	strace $0x80000046;
	[dreg:$0x1] =	wrdreg $0xFFFFFFFF  }
0xa7: {  	s28 =	simm.s32 $_size_execute0_lowered;
	s2 =	sadd.s32 s2, s4;
	[dreg:$0x0] =	wrdreg $0x0  }
0xa8: {  	s4 =	sshll.u32 s28, $0x1;
	[dreg:$0x2] =	wrdreg s2  }
0xa9: {  	[dreg:$0x3] =	wrdreg s4  }
0xaa: {  	[dreg:$0x4] =	wrdreg $0xC0  }
0xab: {  	_ =	task [dreg:s6], $0x5FFFF  }
0xac: {  	[dreg:$0x1] =	wrdreg $0xFFFFFFFF  }
0xad: {  	[dreg:$0x0] =	wrdreg $0x60  }
0xae: {  	[dreg:$0x2] =	wrdreg s24  }
0xaf: {  	[dreg:$0x3] =	wrdreg $0x9  }
0xb0: {  	_ =	task.clear_ibuf [dreg:s6], $0x4FFFF;
	_ =	strace $0x90000046  }
0xb1: {  	s29 =	simm.s32 $0x9;
	_ =	strace $0x80000048  }
0xb2: {  	_ =	swait.ge [sflag:s29], $0x1  }
0xb3: {  	[sflag:s29] =	ssyncadd.s32 $0xFFFFFFFF  }
0xb4: {  	_ =	strace $0x90000048  }
0xb5: {  	_ =	sfence  }
0xb6: {  	s30 =	sld [smem:$0x0];
	_ =	sdelay $0x2  }
0xb7: {  	s31 =	sshll.u32 s1, $0xD;
	s1 =	sshrl.u32 s1, $0x2  }
0xb8: {  	s3 =	sand.u32 $0x4000, s31;
	s1 =	sadd.s32 s1, s30  }
0xb9: {  	s0 =	sor.u32 s3, s0;
	s1 =	sshll.u32 s1, $0x11  }
0xba: {  	s0 =	sor.u32 s1, s0  }
0xbb: {  	s0 =	sadd.s32 $0x8F2B, s0  }
0xbc: {  	[sflag:s0] =	ssyncadd.remote.s32 $0x1  }
0xbd: {  	_ =	sfence.sel $0xFFFF  }
0xbe: {  	[dreg:$0x0] =	wrdreg $0xFFFFFFFF;
	(pc) =	sbr.abs _section_cstart, $3  }
0xbf: {  	[dreg:$0x1] =	wrdreg $0xFFFFFFFF  }
0xc0: {  	_ =	task.clear_ibuf [dreg:s6], $0x2FFFF;
	_ =	strace $0x9FFFFFFF  }
0xc1: {  	(tm) =	ssettm $0x7FFFFFFF  }
tec
execute0_lowered:
.L_overlay_start_1:
0x0: {  	(tag) =	ssettag $0x1  }
0x1: {  	s0 =	srdreg.scid  }
0x2: {  	s2 =	sand.u32 $0x1, s0;
	s0 =	stileid.u32  }
0x3: {  	s3 =	sshll.u32 s0, $0x1;
	s4 =	ssub.s32 $0x0, s2  }
0x4: {  	p0 =	sne.s32 s3, s4  }
.Ltmp0:
0x5: {  	_ = 	snop;
	(pc) =	sbr.rel @p0 .LBB2_7-.Ltmp0, $3  }
0x6: {  	_ =	sdelay $0x1  }
0x7: {  	s5 =	rddreg [dreg:$0x0]  }
0x8: {  	s1 =	rddreg [dreg:$0x1];
	_ =	strace $0x80000047  }
0x9: {  	s4 =	ssub.s32 $0x2, s2;
	s2 =	sadd.s32 $0x2400, s5  }
0xa: {  	s3 =	sadd.s32 $0x2600, s5;
	s7 =	simm.s32 $0x0;
	s6 =	sshrl.u32 s4, $0x1  }
0xb: {  	s8 =	simm.s32 $0x1;
	s9 =	simm.s32 $0x0;
	s6 =	ssub.s32 s4, s6  }
0xc: {  	v0 =	vlaneseq.u32;
	s4 =	sadd.s32 $0x2800, s5;
	s5 =	sadd.s32 $0x2C00, s5;
	s6 =	smax.u32 s6, $0x1  }
.LBB2_2:
0xd: {  	[tilespmem:s7], [sflag:$0x1] =	stream.linear.gather [hbm4b:s4+s7], $0x1200, $0x38;
	[tilespmem:$0x1A00] =	vst v63  }
0xe: {  	_ =	swait.ge [sflag:s8], $0x1200  }
0xf: {  	[sflag:s8] =	ssyncset.done $0x0  }
0x10: {  	s10 =	simm.s32 $0x1200;
	[sflag:s8] =	ssyncadd.s32 $0xFFFFEE00  }
0x11: {  	[tilespmem:s10], [sflag:$0x1] =	stream.linear.gather [hbm4b:s2+s7], $0x800, $0x38;
	[tilespmem:$0x1A00] =	vst v63  }
0x12: {  	_ =	swait.ge [sflag:s8], $0x800  }
0x13: {  	[sflag:s8] =	ssyncset.done $0x0  }
0x14: {  	[sflag:s8] =	ssyncadd.s32 $0xFFFFF800  }
0x15: {  	s11 =	simm.s32 $0x10;
	s12 =	simm.s32 $0x0;
	v1 =	vld [tilespmem:s10+$0x0]  }
.LBB2_3:
0x16: {  	p0 =	sne.s32 s11, $0x7F0;
	_ =	sdelay $0x3  }
.Ltmp1:
0x17: {  	(pc) =	sbr.rel @p0 .LBB2_3-.Ltmp1, $4  }
0x18: {  	_ = 	snop  }
0x19: {  	v2 =	vor.u32 s12, v0;
	s12 =	smov.u32 s11  }
0x1a: {  	s10 =	sadd.s32 $0x10, s10;
	[tilespmem:v1+s7+$0x0] =	vst.idx.msk $0xffff, v2  }
0x1b: {  	s11 =	sadd.s32 $0x10, s11;
	v1 =	vld [tilespmem:s10+$0x0]  }
0x1c: {  	_ =	sdelay $0x6  }
0x1d: {  	v2 =	vor.u32 s12, v0  }
0x1e: {  	s10 =	simm.s32 $0x0;
	s11 =	simm.s32 $0x1200;
	[tilespmem:v1+s7+$0x0] =	vst.idx.msk $0xffff, v2  }
0x1f: {  	[tilespmem:s11], [sflag:$0x1] =	stream.linear.gather [hbm4b:s3+s10], $0x800, $0x38;
	[tilespmem:$0x1A00] =	vst v63  }
0x20: {  	_ =	swait.ge [sflag:s8], $0x800  }
0x21: {  	[sflag:s8] =	ssyncset.done $0x0  }
0x22: {  	[sflag:s8] =	ssyncadd.s32 $0xFFFFF800  }
0x23: {  	s12 =	simm.s32 $0x10;
	v1 =	vld [tilespmem:s11+$0x0]  }
.LBB2_5:
0x24: {  	p0 =	sne.s32 s12, $0x7F0;
	_ =	sdelay $0x3  }
.Ltmp2:
0x25: {  	(pc) =	sbr.rel @p0 .LBB2_5-.Ltmp2, $4  }
0x26: {  	_ = 	snop  }
0x27: {  	v2 =	vor.u32 s10, v0;
	s10 =	smov.u32 s12  }
0x28: {  	s11 =	sadd.s32 $0x10, s11;
	[tilespmem:v1+s7+$0x0] =	vst.idx.msk $0xffff, v2  }
0x29: {  	s12 =	sadd.s32 $0x10, s12;
	v1 =	vld [tilespmem:s11+$0x0]  }
0x2a: {  	_ =	sdelay $0x5  }
0x2b: {  	s9 =	sadd.s32 $0x1, s9  }
0x2c: {  	v2 =	vor.u32 s10, v0;
	p0 =	sne.s32 s9, s6  }
.Ltmp3:
0x2d: {  	[tilespmem:v1+s7+$0x0] =	vst.idx.msk $0xffff, v2;
	(pc) =	sbr.rel @p0 .LBB2_2-.Ltmp3, $4  }
0x2e: {  	[hbm4b:s5+s7] =	stream.linear.scatter [tilespmem:s7], [sflag:$0x1], $0x1200, $0x38;
	[tilespmem:$0x1A00] =	vst v63  }
0x2f: {  	_ =	swait.ge [sflag:s8], $0x1200  }
0x30: {  	[sflag:s8] =	ssyncset.done $0x0  }
0x31: {  	[sflag:s8] =	ssyncadd.s32 $0xFFFFEE00  }
.LBB2_7:
0x32: {  	_ =	sfence.sel $0x180000  }
0x33: {  	[bflag:$0x0] =	sbarrier.arrive $0xFFFF  }
0x34: {  	p0 =	sne.s32 s0, $0x0;
	_ =	strace $0x90000047  }
0x35: {  	s0 =	sadd.s32 @!p0 $0x100000, s1;
	[bflag:$0x2] =	sbarrier.arrive $0xFFFF  }
0x36: {  	[sflag:s0] =	ssyncadd.tile.s32 @!p0 $0x1;
	_ =	shalt  }
.Lfunc_end2:
_tile_overlayer_lowered:
.L_overlay_start_2:
0x37: {  	(tag) =	ssettag $0x2  }
0x38: {  	s0 =	rddreg [dreg:$0x0];
	s2 =	stileid.u32  }
0x39: {  	s1 =	rddreg [dreg:$0x1];
	p0 =	sne.s32 s2, $0x0  }
0x3a: {  	s3 =	rddreg [dreg:$0x2];
	[bflag:$0x3] =	sbarrier.arrive $0xFFFF;
	s2 =	simm.s32 @!p0 $0x1C01  }
0x3b: {  	[timem:s3], [sflag:s2] =	dma.local @!p0 [hbm:s0], s1  }
0x3c: {  	s0 =	simm.s32 @!p0 $0x1  }
0x3d: {  	_ =	swait.ge @!p0 [sflag:s0], s1  }
0x3e: {  	s1 =	ssub.s32 @!p0 $0x0, s1;
	[sflag:s0] =	ssyncset.done @!p0 $0x0  }
0x3f: {  	[sflag:s0] =	ssyncadd.s32 @!p0 s1  }
0x40: {  	[bflag:$0x3] =	sbarrier.arrive $0xFFFF  }
0x41: {  	_ =	shalt  }

// kernel: kernel.14.cloned.1.call-start
scs
__scs_entry_jumppad:
0x0: {  	(pc) =	sbr.rel $0x88, $3  }
0x1: {  	(tag) =	ssettag $0x0;
	lr =	simm.s32 $0x1  }
0x2: {  	[smem:$0x3F95] =	sst lr;
	_ =	strace $0xD0000000  }
0x3: {  	_ = 	snop  }
0x4: {  	_ = 	snop  }
0x5: {  	_ = 	snop  }
0x6: {  	_ = 	snop  }
0x7: {  	_ = 	snop  }
__scs_overlays_trampoline_lowered:
0x8: {  	[smem:$0x3FA4] =	sst s0  }
0x9: {  	[smem:$0x3FA5] =	sst s1  }
0xa: {  	[smem:$0x3FA6] =	sst s2  }
0xb: {  	[smem:$0x3FA7] =	sst s3  }
0xc: {  	[smem:$0x3FA8] =	sst s4  }
0xd: {  	[smem:$0x3FA9] =	sst s5  }
0xe: {  	[smem:$0x3FAA] =	sst s6  }
0xf: {  	[smem:$0x3FAB] =	sst s7  }
0x10: {  	[smem:$0x3FAC] =	sst s8  }
0x11: {  	[smem:$0x3FAD] =	sst s9;
	s0 =	simm.s32 @!p0 $0x0  }
0x12: {  	s1 =	sld [smem:$0x3F93];
	s0 =	simm.s32 @p0 $0x1  }
0x13: {  	[smem:$0x3FAE] =	sst s0;
	s0 =	simm.s32 @!p1 $0x0  }
0x14: {  	s2 =	sld [smem:$0x3F92];
	s0 =	simm.s32 @p1 $0x1  }
0x15: {  	[smem:$0x3FAF] =	sst s0;
	s0 =	simm.s32 @!p2 $0x0  }
0x16: {  	s3 =	sld [smem:$0x3FDB];
	s0 =	simm.s32 @p2 $0x1  }
0x17: {  	s4 =	simm.s32 $0x1BF5;
	[smem:$0x3FB1] =	sst s0  }
0x18: {  	s0 =	sld [smem:$0x3F94];
	_ =	swait.ge [sflag:s4], $0x0  }
0x19: {  	s7 =	sld [smem:$0x3F95]  }
0x1a: {  	s8 =	sadd.s32 $0xFFFFE003, lr  }
0x1b: {  	s9 =	sadd.s32 $0xFFFFFEF7, lr;
	s5 =	simm.s32 $0xFFFFFFFF;
	p2 =	slt.u32 s8, $0xFFFFF086  }
0x1c: {  	p1 =	slt.u32 s9, $0xF7A;
	s5 =	simm.s32 @!p2 $0x0  }
0x1d: {  	s5 =	simm.s32 @p1 $0x1;
	p0 =	seq.s32 s7, s2  }
0x1e: {  	s7 =	smul.u32 @!p0 $0xF7A, s2;
	p2 =	seq.s32 @!p0 s5, $0x0  }
0x1f: {  	s9 =	smul.u32 $0xF7A, s1;
	s8 =	simm.s32 @!p0 $0x1BF5;
	p2 =	por !p2, p0  }
0x20: {  	[sflag:s8] =	ssyncset.s32 @!p0 $0xFFFFF086;
	s6 =	sadd.s32 @!p0 s3, s7;
	s7 =	simm.s32 @!p0 $0x108  }
0x21: {  	s3 =	sadd.s32 s3, s9;
	s6 =	sadd.s32 @!p0 $0x88, s6;
	s7 =	simm.s32 @p2 $0x1082  }
0x22: {  	[simem:s7], [sflag:s8] =	dma.local @!p0 [hbm:s6], $0xF7A  }
0x23: {  	s9 =	sor.u32 $0xD0000000, s2;
	s6 =	simm.s32 $0x108;
	_ =	swait.ge @!p0 [sflag:s8], $0x0  }
0x24: {  	s3 =	sadd.s32 $0x88, s3;
	s6 =	simm.s32 @!p1 $0x1082;
	[sflag:s4] =	ssyncset.s32 $0xFFFFF086  }
0x25: {  	[simem:s6], [sflag:s4] =	dma.local [hbm:s3], $0xF7A  }
0x26: {  	[smem:$0x3F95] =	sst s1;
	(tag) =	ssettag s2;
	_ =	strace s9  }
0x27: {  	s1 =	sld [smem:$0x3FA5]  }
0x28: {  	s2 =	sld [smem:$0x3FA6]  }
0x29: {  	s4 =	sld [smem:$0x3FA8]  }
0x2a: {  	p0 =	seq.s32 s5, $0x0;
	s5 =	sld [smem:$0x3FA9]  }
0x2b: {  	s6 =	sld [smem:$0x3FAA]  }
0x2c: {  	s7 =	sld [smem:$0x3FAB]  }
0x2d: {  	s3 =	simm.s32 $0x108;
	s8 =	sld [smem:$0x3FAC]  }
0x2e: {  	s3 =	simm.s32 @!p0 $0x1082;
	s9 =	sld [smem:$0x3FAD]  }
0x2f: {  	lr =	sadd.s32 s0, s3;
	s0 =	sld [smem:$0x3FA4]  }
0x30: {  	s3 =	sld [smem:$0x3FA7]  }
0x31: {  	[smem:$0x3FB0] =	sst s10  }
0x32: {  	s10 =	sld [smem:$0x3FAE];
	_ =	sdelay $0x3  }
0x33: {  	p0 =	seq.s32 s10, $0x1;
	s10 =	sld [smem:$0x3FB0];
	_ =	sdelay $0x3  }
0x34: {  	[smem:$0x3FB0] =	sst s10  }
0x35: {  	s10 =	sld [smem:$0x3FAF];
	_ =	sdelay $0x3  }
0x36: {  	p1 =	seq.s32 s10, $0x1;
	s10 =	sld [smem:$0x3FB0];
	_ =	sdelay $0x3  }
0x37: {  	[smem:$0x3FB0] =	sst s10  }
0x38: {  	s10 =	sld [smem:$0x3FB1]  }
0x39: {  	_ = 	snop;
	(pc) =	sbr.ind lr, $3  }
0x3a: {  	_ = 	snop  }
0x3b: {  	_ = 	snop  }
0x3c: {  	p2 =	seq.s32 s10, $0x1;
	s10 =	sld [smem:$0x3FB0]  }
0x3d: {  	_ =	shalt  }
0x3e: {  	_ =	shalt  }
0x3f: {  	_ =	shalt  }
0x40: {  	_ =	shalt  }
0x41: {  	_ =	shalt  }
0x42: {  	_ =	shalt  }
0x43: {  	_ =	shalt  }
0x44: {  	_ =	shalt  }
0x45: {  	_ =	shalt  }
0x46: {  	_ =	shalt  }
0x47: {  	_ =	shalt  }
0x48: {  	_ =	shalt  }
0x49: {  	_ =	shalt  }
0x4a: {  	_ =	shalt  }
0x4b: {  	_ =	shalt  }
0x4c: {  	_ =	shalt  }
0x4d: {  	_ =	shalt  }
0x4e: {  	_ =	shalt  }
0x4f: {  	_ =	shalt  }
0x50: {  	_ =	shalt  }
0x51: {  	_ =	shalt  }
0x52: {  	_ =	shalt  }
0x53: {  	_ =	shalt  }
0x54: {  	_ =	shalt  }
0x55: {  	_ =	shalt  }
0x56: {  	_ =	shalt  }
0x57: {  	_ =	shalt  }
0x58: {  	_ =	shalt  }
0x59: {  	_ =	shalt  }
0x5a: {  	_ =	shalt  }
0x5b: {  	_ =	shalt  }
0x5c: {  	_ =	shalt  }
0x5d: {  	_ =	shalt  }
0x5e: {  	_ =	shalt  }
0x5f: {  	_ =	shalt  }
0x60: {  	_ =	shalt  }
0x61: {  	_ =	shalt  }
0x62: {  	_ =	shalt  }
0x63: {  	_ =	shalt  }
0x64: {  	_ =	shalt  }
0x65: {  	_ =	shalt  }
0x66: {  	_ =	shalt  }
0x67: {  	_ =	shalt  }
0x68: {  	_ =	shalt  }
0x69: {  	_ =	shalt  }
0x6a: {  	_ =	shalt  }
0x6b: {  	_ =	shalt  }
0x6c: {  	_ =	shalt  }
0x6d: {  	_ =	shalt  }
0x6e: {  	_ =	shalt  }
0x6f: {  	_ =	shalt  }
0x70: {  	_ =	shalt  }
0x71: {  	_ =	shalt  }
0x72: {  	_ =	shalt  }
0x73: {  	_ =	shalt  }
0x74: {  	_ =	shalt  }
0x75: {  	_ =	shalt  }
0x76: {  	_ =	shalt  }
0x77: {  	_ =	shalt  }
0x78: {  	_ =	shalt  }
0x79: {  	_ =	shalt  }
0x7a: {  	_ =	shalt  }
0x7b: {  	_ =	shalt  }
0x7c: {  	_ =	shalt  }
0x7d: {  	_ =	shalt  }
0x7e: {  	_ =	shalt  }
0x7f: {  	_ =	shalt  }
0x80: {  	_ =	shalt  }
0x81: {  	_ =	shalt  }
0x82: {  	_ =	shalt  }
0x83: {  	_ =	shalt  }
0x84: {  	_ =	shalt  }
0x85: {  	_ =	shalt  }
0x86: {  	_ =	shalt  }
0x87: {  	_ =	shalt  }
.Lfunc_end0:
.L_simem_size_0:
called_computation.1_lowered:
.L_overlay_start_0:
0x88: {  	s2 =	sld [smem:$0x3FD9]  }
0x89: {  	s3 =	sld [smem:$0x3FFE];
	_ =	sdelay $0x1  }
0x8a: {  	s1 =	srdreg.scid  }
0x8b: {  	s0 =	sand.u32 $0x1, s1  }
0x8c: {  	s17 =	sshll.u32 s0, $0xA;
	s2 =	sadd.s32 s3, s2  }
0x8d: {  	s2 =	sadd.s32 s2, s17  }
0x8e: {  	[smem:$0x3FBC] =	sst s2  }
0x8f: {  	_ = 	snop  }
0x90: {  	s2 =	sld [smem:$0x3FD0];
	(tm) =	ssettm $0x1  }
0x91: {  	s18 =	sld [smem:$0x3FFB];
	_ =	sdelay $0x3  }
0x92: {  	_ =	strace s18  }
0x93: {  	s3 =	sld [smem:$0x3FFC];
	_ =	sdelay $0x3  }
0x94: {  	_ =	strace s3  }
0x95: {  	s3 =	sld [smem:$0x3FFD];
	_ =	sdelay $0x3  }
0x96: {  	_ =	strace s3  }
0x97: {  	_ =	strace $0x8FFFFFFF  }
0x98: {  	s19 =	sld [smem:$0x3FDB];
	_ =	sdelay $0x1  }
0x99: {  	s4 =	simm.s32 $_scs_section_size  }
0x9a: {  	s5 =	simm.s32 $_size__tile_overlayer_lowered;
	s6 =	simm.s32 $_tile_overlayer_lowered  }
0x9b: {  	s22 =	simm.s32 $0x1BFF;
	s21 =	sshll.u32 s6, $0x1;
	s3 =	sadd.s32 s4, s19  }
0x9c: {  	s7 =	simm.s32 $0x0;
	s20 =	sshll.u32 s5, $0x1;
	s5 =	sadd.s32 s21, s3  }
0x9d: {  	[timem:s7], [sflag:s22] =	dma.local [hbm:s5], s20  }
0x9e: {  	_ =	swait.ge [sflag:s22], s20  }
0x9f: {  	s4 =	ssub.s32 $0x0, s20;
	[sflag:s22] =	ssyncset.done $0x0  }
0xa0: {  	[sflag:s22] =	ssyncadd.s32 s4;
	_ =	sdelay $0x1  }
0xa1: {  	s23 =	simm.s32 $0x1B8B  }
0xa2: {  	_ =	swait.ge [sflag:s23], $0x1  }
0xa3: {  	[sflag:s23] =	ssyncset.done $0x0  }
0xa4: {  	s25 =	simm.s32 $0x1B8E;
	s24 =	sld [smem:$0x3FFE];
	[sflag:s23] =	ssyncadd.s32 $0xFFFFFFFF  }
0xa5: {  	s26 =	simm.s32 $execute0_lowered;
	[smem:$0x3FD2] =	sst s25  }
0xa6: {  	s5 =	sshll.u32 s26, $0x1;
	_ =	strace $0x80000049;
	[dreg:$0x1] =	wrdreg $0xFFFFFFFF  }
0xa7: {  	s28 =	simm.s32 $_size_execute0_lowered;
	s3 =	sadd.s32 s3, s5;
	[dreg:$0x0] =	wrdreg $0x0  }
0xa8: {  	s5 =	sshll.u32 s28, $0x1;
	[dreg:$0x2] =	wrdreg s3  }
0xa9: {  	[dreg:$0x3] =	wrdreg s5  }
0xaa: {  	[dreg:$0x4] =	wrdreg $0xC0  }
0xab: {  	_ =	task [dreg:s7], $0x5FFFF  }
0xac: {  	[dreg:$0x1] =	wrdreg $0xFFFFFFFF  }
0xad: {  	[dreg:$0x0] =	wrdreg $0x60  }
0xae: {  	[dreg:$0x2] =	wrdreg s2  }
0xaf: {  	[dreg:$0x3] =	wrdreg s24  }
0xb0: {  	[dreg:$0x4] =	wrdreg $0x9  }
0xb1: {  	_ =	task.clear_ibuf [dreg:s7], $0x5FFFF;
	_ =	strace $0x90000049  }
0xb2: {  	s29 =	simm.s32 $0x9;
	_ =	strace $0x8000004B  }
0xb3: {  	_ =	swait.ge [sflag:s29], $0x1  }
0xb4: {  	[sflag:s29] =	ssyncadd.s32 $0xFFFFFFFF  }
0xb5: {  	_ =	strace $0x9000004B  }
0xb6: {  	_ =	sfence  }
0xb7: {  	s30 =	sld [smem:$0x0];
	_ =	sdelay $0x2  }
0xb8: {  	s31 =	sshll.u32 s1, $0xD;
	s1 =	sshrl.u32 s1, $0x2  }
0xb9: {  	s3 =	sand.u32 $0x4000, s31;
	s1 =	sadd.s32 s1, s30  }
0xba: {  	s0 =	sor.u32 s3, s0;
	s1 =	sshll.u32 s1, $0x11  }
0xbb: {  	s0 =	sor.u32 s1, s0  }
0xbc: {  	s0 =	sadd.s32 $0x8F2B, s0  }
0xbd: {  	[sflag:s0] =	ssyncadd.remote.s32 $0x1  }
0xbe: {  	_ =	sfence.sel $0xFFFF  }
0xbf: {  	[dreg:$0x0] =	wrdreg $0xFFFFFFFF;
	(pc) =	sbr.abs _section_cstart, $3  }
0xc0: {  	[dreg:$0x1] =	wrdreg $0xFFFFFFFF  }
0xc1: {  	_ =	task.clear_ibuf [dreg:s7], $0x2FFFF;
	_ =	strace $0x9FFFFFFF  }
0xc2: {  	(tm) =	ssettm $0x7FFFFFFF  }
0xc3: {  	_ =	shalt  }
tec
execute0_lowered:
.L_overlay_start_1:
0x0: {  	(tag) =	ssettag $0x1  }
0x1: {  	s1 =	srdreg.scid;
	s0 =	stileid.u32  }
0x2: {  	s1 =	sand.u32 $0x1, s1;
	s3 =	sshll.u32 s0, $0x1  }
0x3: {  	s4 =	sor.u32 s1, s3  }
0x4: {  	s2 =	rddreg [dreg:$0x0];
	s6 =	smul.u32 $0x12, s4  }
0x5: {  	s5 =	rddreg [dreg:$0x1];
	s3 =	simm.s32 $0x0;
	s7 =	smul.u32 $0x2400, s4  }
0x6: {  	[smem:$0x7FF] =	sst s3;
	s8 =	smul.u32 $0x12000, s4  }
0x7: {  	_ =	strace $0x8000004A;
	s6 =	sadd.s32 s6, s5;
	s5 =	sadd.s32 $0x3000, s5  }
0x8: {  	s9 =	sshrl.u32 s8, $0x3;
	s6 =	sadd.s32 $0x2C00, s6;
	s4 =	sadd.s32 s5, s7  }
0x9: {  	s7 =	sadd.s32 s5, s9;
	[dreg:$0x3] =	wrdreg s6;
	s10 =	sadd.s32 $0x200, s4  }
0xa: {  	s5 =	sadd.s32 $0x400, s7;
	[dreg:$0x4] =	wrdreg s10  }
0xb: {  	s11 =	sadd.s32 $0x600, s7;
	[dreg:$0x5] =	wrdreg s5  }
0xc: {  	s12 =	sadd.s32 $0x800, s7;
	[dreg:$0x6] =	wrdreg s11  }
0xd: {  	s28 =	simm.s32 $0xA;
	s13 =	sadd.s32 $0xA00, s7;
	[dreg:$0x7] =	wrdreg s12  }
0xe: {  	s29 =	simm.s32 $0x5;
	s14 =	sadd.s32 $0xC00, s7;
	[dreg:$0x8] =	wrdreg s13  }
0xf: {  	s30 =	simm.s32 $0xB;
	s15 =	sadd.s32 $0xE00, s7;
	[dreg:$0x9] =	wrdreg s14  }
0x10: {  	s31 =	simm.s32 $0x6;
	s16 =	sadd.s32 $0x1000, s7;
	[dreg:$0xa] =	wrdreg s15  }
0x11: {  	s1 =	ssub.s32 $0x2, s1;
	s17 =	sadd.s32 $0x1200, s7;
	[dreg:$0xb] =	wrdreg s16  }
0x12: {  	s23 =	sshrl.u32 s1, $0x1;
	s18 =	sadd.s32 $0x1400, s7;
	[dreg:$0xc] =	wrdreg s17  }
0x13: {  	s1 =	ssub.s32 s1, s23;
	s19 =	sadd.s32 $0x1600, s7;
	[dreg:$0xd] =	wrdreg s18  }
0x14: {  	s23 =	simm.s32 $0x8;
	s20 =	sadd.s32 $0x1800, s7;
	[dreg:$0xe] =	wrdreg s19  }
0x15: {  	s8 =	simm.s32 $0x100;
	s21 =	sadd.s32 $0x1A00, s7;
	[dreg:$0xf] =	wrdreg s20  }
0x16: {  	s9 =	simm.s32 $0x900;
	s22 =	sadd.s32 $0x1C00, s7;
	[dreg:$0x10] =	wrdreg s21  }
0x17: {  	s24 =	sadd.s32 $0x1E00, s7;
	s25 =	sadd.s32 $0x2000, s7;
	[dreg:$0x11] =	wrdreg s22  }
0x18: {  	s26 =	sadd.s32 $0x2200, s7;
	s6 =	smax.u32 s1, $0x1;
	[dreg:$0x12] =	wrdreg s24  }
0x19: {  	s7 =	simm.s32 $0xD;
	s1 =	simm.s32 $0xC;
	[dreg:$0x13] =	wrdreg s25  }
0x1a: {  	s5 =	sadd.s32 $0x100, s2;
	[dreg:$0x14] =	wrdreg s26;
	s10 =	simm.s32 $0x1100  }
0x1b: {  	s11 =	simm.s32 $0x1900;
	s12 =	simm.s32 $0x2100;
	s13 =	simm.s32 $0x2900  }
0x1c: {  	s14 =	simm.s32 $0x3100;
	s15 =	simm.s32 $0x3900;
	s16 =	simm.s32 $0x4100  }
0x1d: {  	v0 =	vlaneseq.u32;
	s17 =	simm.s32 $0x4900;
	s18 =	simm.s32 $0x5100;
	s19 =	simm.s32 $0x5900  }
0x1e: {  	v1 =	vshrl.u32 v0, $0x3;
	s20 =	simm.s32 $0x1;
	s21 =	simm.s32 $0x7;
	s22 =	simm.s32 $0x2  }
0x1f: {  	vm0 =	vmmov $0xffff;
	v0 =	vand.u32 $0x7, v0;
	v1 =	vmul.u32 $0x8, v1;
	s24 =	simm.s32 $0x3;
	s25 =	simm.s32 $0x9;
	s26 =	simm.s32 $0x4  }
.LBB2_1:
0x20: {  	s0 =	rddreg [dreg:$0x3]  }
0x21: {  	[tilespmem:s3], [sflag:$0xD] =	stream.linear.gather [hbm4b:s0+s3], $0x90, $0x38;
	[tilespmem:$0x6100] =	vst v63  }
0x22: {  	_ =	swait.ge [sflag:s7], $0x90  }
0x23: {  	[sflag:s7] =	ssyncset.done $0x0  }
0x24: {  	[sflag:s7] =	ssyncadd.s32 $0xFFFFFF70  }
0x25: {  	v2 =	vld.msk [tilespmem:$0x0], $0xff;
	_ =	sdelay $0x4  }
0x26: {  	v3 =	vshll.u32 v2, $0x2  }
0x27: {  	v2 =	vand.u32 $0x7, v2;
	v3 =	vand.u32 $0xFFFFFFE0, v3  }
0x28: {  	v2 =	vor.u32 v2, v3  }
0x29: {  	v2 =	vperm.xlane v2, v0;
	_ =	sdelay $0x1  }
0x2a: {  	v2 =	vadd.s32 v1, v2;
	_ =	sdelay $0x4  }
0x2b: {  	[tilespmem:s8], [sflag:$0x1] =	stream.indirect_vreg.gather [hbm4b:s2+s3], $0x80, v2, vm0, $0xb8;
	[tilespmem:$0x6100] =	vst v63  }
0x2c: {  	_ = 	snop  }
0x2d: {  	[tilespmem:s9], [sflag:$0x1] =	stream.indirect_vreg.gather [hbm4b:s5+s3], $0x80, v2, vm0, $0xb8;
	[tilespmem:$0x6100] =	vst v63  }
0x2e: {  	v2 =	vld.msk [tilespmem:$0x8], $0xff;
	_ =	sdelay $0x4  }
0x2f: {  	v3 =	vshll.u32 v2, $0x2  }
0x30: {  	v2 =	vand.u32 $0x7, v2;
	v3 =	vand.u32 $0xFFFFFFE0, v3  }
0x31: {  	v2 =	vor.u32 v2, v3  }
0x32: {  	v2 =	vperm.xlane v2, v0;
	_ =	sdelay $0x1  }
0x33: {  	v2 =	vadd.s32 v1, v2;
	_ =	sdelay $0x4  }
0x34: {  	[tilespmem:s10], [sflag:$0x2] =	stream.indirect_vreg.gather [hbm4b:s2+s3], $0x80, v2, vm0, $0xb8;
	[tilespmem:$0x6100] =	vst v63  }
0x35: {  	_ = 	snop  }
0x36: {  	[tilespmem:s11], [sflag:$0x2] =	stream.indirect_vreg.gather [hbm4b:s5+s3], $0x80, v2, vm0, $0xb8;
	[tilespmem:$0x6100] =	vst v63  }
0x37: {  	v2 =	vld.msk [tilespmem:$0x10], $0xff;
	_ =	sdelay $0x4  }
0x38: {  	v3 =	vshll.u32 v2, $0x2  }
0x39: {  	v2 =	vand.u32 $0x7, v2;
	v3 =	vand.u32 $0xFFFFFFE0, v3  }
0x3a: {  	v2 =	vor.u32 v2, v3  }
0x3b: {  	v2 =	vperm.xlane v2, v0;
	_ =	sdelay $0x1  }
0x3c: {  	v2 =	vadd.s32 v1, v2;
	_ =	sdelay $0x4  }
0x3d: {  	[tilespmem:s12], [sflag:$0x3] =	stream.indirect_vreg.gather [hbm4b:s2+s3], $0x80, v2, vm0, $0xb8;
	[tilespmem:$0x6100] =	vst v63  }
0x3e: {  	_ = 	snop  }
0x3f: {  	[tilespmem:s13], [sflag:$0x3] =	stream.indirect_vreg.gather [hbm4b:s5+s3], $0x80, v2, vm0, $0xb8;
	[tilespmem:$0x6100] =	vst v63  }
0x40: {  	v2 =	vld.msk [tilespmem:$0x18], $0xff;
	_ =	sdelay $0x4  }
0x41: {  	v3 =	vshll.u32 v2, $0x2  }
0x42: {  	v2 =	vand.u32 $0x7, v2;
	v3 =	vand.u32 $0xFFFFFFE0, v3  }
0x43: {  	v2 =	vor.u32 v2, v3  }
0x44: {  	v2 =	vperm.xlane v2, v0;
	_ =	sdelay $0x1  }
0x45: {  	v2 =	vadd.s32 v1, v2;
	_ =	sdelay $0x4  }
0x46: {  	[tilespmem:s14], [sflag:$0x4] =	stream.indirect_vreg.gather [hbm4b:s2+s3], $0x80, v2, vm0, $0xb8;
	[tilespmem:$0x6100] =	vst v63  }
0x47: {  	_ = 	snop  }
0x48: {  	[tilespmem:s15], [sflag:$0x4] =	stream.indirect_vreg.gather [hbm4b:s5+s3], $0x80, v2, vm0, $0xb8;
	[tilespmem:$0x6100] =	vst v63  }
0x49: {  	v2 =	vld.msk [tilespmem:$0x20], $0xff;
	_ =	sdelay $0x4  }
0x4a: {  	v3 =	vshll.u32 v2, $0x2  }
0x4b: {  	v2 =	vand.u32 $0x7, v2;
	v3 =	vand.u32 $0xFFFFFFE0, v3  }
0x4c: {  	v2 =	vor.u32 v2, v3  }
0x4d: {  	v2 =	vperm.xlane v2, v0;
	_ =	sdelay $0x1  }
0x4e: {  	v2 =	vadd.s32 v1, v2;
	_ =	sdelay $0x4  }
0x4f: {  	[tilespmem:s16], [sflag:$0x5] =	stream.indirect_vreg.gather [hbm4b:s2+s3], $0x80, v2, vm0, $0xb8;
	[tilespmem:$0x6100] =	vst v63  }
0x50: {  	_ = 	snop  }
0x51: {  	[tilespmem:s17], [sflag:$0x5] =	stream.indirect_vreg.gather [hbm4b:s5+s3], $0x80, v2, vm0, $0xb8;
	[tilespmem:$0x6100] =	vst v63  }
0x52: {  	v2 =	vld.msk [tilespmem:$0x28], $0xff;
	_ =	sdelay $0x4  }
0x53: {  	v3 =	vshll.u32 v2, $0x2  }
0x54: {  	v2 =	vand.u32 $0x7, v2;
	v3 =	vand.u32 $0xFFFFFFE0, v3  }
0x55: {  	v2 =	vor.u32 v2, v3  }
0x56: {  	v2 =	vperm.xlane v2, v0;
	_ =	sdelay $0x1  }
0x57: {  	v2 =	vadd.s32 v1, v2;
	_ =	sdelay $0x4  }
0x58: {  	[tilespmem:s18], [sflag:$0x6] =	stream.indirect_vreg.gather [hbm4b:s2+s3], $0x80, v2, vm0, $0xb8;
	[tilespmem:$0x6100] =	vst v63  }
0x59: {  	_ = 	snop  }
0x5a: {  	[tilespmem:s19], [sflag:$0x6] =	stream.indirect_vreg.gather [hbm4b:s5+s3], $0x80, v2, vm0, $0xb8;
	[tilespmem:$0x6100] =	vst v63  }
0x5b: {  	_ =	swait.ge [sflag:s20], $0x1000  }
0x5c: {  	[sflag:s20] =	ssyncset.done $0x0  }
0x5d: {  	[sflag:s20] =	ssyncadd.s32 $0xFFFFF000  }
0x5e: {  	[hbm4b:s4+s3] =	stream.linear.scatter [tilespmem:s8], [sflag:$0x7], $0x1000, $0x38;
	[tilespmem:$0x6100] =	vst v63  }
0x5f: {  	_ =	swait.ge [sflag:s21], $0x1000  }
0x60: {  	[sflag:s21] =	ssyncset.done $0x0  }
0x61: {  	[sflag:s21] =	ssyncadd.s32 $0xFFFFF000  }
0x62: {  	v2 =	vld.msk [tilespmem:$0x30], $0xff;
	_ =	sdelay $0x4  }
0x63: {  	v3 =	vshll.u32 v2, $0x2  }
0x64: {  	v2 =	vand.u32 $0x7, v2;
	v3 =	vand.u32 $0xFFFFFFE0, v3  }
0x65: {  	v2 =	vor.u32 v2, v3  }
0x66: {  	v2 =	vperm.xlane v2, v0;
	_ =	sdelay $0x1  }
0x67: {  	v2 =	vadd.s32 v1, v2;
	_ =	sdelay $0x4  }
0x68: {  	[tilespmem:s8], [sflag:$0x1] =	stream.indirect_vreg.gather [hbm4b:s2+s3], $0x80, v2, vm0, $0xb8;
	[tilespmem:$0x6100] =	vst v63  }
0x69: {  	_ = 	snop  }
0x6a: {  	[tilespmem:s9], [sflag:$0x1] =	stream.indirect_vreg.gather [hbm4b:s5+s3], $0x80, v2, vm0, $0xb8;
	[tilespmem:$0x6100] =	vst v63  }
0x6b: {  	_ =	swait.ge [sflag:s22], $0x1000  }
0x6c: {  	[sflag:s22] =	ssyncset.done $0x0  }
0x6d: {  	s0 =	rddreg [dreg:$0x4];
	[sflag:s22] =	ssyncadd.s32 $0xFFFFF000  }
0x6e: {  	[hbm4b:s0+s3] =	stream.linear.scatter [tilespmem:s10], [sflag:$0x8], $0x1000, $0x38;
	[tilespmem:$0x6100] =	vst v63  }
0x6f: {  	_ =	swait.ge [sflag:s23], $0x1000  }
0x70: {  	[sflag:s23] =	ssyncset.done $0x0  }
0x71: {  	[sflag:s23] =	ssyncadd.s32 $0xFFFFF000  }
0x72: {  	v2 =	vld.msk [tilespmem:$0x38], $0xff;
	_ =	sdelay $0x4  }
0x73: {  	v3 =	vshll.u32 v2, $0x2  }
0x74: {  	v2 =	vand.u32 $0x7, v2;
	v3 =	vand.u32 $0xFFFFFFE0, v3  }
0x75: {  	v2 =	vor.u32 v2, v3  }
0x76: {  	v2 =	vperm.xlane v2, v0;
	_ =	sdelay $0x1  }
0x77: {  	v2 =	vadd.s32 v1, v2;
	_ =	sdelay $0x4  }
0x78: {  	[tilespmem:s10], [sflag:$0x2] =	stream.indirect_vreg.gather [hbm4b:s2+s3], $0x80, v2, vm0, $0xb8;
	[tilespmem:$0x6100] =	vst v63  }
0x79: {  	_ = 	snop  }
0x7a: {  	[tilespmem:s11], [sflag:$0x2] =	stream.indirect_vreg.gather [hbm4b:s5+s3], $0x80, v2, vm0, $0xb8;
	[tilespmem:$0x6100] =	vst v63  }
0x7b: {  	_ =	swait.ge [sflag:s24], $0x1000  }
0x7c: {  	[sflag:s24] =	ssyncset.done $0x0  }
0x7d: {  	s0 =	rddreg [dreg:$0x5];
	[sflag:s24] =	ssyncadd.s32 $0xFFFFF000  }
0x7e: {  	[hbm4b:s0+s3] =	stream.linear.scatter [tilespmem:s12], [sflag:$0x9], $0x1000, $0x38;
	[tilespmem:$0x6100] =	vst v63  }
0x7f: {  	_ =	swait.ge [sflag:s25], $0x1000  }
0x80: {  	[sflag:s25] =	ssyncset.done $0x0  }
0x81: {  	[sflag:s25] =	ssyncadd.s32 $0xFFFFF000  }
0x82: {  	v2 =	vld.msk [tilespmem:$0x40], $0xff;
	_ =	sdelay $0x4  }
0x83: {  	v3 =	vshll.u32 v2, $0x2  }
0x84: {  	v2 =	vand.u32 $0x7, v2;
	v3 =	vand.u32 $0xFFFFFFE0, v3  }
0x85: {  	v2 =	vor.u32 v2, v3  }
0x86: {  	v2 =	vperm.xlane v2, v0;
	_ =	sdelay $0x1  }
0x87: {  	v2 =	vadd.s32 v1, v2;
	_ =	sdelay $0x4  }
0x88: {  	[tilespmem:s12], [sflag:$0x3] =	stream.indirect_vreg.gather [hbm4b:s2+s3], $0x80, v2, vm0, $0xb8;
	[tilespmem:$0x6100] =	vst v63  }
0x89: {  	_ = 	snop  }
0x8a: {  	[tilespmem:s13], [sflag:$0x3] =	stream.indirect_vreg.gather [hbm4b:s5+s3], $0x80, v2, vm0, $0xb8;
	[tilespmem:$0x6100] =	vst v63  }
0x8b: {  	_ =	swait.ge [sflag:s26], $0x1000  }
0x8c: {  	[sflag:s26] =	ssyncset.done $0x0  }
0x8d: {  	s0 =	rddreg [dreg:$0x6];
	[sflag:s26] =	ssyncadd.s32 $0xFFFFF000  }
0x8e: {  	[hbm4b:s0+s3] =	stream.linear.scatter [tilespmem:s14], [sflag:$0xA], $0x1000, $0x38;
	[tilespmem:$0x6100] =	vst v63  }
0x8f: {  	_ =	swait.ge [sflag:s28], $0x1000  }
0x90: {  	[sflag:s28] =	ssyncset.done $0x0  }
0x91: {  	[sflag:s28] =	ssyncadd.s32 $0xFFFFF000  }
0x92: {  	v2 =	vld.msk [tilespmem:$0x48], $0xff;
	_ =	sdelay $0x4  }
0x93: {  	v3 =	vshll.u32 v2, $0x2  }
0x94: {  	v2 =	vand.u32 $0x7, v2;
	v3 =	vand.u32 $0xFFFFFFE0, v3  }
0x95: {  	v2 =	vor.u32 v2, v3  }
0x96: {  	v2 =	vperm.xlane v2, v0;
	_ =	sdelay $0x1  }
0x97: {  	v2 =	vadd.s32 v1, v2;
	_ =	sdelay $0x4  }
0x98: {  	[tilespmem:s14], [sflag:$0x4] =	stream.indirect_vreg.gather [hbm4b:s2+s3], $0x80, v2, vm0, $0xb8;
	[tilespmem:$0x6100] =	vst v63  }
0x99: {  	_ = 	snop  }
0x9a: {  	[tilespmem:s15], [sflag:$0x4] =	stream.indirect_vreg.gather [hbm4b:s5+s3], $0x80, v2, vm0, $0xb8;
	[tilespmem:$0x6100] =	vst v63  }
0x9b: {  	_ =	swait.ge [sflag:s29], $0x1000  }
0x9c: {  	[sflag:s29] =	ssyncset.done $0x0  }
0x9d: {  	s0 =	rddreg [dreg:$0x7];
	[sflag:s29] =	ssyncadd.s32 $0xFFFFF000  }
0x9e: {  	[hbm4b:s0+s3] =	stream.linear.scatter [tilespmem:s16], [sflag:$0xB], $0x1000, $0x38;
	[tilespmem:$0x6100] =	vst v63  }
0x9f: {  	_ =	swait.ge [sflag:s30], $0x1000  }
0xa0: {  	[sflag:s30] =	ssyncset.done $0x0  }
0xa1: {  	[sflag:s30] =	ssyncadd.s32 $0xFFFFF000  }
0xa2: {  	v2 =	vld.msk [tilespmem:$0x50], $0xff;
	_ =	sdelay $0x4  }
0xa3: {  	v3 =	vshll.u32 v2, $0x2  }
0xa4: {  	v2 =	vand.u32 $0x7, v2;
	v3 =	vand.u32 $0xFFFFFFE0, v3  }
0xa5: {  	v2 =	vor.u32 v2, v3  }
0xa6: {  	v2 =	vperm.xlane v2, v0;
	_ =	sdelay $0x1  }
0xa7: {  	v2 =	vadd.s32 v1, v2;
	_ =	sdelay $0x4  }
0xa8: {  	[tilespmem:s16], [sflag:$0x5] =	stream.indirect_vreg.gather [hbm4b:s2+s3], $0x80, v2, vm0, $0xb8;
	[tilespmem:$0x6100] =	vst v63  }
0xa9: {  	_ = 	snop  }
0xaa: {  	[tilespmem:s17], [sflag:$0x5] =	stream.indirect_vreg.gather [hbm4b:s5+s3], $0x80, v2, vm0, $0xb8;
	[tilespmem:$0x6100] =	vst v63  }
0xab: {  	_ =	swait.ge [sflag:s31], $0x1000  }
0xac: {  	[sflag:s31] =	ssyncset.done $0x0  }
0xad: {  	s0 =	rddreg [dreg:$0x8];
	[sflag:s31] =	ssyncadd.s32 $0xFFFFF000  }
0xae: {  	[hbm4b:s0+s3] =	stream.linear.scatter [tilespmem:s18], [sflag:$0xC], $0x1000, $0x38;
	[tilespmem:$0x6100] =	vst v63  }
0xaf: {  	_ =	swait.ge [sflag:s1], $0x1000  }
0xb0: {  	[sflag:s1] =	ssyncset.done $0x0  }
0xb1: {  	[sflag:s1] =	ssyncadd.s32 $0xFFFFF000  }
0xb2: {  	v2 =	vld.msk [tilespmem:$0x58], $0xff;
	_ =	sdelay $0x4  }
0xb3: {  	v3 =	vshll.u32 v2, $0x2  }
0xb4: {  	v2 =	vand.u32 $0x7, v2;
	v3 =	vand.u32 $0xFFFFFFE0, v3  }
0xb5: {  	v2 =	vor.u32 v2, v3  }
0xb6: {  	v2 =	vperm.xlane v2, v0;
	_ =	sdelay $0x1  }
0xb7: {  	v2 =	vadd.s32 v1, v2;
	_ =	sdelay $0x4  }
0xb8: {  	[tilespmem:s18], [sflag:$0x6] =	stream.indirect_vreg.gather [hbm4b:s2+s3], $0x80, v2, vm0, $0xb8;
	[tilespmem:$0x6100] =	vst v63  }
0xb9: {  	_ = 	snop  }
0xba: {  	[tilespmem:s19], [sflag:$0x6] =	stream.indirect_vreg.gather [hbm4b:s5+s3], $0x80, v2, vm0, $0xb8;
	[tilespmem:$0x6100] =	vst v63  }
0xbb: {  	_ =	swait.ge [sflag:s20], $0x1000  }
0xbc: {  	[sflag:s20] =	ssyncset.done $0x0  }
0xbd: {  	s0 =	rddreg [dreg:$0x9];
	[sflag:s20] =	ssyncadd.s32 $0xFFFFF000  }
0xbe: {  	[hbm4b:s0+s3] =	stream.linear.scatter [tilespmem:s8], [sflag:$0x7], $0x1000, $0x38;
	[tilespmem:$0x6100] =	vst v63  }
0xbf: {  	_ =	swait.ge [sflag:s21], $0x1000  }
0xc0: {  	[sflag:s21] =	ssyncset.done $0x0  }
0xc1: {  	[sflag:s21] =	ssyncadd.s32 $0xFFFFF000  }
0xc2: {  	v2 =	vld.msk [tilespmem:$0x60], $0xff;
	_ =	sdelay $0x4  }
0xc3: {  	v3 =	vshll.u32 v2, $0x2  }
0xc4: {  	v2 =	vand.u32 $0x7, v2;
	v3 =	vand.u32 $0xFFFFFFE0, v3  }
0xc5: {  	v2 =	vor.u32 v2, v3  }
0xc6: {  	v2 =	vperm.xlane v2, v0;
	_ =	sdelay $0x1  }
0xc7: {  	v2 =	vadd.s32 v1, v2;
	_ =	sdelay $0x4  }
0xc8: {  	[tilespmem:s8], [sflag:$0x1] =	stream.indirect_vreg.gather [hbm4b:s2+s3], $0x80, v2, vm0, $0xb8;
	[tilespmem:$0x6100] =	vst v63  }
0xc9: {  	_ = 	snop  }
0xca: {  	[tilespmem:s9], [sflag:$0x1] =	stream.indirect_vreg.gather [hbm4b:s5+s3], $0x80, v2, vm0, $0xb8;
	[tilespmem:$0x6100] =	vst v63  }
0xcb: {  	_ =	swait.ge [sflag:s22], $0x1000  }
0xcc: {  	[sflag:s22] =	ssyncset.done $0x0  }
0xcd: {  	s0 =	rddreg [dreg:$0xa];
	[sflag:s22] =	ssyncadd.s32 $0xFFFFF000  }
0xce: {  	[hbm4b:s0+s3] =	stream.linear.scatter [tilespmem:s10], [sflag:$0x8], $0x1000, $0x38;
	[tilespmem:$0x6100] =	vst v63  }
0xcf: {  	_ =	swait.ge [sflag:s23], $0x1000  }
0xd0: {  	[sflag:s23] =	ssyncset.done $0x0  }
0xd1: {  	[sflag:s23] =	ssyncadd.s32 $0xFFFFF000  }
0xd2: {  	v2 =	vld.msk [tilespmem:$0x68], $0xff;
	_ =	sdelay $0x4  }
0xd3: {  	v3 =	vshll.u32 v2, $0x2  }
0xd4: {  	v2 =	vand.u32 $0x7, v2;
	v3 =	vand.u32 $0xFFFFFFE0, v3  }
0xd5: {  	v2 =	vor.u32 v2, v3  }
0xd6: {  	v2 =	vperm.xlane v2, v0;
	_ =	sdelay $0x1  }
0xd7: {  	v2 =	vadd.s32 v1, v2;
	_ =	sdelay $0x4  }
0xd8: {  	[tilespmem:s10], [sflag:$0x2] =	stream.indirect_vreg.gather [hbm4b:s2+s3], $0x80, v2, vm0, $0xb8;
	[tilespmem:$0x6100] =	vst v63  }
0xd9: {  	_ = 	snop  }
0xda: {  	[tilespmem:s11], [sflag:$0x2] =	stream.indirect_vreg.gather [hbm4b:s5+s3], $0x80, v2, vm0, $0xb8;
	[tilespmem:$0x6100] =	vst v63  }
0xdb: {  	_ =	swait.ge [sflag:s24], $0x1000  }
0xdc: {  	[sflag:s24] =	ssyncset.done $0x0  }
0xdd: {  	s0 =	rddreg [dreg:$0xb];
	[sflag:s24] =	ssyncadd.s32 $0xFFFFF000  }
0xde: {  	[hbm4b:s0+s3] =	stream.linear.scatter [tilespmem:s12], [sflag:$0x9], $0x1000, $0x38;
	[tilespmem:$0x6100] =	vst v63  }
0xdf: {  	_ =	swait.ge [sflag:s25], $0x1000  }
0xe0: {  	[sflag:s25] =	ssyncset.done $0x0  }
0xe1: {  	[sflag:s25] =	ssyncadd.s32 $0xFFFFF000  }
0xe2: {  	v2 =	vld.msk [tilespmem:$0x70], $0xff;
	_ =	sdelay $0x4  }
0xe3: {  	v3 =	vshll.u32 v2, $0x2  }
0xe4: {  	v2 =	vand.u32 $0x7, v2;
	v3 =	vand.u32 $0xFFFFFFE0, v3  }
0xe5: {  	v2 =	vor.u32 v2, v3  }
0xe6: {  	v2 =	vperm.xlane v2, v0;
	_ =	sdelay $0x1  }
0xe7: {  	v2 =	vadd.s32 v1, v2;
	_ =	sdelay $0x4  }
0xe8: {  	[tilespmem:s12], [sflag:$0x3] =	stream.indirect_vreg.gather [hbm4b:s2+s3], $0x80, v2, vm0, $0xb8;
	[tilespmem:$0x6100] =	vst v63  }
0xe9: {  	_ = 	snop  }
0xea: {  	[tilespmem:s13], [sflag:$0x3] =	stream.indirect_vreg.gather [hbm4b:s5+s3], $0x80, v2, vm0, $0xb8;
	[tilespmem:$0x6100] =	vst v63  }
0xeb: {  	_ =	swait.ge [sflag:s26], $0x1000  }
0xec: {  	[sflag:s26] =	ssyncset.done $0x0  }
0xed: {  	s0 =	rddreg [dreg:$0xc];
	[sflag:s26] =	ssyncadd.s32 $0xFFFFF000  }
0xee: {  	[hbm4b:s0+s3] =	stream.linear.scatter [tilespmem:s14], [sflag:$0xA], $0x1000, $0x38;
	[tilespmem:$0x6100] =	vst v63  }
0xef: {  	_ =	swait.ge [sflag:s28], $0x1000  }
0xf0: {  	[sflag:s28] =	ssyncset.done $0x0  }
0xf1: {  	[sflag:s28] =	ssyncadd.s32 $0xFFFFF000  }
0xf2: {  	v2 =	vld.msk [tilespmem:$0x78], $0xff;
	_ =	sdelay $0x4  }
0xf3: {  	v3 =	vshll.u32 v2, $0x2  }
0xf4: {  	v2 =	vand.u32 $0x7, v2;
	v3 =	vand.u32 $0xFFFFFFE0, v3  }
0xf5: {  	v2 =	vor.u32 v2, v3  }
0xf6: {  	v2 =	vperm.xlane v2, v0;
	_ =	sdelay $0x1  }
0xf7: {  	v2 =	vadd.s32 v1, v2;
	_ =	sdelay $0x4  }
0xf8: {  	[tilespmem:s14], [sflag:$0x4] =	stream.indirect_vreg.gather [hbm4b:s2+s3], $0x80, v2, vm0, $0xb8;
	[tilespmem:$0x6100] =	vst v63  }
0xf9: {  	_ = 	snop  }
0xfa: {  	[tilespmem:s15], [sflag:$0x4] =	stream.indirect_vreg.gather [hbm4b:s5+s3], $0x80, v2, vm0, $0xb8;
	[tilespmem:$0x6100] =	vst v63  }
0xfb: {  	_ =	swait.ge [sflag:s29], $0x1000  }
0xfc: {  	[sflag:s29] =	ssyncset.done $0x0  }
0xfd: {  	s0 =	rddreg [dreg:$0xd];
	[sflag:s29] =	ssyncadd.s32 $0xFFFFF000  }
0xfe: {  	[hbm4b:s0+s3] =	stream.linear.scatter [tilespmem:s16], [sflag:$0xB], $0x1000, $0x38;
	[tilespmem:$0x6100] =	vst v63  }
0xff: {  	_ =	swait.ge [sflag:s30], $0x1000  }
0x100: {  	[sflag:s30] =	ssyncset.done $0x0  }
0x101: {  	[sflag:s30] =	ssyncadd.s32 $0xFFFFF000  }
0x102: {  	v2 =	vld.msk [tilespmem:$0x80], $0xff;
	_ =	sdelay $0x4  }
0x103: {  	v3 =	vshll.u32 v2, $0x2  }
0x104: {  	v2 =	vand.u32 $0x7, v2;
	v3 =	vand.u32 $0xFFFFFFE0, v3  }
0x105: {  	v2 =	vor.u32 v2, v3  }
0x106: {  	v2 =	vperm.xlane v2, v0;
	_ =	sdelay $0x1  }
0x107: {  	v2 =	vadd.s32 v1, v2;
	_ =	sdelay $0x4  }
0x108: {  	[tilespmem:s16], [sflag:$0x5] =	stream.indirect_vreg.gather [hbm4b:s2+s3], $0x80, v2, vm0, $0xb8;
	[tilespmem:$0x6100] =	vst v63  }
0x109: {  	_ = 	snop  }
0x10a: {  	[tilespmem:s17], [sflag:$0x5] =	stream.indirect_vreg.gather [hbm4b:s5+s3], $0x80, v2, vm0, $0xb8;
	[tilespmem:$0x6100] =	vst v63  }
0x10b: {  	_ =	swait.ge [sflag:s31], $0x1000  }
0x10c: {  	[sflag:s31] =	ssyncset.done $0x0  }
0x10d: {  	s0 =	rddreg [dreg:$0xe];
	[sflag:s31] =	ssyncadd.s32 $0xFFFFF000  }
0x10e: {  	[hbm4b:s0+s3] =	stream.linear.scatter [tilespmem:s18], [sflag:$0xC], $0x1000, $0x38;
	[tilespmem:$0x6100] =	vst v63  }
0x10f: {  	_ =	swait.ge [sflag:s1], $0x1000  }
0x110: {  	[sflag:s1] =	ssyncset.done $0x0  }
0x111: {  	[sflag:s1] =	ssyncadd.s32 $0xFFFFF000  }
0x112: {  	v2 =	vld.msk [tilespmem:$0x88], $0xff;
	_ =	sdelay $0x4  }
0x113: {  	v3 =	vshll.u32 v2, $0x2  }
0x114: {  	v2 =	vand.u32 $0x7, v2;
	v3 =	vand.u32 $0xFFFFFFE0, v3  }
0x115: {  	v2 =	vor.u32 v2, v3  }
0x116: {  	v2 =	vperm.xlane v2, v0;
	_ =	sdelay $0x1  }
0x117: {  	v2 =	vadd.s32 v1, v2;
	_ =	sdelay $0x4  }
0x118: {  	[tilespmem:s18], [sflag:$0x6] =	stream.indirect_vreg.gather [hbm4b:s2+s3], $0x80, v2, vm0, $0xb8;
	[tilespmem:$0x6100] =	vst v63  }
0x119: {  	_ = 	snop  }
0x11a: {  	[tilespmem:s19], [sflag:$0x6] =	stream.indirect_vreg.gather [hbm4b:s5+s3], $0x80, v2, vm0, $0xb8;
	[tilespmem:$0x6100] =	vst v63  }
0x11b: {  	_ =	swait.ge [sflag:s20], $0x1000  }
0x11c: {  	[sflag:s20] =	ssyncset.done $0x0  }
0x11d: {  	s0 =	rddreg [dreg:$0xf];
	[sflag:s20] =	ssyncadd.s32 $0xFFFFF000  }
0x11e: {  	[hbm4b:s0+s3] =	stream.linear.scatter [tilespmem:s8], [sflag:$0x7], $0x1000, $0x38;
	[tilespmem:$0x6100] =	vst v63  }
0x11f: {  	_ =	swait.ge [sflag:s22], $0x1000  }
0x120: {  	[sflag:s22] =	ssyncset.done $0x0  }
0x121: {  	s0 =	rddreg [dreg:$0x10];
	[sflag:s22] =	ssyncadd.s32 $0xFFFFF000  }
0x122: {  	[hbm4b:s0+s3] =	stream.linear.scatter [tilespmem:s10], [sflag:$0x8], $0x1000, $0x38;
	[tilespmem:$0x6100] =	vst v63  }
0x123: {  	_ =	swait.ge [sflag:s24], $0x1000  }
0x124: {  	[sflag:s24] =	ssyncset.done $0x0  }
0x125: {  	s0 =	rddreg [dreg:$0x11];
	[sflag:s24] =	ssyncadd.s32 $0xFFFFF000  }
0x126: {  	[hbm4b:s0+s3] =	stream.linear.scatter [tilespmem:s12], [sflag:$0x9], $0x1000, $0x38;
	[tilespmem:$0x6100] =	vst v63  }
0x127: {  	_ =	swait.ge [sflag:s26], $0x1000  }
0x128: {  	[sflag:s26] =	ssyncset.done $0x0  }
0x129: {  	s0 =	rddreg [dreg:$0x12];
	[sflag:s26] =	ssyncadd.s32 $0xFFFFF000  }
0x12a: {  	[hbm4b:s0+s3] =	stream.linear.scatter [tilespmem:s14], [sflag:$0xA], $0x1000, $0x38;
	[tilespmem:$0x6100] =	vst v63  }
0x12b: {  	_ =	swait.ge [sflag:s29], $0x1000  }
0x12c: {  	[sflag:s29] =	ssyncset.done $0x0  }
0x12d: {  	s0 =	rddreg [dreg:$0x13];
	[sflag:s29] =	ssyncadd.s32 $0xFFFFF000  }
0x12e: {  	[hbm4b:s0+s3] =	stream.linear.scatter [tilespmem:s16], [sflag:$0xB], $0x1000, $0x38;
	[tilespmem:$0x6100] =	vst v63  }
0x12f: {  	_ =	swait.ge [sflag:s31], $0x1000  }
0x130: {  	[sflag:s31] =	ssyncset.done $0x0  }
0x131: {  	s0 =	rddreg [dreg:$0x14];
	[sflag:s31] =	ssyncadd.s32 $0xFFFFF000  }
0x132: {  	[hbm4b:s0+s3] =	stream.linear.scatter [tilespmem:s18], [sflag:$0xC], $0x1000, $0x38;
	[tilespmem:$0x6100] =	vst v63  }
0x133: {  	_ =	swait.ge [sflag:s21], $0x1000  }
0x134: {  	[sflag:s21] =	ssyncset.done $0x0  }
0x135: {  	[sflag:s21] =	ssyncadd.s32 $0xFFFFF000  }
0x136: {  	_ =	swait.ge [sflag:s23], $0x1000  }
0x137: {  	[sflag:s23] =	ssyncset.done $0x0  }
0x138: {  	[sflag:s23] =	ssyncadd.s32 $0xFFFFF000  }
0x139: {  	_ =	swait.ge [sflag:s25], $0x1000  }
0x13a: {  	[sflag:s25] =	ssyncset.done $0x0  }
0x13b: {  	[sflag:s25] =	ssyncadd.s32 $0xFFFFF000  }
0x13c: {  	_ =	swait.ge [sflag:s28], $0x1000  }
0x13d: {  	[sflag:s28] =	ssyncset.done $0x0  }
0x13e: {  	[sflag:s28] =	ssyncadd.s32 $0xFFFFF000  }
0x13f: {  	p0 =	sne.s32 s6, $0x1;
	_ =	swait.ge [sflag:s30], $0x1000  }
.Ltmp0:
0x140: {  	[sflag:s30] =	ssyncset.done $0x0;
	(pc) =	sbr.rel @p0 .LBB2_1-.Ltmp0, $4  }
0x141: {  	[sflag:s30] =	ssyncadd.s32 $0xFFFFF000  }
0x142: {  	_ =	swait.ge [sflag:s1], $0x1000  }
0x143: {  	[sflag:s1] =	ssyncset.done $0x0  }
0x144: {  	s6 =	sadd.s32 $0xFFFFFFFF, s6;
	[sflag:s1] =	ssyncadd.s32 $0xFFFFF000  }
0x145: {  	_ =	sfence.sel $0x180000  }
0x146: {  	[bflag:$0x0] =	sbarrier.arrive $0xFFFF  }
0x147: {  	_ =	strace $0x9000004A  }
0x148: {  	s0 =	stileid.u32;
	[bflag:$0x2] =	sbarrier.arrive $0xFFFF  }
0x149: {  	p0 =	sne.s32 s0, $0x0;
	s0 =	rddreg [dreg:$0x2]  }
0x14a: {  	s0 =	sadd.s32 @!p0 $0x100000, s0  }
0x14b: {  	[sflag:s0] =	ssyncadd.tile.s32 @!p0 $0x1;
	_ =	shalt  }
.Lfunc_end2:
_tile_overlayer_lowered:
.L_overlay_start_2:
0x14c: {  	(tag) =	ssettag $0x2  }
0x14d: {  	s0 =	rddreg [dreg:$0x0];
	s2 =	stileid.u32  }
0x14e: {  	s1 =	rddreg [dreg:$0x1];
	p0 =	sne.s32 s2, $0x0  }
0x14f: {  	s3 =	rddreg [dreg:$0x2];
	[bflag:$0x3] =	sbarrier.arrive $0xFFFF;
	s2 =	simm.s32 @!p0 $0x1C0D  }
0x150: {  	[timem:s3], [sflag:s2] =	dma.local @!p0 [hbm:s0], s1  }
0x151: {  	s0 =	simm.s32 @!p0 $0xD  }
0x152: {  	_ =	swait.ge @!p0 [sflag:s0], s1  }
0x153: {  	s1 =	ssub.s32 @!p0 $0x0, s1;
	[sflag:s0] =	ssyncset.done @!p0 $0x0  }
0x154: {  	[sflag:s0] =	ssyncadd.s32 @!p0 s1  }
0x155: {  	[bflag:$0x3] =	sbarrier.arrive $0xFFFF  }
0x156: {  	_ =	shalt  }

// kernel: kernel.17.cloned.1.call-start
scs
__scs_entry_jumppad:
0x0: {  	(pc) =	sbr.rel $0x88, $3  }
0x1: {  	(tag) =	ssettag $0x0;
	lr =	simm.s32 $0x1  }
0x2: {  	[smem:$0x3F95] =	sst lr;
	_ =	strace $0xD0000000  }
0x3: {  	_ = 	snop  }
0x4: {  	_ = 	snop  }
0x5: {  	_ = 	snop  }
0x6: {  	_ = 	snop  }
0x7: {  	_ = 	snop  }
__scs_overlays_trampoline_lowered:
0x8: {  	[smem:$0x3FA4] =	sst s0  }
0x9: {  	[smem:$0x3FA5] =	sst s1  }
0xa: {  	[smem:$0x3FA6] =	sst s2  }
0xb: {  	[smem:$0x3FA7] =	sst s3  }
0xc: {  	[smem:$0x3FA8] =	sst s4  }
0xd: {  	[smem:$0x3FA9] =	sst s5  }
0xe: {  	[smem:$0x3FAA] =	sst s6  }
0xf: {  	[smem:$0x3FAB] =	sst s7  }
0x10: {  	[smem:$0x3FAC] =	sst s8  }
0x11: {  	[smem:$0x3FAD] =	sst s9;
	s0 =	simm.s32 @!p0 $0x0  }
0x12: {  	s1 =	sld [smem:$0x3F93];
	s0 =	simm.s32 @p0 $0x1  }
0x13: {  	[smem:$0x3FAE] =	sst s0;
	s0 =	simm.s32 @!p1 $0x0  }
0x14: {  	s2 =	sld [smem:$0x3F92];
	s0 =	simm.s32 @p1 $0x1  }
0x15: {  	[smem:$0x3FAF] =	sst s0;
	s0 =	simm.s32 @!p2 $0x0  }
0x16: {  	s3 =	sld [smem:$0x3FDB];
	s0 =	simm.s32 @p2 $0x1  }
0x17: {  	s4 =	simm.s32 $0x1BF5;
	[smem:$0x3FB1] =	sst s0  }
0x18: {  	s0 =	sld [smem:$0x3F94];
	_ =	swait.ge [sflag:s4], $0x0  }
0x19: {  	s7 =	sld [smem:$0x3F95]  }
0x1a: {  	s8 =	sadd.s32 $0xFFFFE003, lr  }
0x1b: {  	s9 =	sadd.s32 $0xFFFFFEF7, lr;
	s5 =	simm.s32 $0xFFFFFFFF;
	p2 =	slt.u32 s8, $0xFFFFF086  }
0x1c: {  	p1 =	slt.u32 s9, $0xF7A;
	s5 =	simm.s32 @!p2 $0x0  }
0x1d: {  	s5 =	simm.s32 @p1 $0x1;
	p0 =	seq.s32 s7, s2  }
0x1e: {  	s7 =	smul.u32 @!p0 $0xF7A, s2;
	p2 =	seq.s32 @!p0 s5, $0x0  }
0x1f: {  	s9 =	smul.u32 $0xF7A, s1;
	s8 =	simm.s32 @!p0 $0x1BF5;
	p2 =	por !p2, p0  }
0x20: {  	[sflag:s8] =	ssyncset.s32 @!p0 $0xFFFFF086;
	s6 =	sadd.s32 @!p0 s3, s7;
	s7 =	simm.s32 @!p0 $0x108  }
0x21: {  	s3 =	sadd.s32 s3, s9;
	s6 =	sadd.s32 @!p0 $0x88, s6;
	s7 =	simm.s32 @p2 $0x1082  }
0x22: {  	[simem:s7], [sflag:s8] =	dma.local @!p0 [hbm:s6], $0xF7A  }
0x23: {  	s9 =	sor.u32 $0xD0000000, s2;
	s6 =	simm.s32 $0x108;
	_ =	swait.ge @!p0 [sflag:s8], $0x0  }
0x24: {  	s3 =	sadd.s32 $0x88, s3;
	s6 =	simm.s32 @!p1 $0x1082;
	[sflag:s4] =	ssyncset.s32 $0xFFFFF086  }
0x25: {  	[simem:s6], [sflag:s4] =	dma.local [hbm:s3], $0xF7A  }
0x26: {  	[smem:$0x3F95] =	sst s1;
	(tag) =	ssettag s2;
	_ =	strace s9  }
0x27: {  	s1 =	sld [smem:$0x3FA5]  }
0x28: {  	s2 =	sld [smem:$0x3FA6]  }
0x29: {  	s4 =	sld [smem:$0x3FA8]  }
0x2a: {  	p0 =	seq.s32 s5, $0x0;
	s5 =	sld [smem:$0x3FA9]  }
0x2b: {  	s6 =	sld [smem:$0x3FAA]  }
0x2c: {  	s7 =	sld [smem:$0x3FAB]  }
0x2d: {  	s3 =	simm.s32 $0x108;
	s8 =	sld [smem:$0x3FAC]  }
0x2e: {  	s3 =	simm.s32 @!p0 $0x1082;
	s9 =	sld [smem:$0x3FAD]  }
0x2f: {  	lr =	sadd.s32 s0, s3;
	s0 =	sld [smem:$0x3FA4]  }
0x30: {  	s3 =	sld [smem:$0x3FA7]  }
0x31: {  	[smem:$0x3FB0] =	sst s10  }
0x32: {  	s10 =	sld [smem:$0x3FAE];
	_ =	sdelay $0x3  }
0x33: {  	p0 =	seq.s32 s10, $0x1;
	s10 =	sld [smem:$0x3FB0];
	_ =	sdelay $0x3  }
0x34: {  	[smem:$0x3FB0] =	sst s10  }
0x35: {  	s10 =	sld [smem:$0x3FAF];
	_ =	sdelay $0x3  }
0x36: {  	p1 =	seq.s32 s10, $0x1;
	s10 =	sld [smem:$0x3FB0];
	_ =	sdelay $0x3  }
0x37: {  	[smem:$0x3FB0] =	sst s10  }
0x38: {  	s10 =	sld [smem:$0x3FB1]  }
0x39: {  	_ = 	snop;
	(pc) =	sbr.ind lr, $3  }
0x3a: {  	_ = 	snop  }
0x3b: {  	_ = 	snop  }
0x3c: {  	p2 =	seq.s32 s10, $0x1;
	s10 =	sld [smem:$0x3FB0]  }
0x3d: {  	_ =	shalt  }
0x3e: {  	_ =	shalt  }
0x3f: {  	_ =	shalt  }
0x40: {  	_ =	shalt  }
0x41: {  	_ =	shalt  }
0x42: {  	_ =	shalt  }
0x43: {  	_ =	shalt  }
0x44: {  	_ =	shalt  }
0x45: {  	_ =	shalt  }
0x46: {  	_ =	shalt  }
0x47: {  	_ =	shalt  }
0x48: {  	_ =	shalt  }
0x49: {  	_ =	shalt  }
0x4a: {  	_ =	shalt  }
0x4b: {  	_ =	shalt  }
0x4c: {  	_ =	shalt  }
0x4d: {  	_ =	shalt  }
0x4e: {  	_ =	shalt  }
0x4f: {  	_ =	shalt  }
0x50: {  	_ =	shalt  }
0x51: {  	_ =	shalt  }
0x52: {  	_ =	shalt  }
0x53: {  	_ =	shalt  }
0x54: {  	_ =	shalt  }
0x55: {  	_ =	shalt  }
0x56: {  	_ =	shalt  }
0x57: {  	_ =	shalt  }
0x58: {  	_ =	shalt  }
0x59: {  	_ =	shalt  }
0x5a: {  	_ =	shalt  }
0x5b: {  	_ =	shalt  }
0x5c: {  	_ =	shalt  }
0x5d: {  	_ =	shalt  }
0x5e: {  	_ =	shalt  }
0x5f: {  	_ =	shalt  }
0x60: {  	_ =	shalt  }
0x61: {  	_ =	shalt  }
0x62: {  	_ =	shalt  }
0x63: {  	_ =	shalt  }
0x64: {  	_ =	shalt  }
0x65: {  	_ =	shalt  }
0x66: {  	_ =	shalt  }
0x67: {  	_ =	shalt  }
0x68: {  	_ =	shalt  }
0x69: {  	_ =	shalt  }
0x6a: {  	_ =	shalt  }
0x6b: {  	_ =	shalt  }
0x6c: {  	_ =	shalt  }
0x6d: {  	_ =	shalt  }
0x6e: {  	_ =	shalt  }
0x6f: {  	_ =	shalt  }
0x70: {  	_ =	shalt  }
0x71: {  	_ =	shalt  }
0x72: {  	_ =	shalt  }
0x73: {  	_ =	shalt  }
0x74: {  	_ =	shalt  }
0x75: {  	_ =	shalt  }
0x76: {  	_ =	shalt  }
0x77: {  	_ =	shalt  }
0x78: {  	_ =	shalt  }
0x79: {  	_ =	shalt  }
0x7a: {  	_ =	shalt  }
0x7b: {  	_ =	shalt  }
0x7c: {  	_ =	shalt  }
0x7d: {  	_ =	shalt  }
0x7e: {  	_ =	shalt  }
0x7f: {  	_ =	shalt  }
0x80: {  	_ =	shalt  }
0x81: {  	_ =	shalt  }
0x82: {  	_ =	shalt  }
0x83: {  	_ =	shalt  }
0x84: {  	_ =	shalt  }
0x85: {  	_ =	shalt  }
0x86: {  	_ =	shalt  }
0x87: {  	_ =	shalt  }
.Lfunc_end0:
.L_simem_size_0:
called_computation.2_lowered:
.L_overlay_start_0:
0x88: {  	s2 =	sld [smem:$0x3FD9]  }
0x89: {  	s3 =	sld [smem:$0x3FFE];
	_ =	sdelay $0x1  }
0x8a: {  	s1 =	srdreg.scid  }
0x8b: {  	s0 =	sand.u32 $0x1, s1  }
0x8c: {  	s17 =	sshll.u32 s0, $0xA;
	s2 =	sadd.s32 s3, s2  }
0x8d: {  	s2 =	sadd.s32 s2, s17  }
0x8e: {  	[smem:$0x3FBC] =	sst s2  }
0x8f: {  	_ = 	snop  }
0x90: {  	s2 =	sld [smem:$0x3FD0];
	(tm) =	ssettm $0x1  }
0x91: {  	s18 =	sld [smem:$0x3FFB];
	_ =	sdelay $0x3  }
0x92: {  	_ =	strace s18  }
0x93: {  	s3 =	sld [smem:$0x3FFC];
	_ =	sdelay $0x3  }
0x94: {  	_ =	strace s3  }
0x95: {  	s3 =	sld [smem:$0x3FFD];
	_ =	sdelay $0x3  }
0x96: {  	_ =	strace s3  }
0x97: {  	_ =	strace $0x8FFFFFFF  }
0x98: {  	s19 =	sld [smem:$0x3FDB];
	_ =	sdelay $0x1  }
0x99: {  	s4 =	simm.s32 $_scs_section_size  }
0x9a: {  	s5 =	simm.s32 $_size__tile_overlayer_lowered;
	s6 =	simm.s32 $_tile_overlayer_lowered  }
0x9b: {  	s22 =	simm.s32 $0x1BFF;
	s21 =	sshll.u32 s6, $0x1;
	s3 =	sadd.s32 s4, s19  }
0x9c: {  	s7 =	simm.s32 $0x0;
	s20 =	sshll.u32 s5, $0x1;
	s5 =	sadd.s32 s21, s3  }
0x9d: {  	[timem:s7], [sflag:s22] =	dma.local [hbm:s5], s20  }
0x9e: {  	_ =	swait.ge [sflag:s22], s20  }
0x9f: {  	s4 =	ssub.s32 $0x0, s20;
	[sflag:s22] =	ssyncset.done $0x0  }
0xa0: {  	[sflag:s22] =	ssyncadd.s32 s4;
	_ =	sdelay $0x1  }
0xa1: {  	s23 =	simm.s32 $0x1B8B  }
0xa2: {  	_ =	swait.ge [sflag:s23], $0x1  }
0xa3: {  	[sflag:s23] =	ssyncset.done $0x0  }
0xa4: {  	s25 =	simm.s32 $0x1B8E;
	s24 =	sld [smem:$0x3FFE];
	[sflag:s23] =	ssyncadd.s32 $0xFFFFFFFF  }
0xa5: {  	s26 =	simm.s32 $execute0_lowered;
	[smem:$0x3FD2] =	sst s25  }
0xa6: {  	s5 =	sshll.u32 s26, $0x1;
	_ =	strace $0x8000004C;
	[dreg:$0x1] =	wrdreg $0xFFFFFFFF  }
0xa7: {  	s28 =	simm.s32 $_size_execute0_lowered;
	s3 =	sadd.s32 s3, s5;
	[dreg:$0x0] =	wrdreg $0x0  }
0xa8: {  	s5 =	sshll.u32 s28, $0x1;
	[dreg:$0x2] =	wrdreg s3  }
0xa9: {  	[dreg:$0x3] =	wrdreg s5  }
0xaa: {  	[dreg:$0x4] =	wrdreg $0xC0  }
0xab: {  	_ =	task [dreg:s7], $0x5FFFF  }
0xac: {  	[dreg:$0x1] =	wrdreg $0xFFFFFFFF  }
0xad: {  	[dreg:$0x0] =	wrdreg $0x60  }
0xae: {  	[dreg:$0x2] =	wrdreg s24  }
0xaf: {  	[dreg:$0x3] =	wrdreg s2  }
0xb0: {  	[dreg:$0x4] =	wrdreg $0x9  }
0xb1: {  	_ =	task.clear_ibuf [dreg:s7], $0x5FFFF;
	_ =	strace $0x9000004C  }
0xb2: {  	s29 =	simm.s32 $0x9;
	_ =	strace $0x8000004E  }
0xb3: {  	_ =	swait.ge [sflag:s29], $0x1  }
0xb4: {  	[sflag:s29] =	ssyncadd.s32 $0xFFFFFFFF  }
0xb5: {  	_ =	strace $0x9000004E  }
0xb6: {  	_ =	sfence  }
0xb7: {  	s30 =	sld [smem:$0x0];
	_ =	sdelay $0x2  }
0xb8: {  	s31 =	sshll.u32 s1, $0xD;
	s1 =	sshrl.u32 s1, $0x2  }
0xb9: {  	s3 =	sand.u32 $0x4000, s31;
	s1 =	sadd.s32 s1, s30  }
0xba: {  	s0 =	sor.u32 s3, s0;
	s1 =	sshll.u32 s1, $0x11  }
0xbb: {  	s0 =	sor.u32 s1, s0  }
0xbc: {  	s0 =	sadd.s32 $0x8F2B, s0  }
0xbd: {  	[sflag:s0] =	ssyncadd.remote.s32 $0x1  }
0xbe: {  	_ =	sfence.sel $0xFFFF  }
0xbf: {  	[dreg:$0x0] =	wrdreg $0xFFFFFFFF;
	(pc) =	sbr.abs _section_cstart, $3  }
0xc0: {  	[dreg:$0x1] =	wrdreg $0xFFFFFFFF  }
0xc1: {  	_ =	task.clear_ibuf [dreg:s7], $0x2FFFF;
	_ =	strace $0x9FFFFFFF  }
0xc2: {  	(tm) =	ssettm $0x7FFFFFFF  }
0xc3: {  	_ =	shalt  }
tec
execute0_lowered:
.L_overlay_start_1:
0x0: {  	(tag) =	ssettag $0x1  }
0x1: {  	s1 =	srdreg.scid;
	s5 =	rddreg [dreg:$0x0]  }
0x2: {  	s0 =	stileid.u32;
	s4 =	rddreg [dreg:$0x1];
	s8 =	simm.s32 $0x80  }
0x3: {  	s9 =	simm.s32 $0x880;
	s10 =	simm.s32 $0x1080;
	s11 =	simm.s32 $0x1880  }
0x4: {  	s12 =	simm.s32 $0x2080;
	s13 =	simm.s32 $0x2880;
	s14 =	simm.s32 $0x3080  }
0x5: {  	s15 =	simm.s32 $0x3880;
	s16 =	simm.s32 $0x4080;
	s17 =	simm.s32 $0x4880  }
0x6: {  	s18 =	simm.s32 $0x5080;
	s19 =	simm.s32 $0x5880;
	s1 =	sand.u32 $0x1, s1  }
0x7: {  	s20 =	simm.s32 $0x6080;
	s2 =	sshll.u32 s0, $0x8;
	s3 =	sshll.u32 s1, $0x7  }
0x8: {  	s28 =	simm.s32 $0x6;
	s29 =	simm.s32 $0x3;
	s3 =	sor.u32 s3, s2  }
0x9: {  	s30 =	simm.s32 $0x7;
	s31 =	simm.s32 $0x4;
	s6 =	sshrl.u32 s3, $0x3  }
0xa: {  	s2 =	simm.s32 $0x0;
	s3 =	sshll.u32 s3, $0x6;
	s6 =	sadd.s32 s6, s5  }
0xb: {  	[smem:$0x7FF] =	sst s2;
	s3 =	sadd.s32 s4, s3;
	s6 =	sadd.s32 $0x2400, s6  }
0xc: {  	_ =	strace $0x8000004D;
	s4 =	sadd.s32 $0x400, s3;
	[dreg:$0x3] =	wrdreg s6  }
0xd: {  	s1 =	ssub.s32 $0x2, s1;
	s21 =	sadd.s32 $0x800, s3;
	[dreg:$0x4] =	wrdreg s4  }
0xe: {  	s7 =	sshrl.u32 s1, $0x1;
	s22 =	sadd.s32 $0xC00, s3;
	[dreg:$0x5] =	wrdreg s21  }
0xf: {  	s1 =	ssub.s32 s1, s7;
	s23 =	sadd.s32 $0x1000, s3;
	[dreg:$0x6] =	wrdreg s22  }
0x10: {  	s7 =	simm.s32 $0x9;
	s24 =	sadd.s32 $0x1400, s3;
	[dreg:$0x7] =	wrdreg s23  }
0x11: {  	s25 =	sadd.s32 $0x1800, s3;
	s26 =	sadd.s32 $0x1C00, s3;
	[dreg:$0x8] =	wrdreg s24  }
0x12: {  	s4 =	sadd.s32 $0x2600, s5;
	s5 =	sadd.s32 $0x2700, s5;
	[dreg:$0x9] =	wrdreg s25  }
0x13: {  	v2 =	vlaneseq.u32;
	[dreg:$0xa] =	wrdreg s26;
	s6 =	smax.u32 s1, $0x1;
	s21 =	simm.s32 $0x6880  }
0x14: {  	vm0 =	vmmov $0xffff;
	v1 =	vshrl.u32 v2, $0x3;
	s22 =	simm.s32 $0x7080;
	s23 =	simm.s32 $0x7880;
	s24 =	simm.s32 $0x1  }
0x15: {  	v0 =	vand.u32 $0x7, v2;
	v2 =	vor.u32 $0x8, v2;
	v1 =	vmul.u32 $0x8, v1;
	s25 =	simm.s32 $0x5;
	s26 =	simm.s32 $0x2;
	s1 =	simm.s32 $0x8  }
.LBB2_1:
0x16: {  	s0 =	rddreg [dreg:$0x3]  }
0x17: {  	[tilespmem:s2], [sflag:$0x9] =	stream.linear.gather [hbm4b:s0+s2], $0x80, $0x38;
	[tilespmem:$0x8080] =	vst v63  }
0x18: {  	_ =	swait.ge [sflag:s7], $0x80  }
0x19: {  	[sflag:s7] =	ssyncset.done $0x0  }
0x1a: {  	[sflag:s7] =	ssyncadd.s32 $0xFFFFFF80  }
0x1b: {  	v3 =	vld [tilespmem:$0x0];
	_ =	sdelay $0x4  }
0x1c: {  	v4 =	vshll.u32 v3, $0x2  }
0x1d: {  	v3 =	vand.u32 $0x7, v3;
	v4 =	vand.u32 $0xFFFFFFE0, v4  }
0x1e: {  	v3 =	vor.u32 v3, v4  }
0x1f: {  	v4 =	vperm.xlane v3, v0;
	_ =	sdelay $0x1  }
0x20: {  	v4 =	vadd.s32 v1, v4;
	_ =	sdelay $0x1  }
0x21: {  	v3 =	vperm.xlane v3, v2;
	_ =	sdelay $0x1  }
0x22: {  	v3 =	vadd.s32 v1, v3  }
0x23: {  	[tilespmem:s8], [sflag:$0x1] =	stream.indirect_vreg.gather [hbm4b:s4+s2], $0x80, v4, vm0, $0xb8;
	[tilespmem:$0x8080] =	vst v63  }
0x24: {  	_ = 	snop  }
0x25: {  	[tilespmem:s9], [sflag:$0x1] =	stream.indirect_vreg.gather [hbm4b:s5+s2], $0x80, v4, vm0, $0xb8;
	[tilespmem:$0x8080] =	vst v63  }
0x26: {  	_ = 	snop  }
0x27: {  	[tilespmem:s10], [sflag:$0x1] =	stream.indirect_vreg.gather [hbm4b:s4+s2], $0x80, v3, vm0, $0xb8;
	[tilespmem:$0x8080] =	vst v63  }
0x28: {  	_ = 	snop  }
0x29: {  	[tilespmem:s11], [sflag:$0x1] =	stream.indirect_vreg.gather [hbm4b:s5+s2], $0x80, v3, vm0, $0xb8;
	[tilespmem:$0x8080] =	vst v63  }
0x2a: {  	v3 =	vld [tilespmem:$0x10];
	_ =	sdelay $0x4  }
0x2b: {  	v57 =	vshll.u32 v3, $0x2  }
0x2c: {  	v3 =	vand.u32 $0x7, v3;
	v4 =	vand.u32 $0xFFFFFFE0, v57  }
0x2d: {  	v3 =	vor.u32 v3, v4  }
0x2e: {  	v4 =	vperm.xlane v3, v0;
	_ =	sdelay $0x1  }
0x2f: {  	v4 =	vadd.s32 v1, v4;
	_ =	sdelay $0x1  }
0x30: {  	v3 =	vperm.xlane v3, v2;
	_ =	sdelay $0x1  }
0x31: {  	v3 =	vadd.s32 v1, v3  }
0x32: {  	[tilespmem:s12], [sflag:$0x2] =	stream.indirect_vreg.gather [hbm4b:s4+s2], $0x80, v4, vm0, $0xb8;
	[tilespmem:$0x8080] =	vst v63  }
0x33: {  	_ = 	snop  }
0x34: {  	[tilespmem:s13], [sflag:$0x2] =	stream.indirect_vreg.gather [hbm4b:s5+s2], $0x80, v4, vm0, $0xb8;
	[tilespmem:$0x8080] =	vst v63  }
0x35: {  	_ = 	snop  }
0x36: {  	[tilespmem:s14], [sflag:$0x2] =	stream.indirect_vreg.gather [hbm4b:s4+s2], $0x80, v3, vm0, $0xb8;
	[tilespmem:$0x8080] =	vst v63  }
0x37: {  	_ = 	snop  }
0x38: {  	[tilespmem:s15], [sflag:$0x2] =	stream.indirect_vreg.gather [hbm4b:s5+s2], $0x80, v3, vm0, $0xb8;
	[tilespmem:$0x8080] =	vst v63  }
0x39: {  	v3 =	vld [tilespmem:$0x20];
	_ =	sdelay $0x4  }
0x3a: {  	v58 =	vshll.u32 v3, $0x2  }
0x3b: {  	v3 =	vand.u32 $0x7, v3;
	v4 =	vand.u32 $0xFFFFFFE0, v58  }
0x3c: {  	v3 =	vor.u32 v3, v4  }
0x3d: {  	v4 =	vperm.xlane v3, v0;
	_ =	sdelay $0x1  }
0x3e: {  	v4 =	vadd.s32 v1, v4;
	_ =	sdelay $0x1  }
0x3f: {  	v3 =	vperm.xlane v3, v2;
	_ =	sdelay $0x1  }
0x40: {  	v3 =	vadd.s32 v1, v3  }
0x41: {  	[tilespmem:s16], [sflag:$0x3] =	stream.indirect_vreg.gather [hbm4b:s4+s2], $0x80, v4, vm0, $0xb8;
	[tilespmem:$0x8080] =	vst v63  }
0x42: {  	_ = 	snop  }
0x43: {  	[tilespmem:s17], [sflag:$0x3] =	stream.indirect_vreg.gather [hbm4b:s5+s2], $0x80, v4, vm0, $0xb8;
	[tilespmem:$0x8080] =	vst v63  }
0x44: {  	_ = 	snop  }
0x45: {  	[tilespmem:s18], [sflag:$0x3] =	stream.indirect_vreg.gather [hbm4b:s4+s2], $0x80, v3, vm0, $0xb8;
	[tilespmem:$0x8080] =	vst v63  }
0x46: {  	_ = 	snop  }
0x47: {  	[tilespmem:s19], [sflag:$0x3] =	stream.indirect_vreg.gather [hbm4b:s5+s2], $0x80, v3, vm0, $0xb8;
	[tilespmem:$0x8080] =	vst v63  }
0x48: {  	v3 =	vld [tilespmem:$0x30];
	_ =	sdelay $0x4  }
0x49: {  	v59 =	vshll.u32 v3, $0x2  }
0x4a: {  	v3 =	vand.u32 $0x7, v3;
	v4 =	vand.u32 $0xFFFFFFE0, v59  }
0x4b: {  	v3 =	vor.u32 v3, v4  }
0x4c: {  	v4 =	vperm.xlane v3, v0;
	_ =	sdelay $0x1  }
0x4d: {  	v4 =	vadd.s32 v1, v4;
	_ =	sdelay $0x1  }
0x4e: {  	v3 =	vperm.xlane v3, v2;
	_ =	sdelay $0x1  }
0x4f: {  	v3 =	vadd.s32 v1, v3  }
0x50: {  	[tilespmem:s20], [sflag:$0x4] =	stream.indirect_vreg.gather [hbm4b:s4+s2], $0x80, v4, vm0, $0xb8;
	[tilespmem:$0x8080] =	vst v63  }
0x51: {  	_ = 	snop  }
0x52: {  	[tilespmem:s21], [sflag:$0x4] =	stream.indirect_vreg.gather [hbm4b:s5+s2], $0x80, v4, vm0, $0xb8;
	[tilespmem:$0x8080] =	vst v63  }
0x53: {  	_ = 	snop  }
0x54: {  	[tilespmem:s22], [sflag:$0x4] =	stream.indirect_vreg.gather [hbm4b:s4+s2], $0x80, v3, vm0, $0xb8;
	[tilespmem:$0x8080] =	vst v63  }
0x55: {  	_ = 	snop  }
0x56: {  	[tilespmem:s23], [sflag:$0x4] =	stream.indirect_vreg.gather [hbm4b:s5+s2], $0x80, v3, vm0, $0xb8;
	[tilespmem:$0x8080] =	vst v63  }
0x57: {  	_ =	swait.ge [sflag:s24], $0x2000  }
0x58: {  	[sflag:s24] =	ssyncset.done $0x0  }
0x59: {  	[sflag:s24] =	ssyncadd.s32 $0xFFFFE000  }
0x5a: {  	[hbm4b:s3+s2] =	stream.linear.scatter [tilespmem:s8], [sflag:$0x5], $0x2000, $0x38;
	[tilespmem:$0x8080] =	vst v63  }
0x5b: {  	_ =	swait.ge [sflag:s25], $0x2000  }
0x5c: {  	[sflag:s25] =	ssyncset.done $0x0  }
0x5d: {  	[sflag:s25] =	ssyncadd.s32 $0xFFFFE000  }
0x5e: {  	v3 =	vld [tilespmem:$0x40];
	_ =	sdelay $0x4  }
0x5f: {  	v60 =	vshll.u32 v3, $0x2  }
0x60: {  	v3 =	vand.u32 $0x7, v3;
	v4 =	vand.u32 $0xFFFFFFE0, v60  }
0x61: {  	v3 =	vor.u32 v3, v4  }
0x62: {  	v4 =	vperm.xlane v3, v0;
	_ =	sdelay $0x1  }
0x63: {  	v4 =	vadd.s32 v1, v4;
	_ =	sdelay $0x1  }
0x64: {  	v3 =	vperm.xlane v3, v2;
	_ =	sdelay $0x1  }
0x65: {  	v3 =	vadd.s32 v1, v3  }
0x66: {  	[tilespmem:s8], [sflag:$0x1] =	stream.indirect_vreg.gather [hbm4b:s4+s2], $0x80, v4, vm0, $0xb8;
	[tilespmem:$0x8080] =	vst v63  }
0x67: {  	_ = 	snop  }
0x68: {  	[tilespmem:s9], [sflag:$0x1] =	stream.indirect_vreg.gather [hbm4b:s5+s2], $0x80, v4, vm0, $0xb8;
	[tilespmem:$0x8080] =	vst v63  }
0x69: {  	_ = 	snop  }
0x6a: {  	[tilespmem:s10], [sflag:$0x1] =	stream.indirect_vreg.gather [hbm4b:s4+s2], $0x80, v3, vm0, $0xb8;
	[tilespmem:$0x8080] =	vst v63  }
0x6b: {  	_ = 	snop  }
0x6c: {  	[tilespmem:s11], [sflag:$0x1] =	stream.indirect_vreg.gather [hbm4b:s5+s2], $0x80, v3, vm0, $0xb8;
	[tilespmem:$0x8080] =	vst v63  }
0x6d: {  	_ =	swait.ge [sflag:s26], $0x2000  }
0x6e: {  	[sflag:s26] =	ssyncset.done $0x0  }
0x6f: {  	s0 =	rddreg [dreg:$0x4];
	[sflag:s26] =	ssyncadd.s32 $0xFFFFE000  }
0x70: {  	[hbm4b:s0+s2] =	stream.linear.scatter [tilespmem:s12], [sflag:$0x6], $0x2000, $0x38;
	[tilespmem:$0x8080] =	vst v63  }
0x71: {  	_ =	swait.ge [sflag:s28], $0x2000  }
0x72: {  	[sflag:s28] =	ssyncset.done $0x0  }
0x73: {  	[sflag:s28] =	ssyncadd.s32 $0xFFFFE000  }
0x74: {  	v3 =	vld [tilespmem:$0x50];
	_ =	sdelay $0x4  }
0x75: {  	v61 =	vshll.u32 v3, $0x2  }
0x76: {  	v3 =	vand.u32 $0x7, v3;
	v4 =	vand.u32 $0xFFFFFFE0, v61  }
0x77: {  	v3 =	vor.u32 v3, v4  }
0x78: {  	v4 =	vperm.xlane v3, v0;
	_ =	sdelay $0x1  }
0x79: {  	v4 =	vadd.s32 v1, v4;
	_ =	sdelay $0x1  }
0x7a: {  	v3 =	vperm.xlane v3, v2;
	_ =	sdelay $0x1  }
0x7b: {  	v3 =	vadd.s32 v1, v3  }
0x7c: {  	[tilespmem:s12], [sflag:$0x2] =	stream.indirect_vreg.gather [hbm4b:s4+s2], $0x80, v4, vm0, $0xb8;
	[tilespmem:$0x8080] =	vst v63  }
0x7d: {  	_ = 	snop  }
0x7e: {  	[tilespmem:s13], [sflag:$0x2] =	stream.indirect_vreg.gather [hbm4b:s5+s2], $0x80, v4, vm0, $0xb8;
	[tilespmem:$0x8080] =	vst v63  }
0x7f: {  	_ = 	snop  }
0x80: {  	[tilespmem:s14], [sflag:$0x2] =	stream.indirect_vreg.gather [hbm4b:s4+s2], $0x80, v3, vm0, $0xb8;
	[tilespmem:$0x8080] =	vst v63  }
0x81: {  	_ = 	snop  }
0x82: {  	[tilespmem:s15], [sflag:$0x2] =	stream.indirect_vreg.gather [hbm4b:s5+s2], $0x80, v3, vm0, $0xb8;
	[tilespmem:$0x8080] =	vst v63  }
0x83: {  	_ =	swait.ge [sflag:s29], $0x2000  }
0x84: {  	[sflag:s29] =	ssyncset.done $0x0  }
0x85: {  	s0 =	rddreg [dreg:$0x5];
	[sflag:s29] =	ssyncadd.s32 $0xFFFFE000  }
0x86: {  	[hbm4b:s0+s2] =	stream.linear.scatter [tilespmem:s16], [sflag:$0x7], $0x2000, $0x38;
	[tilespmem:$0x8080] =	vst v63  }
0x87: {  	_ =	swait.ge [sflag:s30], $0x2000  }
0x88: {  	[sflag:s30] =	ssyncset.done $0x0  }
0x89: {  	[sflag:s30] =	ssyncadd.s32 $0xFFFFE000  }
0x8a: {  	v3 =	vld [tilespmem:$0x60];
	_ =	sdelay $0x4  }
0x8b: {  	v62 =	vshll.u32 v3, $0x2  }
0x8c: {  	v3 =	vand.u32 $0x7, v3;
	v4 =	vand.u32 $0xFFFFFFE0, v62  }
0x8d: {  	v3 =	vor.u32 v3, v4  }
0x8e: {  	v4 =	vperm.xlane v3, v0;
	_ =	sdelay $0x1  }
0x8f: {  	v4 =	vadd.s32 v1, v4;
	_ =	sdelay $0x1  }
0x90: {  	v3 =	vperm.xlane v3, v2;
	_ =	sdelay $0x1  }
0x91: {  	v3 =	vadd.s32 v1, v3  }
0x92: {  	[tilespmem:s16], [sflag:$0x3] =	stream.indirect_vreg.gather [hbm4b:s4+s2], $0x80, v4, vm0, $0xb8;
	[tilespmem:$0x8080] =	vst v63  }
0x93: {  	_ = 	snop  }
0x94: {  	[tilespmem:s17], [sflag:$0x3] =	stream.indirect_vreg.gather [hbm4b:s5+s2], $0x80, v4, vm0, $0xb8;
	[tilespmem:$0x8080] =	vst v63  }
0x95: {  	_ = 	snop  }
0x96: {  	[tilespmem:s18], [sflag:$0x3] =	stream.indirect_vreg.gather [hbm4b:s4+s2], $0x80, v3, vm0, $0xb8;
	[tilespmem:$0x8080] =	vst v63  }
0x97: {  	_ = 	snop  }
0x98: {  	[tilespmem:s19], [sflag:$0x3] =	stream.indirect_vreg.gather [hbm4b:s5+s2], $0x80, v3, vm0, $0xb8;
	[tilespmem:$0x8080] =	vst v63  }
0x99: {  	_ =	swait.ge [sflag:s31], $0x2000  }
0x9a: {  	[sflag:s31] =	ssyncset.done $0x0  }
0x9b: {  	s0 =	rddreg [dreg:$0x6];
	[sflag:s31] =	ssyncadd.s32 $0xFFFFE000  }
0x9c: {  	[hbm4b:s0+s2] =	stream.linear.scatter [tilespmem:s20], [sflag:$0x8], $0x2000, $0x38;
	[tilespmem:$0x8080] =	vst v63  }
0x9d: {  	_ =	swait.ge [sflag:s1], $0x2000  }
0x9e: {  	[sflag:s1] =	ssyncset.done $0x0  }
0x9f: {  	[sflag:s1] =	ssyncadd.s32 $0xFFFFE000  }
0xa0: {  	v3 =	vld [tilespmem:$0x70];
	_ =	sdelay $0x4  }
0xa1: {  	v63 =	vshll.u32 v3, $0x2  }
0xa2: {  	v3 =	vand.u32 $0x7, v3;
	v4 =	vand.u32 $0xFFFFFFE0, v63  }
0xa3: {  	v3 =	vor.u32 v3, v4  }
0xa4: {  	v4 =	vperm.xlane v3, v0;
	_ =	sdelay $0x1  }
0xa5: {  	v4 =	vadd.s32 v1, v4;
	_ =	sdelay $0x1  }
0xa6: {  	v3 =	vperm.xlane v3, v2;
	_ =	sdelay $0x1  }
0xa7: {  	v3 =	vadd.s32 v1, v3  }
0xa8: {  	[tilespmem:s20], [sflag:$0x4] =	stream.indirect_vreg.gather [hbm4b:s4+s2], $0x80, v4, vm0, $0xb8;
	[tilespmem:$0x8080] =	vst v63  }
0xa9: {  	_ = 	snop  }
0xaa: {  	[tilespmem:s21], [sflag:$0x4] =	stream.indirect_vreg.gather [hbm4b:s5+s2], $0x80, v4, vm0, $0xb8;
	[tilespmem:$0x8080] =	vst v63  }
0xab: {  	_ = 	snop  }
0xac: {  	[tilespmem:s22], [sflag:$0x4] =	stream.indirect_vreg.gather [hbm4b:s4+s2], $0x80, v3, vm0, $0xb8;
	[tilespmem:$0x8080] =	vst v63  }
0xad: {  	_ = 	snop  }
0xae: {  	[tilespmem:s23], [sflag:$0x4] =	stream.indirect_vreg.gather [hbm4b:s5+s2], $0x80, v3, vm0, $0xb8;
	[tilespmem:$0x8080] =	vst v63  }
0xaf: {  	_ =	swait.ge [sflag:s24], $0x2000  }
0xb0: {  	[sflag:s24] =	ssyncset.done $0x0  }
0xb1: {  	s0 =	rddreg [dreg:$0x7];
	[sflag:s24] =	ssyncadd.s32 $0xFFFFE000  }
0xb2: {  	[hbm4b:s0+s2] =	stream.linear.scatter [tilespmem:s8], [sflag:$0x5], $0x2000, $0x38;
	[tilespmem:$0x8080] =	vst v63  }
0xb3: {  	_ =	swait.ge [sflag:s26], $0x2000  }
0xb4: {  	[sflag:s26] =	ssyncset.done $0x0  }
0xb5: {  	s0 =	rddreg [dreg:$0x8];
	[sflag:s26] =	ssyncadd.s32 $0xFFFFE000  }
0xb6: {  	[hbm4b:s0+s2] =	stream.linear.scatter [tilespmem:s12], [sflag:$0x6], $0x2000, $0x38;
	[tilespmem:$0x8080] =	vst v63  }
0xb7: {  	_ =	swait.ge [sflag:s29], $0x2000  }
0xb8: {  	[sflag:s29] =	ssyncset.done $0x0  }
0xb9: {  	s0 =	rddreg [dreg:$0x9];
	[sflag:s29] =	ssyncadd.s32 $0xFFFFE000  }
0xba: {  	[hbm4b:s0+s2] =	stream.linear.scatter [tilespmem:s16], [sflag:$0x7], $0x2000, $0x38;
	[tilespmem:$0x8080] =	vst v63  }
0xbb: {  	_ =	swait.ge [sflag:s31], $0x2000  }
0xbc: {  	[sflag:s31] =	ssyncset.done $0x0  }
0xbd: {  	s0 =	rddreg [dreg:$0xa];
	[sflag:s31] =	ssyncadd.s32 $0xFFFFE000  }
0xbe: {  	[hbm4b:s0+s2] =	stream.linear.scatter [tilespmem:s20], [sflag:$0x8], $0x2000, $0x38;
	[tilespmem:$0x8080] =	vst v63  }
0xbf: {  	_ =	swait.ge [sflag:s25], $0x2000  }
0xc0: {  	[sflag:s25] =	ssyncset.done $0x0  }
0xc1: {  	[sflag:s25] =	ssyncadd.s32 $0xFFFFE000  }
0xc2: {  	_ =	swait.ge [sflag:s28], $0x2000  }
0xc3: {  	[sflag:s28] =	ssyncset.done $0x0  }
0xc4: {  	[sflag:s28] =	ssyncadd.s32 $0xFFFFE000  }
0xc5: {  	p0 =	sne.s32 s6, $0x1;
	_ =	swait.ge [sflag:s30], $0x2000  }
.Ltmp0:
0xc6: {  	[sflag:s30] =	ssyncset.done $0x0;
	(pc) =	sbr.rel @p0 .LBB2_1-.Ltmp0, $4  }
0xc7: {  	[sflag:s30] =	ssyncadd.s32 $0xFFFFE000  }
0xc8: {  	_ =	swait.ge [sflag:s1], $0x2000  }
0xc9: {  	[sflag:s1] =	ssyncset.done $0x0  }
0xca: {  	s6 =	sadd.s32 $0xFFFFFFFF, s6;
	[sflag:s1] =	ssyncadd.s32 $0xFFFFE000  }
0xcb: {  	_ =	sfence.sel $0x180000  }
0xcc: {  	[bflag:$0x0] =	sbarrier.arrive $0xFFFF  }
0xcd: {  	_ =	strace $0x9000004D  }
0xce: {  	s0 =	stileid.u32;
	[bflag:$0x2] =	sbarrier.arrive $0xFFFF  }
0xcf: {  	p0 =	sne.s32 s0, $0x0;
	s0 =	rddreg [dreg:$0x2]  }
0xd0: {  	s0 =	sadd.s32 @!p0 $0x100000, s0  }
0xd1: {  	[sflag:s0] =	ssyncadd.tile.s32 @!p0 $0x1;
	_ =	shalt  }
.Lfunc_end2:
_tile_overlayer_lowered:
.L_overlay_start_2:
0xd2: {  	(tag) =	ssettag $0x2  }
0xd3: {  	s0 =	rddreg [dreg:$0x0];
	s2 =	stileid.u32  }
0xd4: {  	s1 =	rddreg [dreg:$0x1];
	p0 =	sne.s32 s2, $0x0  }
0xd5: {  	s3 =	rddreg [dreg:$0x2];
	[bflag:$0x3] =	sbarrier.arrive $0xFFFF;
	s2 =	simm.s32 @!p0 $0x1C09  }
0xd6: {  	[timem:s3], [sflag:s2] =	dma.local @!p0 [hbm:s0], s1  }
0xd7: {  	s0 =	simm.s32 @!p0 $0x9  }
0xd8: {  	_ =	swait.ge @!p0 [sflag:s0], s1  }
0xd9: {  	s1 =	ssub.s32 @!p0 $0x0, s1;
	[sflag:s0] =	ssyncset.done @!p0 $0x0  }
0xda: {  	[sflag:s0] =	ssyncadd.s32 @!p0 s1  }
0xdb: {  	[bflag:$0x3] =	sbarrier.arrive $0xFFFF  }
0xdc: {  	_ =	shalt  }

</sc_bundles>
